<compile_context>
chip_gen: v7x
topology: tpu7x:2x2x1
jax: 0.10.2.dev20260603
libtpu: 0.0.44.dev20260713+nightly
codegen_flags: <defaults>
</compile_context>

<pallas_src>
import functools

import jax
import jax.numpy as jnp
from jax import lax
from jax.experimental import pallas as pl
from jax.experimental.pallas import tpu as pltpu
from jax.experimental.pallas import tpu_sc as plsc

N = 10000
D = 128
E = 320000

NC = 2
NS = 16
L = 16

CHUNK = 128
NB = 4
CPT = 160
EPT = CPT * CHUNK
EP = NS * EPT
ROWS_PT = 640
NPAD = NS * ROWS_PT
CROWS = NPAD // D
ZR = 16
DSHIFT = 14
SMASK = (1 << DSHIFT) - 1


def _sc_body(t_hbm, x_hbm, pk_tt_hbm, pk_x_hbm,
             sum_tt_hbm, cnt_tt_hbm, sum_x_hbm, cnt_x_hbm, *scr):
    pk = scr[0:NB]
    sidx = scr[NB:2 * NB]
    didx = scr[2 * NB:3 * NB]
    rows = scr[3 * NB:4 * NB]
    cnt2d, ident_v, zbuf_v, zbuf16_v, acc_sh, cnt_sh = scr[4 * NB:4 * NB + 6]
    semi = scr[4 * NB + 6:5 * NB + 6]
    semg = scr[5 * NB + 6:6 * NB + 6]
    sems = scr[6 * NB + 6:7 * NB + 6]
    semz = scr[7 * NB + 6]

    cid = lax.axis_index("c")
    sid = lax.axis_index("s")

    zero16 = jnp.zeros((L,), jnp.float32)
    ones16 = jnp.ones((L,), jnp.float32)
    lane = lax.iota(jnp.int32, L)

    zero32b = jnp.zeros((2 * L,), jnp.bfloat16)

    def _fill(r, _):
        for c in range(D // L):
            zbuf_v[r, pl.ds(c * L, L)] = zero16
        for c in range(D // (2 * L)):
            zbuf16_v[r, pl.ds(c * 2 * L, 2 * L)] = zero32b
        return 0
    lax.fori_loop(0, ZR, _fill, 0)

    def _zcnt(r, _):
        for c in range(D // L):
            cnt2d[r, pl.ds(c * L, L)] = zero16
        return 0
    lax.fori_loop(0, CROWS, _zcnt, 0)

    for k in range(CROWS // L):
        ident_v[pl.ds(k * L, L)] = lane + (k * L)

    nz = ROWS_PT // ZR
    for k in range(nz):
        pltpu.async_copy(zbuf16_v,
                         acc_sh.at[pl.ds(sid * ROWS_PT + k * ZR, ZR)], semz)
    for k in range(nz):
        pltpu.make_async_copy(
            zbuf16_v, acc_sh.at[pl.ds(sid * ROWS_PT + k * ZR, ZR)],
            semz).wait()

    @pl.when(sid == 0)
    def _():
        for k in range(CROWS // ZR):
            pltpu.sync_copy(zbuf_v, cnt_sh.at[pl.ds(k * ZR, ZR)])
        rem = CROWS - (CROWS // ZR) * ZR
        if rem:
            pltpu.sync_copy(zbuf_v.at[pl.ds(0, rem)],
                            cnt_sh.at[pl.ds(CROWS - rem, rem)])

    plsc.subcore_barrier()

    def _edge_loop(table_hbm, pk3_hbm):
        def _issue_idx(j, s):
            pltpu.async_copy(pk3_hbm.at[sid, j], pk[s], semi[s])

        def _wait_idx(j, s):
            pltpu.make_async_copy(pk3_hbm.at[sid, j], pk[s], semi[s]).wait()

        def _unpack(s):
            for k in range(CHUNK // L):
                sl = pl.ds(k * L, L)
                v = pk[s][sl]
                sidx[s][sl] = v & SMASK
                didx[s][sl] = lax.shift_right_logical(v, DSHIFT)

        def _issue_gather(s):
            pltpu.async_copy(table_hbm.at[sidx[s]], rows[s], semg[s])

        def _wait_gather(s):
            pltpu.make_async_copy(table_hbm.at[sidx[s]], rows[s],
                                  semg[s]).wait()

        def _issue_scatter(s):
            pltpu.async_copy(rows[s], acc_sh.at[didx[s]], sems[s], add=True)

        def _wait_scatter(s):
            pltpu.make_async_copy(rows[s], acc_sh.at[didx[s]], sems[s]).wait()

        def _counts(s):
            for k in range(CHUNK // L):
                dv = didx[s][pl.ds(k * L, L)]
                plsc.addupdate_scatter(
                    cnt2d, [lax.shift_right_logical(dv, 7), dv & (D - 1)],
                    ones16)

        for b in range(NB):
            _issue_idx(b, b)
        _wait_idx(0, 0)
        _unpack(0)
        _issue_gather(0)
        _issue_idx(NB, 0)

        def _outer(g, _):
            for b in range(NB):
                s = b
                s1 = (b + 1) % NB
                j = g * NB + b

                @pl.when(j - (NB - 1) >= 0)
                def _():
                    _wait_scatter(s1)

                @pl.when(j + 1 <= CPT - 1)
                def _():
                    _wait_idx(j + 1, s1)
                    _unpack(s1)
                    _issue_gather(s1)

                _wait_gather(s)
                _issue_scatter(s)
                _counts(s)

                @pl.when(j + NB + 1 <= CPT - 1)
                def _():
                    _issue_idx(j + NB + 1, s1)
            return 0
        lax.fori_loop(0, CPT // NB, _outer, 0)

        for b in range(NB - 1):
            _wait_scatter((CPT - (NB - 1) + b) % NB)

    @pl.when(cid == 0)
    def _():
        _edge_loop(t_hbm, pk_tt_hbm)

    @pl.when(cid == 1)
    def _():
        _edge_loop(x_hbm, pk_x_hbm)

    pltpu.async_copy(cnt2d, cnt_sh.at[ident_v], semz, add=True).wait()
    plsc.subcore_barrier()

    row = pl.ds(sid * ROWS_PT, ROWS_PT)

    @pl.when(cid == 0)
    def _():
        pltpu.sync_copy(acc_sh.at[row], sum_tt_hbm.at[row])

        @pl.when(sid == 0)
        def _():
            pltpu.sync_copy(cnt_sh, cnt_tt_hbm)

    @pl.when(cid == 1)
    def _():
        pltpu.sync_copy(acc_sh.at[row], sum_x_hbm.at[row])

        @pl.when(sid == 0)
        def _():
            pltpu.sync_copy(cnt_sh, cnt_x_hbm)


_sc_aggregate = functools.partial(
    pl.kernel,
    out_type=(
        jax.ShapeDtypeStruct((NPAD, D), jnp.bfloat16),
        jax.ShapeDtypeStruct((CROWS, D), jnp.float32),
        jax.ShapeDtypeStruct((NPAD, D), jnp.bfloat16),
        jax.ShapeDtypeStruct((CROWS, D), jnp.float32),
    ),
    mesh=plsc.VectorSubcoreMesh(core_axis_name="c", subcore_axis_name="s",
                                num_cores=NC, num_subcores=NS),
    compiler_params=pltpu.CompilerParams(needs_layout_passes=False,
                                         use_tc_tiling_on_sc=False),
    scratch_types=(
        [pltpu.VMEM((CHUNK,), jnp.int32)] * NB
        + [pltpu.VMEM((CHUNK,), jnp.int32)] * NB
        + [pltpu.VMEM((CHUNK,), jnp.int32)] * NB
        + [pltpu.VMEM((CHUNK, D), jnp.bfloat16)] * NB
        + [pltpu.VMEM((CROWS, D), jnp.float32),
           pltpu.VMEM((CROWS,), jnp.int32),
           pltpu.VMEM((ZR, D), jnp.float32),
           pltpu.VMEM((ZR, D), jnp.bfloat16),
           pltpu.VMEM_SHARED((NPAD, D), jnp.bfloat16),
           pltpu.VMEM_SHARED((CROWS, D), jnp.float32)]
        + [pltpu.SemaphoreType.DMA] * (3 * NB + 1)
    ),
)(_sc_body)


def _tc_pre_body(t_ref, x_ref, wrtt_ref, wrx_ref, w1_ref, w2_ref,
                 bltt_ref, blx_ref, b1_ref, b2_ref,
                 out_x_ref, tpart_ref):
    f32 = jnp.float32
    tb = t_ref[...]
    xb = x_ref[...]
    tpart_ref[...] = (tb
                      + jnp.dot(tb, wrtt_ref[...], preferred_element_type=f32)
                      + bltt_ref[...]
                      + jnp.dot(tb, wrx_ref[...], preferred_element_type=f32)
                      + blx_ref[...])
    fcx = jnp.dot(
        jnp.maximum(jnp.dot(xb, w1_ref[...], preferred_element_type=f32)
                    + b1_ref[...], 0.0),
        w2_ref[...], preferred_element_type=f32) + b2_ref[...]
    out_x_ref[...] = xb + fcx


def _tc_post_body(tpart_ref, stt_ref, ctt_ref, sx_ref, cx_ref,
                  wltt_ref, wlx_ref, wo_ref,
                  bo_ref, gamma_ref, beta_ref,
                  out_t_ref):
    f32 = jnp.float32
    agg_tt = stt_ref[...].astype(f32) / jnp.maximum(ctt_ref[...], 1.0)
    agg_x = sx_ref[...].astype(f32) / jnp.maximum(cx_ref[...], 1.0)
    h = (tpart_ref[...]
         + jnp.dot(agg_tt, wltt_ref[...], preferred_element_type=f32)
         + jnp.dot(agg_x, wlx_ref[...], preferred_element_type=f32))
    t2 = jnp.maximum(h, 0.0)
    o = jnp.maximum(jnp.dot(t2, wo_ref[...], preferred_element_type=f32)
                    + bo_ref[...], 0.0)
    mu = jnp.mean(o, axis=-1, keepdims=True)
    cen = o - mu
    var = jnp.mean(cen * cen, axis=-1, keepdims=True)
    ln = cen * lax.rsqrt(var + 1e-5) * gamma_ref[...] + beta_ref[...]
    out_t_ref[...] = t2 + ln


def kernel(x, t, e_t, e_xct, Wl_tt, bl_tt, Wr_tt, Wl_x, bl_x, Wr_x,
           Wo, bo, gamma, beta, W1, b1, W2, b2):
    def _prep(e):
        src = jnp.pad(e[0], (0, EP - E))
        dst = jnp.pad(e[1], (0, EP - E),
                      constant_values=N)
        return (src | (dst << DSHIFT)).reshape(NS, CPT, CHUNK)

    pk_tt = _prep(e_t)
    pk_x = _prep(e_xct)

    sum_tt, cnt_tt, sum_x, cnt_x = _sc_aggregate(
        t.astype(jnp.bfloat16), x.astype(jnp.bfloat16), pk_tt, pk_x)

    R = 2000
    row_blk = pl.BlockSpec((R, D), lambda i: (i, 0))
    cnt_blk = pl.BlockSpec((R, 1), lambda i: (i, 0))
    w_blk = pl.BlockSpec((D, D), lambda i: (0, 0))
    v_blk = pl.BlockSpec((1, D), lambda i: (0, 0))

    out_x, tpart = pl.pallas_call(
        _tc_pre_body,
        grid=(N // R,),
        in_specs=[row_blk, row_blk, w_blk, w_blk, w_blk, w_blk,
                  v_blk, v_blk, v_blk, v_blk],
        out_specs=[row_blk, row_blk],
        out_shape=[jax.ShapeDtypeStruct((N, D), jnp.float32),
                   jax.ShapeDtypeStruct((N, D), jnp.float32)],
    )(t, x, Wr_tt, Wr_x, W1, W2,
      bl_tt.reshape(1, D), bl_x.reshape(1, D),
      b1.reshape(1, D), b2.reshape(1, D))

    out_t = pl.pallas_call(
        _tc_post_body,
        grid=(N // R,),
        in_specs=[row_blk, row_blk, cnt_blk, row_blk, cnt_blk,
                  w_blk, w_blk, w_blk,
                  v_blk, v_blk, v_blk],
        out_specs=row_blk,
        out_shape=jax.ShapeDtypeStruct((N, D), jnp.float32),
    )(tpart, sum_tt, cnt_tt.reshape(NPAD, 1), sum_x, cnt_x.reshape(NPAD, 1),
      Wl_tt, Wl_x, Wo,
      bo.reshape(1, D), gamma.reshape(1, D), beta.reshape(1, D))

    return (out_x, out_t)

# --- scband reference (transcript-rebuilt; emitter-appended) ---
"""Pipeline reference for scband-block-27994596835704 (READ-ONLY COPY).

The authoritative reference and input builder live on the scoring server;
editing this copy changes nothing except your own understanding.
"""

import jax, jax.numpy as jnp
import numpy as np

N = 10000
D = 128
E = 320000


def _seg_mean(feat, dst, n):
    s = jax.ops.segment_sum(feat, dst, num_segments=n)
    c = jax.ops.segment_sum(jnp.ones((dst.shape[0],), jnp.float32), dst, num_segments=n)
    return s / jnp.clip(c, 1.0, None)[:, None]


def setup_inputs(seed: int = 0) -> dict:
    key = jax.random.key(seed)
    ks = jax.random.split(key, 20)
    sc = 1.0 / np.sqrt(D)
    inp = {}
    inp['x'] = jax.random.normal(ks[0], (N, D), dtype=jnp.float32)
    inp['t'] = jax.random.normal(ks[1], (N, D), dtype=jnp.float32)
    inp['e_t'] = jax.random.randint(ks[2], (2, E), 0, N, dtype=jnp.int32)
    inp['e_xct'] = jax.random.randint(ks[3], (2, E), 0, N, dtype=jnp.int32)
    # SAGEConv gat_tt params: lin_l (W,b) applied to aggregated msgs, lin_r (W, no bias) on dst feats
    inp['Wl_tt'] = jax.random.normal(ks[4], (D, D), dtype=jnp.float32) * sc
    inp['bl_tt'] = jnp.zeros((D,), jnp.float32)
    inp['Wr_tt'] = jax.random.normal(ks[5], (D, D), dtype=jnp.float32) * sc
    # SAGEConv gat_xct params (bipartite: src=x, dst=t)
    inp['Wl_x'] = jax.random.normal(ks[6], (D, D), dtype=jnp.float32) * sc
    inp['bl_x'] = jnp.zeros((D,), jnp.float32)
    inp['Wr_x'] = jax.random.normal(ks[7], (D, D), dtype=jnp.float32) * sc
    # out: Linear -> ReLU -> LayerNorm
    inp['Wo'] = jax.random.normal(ks[8], (D, D), dtype=jnp.float32) * sc
    inp['bo'] = jnp.zeros((D,), jnp.float32)
    inp['gamma'] = jnp.ones((D,), jnp.float32)
    inp['beta'] = jnp.zeros((D,), jnp.float32)
    # fc_x: Linear -> ReLU -> Linear
    inp['W1'] = jax.random.normal(ks[9], (D, D), dtype=jnp.float32) * sc
    inp['b1'] = jnp.zeros((D,), jnp.float32)
    inp['W2'] = jax.random.normal(ks[10], (D, D), dtype=jnp.float32) * sc
    inp['b2'] = jnp.zeros((D,), jnp.float32)
    return inp


def reference(x, t, e_t, e_xct, Wl_tt, bl_tt, Wr_tt, Wl_x, bl_x, Wr_x, Wo, bo, gamma, beta, W1, b1, W2, b2):
    n = t.shape[0]
    # gat_tt: SAGEConv(t, e_t) with mean aggregation
    agg_tt = _seg_mean(t[e_t[0]], e_t[1], n)
    h_tt = agg_tt @ Wl_tt + bl_tt + t @ Wr_tt
    # gat_xct: bipartite SAGEConv((x, t), e_xct)
    agg_x = _seg_mean(x[e_xct[0]], e_xct[1], n)
    h_x = agg_x @ Wl_x + bl_x + t @ Wr_x
    t2 = jax.nn.relu(t + h_tt + h_x)
    # out head: Linear -> ReLU -> LayerNorm
    o = jax.nn.relu(t2 @ Wo + bo)
    mu = jnp.mean(o, axis=-1, keepdims=True)
    var = jnp.var(o, axis=-1, keepdims=True)
    ln = (o - mu) / jnp.sqrt(var + 1e-5) * gamma + beta
    # fc_x head
    fcx = jax.nn.relu(x @ W1 + b1) @ W2 + b2
    return (x + fcx, t2 + ln)

if __name__ == "__main__":
    import jax
    _d = setup_inputs()
    print(jax.jit(kernel)(*tuple(_d.values())))

</pallas_src>

<mosaic_0001>
#map = affine_map<(d0, d1) -> (0, 0)>
#map1 = affine_map<(d0, d1) -> (0, 0, 0)>
module attributes {stable_mosaic.version = 14 : i64} {
  func.func @_sc_body(%arg0: i32, %arg1: i32, %arg2: memref<10000x128xbf16, #tpu.memory_space<hbm>>, %arg3: memref<10000x128xbf16, #tpu.memory_space<hbm>>, %arg4: memref<16x160x128xi32, #tpu.memory_space<hbm>>, %arg5: memref<16x160x128xi32, #tpu.memory_space<hbm>>, %arg6: memref<10240x128xbf16, #tpu.memory_space<hbm>>, %arg7: memref<80x128xf32, #tpu.memory_space<hbm>>, %arg8: memref<10240x128xbf16, #tpu.memory_space<hbm>>, %arg9: memref<80x128xf32, #tpu.memory_space<hbm>>, %arg10: memref<128xi32, #tpu.memory_space<vmem>>, %arg11: memref<128xi32, #tpu.memory_space<vmem>>, %arg12: memref<128xi32, #tpu.memory_space<vmem>>, %arg13: memref<128xi32, #tpu.memory_space<vmem>>, %arg14: memref<128xi32, #tpu.memory_space<vmem>>, %arg15: memref<128xi32, #tpu.memory_space<vmem>>, %arg16: memref<128xi32, #tpu.memory_space<vmem>>, %arg17: memref<128xi32, #tpu.memory_space<vmem>>, %arg18: memref<128xi32, #tpu.memory_space<vmem>>, %arg19: memref<128xi32, #tpu.memory_space<vmem>>, %arg20: memref<128xi32, #tpu.memory_space<vmem>>, %arg21: memref<128xi32, #tpu.memory_space<vmem>>, %arg22: memref<128x128xbf16, #tpu.memory_space<vmem>>, %arg23: memref<128x128xbf16, #tpu.memory_space<vmem>>, %arg24: memref<128x128xbf16, #tpu.memory_space<vmem>>, %arg25: memref<128x128xbf16, #tpu.memory_space<vmem>>, %arg26: memref<80x128xf32, #tpu.memory_space<vmem>>, %arg27: memref<80xi32, #tpu.memory_space<vmem>>, %arg28: memref<16x128xf32, #tpu.memory_space<vmem>>, %arg29: memref<16x128xbf16, #tpu.memory_space<vmem>>, %arg30: memref<10240x128xbf16, #tpu.memory_space<vmem_shared>>, %arg31: memref<80x128xf32, #tpu.memory_space<vmem_shared>>, %arg32: memref<!tpu.dma_semaphore, #tpu.memory_space<semaphore_mem>>, %arg33: memref<!tpu.dma_semaphore, #tpu.memory_space<semaphore_mem>>, %arg34: memref<!tpu.dma_semaphore, #tpu.memory_space<semaphore_mem>>, %arg35: memref<!tpu.dma_semaphore, #tpu.memory_space<semaphore_mem>>, %arg36: memref<!tpu.dma_semaphore, #tpu.memory_space<semaphore_mem>>, %arg37: memref<!tpu.dma_semaphore, #tpu.memory_space<semaphore_mem>>, %arg38: memref<!tpu.dma_semaphore, #tpu.memory_space<semaphore_mem>>, %arg39: memref<!tpu.dma_semaphore, #tpu.memory_space<semaphore_mem>>, %arg40: memref<!tpu.dma_semaphore, #tpu.memory_space<semaphore_mem>>, %arg41: memref<!tpu.dma_semaphore, #tpu.memory_space<semaphore_mem>>, %arg42: memref<!tpu.dma_semaphore, #tpu.memory_space<semaphore_mem>>, %arg43: memref<!tpu.dma_semaphore, #tpu.memory_space<semaphore_mem>>, %arg44: memref<!tpu.dma_semaphore, #tpu.memory_space<semaphore_mem>>) attributes {dimension_semantics = [#tpu.dimension_semantics<core_parallel>, #tpu.dimension_semantics<subcore_parallel>], iteration_bounds = array<i64: 2, 16>, scalar_prefetch = 0 : i64, scratch_operands = 35 : i64, tpu.core_type = #tpu.core_type<sc_vector_subcore>, window_params = [{transform_indices = #map}, {transform_indices = #map}, {transform_indices = #map1}, {transform_indices = #map1}, {transform_indices = #map}, {transform_indices = #map}, {transform_indices = #map}, {transform_indices = #map}]} {
    %broadcast_in_dim3A = arith.constant 0.000000e+00 : f32
    %broadcast_in_dim3A_0 = vector.broadcast %broadcast_in_dim3A : f32 to vector<16xf32>
    %broadcast_in_dim3A_1 = arith.constant 1.000000e+00 : f32
    %broadcast_in_dim3A_2 = vector.broadcast %broadcast_in_dim3A_1 : f32 to vector<16xf32>
    %iota3A = tpu.iota {dimensions = array<i32: 0>} : vector<16xi32>
    %broadcast_in_dim3A_3 = arith.constant 0.000000e+00 : bf16
    %broadcast_in_dim3A_4 = vector.broadcast %broadcast_in_dim3A_3 : bf16 to vector<32xbf16>
    %scan3A = arith.constant 0 : i32
    %scan3A_5 = arith.constant 0 : i32
    %scan3A_6 = arith.constant 16 : i32
    %scan3A_7 = arith.addi %scan3A_5, %scan3A_6 : i32
    %scan3A_8 = arith.constant 1 : i32
    %scan3A_9 = scf.for %scan3A_709 = %scan3A_5 to %scan3A_7 step %scan3A_8 iter_args(%scan3A_710 = %scan3A) -> (i32)  : i32 {
      %swap3A_711 = arith.index_cast %scan3A_709 : i32 to index
      %swap3A_712 = arith.constant 0 : index
      %swap3A_713 = tpu.vector_load %arg28[%swap3A_711, %swap3A_712] {strides = array<i32>} : memref<16x128xf32, #tpu.memory_space<vmem>>, vector<16xf32>,
      tpu.vector_store %arg28[%swap3A_711, %swap3A_712], %broadcast_in_dim3A_0 {strides = array<i32>} : memref<16x128xf32, #tpu.memory_space<vmem>>, vector<16xf32>,
      %swap3A_714 = arith.index_cast %scan3A_709 : i32 to index
      %swap3A_715 = arith.constant 16 : index
      %swap3A_716 = tpu.vector_load %arg28[%swap3A_714, %swap3A_715] {strides = array<i32>} : memref<16x128xf32, #tpu.memory_space<vmem>>, vector<16xf32>,
      tpu.vector_store %arg28[%swap3A_714, %swap3A_715], %broadcast_in_dim3A_0 {strides = array<i32>} : memref<16x128xf32, #tpu.memory_space<vmem>>, vector<16xf32>,
      %swap3A_717 = arith.index_cast %scan3A_709 : i32 to index
      %swap3A_718 = arith.constant 32 : index
      %swap3A_719 = tpu.vector_load %arg28[%swap3A_717, %swap3A_718] {strides = array<i32>} : memref<16x128xf32, #tpu.memory_space<vmem>>, vector<16xf32>,
      tpu.vector_store %arg28[%swap3A_717, %swap3A_718], %broadcast_in_dim3A_0 {strides = array<i32>} : memref<16x128xf32, #tpu.memory_space<vmem>>, vector<16xf32>,
      %swap3A_720 = arith.index_cast %scan3A_709 : i32 to index
      %swap3A_721 = arith.constant 48 : index
      %swap3A_722 = tpu.vector_load %arg28[%swap3A_720, %swap3A_721] {strides = array<i32>} : memref<16x128xf32, #tpu.memory_space<vmem>>, vector<16xf32>,
      tpu.vector_store %arg28[%swap3A_720, %swap3A_721], %broadcast_in_dim3A_0 {strides = array<i32>} : memref<16x128xf32, #tpu.memory_space<vmem>>, vector<16xf32>,
      %swap3A_723 = arith.index_cast %scan3A_709 : i32 to index
      %swap3A_724 = arith.constant 64 : index
      %swap3A_725 = tpu.vector_load %arg28[%swap3A_723, %swap3A_724] {strides = array<i32>} : memref<16x128xf32, #tpu.memory_space<vmem>>, vector<16xf32>,
      tpu.vector_store %arg28[%swap3A_723, %swap3A_724], %broadcast_in_dim3A_0 {strides = array<i32>} : memref<16x128xf32, #tpu.memory_space<vmem>>, vector<16xf32>,
      %swap3A_726 = arith.index_cast %scan3A_709 : i32 to index
      %swap3A_727 = arith.constant 80 : index
      %swap3A_728 = tpu.vector_load %arg28[%swap3A_726, %swap3A_727] {strides = array<i32>} : memref<16x128xf32, #tpu.memory_space<vmem>>, vector<16xf32>,
      tpu.vector_store %arg28[%swap3A_726, %swap3A_727], %broadcast_in_dim3A_0 {strides = array<i32>} : memref<16x128xf32, #tpu.memory_space<vmem>>, vector<16xf32>,
      %swap3A_729 = arith.index_cast %scan3A_709 : i32 to index
      %swap3A_730 = arith.constant 96 : index
      %swap3A_731 = tpu.vector_load %arg28[%swap3A_729, %swap3A_730] {strides = array<i32>} : memref<16x128xf32, #tpu.memory_space<vmem>>, vector<16xf32>,
      tpu.vector_store %arg28[%swap3A_729, %swap3A_730], %broadcast_in_dim3A_0 {strides = array<i32>} : memref<16x128xf32, #tpu.memory_space<vmem>>, vector<16xf32>,
      %swap3A_732 = arith.index_cast %scan3A_709 : i32 to index
      %swap3A_733 = arith.constant 112 : index
      %swap3A_734 = tpu.vector_load %arg28[%swap3A_732, %swap3A_733] {strides = array<i32>} : memref<16x128xf32, #tpu.memory_space<vmem>>, vector<16xf32>,
      tpu.vector_store %arg28[%swap3A_732, %swap3A_733], %broadcast_in_dim3A_0 {strides = array<i32>} : memref<16x128xf32, #tpu.memory_space<vmem>>, vector<16xf32>,
      %swap3A_735 = arith.index_cast %scan3A_709 : i32 to index
      %swap3A_736 = arith.constant 0 : index
      %swap3A_737 = tpu.vector_load %arg29[%swap3A_735, %swap3A_736] {strides = array<i32>} : memref<16x128xbf16, #tpu.memory_space<vmem>>, vector<32xbf16>,
      tpu.vector_store %arg29[%swap3A_735, %swap3A_736], %broadcast_in_dim3A_4 {strides = array<i32>} : memref<16x128xbf16, #tpu.memory_space<vmem>>, vector<32xbf16>,
      %swap3A_738 = arith.index_cast %scan3A_709 : i32 to index
      %swap3A_739 = arith.constant 32 : index
      %swap3A_740 = tpu.vector_load %arg29[%swap3A_738, %swap3A_739] {strides = array<i32>} : memref<16x128xbf16, #tpu.memory_space<vmem>>, vector<32xbf16>,
      tpu.vector_store %arg29[%swap3A_738, %swap3A_739], %broadcast_in_dim3A_4 {strides = array<i32>} : memref<16x128xbf16, #tpu.memory_space<vmem>>, vector<32xbf16>,
      %swap3A_741 = arith.index_cast %scan3A_709 : i32 to index
      %swap3A_742 = arith.constant 64 : index
      %swap3A_743 = tpu.vector_load %arg29[%swap3A_741, %swap3A_742] {strides = array<i32>} : memref<16x128xbf16, #tpu.memory_space<vmem>>, vector<32xbf16>,
      tpu.vector_store %arg29[%swap3A_741, %swap3A_742], %broadcast_in_dim3A_4 {strides = array<i32>} : memref<16x128xbf16, #tpu.memory_space<vmem>>, vector<32xbf16>,
      %swap3A_744 = arith.index_cast %scan3A_709 : i32 to index
      %swap3A_745 = arith.constant 96 : index
      %swap3A_746 = tpu.vector_load %arg29[%swap3A_744, %swap3A_745] {strides = array<i32>} : memref<16x128xbf16, #tpu.memory_space<vmem>>, vector<32xbf16>,
      tpu.vector_store %arg29[%swap3A_744, %swap3A_745], %broadcast_in_dim3A_4 {strides = array<i32>} : memref<16x128xbf16, #tpu.memory_space<vmem>>, vector<32xbf16>,
      %scan3A_747 = arith.constant 0 : i32
      scf.yield %scan3A_747 : i32
    }
    %scan3A_10 = arith.constant 16 : i32
    %scan3A_11 = arith.constant 0 : i32
    %scan3A_12 = arith.constant 0 : i32
    %scan3A_13 = arith.constant 80 : i32
    %scan3A_14 = arith.addi %scan3A_12, %scan3A_13 : i32
    %scan3A_15 = arith.constant 1 : i32
    %scan3A_16 = scf.for %scan3A_709 = %scan3A_12 to %scan3A_14 step %scan3A_15 iter_args(%scan3A_710 = %scan3A_11) -> (i32)  : i32 {
      %swap3A_711 = arith.index_cast %scan3A_709 : i32 to index
      %swap3A_712 = arith.constant 0 : index
      %swap3A_713 = tpu.vector_load %arg26[%swap3A_711, %swap3A_712] {strides = array<i32>} : memref<80x128xf32, #tpu.memory_space<vmem>>, vector<16xf32>,
      tpu.vector_store %arg26[%swap3A_711, %swap3A_712], %broadcast_in_dim3A_0 {strides = array<i32>} : memref<80x128xf32, #tpu.memory_space<vmem>>, vector<16xf32>,
      %swap3A_714 = arith.index_cast %scan3A_709 : i32 to index
      %swap3A_715 = arith.constant 16 : index
      %swap3A_716 = tpu.vector_load %arg26[%swap3A_714, %swap3A_715] {strides = array<i32>} : memref<80x128xf32, #tpu.memory_space<vmem>>, vector<16xf32>,
      tpu.vector_store %arg26[%swap3A_714, %swap3A_715], %broadcast_in_dim3A_0 {strides = array<i32>} : memref<80x128xf32, #tpu.memory_space<vmem>>, vector<16xf32>,
      %swap3A_717 = arith.index_cast %scan3A_709 : i32 to index
      %swap3A_718 = arith.constant 32 : index
      %swap3A_719 = tpu.vector_load %arg26[%swap3A_717, %swap3A_718] {strides = array<i32>} : memref<80x128xf32, #tpu.memory_space<vmem>>, vector<16xf32>,
      tpu.vector_store %arg26[%swap3A_717, %swap3A_718], %broadcast_in_dim3A_0 {strides = array<i32>} : memref<80x128xf32, #tpu.memory_space<vmem>>, vector<16xf32>,
      %swap3A_720 = arith.index_cast %scan3A_709 : i32 to index
      %swap3A_721 = arith.constant 48 : index
      %swap3A_722 = tpu.vector_load %arg26[%swap3A_720, %swap3A_721] {strides = array<i32>} : memref<80x128xf32, #tpu.memory_space<vmem>>, vector<16xf32>,
      tpu.vector_store %arg26[%swap3A_720, %swap3A_721], %broadcast_in_dim3A_0 {strides = array<i32>} : memref<80x128xf32, #tpu.memory_space<vmem>>, vector<16xf32>,
      %swap3A_723 = arith.index_cast %scan3A_709 : i32 to index
      %swap3A_724 = arith.constant 64 : index
      %swap3A_725 = tpu.vector_load %arg26[%swap3A_723, %swap3A_724] {strides = array<i32>} : memref<80x128xf32, #tpu.memory_space<vmem>>, vector<16xf32>,
      tpu.vector_store %arg26[%swap3A_723, %swap3A_724], %broadcast_in_dim3A_0 {strides = array<i32>} : memref<80x128xf32, #tpu.memory_space<vmem>>, vector<16xf32>,
      %swap3A_726 = arith.index_cast %scan3A_709 : i32 to index
      %swap3A_727 = arith.constant 80 : index
      %swap3A_728 = tpu.vector_load %arg26[%swap3A_726, %swap3A_727] {strides = array<i32>} : memref<80x128xf32, #tpu.memory_space<vmem>>, vector<16xf32>,
      tpu.vector_store %arg26[%swap3A_726, %swap3A_727], %broadcast_in_dim3A_0 {strides = array<i32>} : memref<80x128xf32, #tpu.memory_space<vmem>>, vector<16xf32>,
      %swap3A_729 = arith.index_cast %scan3A_709 : i32 to index
      %swap3A_730 = arith.constant 96 : index
      %swap3A_731 = tpu.vector_load %arg26[%swap3A_729, %swap3A_730] {strides = array<i32>} : memref<80x128xf32, #tpu.memory_space<vmem>>, vector<16xf32>,
      tpu.vector_store %arg26[%swap3A_729, %swap3A_730], %broadcast_in_dim3A_0 {strides = array<i32>} : memref<80x128xf32, #tpu.memory_space<vmem>>, vector<16xf32>,
      %swap3A_732 = arith.index_cast %scan3A_709 : i32 to index
      %swap3A_733 = arith.constant 112 : index
      %swap3A_734 = tpu.vector_load %arg26[%swap3A_732, %swap3A_733] {strides = array<i32>} : memref<80x128xf32, #tpu.memory_space<vmem>>, vector<16xf32>,
      tpu.vector_store %arg26[%swap3A_732, %swap3A_733], %broadcast_in_dim3A_0 {strides = array<i32>} : memref<80x128xf32, #tpu.memory_space<vmem>>, vector<16xf32>,
      %scan3A_735 = arith.constant 0 : i32
      scf.yield %scan3A_735 : i32
    }
    %scan3A_17 = arith.constant 80 : i32
    %add3A = arith.constant 0 : i32
    %add3A_18 = vector.broadcast %add3A : i32 to vector<16xi32>
    %add3A_19 = arith.addi %iota3A, %add3A_18 : vector<16xi32>
    %swap3A = arith.constant 0 : index
    %swap3A_20 = tpu.vector_load %arg27[%swap3A] {strides = array<i32>} : memref<80xi32, #tpu.memory_space<vmem>>, vector<16xi32>,
    tpu.vector_store %arg27[%swap3A], %add3A_19 {strides = array<i32>} : memref<80xi32, #tpu.memory_space<vmem>>, vector<16xi32>,
    %add3A_21 = arith.constant 16 : i32
    %add3A_22 = vector.broadcast %add3A_21 : i32 to vector<16xi32>
    %add3A_23 = arith.addi %iota3A, %add3A_22 : vector<16xi32>
    %swap3A_24 = arith.constant 16 : index
    %swap3A_25 = tpu.vector_load %arg27[%swap3A_24] {strides = array<i32>} : memref<80xi32, #tpu.memory_space<vmem>>, vector<16xi32>,
    tpu.vector_store %arg27[%swap3A_24], %add3A_23 {strides = array<i32>} : memref<80xi32, #tpu.memory_space<vmem>>, vector<16xi32>,
    %add3A_26 = arith.constant 32 : i32
    %add3A_27 = vector.broadcast %add3A_26 : i32 to vector<16xi32>
    %add3A_28 = arith.addi %iota3A, %add3A_27 : vector<16xi32>
    %swap3A_29 = arith.constant 32 : index
    %swap3A_30 = tpu.vector_load %arg27[%swap3A_29] {strides = array<i32>} : memref<80xi32, #tpu.memory_space<vmem>>, vector<16xi32>,
    tpu.vector_store %arg27[%swap3A_29], %add3A_28 {strides = array<i32>} : memref<80xi32, #tpu.memory_space<vmem>>, vector<16xi32>,
    %add3A_31 = arith.constant 48 : i32
    %add3A_32 = vector.broadcast %add3A_31 : i32 to vector<16xi32>
    %add3A_33 = arith.addi %iota3A, %add3A_32 : vector<16xi32>
    %swap3A_34 = arith.constant 48 : index
    %swap3A_35 = tpu.vector_load %arg27[%swap3A_34] {strides = array<i32>} : memref<80xi32, #tpu.memory_space<vmem>>, vector<16xi32>,
    tpu.vector_store %arg27[%swap3A_34], %add3A_33 {strides = array<i32>} : memref<80xi32, #tpu.memory_space<vmem>>, vector<16xi32>,
    %add3A_36 = arith.constant 64 : i32
    %add3A_37 = vector.broadcast %add3A_36 : i32 to vector<16xi32>
    %add3A_38 = arith.addi %iota3A, %add3A_37 : vector<16xi32>
    %swap3A_39 = arith.constant 64 : index
    %swap3A_40 = tpu.vector_load %arg27[%swap3A_39] {strides = array<i32>} : memref<80xi32, #tpu.memory_space<vmem>>, vector<16xi32>,
    tpu.vector_store %arg27[%swap3A_39], %add3A_38 {strides = array<i32>} : memref<80xi32, #tpu.memory_space<vmem>>, vector<16xi32>,
    %mul3A = arith.constant 640 : i32
    %mul3A_41 = arith.muli %arg1, %mul3A : i32
    %add3A_42 = arith.constant 0 : i32
    %add3A_43 = arith.addi %mul3A_41, %add3A_42 : i32
    %dma_start3A = arith.constant 0 : i32
    %dma_start3A_44 = tpu.memref_slice %arg30[%add3A_43, %dma_start3A] : memref<10240x128xbf16, #tpu.memory_space<vmem_shared>> -> memref<16x128xbf16, #tpu.memory_space<vmem_shared>>
    %dma_start3A_45 = arith.constant 0 : i32
    %dma_start3A_46 = tpu.memref_slice %arg30[%add3A_43, %dma_start3A_45] : memref<10240x128xbf16, #tpu.memory_space<vmem_shared>> -> memref<16x128xbf16, #tpu.memory_space<vmem_shared>>
    tpu.enqueue_dma source(%arg29 : memref<16x128xbf16, #tpu.memory_space<vmem>>) target(%dma_start3A_46 : memref<16x128xbf16, #tpu.memory_space<vmem_shared>>) target_semaphore(%arg44 : memref<!tpu.dma_semaphore, #tpu.memory_space<semaphore_mem>>)
    %mul3A_47 = arith.constant 640 : i32
    %mul3A_48 = arith.muli %arg1, %mul3A_47 : i32
    %add3A_49 = arith.constant 16 : i32
    %add3A_50 = arith.addi %mul3A_48, %add3A_49 : i32
    %dma_start3A_51 = arith.constant 0 : i32
    %dma_start3A_52 = tpu.memref_slice %arg30[%add3A_50, %dma_start3A_51] : memref<10240x128xbf16, #tpu.memory_space<vmem_shared>> -> memref<16x128xbf16, #tpu.memory_space<vmem_shared>>
    %dma_start3A_53 = arith.constant 0 : i32
    %dma_start3A_54 = tpu.memref_slice %arg30[%add3A_50, %dma_start3A_53] : memref<10240x128xbf16, #tpu.memory_space<vmem_shared>> -> memref<16x128xbf16, #tpu.memory_space<vmem_shared>>
    tpu.enqueue_dma source(%arg29 : memref<16x128xbf16, #tpu.memory_space<vmem>>) target(%dma_start3A_54 : memref<16x128xbf16, #tpu.memory_space<vmem_shared>>) target_semaphore(%arg44 : memref<!tpu.dma_semaphore, #tpu.memory_space<semaphore_mem>>)
    %mul3A_55 = arith.constant 640 : i32
    %mul3A_56 = arith.muli %arg1, %mul3A_55 : i32
    %add3A_57 = arith.constant 32 : i32
    %add3A_58 = arith.addi %mul3A_56, %add3A_57 : i32
    %dma_start3A_59 = arith.constant 0 : i32
    %dma_start3A_60 = tpu.memref_slice %arg30[%add3A_58, %dma_start3A_59] : memref<10240x128xbf16, #tpu.memory_space<vmem_shared>> -> memref<16x128xbf16, #tpu.memory_space<vmem_shared>>
    %dma_start3A_61 = arith.constant 0 : i32
    %dma_start3A_62 = tpu.memref_slice %arg30[%add3A_58, %dma_start3A_61] : memref<10240x128xbf16, #tpu.memory_space<vmem_shared>> -> memref<16x128xbf16, #tpu.memory_space<vmem_shared>>
    tpu.enqueue_dma source(%arg29 : memref<16x128xbf16, #tpu.memory_space<vmem>>) target(%dma_start3A_62 : memref<16x128xbf16, #tpu.memory_space<vmem_shared>>) target_semaphore(%arg44 : memref<!tpu.dma_semaphore, #tpu.memory_space<semaphore_mem>>)
    %mul3A_63 = arith.constant 640 : i32
    %mul3A_64 = arith.muli %arg1, %mul3A_63 : i32
    %add3A_65 = arith.constant 48 : i32
    %add3A_66 = arith.addi %mul3A_64, %add3A_65 : i32
    %dma_start3A_67 = arith.constant 0 : i32
    %dma_start3A_68 = tpu.memref_slice %arg30[%add3A_66, %dma_start3A_67] : memref<10240x128xbf16, #tpu.memory_space<vmem_shared>> -> memref<16x128xbf16, #tpu.memory_space<vmem_shared>>
    %dma_start3A_69 = arith.constant 0 : i32
    %dma_start3A_70 = tpu.memref_slice %arg30[%add3A_66, %dma_start3A_69] : memref<10240x128xbf16, #tpu.memory_space<vmem_shared>> -> memref<16x128xbf16, #tpu.memory_space<vmem_shared>>
    tpu.enqueue_dma source(%arg29 : memref<16x128xbf16, #tpu.memory_space<vmem>>) target(%dma_start3A_70 : memref<16x128xbf16, #tpu.memory_space<vmem_shared>>) target_semaphore(%arg44 : memref<!tpu.dma_semaphore, #tpu.memory_space<semaphore_mem>>)
    %mul3A_71 = arith.constant 640 : i32
    %mul3A_72 = arith.muli %arg1, %mul3A_71 : i32
    %add3A_73 = arith.constant 64 : i32
    %add3A_74 = arith.addi %mul3A_72, %add3A_73 : i32
    %dma_start3A_75 = arith.constant 0 : i32
    %dma_start3A_76 = tpu.memref_slice %arg30[%add3A_74, %dma_start3A_75] : memref<10240x128xbf16, #tpu.memory_space<vmem_shared>> -> memref<16x128xbf16, #tpu.memory_space<vmem_shared>>
    %dma_start3A_77 = arith.constant 0 : i32
    %dma_start3A_78 = tpu.memref_slice %arg30[%add3A_74, %dma_start3A_77] : memref<10240x128xbf16, #tpu.memory_space<vmem_shared>> -> memref<16x128xbf16, #tpu.memory_space<vmem_shared>>
    tpu.enqueue_dma source(%arg29 : memref<16x128xbf16, #tpu.memory_space<vmem>>) target(%dma_start3A_78 : memref<16x128xbf16, #tpu.memory_space<vmem_shared>>) target_semaphore(%arg44 : memref<!tpu.dma_semaphore, #tpu.memory_space<semaphore_mem>>)
    %mul3A_79 = arith.constant 640 : i32
    %mul3A_80 = arith.muli %arg1, %mul3A_79 : i32
    %add3A_81 = arith.constant 80 : i32
    %add3A_82 = arith.addi %mul3A_80, %add3A_81 : i32
    %dma_start3A_83 = arith.constant 0 : i32
    %dma_start3A_84 = tpu.memref_slice %arg30[%add3A_82, %dma_start3A_83] : memref<10240x128xbf16, #tpu.memory_space<vmem_shared>> -> memref<16x128xbf16, #tpu.memory_space<vmem_shared>>
    %dma_start3A_85 = arith.constant 0 : i32
    %dma_start3A_86 = tpu.memref_slice %arg30[%add3A_82, %dma_start3A_85] : memref<10240x128xbf16, #tpu.memory_space<vmem_shared>> -> memref<16x128xbf16, #tpu.memory_space<vmem_shared>>
    tpu.enqueue_dma source(%arg29 : memref<16x128xbf16, #tpu.memory_space<vmem>>) target(%dma_start3A_86 : memref<16x128xbf16, #tpu.memory_space<vmem_shared>>) target_semaphore(%arg44 : memref<!tpu.dma_semaphore, #tpu.memory_space<semaphore_mem>>)
    %mul3A_87 = arith.constant 640 : i32
    %mul3A_88 = arith.muli %arg1, %mul3A_87 : i32
    %add3A_89 = arith.constant 96 : i32
    %add3A_90 = arith.addi %mul3A_88, %add3A_89 : i32
    %dma_start3A_91 = arith.constant 0 : i32
    %dma_start3A_92 = tpu.memref_slice %arg30[%add3A_90, %dma_start3A_91] : memref<10240x128xbf16, #tpu.memory_space<vmem_shared>> -> memref<16x128xbf16, #tpu.memory_space<vmem_shared>>
    %dma_start3A_93 = arith.constant 0 : i32
    %dma_start3A_94 = tpu.memref_slice %arg30[%add3A_90, %dma_start3A_93] : memref<10240x128xbf16, #tpu.memory_space<vmem_shared>> -> memref<16x128xbf16, #tpu.memory_space<vmem_shared>>
    tpu.enqueue_dma source(%arg29 : memref<16x128xbf16, #tpu.memory_space<vmem>>) target(%dma_start3A_94 : memref<16x128xbf16, #tpu.memory_space<vmem_shared>>) target_semaphore(%arg44 : memref<!tpu.dma_semaphore, #tpu.memory_space<semaphore_mem>>)
    %mul3A_95 = arith.constant 640 : i32
    %mul3A_96 = arith.muli %arg1, %mul3A_95 : i32
    %add3A_97 = arith.constant 112 : i32
    %add3A_98 = arith.addi %mul3A_96, %add3A_97 : i32
    %dma_start3A_99 = arith.constant 0 : i32
    %dma_start3A_100 = tpu.memref_slice %arg30[%add3A_98, %dma_start3A_99] : memref<10240x128xbf16, #tpu.memory_space<vmem_shared>> -> memref<16x128xbf16, #tpu.memory_space<vmem_shared>>
    %dma_start3A_101 = arith.constant 0 : i32
    %dma_start3A_102 = tpu.memref_slice %arg30[%add3A_98, %dma_start3A_101] : memref<10240x128xbf16, #tpu.memory_space<vmem_shared>> -> memref<16x128xbf16, #tpu.memory_space<vmem_shared>>
    tpu.enqueue_dma source(%arg29 : memref<16x128xbf16, #tpu.memory_space<vmem>>) target(%dma_start3A_102 : memref<16x128xbf16, #tpu.memory_space<vmem_shared>>) target_semaphore(%arg44 : memref<!tpu.dma_semaphore, #tpu.memory_space<semaphore_mem>>)
    %mul3A_103 = arith.constant 640 : i32
    %mul3A_104 = arith.muli %arg1, %mul3A_103 : i32
    %add3A_105 = arith.constant 128 : i32
    %add3A_106 = arith.addi %mul3A_104, %add3A_105 : i32
    %dma_start3A_107 = arith.constant 0 : i32
    %dma_start3A_108 = tpu.memref_slice %arg30[%add3A_106, %dma_start3A_107] : memref<10240x128xbf16, #tpu.memory_space<vmem_shared>> -> memref<16x128xbf16, #tpu.memory_space<vmem_shared>>
    %dma_start3A_109 = arith.constant 0 : i32
    %dma_start3A_110 = tpu.memref_slice %arg30[%add3A_106, %dma_start3A_109] : memref<10240x128xbf16, #tpu.memory_space<vmem_shared>> -> memref<16x128xbf16, #tpu.memory_space<vmem_shared>>
    tpu.enqueue_dma source(%arg29 : memref<16x128xbf16, #tpu.memory_space<vmem>>) target(%dma_start3A_110 : memref<16x128xbf16, #tpu.memory_space<vmem_shared>>) target_semaphore(%arg44 : memref<!tpu.dma_semaphore, #tpu.memory_space<semaphore_mem>>)
    %mul3A_111 = arith.constant 640 : i32
    %mul3A_112 = arith.muli %arg1, %mul3A_111 : i32
    %add3A_113 = arith.constant 144 : i32
    %add3A_114 = arith.addi %mul3A_112, %add3A_113 : i32
    %dma_start3A_115 = arith.constant 0 : i32
    %dma_start3A_116 = tpu.memref_slice %arg30[%add3A_114, %dma_start3A_115] : memref<10240x128xbf16, #tpu.memory_space<vmem_shared>> -> memref<16x128xbf16, #tpu.memory_space<vmem_shared>>
    %dma_start3A_117 = arith.constant 0 : i32
    %dma_start3A_118 = tpu.memref_slice %arg30[%add3A_114, %dma_start3A_117] : memref<10240x128xbf16, #tpu.memory_space<vmem_shared>> -> memref<16x128xbf16, #tpu.memory_space<vmem_shared>>
    tpu.enqueue_dma source(%arg29 : memref<16x128xbf16, #tpu.memory_space<vmem>>) target(%dma_start3A_118 : memref<16x128xbf16, #tpu.memory_space<vmem_shared>>) target_semaphore(%arg44 : memref<!tpu.dma_semaphore, #tpu.memory_space<semaphore_mem>>)
    %mul3A_119 = arith.constant 640 : i32
    %mul3A_120 = arith.muli %arg1, %mul3A_119 : i32
    %add3A_121 = arith.constant 160 : i32
    %add3A_122 = arith.addi %mul3A_120, %add3A_121 : i32
    %dma_start3A_123 = arith.constant 0 : i32
    %dma_start3A_124 = tpu.memref_slice %arg30[%add3A_122, %dma_start3A_123] : memref<10240x128xbf16, #tpu.memory_space<vmem_shared>> -> memref<16x128xbf16, #tpu.memory_space<vmem_shared>>
    %dma_start3A_125 = arith.constant 0 : i32
    %dma_start3A_126 = tpu.memref_slice %arg30[%add3A_122, %dma_start3A_125] : memref<10240x128xbf16, #tpu.memory_space<vmem_shared>> -> memref<16x128xbf16, #tpu.memory_space<vmem_shared>>
    tpu.enqueue_dma source(%arg29 : memref<16x128xbf16, #tpu.memory_space<vmem>>) target(%dma_start3A_126 : memref<16x128xbf16, #tpu.memory_space<vmem_shared>>) target_semaphore(%arg44 : memref<!tpu.dma_semaphore, #tpu.memory_space<semaphore_mem>>)
    %mul3A_127 = arith.constant 640 : i32
    %mul3A_128 = arith.muli %arg1, %mul3A_127 : i32
    %add3A_129 = arith.constant 176 : i32
    %add3A_130 = arith.addi %mul3A_128, %add3A_129 : i32
    %dma_start3A_131 = arith.constant 0 : i32
    %dma_start3A_132 = tpu.memref_slice %arg30[%add3A_130, %dma_start3A_131] : memref<10240x128xbf16, #tpu.memory_space<vmem_shared>> -> memref<16x128xbf16, #tpu.memory_space<vmem_shared>>
    %dma_start3A_133 = arith.constant 0 : i32
    %dma_start3A_134 = tpu.memref_slice %arg30[%add3A_130, %dma_start3A_133] : memref<10240x128xbf16, #tpu.memory_space<vmem_shared>> -> memref<16x128xbf16, #tpu.memory_space<vmem_shared>>
    tpu.enqueue_dma source(%arg29 : memref<16x128xbf16, #tpu.memory_space<vmem>>) target(%dma_start3A_134 : memref<16x128xbf16, #tpu.memory_space<vmem_shared>>) target_semaphore(%arg44 : memref<!tpu.dma_semaphore, #tpu.memory_space<semaphore_mem>>)
    %mul3A_135 = arith.constant 640 : i32
    %mul3A_136 = arith.muli %arg1, %mul3A_135 : i32
    %add3A_137 = arith.constant 192 : i32
    %add3A_138 = arith.addi %mul3A_136, %add3A_137 : i32
    %dma_start3A_139 = arith.constant 0 : i32
    %dma_start3A_140 = tpu.memref_slice %arg30[%add3A_138, %dma_start3A_139] : memref<10240x128xbf16, #tpu.memory_space<vmem_shared>> -> memref<16x128xbf16, #tpu.memory_space<vmem_shared>>
    %dma_start3A_141 = arith.constant 0 : i32
    %dma_start3A_142 = tpu.memref_slice %arg30[%add3A_138, %dma_start3A_141] : memref<10240x128xbf16, #tpu.memory_space<vmem_shared>> -> memref<16x128xbf16, #tpu.memory_space<vmem_shared>>
    tpu.enqueue_dma source(%arg29 : memref<16x128xbf16, #tpu.memory_space<vmem>>) target(%dma_start3A_142 : memref<16x128xbf16, #tpu.memory_space<vmem_shared>>) target_semaphore(%arg44 : memref<!tpu.dma_semaphore, #tpu.memory_space<semaphore_mem>>)
    %mul3A_143 = arith.constant 640 : i32
    %mul3A_144 = arith.muli %arg1, %mul3A_143 : i32
    %add3A_145 = arith.constant 208 : i32
    %add3A_146 = arith.addi %mul3A_144, %add3A_145 : i32
    %dma_start3A_147 = arith.constant 0 : i32
    %dma_start3A_148 = tpu.memref_slice %arg30[%add3A_146, %dma_start3A_147] : memref<10240x128xbf16, #tpu.memory_space<vmem_shared>> -> memref<16x128xbf16, #tpu.memory_space<vmem_shared>>
    %dma_start3A_149 = arith.constant 0 : i32
    %dma_start3A_150 = tpu.memref_slice %arg30[%add3A_146, %dma_start3A_149] : memref<10240x128xbf16, #tpu.memory_space<vmem_shared>> -> memref<16x128xbf16, #tpu.memory_space<vmem_shared>>
    tpu.enqueue_dma source(%arg29 : memref<16x128xbf16, #tpu.memory_space<vmem>>) target(%dma_start3A_150 : memref<16x128xbf16, #tpu.memory_space<vmem_shared>>) target_semaphore(%arg44 : memref<!tpu.dma_semaphore, #tpu.memory_space<semaphore_mem>>)
    %mul3A_151 = arith.constant 640 : i32
    %mul3A_152 = arith.muli %arg1, %mul3A_151 : i32
    %add3A_153 = arith.constant 224 : i32
    %add3A_154 = arith.addi %mul3A_152, %add3A_153 : i32
    %dma_start3A_155 = arith.constant 0 : i32
    %dma_start3A_156 = tpu.memref_slice %arg30[%add3A_154, %dma_start3A_155] : memref<10240x128xbf16, #tpu.memory_space<vmem_shared>> -> memref<16x128xbf16, #tpu.memory_space<vmem_shared>>
    %dma_start3A_157 = arith.constant 0 : i32
    %dma_start3A_158 = tpu.memref_slice %arg30[%add3A_154, %dma_start3A_157] : memref<10240x128xbf16, #tpu.memory_space<vmem_shared>> -> memref<16x128xbf16, #tpu.memory_space<vmem_shared>>
    tpu.enqueue_dma source(%arg29 : memref<16x128xbf16, #tpu.memory_space<vmem>>) target(%dma_start3A_158 : memref<16x128xbf16, #tpu.memory_space<vmem_shared>>) target_semaphore(%arg44 : memref<!tpu.dma_semaphore, #tpu.memory_space<semaphore_mem>>)
    %mul3A_159 = arith.constant 640 : i32
    %mul3A_160 = arith.muli %arg1, %mul3A_159 : i32
    %add3A_161 = arith.constant 240 : i32
    %add3A_162 = arith.addi %mul3A_160, %add3A_161 : i32
    %dma_start3A_163 = arith.constant 0 : i32
    %dma_start3A_164 = tpu.memref_slice %arg30[%add3A_162, %dma_start3A_163] : memref<10240x128xbf16, #tpu.memory_space<vmem_shared>> -> memref<16x128xbf16, #tpu.memory_space<vmem_shared>>
    %dma_start3A_165 = arith.constant 0 : i32
    %dma_start3A_166 = tpu.memref_slice %arg30[%add3A_162, %dma_start3A_165] : memref<10240x128xbf16, #tpu.memory_space<vmem_shared>> -> memref<16x128xbf16, #tpu.memory_space<vmem_shared>>
    tpu.enqueue_dma source(%arg29 : memref<16x128xbf16, #tpu.memory_space<vmem>>) target(%dma_start3A_166 : memref<16x128xbf16, #tpu.memory_space<vmem_shared>>) target_semaphore(%arg44 : memref<!tpu.dma_semaphore, #tpu.memory_space<semaphore_mem>>)
    %mul3A_167 = arith.constant 640 : i32
    %mul3A_168 = arith.muli %arg1, %mul3A_167 : i32
    %add3A_169 = arith.constant 256 : i32
    %add3A_170 = arith.addi %mul3A_168, %add3A_169 : i32
    %dma_start3A_171 = arith.constant 0 : i32
    %dma_start3A_172 = tpu.memref_slice %arg30[%add3A_170, %dma_start3A_171] : memref<10240x128xbf16, #tpu.memory_space<vmem_shared>> -> memref<16x128xbf16, #tpu.memory_space<vmem_shared>>
    %dma_start3A_173 = arith.constant 0 : i32
    %dma_start3A_174 = tpu.memref_slice %arg30[%add3A_170, %dma_start3A_173] : memref<10240x128xbf16, #tpu.memory_space<vmem_shared>> -> memref<16x128xbf16, #tpu.memory_space<vmem_shared>>
    tpu.enqueue_dma source(%arg29 : memref<16x128xbf16, #tpu.memory_space<vmem>>) target(%dma_start3A_174 : memref<16x128xbf16, #tpu.memory_space<vmem_shared>>) target_semaphore(%arg44 : memref<!tpu.dma_semaphore, #tpu.memory_space<semaphore_mem>>)
    %mul3A_175 = arith.constant 640 : i32
    %mul3A_176 = arith.muli %arg1, %mul3A_175 : i32
    %add3A_177 = arith.constant 272 : i32
    %add3A_178 = arith.addi %mul3A_176, %add3A_177 : i32
    %dma_start3A_179 = arith.constant 0 : i32
    %dma_start3A_180 = tpu.memref_slice %arg30[%add3A_178, %dma_start3A_179] : memref<10240x128xbf16, #tpu.memory_space<vmem_shared>> -> memref<16x128xbf16, #tpu.memory_space<vmem_shared>>
    %dma_start3A_181 = arith.constant 0 : i32
    %dma_start3A_182 = tpu.memref_slice %arg30[%add3A_178, %dma_start3A_181] : memref<10240x128xbf16, #tpu.memory_space<vmem_shared>> -> memref<16x128xbf16, #tpu.memory_space<vmem_shared>>
    tpu.enqueue_dma source(%arg29 : memref<16x128xbf16, #tpu.memory_space<vmem>>) target(%dma_start3A_182 : memref<16x128xbf16, #tpu.memory_space<vmem_shared>>) target_semaphore(%arg44 : memref<!tpu.dma_semaphore, #tpu.memory_space<semaphore_mem>>)
    %mul3A_183 = arith.constant 640 : i32
    %mul3A_184 = arith.muli %arg1, %mul3A_183 : i32
    %add3A_185 = arith.constant 288 : i32
    %add3A_186 = arith.addi %mul3A_184, %add3A_185 : i32
    %dma_start3A_187 = arith.constant 0 : i32
    %dma_start3A_188 = tpu.memref_slice %arg30[%add3A_186, %dma_start3A_187] : memref<10240x128xbf16, #tpu.memory_space<vmem_shared>> -> memref<16x128xbf16, #tpu.memory_space<vmem_shared>>
    %dma_start3A_189 = arith.constant 0 : i32
    %dma_start3A_190 = tpu.memref_slice %arg30[%add3A_186, %dma_start3A_189] : memref<10240x128xbf16, #tpu.memory_space<vmem_shared>> -> memref<16x128xbf16, #tpu.memory_space<vmem_shared>>
    tpu.enqueue_dma source(%arg29 : memref<16x128xbf16, #tpu.memory_space<vmem>>) target(%dma_start3A_190 : memref<16x128xbf16, #tpu.memory_space<vmem_shared>>) target_semaphore(%arg44 : memref<!tpu.dma_semaphore, #tpu.memory_space<semaphore_mem>>)
    %mul3A_191 = arith.constant 640 : i32
    %mul3A_192 = arith.muli %arg1, %mul3A_191 : i32
    %add3A_193 = arith.constant 304 : i32
    %add3A_194 = arith.addi %mul3A_192, %add3A_193 : i32
    %dma_start3A_195 = arith.constant 0 : i32
    %dma_start3A_196 = tpu.memref_slice %arg30[%add3A_194, %dma_start3A_195] : memref<10240x128xbf16, #tpu.memory_space<vmem_shared>> -> memref<16x128xbf16, #tpu.memory_space<vmem_shared>>
    %dma_start3A_197 = arith.constant 0 : i32
    %dma_start3A_198 = tpu.memref_slice %arg30[%add3A_194, %dma_start3A_197] : memref<10240x128xbf16, #tpu.memory_space<vmem_shared>> -> memref<16x128xbf16, #tpu.memory_space<vmem_shared>>
    tpu.enqueue_dma source(%arg29 : memref<16x128xbf16, #tpu.memory_space<vmem>>) target(%dma_start3A_198 : memref<16x128xbf16, #tpu.memory_space<vmem_shared>>) target_semaphore(%arg44 : memref<!tpu.dma_semaphore, #tpu.memory_space<semaphore_mem>>)
    %mul3A_199 = arith.constant 640 : i32
    %mul3A_200 = arith.muli %arg1, %mul3A_199 : i32
    %add3A_201 = arith.constant 320 : i32
    %add3A_202 = arith.addi %mul3A_200, %add3A_201 : i32
    %dma_start3A_203 = arith.constant 0 : i32
    %dma_start3A_204 = tpu.memref_slice %arg30[%add3A_202, %dma_start3A_203] : memref<10240x128xbf16, #tpu.memory_space<vmem_shared>> -> memref<16x128xbf16, #tpu.memory_space<vmem_shared>>
    %dma_start3A_205 = arith.constant 0 : i32
    %dma_start3A_206 = tpu.memref_slice %arg30[%add3A_202, %dma_start3A_205] : memref<10240x128xbf16, #tpu.memory_space<vmem_shared>> -> memref<16x128xbf16, #tpu.memory_space<vmem_shared>>
    tpu.enqueue_dma source(%arg29 : memref<16x128xbf16, #tpu.memory_space<vmem>>) target(%dma_start3A_206 : memref<16x128xbf16, #tpu.memory_space<vmem_shared>>) target_semaphore(%arg44 : memref<!tpu.dma_semaphore, #tpu.memory_space<semaphore_mem>>)
    %mul3A_207 = arith.constant 640 : i32
    %mul3A_208 = arith.muli %arg1, %mul3A_207 : i32
    %add3A_209 = arith.constant 336 : i32
    %add3A_210 = arith.addi %mul3A_208, %add3A_209 : i32
    %dma_start3A_211 = arith.constant 0 : i32
    %dma_start3A_212 = tpu.memref_slice %arg30[%add3A_210, %dma_start3A_211] : memref<10240x128xbf16, #tpu.memory_space<vmem_shared>> -> memref<16x128xbf16, #tpu.memory_space<vmem_shared>>
    %dma_start3A_213 = arith.constant 0 : i32
    %dma_start3A_214 = tpu.memref_slice %arg30[%add3A_210, %dma_start3A_213] : memref<10240x128xbf16, #tpu.memory_space<vmem_shared>> -> memref<16x128xbf16, #tpu.memory_space<vmem_shared>>
    tpu.enqueue_dma source(%arg29 : memref<16x128xbf16, #tpu.memory_space<vmem>>) target(%dma_start3A_214 : memref<16x128xbf16, #tpu.memory_space<vmem_shared>>) target_semaphore(%arg44 : memref<!tpu.dma_semaphore, #tpu.memory_space<semaphore_mem>>)
    %mul3A_215 = arith.constant 640 : i32
    %mul3A_216 = arith.muli %arg1, %mul3A_215 : i32
    %add3A_217 = arith.constant 352 : i32
    %add3A_218 = arith.addi %mul3A_216, %add3A_217 : i32
    %dma_start3A_219 = arith.constant 0 : i32
    %dma_start3A_220 = tpu.memref_slice %arg30[%add3A_218, %dma_start3A_219] : memref<10240x128xbf16, #tpu.memory_space<vmem_shared>> -> memref<16x128xbf16, #tpu.memory_space<vmem_shared>>
    %dma_start3A_221 = arith.constant 0 : i32
    %dma_start3A_222 = tpu.memref_slice %arg30[%add3A_218, %dma_start3A_221] : memref<10240x128xbf16, #tpu.memory_space<vmem_shared>> -> memref<16x128xbf16, #tpu.memory_space<vmem_shared>>
    tpu.enqueue_dma source(%arg29 : memref<16x128xbf16, #tpu.memory_space<vmem>>) target(%dma_start3A_222 : memref<16x128xbf16, #tpu.memory_space<vmem_shared>>) target_semaphore(%arg44 : memref<!tpu.dma_semaphore, #tpu.memory_space<semaphore_mem>>)
    %mul3A_223 = arith.constant 640 : i32
    %mul3A_224 = arith.muli %arg1, %mul3A_223 : i32
    %add3A_225 = arith.constant 368 : i32
    %add3A_226 = arith.addi %mul3A_224, %add3A_225 : i32
    %dma_start3A_227 = arith.constant 0 : i32
    %dma_start3A_228 = tpu.memref_slice %arg30[%add3A_226, %dma_start3A_227] : memref<10240x128xbf16, #tpu.memory_space<vmem_shared>> -> memref<16x128xbf16, #tpu.memory_space<vmem_shared>>
    %dma_start3A_229 = arith.constant 0 : i32
    %dma_start3A_230 = tpu.memref_slice %arg30[%add3A_226, %dma_start3A_229] : memref<10240x128xbf16, #tpu.memory_space<vmem_shared>> -> memref<16x128xbf16, #tpu.memory_space<vmem_shared>>
    tpu.enqueue_dma source(%arg29 : memref<16x128xbf16, #tpu.memory_space<vmem>>) target(%dma_start3A_230 : memref<16x128xbf16, #tpu.memory_space<vmem_shared>>) target_semaphore(%arg44 : memref<!tpu.dma_semaphore, #tpu.memory_space<semaphore_mem>>)
    %mul3A_231 = arith.constant 640 : i32
    %mul3A_232 = arith.muli %arg1, %mul3A_231 : i32
    %add3A_233 = arith.constant 384 : i32
    %add3A_234 = arith.addi %mul3A_232, %add3A_233 : i32
    %dma_start3A_235 = arith.constant 0 : i32
    %dma_start3A_236 = tpu.memref_slice %arg30[%add3A_234, %dma_start3A_235] : memref<10240x128xbf16, #tpu.memory_space<vmem_shared>> -> memref<16x128xbf16, #tpu.memory_space<vmem_shared>>
    %dma_start3A_237 = arith.constant 0 : i32
    %dma_start3A_238 = tpu.memref_slice %arg30[%add3A_234, %dma_start3A_237] : memref<10240x128xbf16, #tpu.memory_space<vmem_shared>> -> memref<16x128xbf16, #tpu.memory_space<vmem_shared>>
    tpu.enqueue_dma source(%arg29 : memref<16x128xbf16, #tpu.memory_space<vmem>>) target(%dma_start3A_238 : memref<16x128xbf16, #tpu.memory_space<vmem_shared>>) target_semaphore(%arg44 : memref<!tpu.dma_semaphore, #tpu.memory_space<semaphore_mem>>)
    %mul3A_239 = arith.constant 640 : i32
    %mul3A_240 = arith.muli %arg1, %mul3A_239 : i32
    %add3A_241 = arith.constant 400 : i32
    %add3A_242 = arith.addi %mul3A_240, %add3A_241 : i32
    %dma_start3A_243 = arith.constant 0 : i32
    %dma_start3A_244 = tpu.memref_slice %arg30[%add3A_242, %dma_start3A_243] : memref<10240x128xbf16, #tpu.memory_space<vmem_shared>> -> memref<16x128xbf16, #tpu.memory_space<vmem_shared>>
    %dma_start3A_245 = arith.constant 0 : i32
    %dma_start3A_246 = tpu.memref_slice %arg30[%add3A_242, %dma_start3A_245] : memref<10240x128xbf16, #tpu.memory_space<vmem_shared>> -> memref<16x128xbf16, #tpu.memory_space<vmem_shared>>
    tpu.enqueue_dma source(%arg29 : memref<16x128xbf16, #tpu.memory_space<vmem>>) target(%dma_start3A_246 : memref<16x128xbf16, #tpu.memory_space<vmem_shared>>) target_semaphore(%arg44 : memref<!tpu.dma_semaphore, #tpu.memory_space<semaphore_mem>>)
    %mul3A_247 = arith.constant 640 : i32
    %mul3A_248 = arith.muli %arg1, %mul3A_247 : i32
    %add3A_249 = arith.constant 416 : i32
    %add3A_250 = arith.addi %mul3A_248, %add3A_249 : i32
    %dma_start3A_251 = arith.constant 0 : i32
    %dma_start3A_252 = tpu.memref_slice %arg30[%add3A_250, %dma_start3A_251] : memref<10240x128xbf16, #tpu.memory_space<vmem_shared>> -> memref<16x128xbf16, #tpu.memory_space<vmem_shared>>
    %dma_start3A_253 = arith.constant 0 : i32
    %dma_start3A_254 = tpu.memref_slice %arg30[%add3A_250, %dma_start3A_253] : memref<10240x128xbf16, #tpu.memory_space<vmem_shared>> -> memref<16x128xbf16, #tpu.memory_space<vmem_shared>>
    tpu.enqueue_dma source(%arg29 : memref<16x128xbf16, #tpu.memory_space<vmem>>) target(%dma_start3A_254 : memref<16x128xbf16, #tpu.memory_space<vmem_shared>>) target_semaphore(%arg44 : memref<!tpu.dma_semaphore, #tpu.memory_space<semaphore_mem>>)
    %mul3A_255 = arith.constant 640 : i32
    %mul3A_256 = arith.muli %arg1, %mul3A_255 : i32
    %add3A_257 = arith.constant 432 : i32
    %add3A_258 = arith.addi %mul3A_256, %add3A_257 : i32
    %dma_start3A_259 = arith.constant 0 : i32
    %dma_start3A_260 = tpu.memref_slice %arg30[%add3A_258, %dma_start3A_259] : memref<10240x128xbf16, #tpu.memory_space<vmem_shared>> -> memref<16x128xbf16, #tpu.memory_space<vmem_shared>>
    %dma_start3A_261 = arith.constant 0 : i32
    %dma_start3A_262 = tpu.memref_slice %arg30[%add3A_258, %dma_start3A_261] : memref<10240x128xbf16, #tpu.memory_space<vmem_shared>> -> memref<16x128xbf16, #tpu.memory_space<vmem_shared>>
    tpu.enqueue_dma source(%arg29 : memref<16x128xbf16, #tpu.memory_space<vmem>>) target(%dma_start3A_262 : memref<16x128xbf16, #tpu.memory_space<vmem_shared>>) target_semaphore(%arg44 : memref<!tpu.dma_semaphore, #tpu.memory_space<semaphore_mem>>)
    %mul3A_263 = arith.constant 640 : i32
    %mul3A_264 = arith.muli %arg1, %mul3A_263 : i32
    %add3A_265 = arith.constant 448 : i32
    %add3A_266 = arith.addi %mul3A_264, %add3A_265 : i32
    %dma_start3A_267 = arith.constant 0 : i32
    %dma_start3A_268 = tpu.memref_slice %arg30[%add3A_266, %dma_start3A_267] : memref<10240x128xbf16, #tpu.memory_space<vmem_shared>> -> memref<16x128xbf16, #tpu.memory_space<vmem_shared>>
    %dma_start3A_269 = arith.constant 0 : i32
    %dma_start3A_270 = tpu.memref_slice %arg30[%add3A_266, %dma_start3A_269] : memref<10240x128xbf16, #tpu.memory_space<vmem_shared>> -> memref<16x128xbf16, #tpu.memory_space<vmem_shared>>
    tpu.enqueue_dma source(%arg29 : memref<16x128xbf16, #tpu.memory_space<vmem>>) target(%dma_start3A_270 : memref<16x128xbf16, #tpu.memory_space<vmem_shared>>) target_semaphore(%arg44 : memref<!tpu.dma_semaphore, #tpu.memory_space<semaphore_mem>>)
    %mul3A_271 = arith.constant 640 : i32
    %mul3A_272 = arith.muli %arg1, %mul3A_271 : i32
    %add3A_273 = arith.constant 464 : i32
    %add3A_274 = arith.addi %mul3A_272, %add3A_273 : i32
    %dma_start3A_275 = arith.constant 0 : i32
    %dma_start3A_276 = tpu.memref_slice %arg30[%add3A_274, %dma_start3A_275] : memref<10240x128xbf16, #tpu.memory_space<vmem_shared>> -> memref<16x128xbf16, #tpu.memory_space<vmem_shared>>
    %dma_start3A_277 = arith.constant 0 : i32
    %dma_start3A_278 = tpu.memref_slice %arg30[%add3A_274, %dma_start3A_277] : memref<10240x128xbf16, #tpu.memory_space<vmem_shared>> -> memref<16x128xbf16, #tpu.memory_space<vmem_shared>>
    tpu.enqueue_dma source(%arg29 : memref<16x128xbf16, #tpu.memory_space<vmem>>) target(%dma_start3A_278 : memref<16x128xbf16, #tpu.memory_space<vmem_shared>>) target_semaphore(%arg44 : memref<!tpu.dma_semaphore, #tpu.memory_space<semaphore_mem>>)
    %mul3A_279 = arith.constant 640 : i32
    %mul3A_280 = arith.muli %arg1, %mul3A_279 : i32
    %add3A_281 = arith.constant 480 : i32
    %add3A_282 = arith.addi %mul3A_280, %add3A_281 : i32
    %dma_start3A_283 = arith.constant 0 : i32
    %dma_start3A_284 = tpu.memref_slice %arg30[%add3A_282, %dma_start3A_283] : memref<10240x128xbf16, #tpu.memory_space<vmem_shared>> -> memref<16x128xbf16, #tpu.memory_space<vmem_shared>>
    %dma_start3A_285 = arith.constant 0 : i32
    %dma_start3A_286 = tpu.memref_slice %arg30[%add3A_282, %dma_start3A_285] : memref<10240x128xbf16, #tpu.memory_space<vmem_shared>> -> memref<16x128xbf16, #tpu.memory_space<vmem_shared>>
    tpu.enqueue_dma source(%arg29 : memref<16x128xbf16, #tpu.memory_space<vmem>>) target(%dma_start3A_286 : memref<16x128xbf16, #tpu.memory_space<vmem_shared>>) target_semaphore(%arg44 : memref<!tpu.dma_semaphore, #tpu.memory_space<semaphore_mem>>)
    %mul3A_287 = arith.constant 640 : i32
    %mul3A_288 = arith.muli %arg1, %mul3A_287 : i32
    %add3A_289 = arith.constant 496 : i32
    %add3A_290 = arith.addi %mul3A_288, %add3A_289 : i32
    %dma_start3A_291 = arith.constant 0 : i32
    %dma_start3A_292 = tpu.memref_slice %arg30[%add3A_290, %dma_start3A_291] : memref<10240x128xbf16, #tpu.memory_space<vmem_shared>> -> memref<16x128xbf16, #tpu.memory_space<vmem_shared>>
    %dma_start3A_293 = arith.constant 0 : i32
    %dma_start3A_294 = tpu.memref_slice %arg30[%add3A_290, %dma_start3A_293] : memref<10240x128xbf16, #tpu.memory_space<vmem_shared>> -> memref<16x128xbf16, #tpu.memory_space<vmem_shared>>
    tpu.enqueue_dma source(%arg29 : memref<16x128xbf16, #tpu.memory_space<vmem>>) target(%dma_start3A_294 : memref<16x128xbf16, #tpu.memory_space<vmem_shared>>) target_semaphore(%arg44 : memref<!tpu.dma_semaphore, #tpu.memory_space<semaphore_mem>>)
    %mul3A_295 = arith.constant 640 : i32
    %mul3A_296 = arith.muli %arg1, %mul3A_295 : i32
    %add3A_297 = arith.constant 512 : i32
    %add3A_298 = arith.addi %mul3A_296, %add3A_297 : i32
    %dma_start3A_299 = arith.constant 0 : i32
    %dma_start3A_300 = tpu.memref_slice %arg30[%add3A_298, %dma_start3A_299] : memref<10240x128xbf16, #tpu.memory_space<vmem_shared>> -> memref<16x128xbf16, #tpu.memory_space<vmem_shared>>
    %dma_start3A_301 = arith.constant 0 : i32
    %dma_start3A_302 = tpu.memref_slice %arg30[%add3A_298, %dma_start3A_301] : memref<10240x128xbf16, #tpu.memory_space<vmem_shared>> -> memref<16x128xbf16, #tpu.memory_space<vmem_shared>>
    tpu.enqueue_dma source(%arg29 : memref<16x128xbf16, #tpu.memory_space<vmem>>) target(%dma_start3A_302 : memref<16x128xbf16, #tpu.memory_space<vmem_shared>>) target_semaphore(%arg44 : memref<!tpu.dma_semaphore, #tpu.memory_space<semaphore_mem>>)
    %mul3A_303 = arith.constant 640 : i32
    %mul3A_304 = arith.muli %arg1, %mul3A_303 : i32
    %add3A_305 = arith.constant 528 : i32
    %add3A_306 = arith.addi %mul3A_304, %add3A_305 : i32
    %dma_start3A_307 = arith.constant 0 : i32
    %dma_start3A_308 = tpu.memref_slice %arg30[%add3A_306, %dma_start3A_307] : memref<10240x128xbf16, #tpu.memory_space<vmem_shared>> -> memref<16x128xbf16, #tpu.memory_space<vmem_shared>>
    %dma_start3A_309 = arith.constant 0 : i32
    %dma_start3A_310 = tpu.memref_slice %arg30[%add3A_306, %dma_start3A_309] : memref<10240x128xbf16, #tpu.memory_space<vmem_shared>> -> memref<16x128xbf16, #tpu.memory_space<vmem_shared>>
    tpu.enqueue_dma source(%arg29 : memref<16x128xbf16, #tpu.memory_space<vmem>>) target(%dma_start3A_310 : memref<16x128xbf16, #tpu.memory_space<vmem_shared>>) target_semaphore(%arg44 : memref<!tpu.dma_semaphore, #tpu.memory_space<semaphore_mem>>)
    %mul3A_311 = arith.constant 640 : i32
    %mul3A_312 = arith.muli %arg1, %mul3A_311 : i32
    %add3A_313 = arith.constant 544 : i32
    %add3A_314 = arith.addi %mul3A_312, %add3A_313 : i32
    %dma_start3A_315 = arith.constant 0 : i32
    %dma_start3A_316 = tpu.memref_slice %arg30[%add3A_314, %dma_start3A_315] : memref<10240x128xbf16, #tpu.memory_space<vmem_shared>> -> memref<16x128xbf16, #tpu.memory_space<vmem_shared>>
    %dma_start3A_317 = arith.constant 0 : i32
    %dma_start3A_318 = tpu.memref_slice %arg30[%add3A_314, %dma_start3A_317] : memref<10240x128xbf16, #tpu.memory_space<vmem_shared>> -> memref<16x128xbf16, #tpu.memory_space<vmem_shared>>
    tpu.enqueue_dma source(%arg29 : memref<16x128xbf16, #tpu.memory_space<vmem>>) target(%dma_start3A_318 : memref<16x128xbf16, #tpu.memory_space<vmem_shared>>) target_semaphore(%arg44 : memref<!tpu.dma_semaphore, #tpu.memory_space<semaphore_mem>>)
    %mul3A_319 = arith.constant 640 : i32
    %mul3A_320 = arith.muli %arg1, %mul3A_319 : i32
    %add3A_321 = arith.constant 560 : i32
    %add3A_322 = arith.addi %mul3A_320, %add3A_321 : i32
    %dma_start3A_323 = arith.constant 0 : i32
    %dma_start3A_324 = tpu.memref_slice %arg30[%add3A_322, %dma_start3A_323] : memref<10240x128xbf16, #tpu.memory_space<vmem_shared>> -> memref<16x128xbf16, #tpu.memory_space<vmem_shared>>
    %dma_start3A_325 = arith.constant 0 : i32
    %dma_start3A_326 = tpu.memref_slice %arg30[%add3A_322, %dma_start3A_325] : memref<10240x128xbf16, #tpu.memory_space<vmem_shared>> -> memref<16x128xbf16, #tpu.memory_space<vmem_shared>>
    tpu.enqueue_dma source(%arg29 : memref<16x128xbf16, #tpu.memory_space<vmem>>) target(%dma_start3A_326 : memref<16x128xbf16, #tpu.memory_space<vmem_shared>>) target_semaphore(%arg44 : memref<!tpu.dma_semaphore, #tpu.memory_space<semaphore_mem>>)
    %mul3A_327 = arith.constant 640 : i32
    %mul3A_328 = arith.muli %arg1, %mul3A_327 : i32
    %add3A_329 = arith.constant 576 : i32
    %add3A_330 = arith.addi %mul3A_328, %add3A_329 : i32
    %dma_start3A_331 = arith.constant 0 : i32
    %dma_start3A_332 = tpu.memref_slice %arg30[%add3A_330, %dma_start3A_331] : memref<10240x128xbf16, #tpu.memory_space<vmem_shared>> -> memref<16x128xbf16, #tpu.memory_space<vmem_shared>>
    %dma_start3A_333 = arith.constant 0 : i32
    %dma_start3A_334 = tpu.memref_slice %arg30[%add3A_330, %dma_start3A_333] : memref<10240x128xbf16, #tpu.memory_space<vmem_shared>> -> memref<16x128xbf16, #tpu.memory_space<vmem_shared>>
    tpu.enqueue_dma source(%arg29 : memref<16x128xbf16, #tpu.memory_space<vmem>>) target(%dma_start3A_334 : memref<16x128xbf16, #tpu.memory_space<vmem_shared>>) target_semaphore(%arg44 : memref<!tpu.dma_semaphore, #tpu.memory_space<semaphore_mem>>)
    %mul3A_335 = arith.constant 640 : i32
    %mul3A_336 = arith.muli %arg1, %mul3A_335 : i32
    %add3A_337 = arith.constant 592 : i32
    %add3A_338 = arith.addi %mul3A_336, %add3A_337 : i32
    %dma_start3A_339 = arith.constant 0 : i32
    %dma_start3A_340 = tpu.memref_slice %arg30[%add3A_338, %dma_start3A_339] : memref<10240x128xbf16, #tpu.memory_space<vmem_shared>> -> memref<16x128xbf16, #tpu.memory_space<vmem_shared>>
    %dma_start3A_341 = arith.constant 0 : i32
    %dma_start3A_342 = tpu.memref_slice %arg30[%add3A_338, %dma_start3A_341] : memref<10240x128xbf16, #tpu.memory_space<vmem_shared>> -> memref<16x128xbf16, #tpu.memory_space<vmem_shared>>
    tpu.enqueue_dma source(%arg29 : memref<16x128xbf16, #tpu.memory_space<vmem>>) target(%dma_start3A_342 : memref<16x128xbf16, #tpu.memory_space<vmem_shared>>) target_semaphore(%arg44 : memref<!tpu.dma_semaphore, #tpu.memory_space<semaphore_mem>>)
    %mul3A_343 = arith.constant 640 : i32
    %mul3A_344 = arith.muli %arg1, %mul3A_343 : i32
    %add3A_345 = arith.constant 608 : i32
    %add3A_346 = arith.addi %mul3A_344, %add3A_345 : i32
    %dma_start3A_347 = arith.constant 0 : i32
    %dma_start3A_348 = tpu.memref_slice %arg30[%add3A_346, %dma_start3A_347] : memref<10240x128xbf16, #tpu.memory_space<vmem_shared>> -> memref<16x128xbf16, #tpu.memory_space<vmem_shared>>
    %dma_start3A_349 = arith.constant 0 : i32
    %dma_start3A_350 = tpu.memref_slice %arg30[%add3A_346, %dma_start3A_349] : memref<10240x128xbf16, #tpu.memory_space<vmem_shared>> -> memref<16x128xbf16, #tpu.memory_space<vmem_shared>>
    tpu.enqueue_dma source(%arg29 : memref<16x128xbf16, #tpu.memory_space<vmem>>) target(%dma_start3A_350 : memref<16x128xbf16, #tpu.memory_space<vmem_shared>>) target_semaphore(%arg44 : memref<!tpu.dma_semaphore, #tpu.memory_space<semaphore_mem>>)
    %mul3A_351 = arith.constant 640 : i32
    %mul3A_352 = arith.muli %arg1, %mul3A_351 : i32
    %add3A_353 = arith.constant 624 : i32
    %add3A_354 = arith.addi %mul3A_352, %add3A_353 : i32
    %dma_start3A_355 = arith.constant 0 : i32
    %dma_start3A_356 = tpu.memref_slice %arg30[%add3A_354, %dma_start3A_355] : memref<10240x128xbf16, #tpu.memory_space<vmem_shared>> -> memref<16x128xbf16, #tpu.memory_space<vmem_shared>>
    %dma_start3A_357 = arith.constant 0 : i32
    %dma_start3A_358 = tpu.memref_slice %arg30[%add3A_354, %dma_start3A_357] : memref<10240x128xbf16, #tpu.memory_space<vmem_shared>> -> memref<16x128xbf16, #tpu.memory_space<vmem_shared>>
    tpu.enqueue_dma source(%arg29 : memref<16x128xbf16, #tpu.memory_space<vmem>>) target(%dma_start3A_358 : memref<16x128xbf16, #tpu.memory_space<vmem_shared>>) target_semaphore(%arg44 : memref<!tpu.dma_semaphore, #tpu.memory_space<semaphore_mem>>)
    %mul3A_359 = arith.constant 640 : i32
    %mul3A_360 = arith.muli %arg1, %mul3A_359 : i32
    %add3A_361 = arith.constant 0 : i32
    %add3A_362 = arith.addi %mul3A_360, %add3A_361 : i32
    %dma_wait3A = arith.constant 0 : i32
    %dma_wait3A_363 = tpu.memref_slice %arg30[%add3A_362, %dma_wait3A] : memref<10240x128xbf16, #tpu.memory_space<vmem_shared>> -> memref<16x128xbf16, #tpu.memory_space<vmem_shared>>
    %dma_wait3A_364 = arith.constant 0 : i32
    %dma_wait3A_365 = tpu.memref_slice %arg30[%add3A_362, %dma_wait3A_364] : memref<10240x128xbf16, #tpu.memory_space<vmem_shared>> -> memref<16x128xbf16, #tpu.memory_space<vmem_shared>>
    tpu.wait_dma2 semaphore(%arg44 : memref<!tpu.dma_semaphore, #tpu.memory_space<semaphore_mem>>) src(%arg29 : memref<16x128xbf16, #tpu.memory_space<vmem>>) dst(%dma_wait3A_365 : memref<16x128xbf16, #tpu.memory_space<vmem_shared>>)
    %mul3A_366 = arith.constant 640 : i32
    %mul3A_367 = arith.muli %arg1, %mul3A_366 : i32
    %add3A_368 = arith.constant 16 : i32
    %add3A_369 = arith.addi %mul3A_367, %add3A_368 : i32
    %dma_wait3A_370 = arith.constant 0 : i32
    %dma_wait3A_371 = tpu.memref_slice %arg30[%add3A_369, %dma_wait3A_370] : memref<10240x128xbf16, #tpu.memory_space<vmem_shared>> -> memref<16x128xbf16, #tpu.memory_space<vmem_shared>>
    %dma_wait3A_372 = arith.constant 0 : i32
    %dma_wait3A_373 = tpu.memref_slice %arg30[%add3A_369, %dma_wait3A_372] : memref<10240x128xbf16, #tpu.memory_space<vmem_shared>> -> memref<16x128xbf16, #tpu.memory_space<vmem_shared>>
    tpu.wait_dma2 semaphore(%arg44 : memref<!tpu.dma_semaphore, #tpu.memory_space<semaphore_mem>>) src(%arg29 : memref<16x128xbf16, #tpu.memory_space<vmem>>) dst(%dma_wait3A_373 : memref<16x128xbf16, #tpu.memory_space<vmem_shared>>)
    %mul3A_374 = arith.constant 640 : i32
    %mul3A_375 = arith.muli %arg1, %mul3A_374 : i32
    %add3A_376 = arith.constant 32 : i32
    %add3A_377 = arith.addi %mul3A_375, %add3A_376 : i32
    %dma_wait3A_378 = arith.constant 0 : i32
    %dma_wait3A_379 = tpu.memref_slice %arg30[%add3A_377, %dma_wait3A_378] : memref<10240x128xbf16, #tpu.memory_space<vmem_shared>> -> memref<16x128xbf16, #tpu.memory_space<vmem_shared>>
    %dma_wait3A_380 = arith.constant 0 : i32
    %dma_wait3A_381 = tpu.memref_slice %arg30[%add3A_377, %dma_wait3A_380] : memref<10240x128xbf16, #tpu.memory_space<vmem_shared>> -> memref<16x128xbf16, #tpu.memory_space<vmem_shared>>
    tpu.wait_dma2 semaphore(%arg44 : memref<!tpu.dma_semaphore, #tpu.memory_space<semaphore_mem>>) src(%arg29 : memref<16x128xbf16, #tpu.memory_space<vmem>>) dst(%dma_wait3A_381 : memref<16x128xbf16, #tpu.memory_space<vmem_shared>>)
    %mul3A_382 = arith.constant 640 : i32
    %mul3A_383 = arith.muli %arg1, %mul3A_382 : i32
    %add3A_384 = arith.constant 48 : i32
    %add3A_385 = arith.addi %mul3A_383, %add3A_384 : i32
    %dma_wait3A_386 = arith.constant 0 : i32
    %dma_wait3A_387 = tpu.memref_slice %arg30[%add3A_385, %dma_wait3A_386] : memref<10240x128xbf16, #tpu.memory_space<vmem_shared>> -> memref<16x128xbf16, #tpu.memory_space<vmem_shared>>
    %dma_wait3A_388 = arith.constant 0 : i32
    %dma_wait3A_389 = tpu.memref_slice %arg30[%add3A_385, %dma_wait3A_388] : memref<10240x128xbf16, #tpu.memory_space<vmem_shared>> -> memref<16x128xbf16, #tpu.memory_space<vmem_shared>>
    tpu.wait_dma2 semaphore(%arg44 : memref<!tpu.dma_semaphore, #tpu.memory_space<semaphore_mem>>) src(%arg29 : memref<16x128xbf16, #tpu.memory_space<vmem>>) dst(%dma_wait3A_389 : memref<16x128xbf16, #tpu.memory_space<vmem_shared>>)
    %mul3A_390 = arith.constant 640 : i32
    %mul3A_391 = arith.muli %arg1, %mul3A_390 : i32
    %add3A_392 = arith.constant 64 : i32
    %add3A_393 = arith.addi %mul3A_391, %add3A_392 : i32
    %dma_wait3A_394 = arith.constant 0 : i32
    %dma_wait3A_395 = tpu.memref_slice %arg30[%add3A_393, %dma_wait3A_394] : memref<10240x128xbf16, #tpu.memory_space<vmem_shared>> -> memref<16x128xbf16, #tpu.memory_space<vmem_shared>>
    %dma_wait3A_396 = arith.constant 0 : i32
    %dma_wait3A_397 = tpu.memref_slice %arg30[%add3A_393, %dma_wait3A_396] : memref<10240x128xbf16, #tpu.memory_space<vmem_shared>> -> memref<16x128xbf16, #tpu.memory_space<vmem_shared>>
    tpu.wait_dma2 semaphore(%arg44 : memref<!tpu.dma_semaphore, #tpu.memory_space<semaphore_mem>>) src(%arg29 : memref<16x128xbf16, #tpu.memory_space<vmem>>) dst(%dma_wait3A_397 : memref<16x128xbf16, #tpu.memory_space<vmem_shared>>)
    %mul3A_398 = arith.constant 640 : i32
    %mul3A_399 = arith.muli %arg1, %mul3A_398 : i32
    %add3A_400 = arith.constant 80 : i32
    %add3A_401 = arith.addi %mul3A_399, %add3A_400 : i32
    %dma_wait3A_402 = arith.constant 0 : i32
    %dma_wait3A_403 = tpu.memref_slice %arg30[%add3A_401, %dma_wait3A_402] : memref<10240x128xbf16, #tpu.memory_space<vmem_shared>> -> memref<16x128xbf16, #tpu.memory_space<vmem_shared>>
    %dma_wait3A_404 = arith.constant 0 : i32
    %dma_wait3A_405 = tpu.memref_slice %arg30[%add3A_401, %dma_wait3A_404] : memref<10240x128xbf16, #tpu.memory_space<vmem_shared>> -> memref<16x128xbf16, #tpu.memory_space<vmem_shared>>
    tpu.wait_dma2 semaphore(%arg44 : memref<!tpu.dma_semaphore, #tpu.memory_space<semaphore_mem>>) src(%arg29 : memref<16x128xbf16, #tpu.memory_space<vmem>>) dst(%dma_wait3A_405 : memref<16x128xbf16, #tpu.memory_space<vmem_shared>>)
    %mul3A_406 = arith.constant 640 : i32
    %mul3A_407 = arith.muli %arg1, %mul3A_406 : i32
    %add3A_408 = arith.constant 96 : i32
    %add3A_409 = arith.addi %mul3A_407, %add3A_408 : i32
    %dma_wait3A_410 = arith.constant 0 : i32
    %dma_wait3A_411 = tpu.memref_slice %arg30[%add3A_409, %dma_wait3A_410] : memref<10240x128xbf16, #tpu.memory_space<vmem_shared>> -> memref<16x128xbf16, #tpu.memory_space<vmem_shared>>
    %dma_wait3A_412 = arith.constant 0 : i32
    %dma_wait3A_413 = tpu.memref_slice %arg30[%add3A_409, %dma_wait3A_412] : memref<10240x128xbf16, #tpu.memory_space<vmem_shared>> -> memref<16x128xbf16, #tpu.memory_space<vmem_shared>>
    tpu.wait_dma2 semaphore(%arg44 : memref<!tpu.dma_semaphore, #tpu.memory_space<semaphore_mem>>) src(%arg29 : memref<16x128xbf16, #tpu.memory_space<vmem>>) dst(%dma_wait3A_413 : memref<16x128xbf16, #tpu.memory_space<vmem_shared>>)
    %mul3A_414 = arith.constant 640 : i32
    %mul3A_415 = arith.muli %arg1, %mul3A_414 : i32
    %add3A_416 = arith.constant 112 : i32
    %add3A_417 = arith.addi %mul3A_415, %add3A_416 : i32
    %dma_wait3A_418 = arith.constant 0 : i32
    %dma_wait3A_419 = tpu.memref_slice %arg30[%add3A_417, %dma_wait3A_418] : memref<10240x128xbf16, #tpu.memory_space<vmem_shared>> -> memref<16x128xbf16, #tpu.memory_space<vmem_shared>>
    %dma_wait3A_420 = arith.constant 0 : i32
    %dma_wait3A_421 = tpu.memref_slice %arg30[%add3A_417, %dma_wait3A_420] : memref<10240x128xbf16, #tpu.memory_space<vmem_shared>> -> memref<16x128xbf16, #tpu.memory_space<vmem_shared>>
    tpu.wait_dma2 semaphore(%arg44 : memref<!tpu.dma_semaphore, #tpu.memory_space<semaphore_mem>>) src(%arg29 : memref<16x128xbf16, #tpu.memory_space<vmem>>) dst(%dma_wait3A_421 : memref<16x128xbf16, #tpu.memory_space<vmem_shared>>)
    %mul3A_422 = arith.constant 640 : i32
    %mul3A_423 = arith.muli %arg1, %mul3A_422 : i32
    %add3A_424 = arith.constant 128 : i32
    %add3A_425 = arith.addi %mul3A_423, %add3A_424 : i32
    %dma_wait3A_426 = arith.constant 0 : i32
    %dma_wait3A_427 = tpu.memref_slice %arg30[%add3A_425, %dma_wait3A_426] : memref<10240x128xbf16, #tpu.memory_space<vmem_shared>> -> memref<16x128xbf16, #tpu.memory_space<vmem_shared>>
    %dma_wait3A_428 = arith.constant 0 : i32
    %dma_wait3A_429 = tpu.memref_slice %arg30[%add3A_425, %dma_wait3A_428] : memref<10240x128xbf16, #tpu.memory_space<vmem_shared>> -> memref<16x128xbf16, #tpu.memory_space<vmem_shared>>
    tpu.wait_dma2 semaphore(%arg44 : memref<!tpu.dma_semaphore, #tpu.memory_space<semaphore_mem>>) src(%arg29 : memref<16x128xbf16, #tpu.memory_space<vmem>>) dst(%dma_wait3A_429 : memref<16x128xbf16, #tpu.memory_space<vmem_shared>>)
    %mul3A_430 = arith.constant 640 : i32
    %mul3A_431 = arith.muli %arg1, %mul3A_430 : i32
    %add3A_432 = arith.constant 144 : i32
    %add3A_433 = arith.addi %mul3A_431, %add3A_432 : i32
    %dma_wait3A_434 = arith.constant 0 : i32
    %dma_wait3A_435 = tpu.memref_slice %arg30[%add3A_433, %dma_wait3A_434] : memref<10240x128xbf16, #tpu.memory_space<vmem_shared>> -> memref<16x128xbf16, #tpu.memory_space<vmem_shared>>
    %dma_wait3A_436 = arith.constant 0 : i32
    %dma_wait3A_437 = tpu.memref_slice %arg30[%add3A_433, %dma_wait3A_436] : memref<10240x128xbf16, #tpu.memory_space<vmem_shared>> -> memref<16x128xbf16, #tpu.memory_space<vmem_shared>>
    tpu.wait_dma2 semaphore(%arg44 : memref<!tpu.dma_semaphore, #tpu.memory_space<semaphore_mem>>) src(%arg29 : memref<16x128xbf16, #tpu.memory_space<vmem>>) dst(%dma_wait3A_437 : memref<16x128xbf16, #tpu.memory_space<vmem_shared>>)
    %mul3A_438 = arith.constant 640 : i32
    %mul3A_439 = arith.muli %arg1, %mul3A_438 : i32
    %add3A_440 = arith.constant 160 : i32
    %add3A_441 = arith.addi %mul3A_439, %add3A_440 : i32
    %dma_wait3A_442 = arith.constant 0 : i32
    %dma_wait3A_443 = tpu.memref_slice %arg30[%add3A_441, %dma_wait3A_442] : memref<10240x128xbf16, #tpu.memory_space<vmem_shared>> -> memref<16x128xbf16, #tpu.memory_space<vmem_shared>>
    %dma_wait3A_444 = arith.constant 0 : i32
    %dma_wait3A_445 = tpu.memref_slice %arg30[%add3A_441, %dma_wait3A_444] : memref<10240x128xbf16, #tpu.memory_space<vmem_shared>> -> memref<16x128xbf16, #tpu.memory_space<vmem_shared>>
    tpu.wait_dma2 semaphore(%arg44 : memref<!tpu.dma_semaphore, #tpu.memory_space<semaphore_mem>>) src(%arg29 : memref<16x128xbf16, #tpu.memory_space<vmem>>) dst(%dma_wait3A_445 : memref<16x128xbf16, #tpu.memory_space<vmem_shared>>)
    %mul3A_446 = arith.constant 640 : i32
    %mul3A_447 = arith.muli %arg1, %mul3A_446 : i32
    %add3A_448 = arith.constant 176 : i32
    %add3A_449 = arith.addi %mul3A_447, %add3A_448 : i32
    %dma_wait3A_450 = arith.constant 0 : i32
    %dma_wait3A_451 = tpu.memref_slice %arg30[%add3A_449, %dma_wait3A_450] : memref<10240x128xbf16, #tpu.memory_space<vmem_shared>> -> memref<16x128xbf16, #tpu.memory_space<vmem_shared>>
    %dma_wait3A_452 = arith.constant 0 : i32
    %dma_wait3A_453 = tpu.memref_slice %arg30[%add3A_449, %dma_wait3A_452] : memref<10240x128xbf16, #tpu.memory_space<vmem_shared>> -> memref<16x128xbf16, #tpu.memory_space<vmem_shared>>
    tpu.wait_dma2 semaphore(%arg44 : memref<!tpu.dma_semaphore, #tpu.memory_space<semaphore_mem>>) src(%arg29 : memref<16x128xbf16, #tpu.memory_space<vmem>>) dst(%dma_wait3A_453 : memref<16x128xbf16, #tpu.memory_space<vmem_shared>>)
    %mul3A_454 = arith.constant 640 : i32
    %mul3A_455 = arith.muli %arg1, %mul3A_454 : i32
    %add3A_456 = arith.constant 192 : i32
    %add3A_457 = arith.addi %mul3A_455, %add3A_456 : i32
    %dma_wait3A_458 = arith.constant 0 : i32
    %dma_wait3A_459 = tpu.memref_slice %arg30[%add3A_457, %dma_wait3A_458] : memref<10240x128xbf16, #tpu.memory_space<vmem_shared>> -> memref<16x128xbf16, #tpu.memory_space<vmem_shared>>
    %dma_wait3A_460 = arith.constant 0 : i32
    %dma_wait3A_461 = tpu.memref_slice %arg30[%add3A_457, %dma_wait3A_460] : memref<10240x128xbf16, #tpu.memory_space<vmem_shared>> -> memref<16x128xbf16, #tpu.memory_space<vmem_shared>>
    tpu.wait_dma2 semaphore(%arg44 : memref<!tpu.dma_semaphore, #tpu.memory_space<semaphore_mem>>) src(%arg29 : memref<16x128xbf16, #tpu.memory_space<vmem>>) dst(%dma_wait3A_461 : memref<16x128xbf16, #tpu.memory_space<vmem_shared>>)
    %mul3A_462 = arith.constant 640 : i32
    %mul3A_463 = arith.muli %arg1, %mul3A_462 : i32
    %add3A_464 = arith.constant 208 : i32
    %add3A_465 = arith.addi %mul3A_463, %add3A_464 : i32
    %dma_wait3A_466 = arith.constant 0 : i32
    %dma_wait3A_467 = tpu.memref_slice %arg30[%add3A_465, %dma_wait3A_466] : memref<10240x128xbf16, #tpu.memory_space<vmem_shared>> -> memref<16x128xbf16, #tpu.memory_space<vmem_shared>>
    %dma_wait3A_468 = arith.constant 0 : i32
    %dma_wait3A_469 = tpu.memref_slice %arg30[%add3A_465, %dma_wait3A_468] : memref<10240x128xbf16, #tpu.memory_space<vmem_shared>> -> memref<16x128xbf16, #tpu.memory_space<vmem_shared>>
    tpu.wait_dma2 semaphore(%arg44 : memref<!tpu.dma_semaphore, #tpu.memory_space<semaphore_mem>>) src(%arg29 : memref<16x128xbf16, #tpu.memory_space<vmem>>) dst(%dma_wait3A_469 : memref<16x128xbf16, #tpu.memory_space<vmem_shared>>)
    %mul3A_470 = arith.constant 640 : i32
    %mul3A_471 = arith.muli %arg1, %mul3A_470 : i32
    %add3A_472 = arith.constant 224 : i32
    %add3A_473 = arith.addi %mul3A_471, %add3A_472 : i32
    %dma_wait3A_474 = arith.constant 0 : i32
    %dma_wait3A_475 = tpu.memref_slice %arg30[%add3A_473, %dma_wait3A_474] : memref<10240x128xbf16, #tpu.memory_space<vmem_shared>> -> memref<16x128xbf16, #tpu.memory_space<vmem_shared>>
    %dma_wait3A_476 = arith.constant 0 : i32
    %dma_wait3A_477 = tpu.memref_slice %arg30[%add3A_473, %dma_wait3A_476] : memref<10240x128xbf16, #tpu.memory_space<vmem_shared>> -> memref<16x128xbf16, #tpu.memory_space<vmem_shared>>
    tpu.wait_dma2 semaphore(%arg44 : memref<!tpu.dma_semaphore, #tpu.memory_space<semaphore_mem>>) src(%arg29 : memref<16x128xbf16, #tpu.memory_space<vmem>>) dst(%dma_wait3A_477 : memref<16x128xbf16, #tpu.memory_space<vmem_shared>>)
    %mul3A_478 = arith.constant 640 : i32
    %mul3A_479 = arith.muli %arg1, %mul3A_478 : i32
    %add3A_480 = arith.constant 240 : i32
    %add3A_481 = arith.addi %mul3A_479, %add3A_480 : i32
    %dma_wait3A_482 = arith.constant 0 : i32
    %dma_wait3A_483 = tpu.memref_slice %arg30[%add3A_481, %dma_wait3A_482] : memref<10240x128xbf16, #tpu.memory_space<vmem_shared>> -> memref<16x128xbf16, #tpu.memory_space<vmem_shared>>
    %dma_wait3A_484 = arith.constant 0 : i32
    %dma_wait3A_485 = tpu.memref_slice %arg30[%add3A_481, %dma_wait3A_484] : memref<10240x128xbf16, #tpu.memory_space<vmem_shared>> -> memref<16x128xbf16, #tpu.memory_space<vmem_shared>>
    tpu.wait_dma2 semaphore(%arg44 : memref<!tpu.dma_semaphore, #tpu.memory_space<semaphore_mem>>) src(%arg29 : memref<16x128xbf16, #tpu.memory_space<vmem>>) dst(%dma_wait3A_485 : memref<16x128xbf16, #tpu.memory_space<vmem_shared>>)
    %mul3A_486 = arith.constant 640 : i32
    %mul3A_487 = arith.muli %arg1, %mul3A_486 : i32
    %add3A_488 = arith.constant 256 : i32
    %add3A_489 = arith.addi %mul3A_487, %add3A_488 : i32
    %dma_wait3A_490 = arith.constant 0 : i32
    %dma_wait3A_491 = tpu.memref_slice %arg30[%add3A_489, %dma_wait3A_490] : memref<10240x128xbf16, #tpu.memory_space<vmem_shared>> -> memref<16x128xbf16, #tpu.memory_space<vmem_shared>>
    %dma_wait3A_492 = arith.constant 0 : i32
    %dma_wait3A_493 = tpu.memref_slice %arg30[%add3A_489, %dma_wait3A_492] : memref<10240x128xbf16, #tpu.memory_space<vmem_shared>> -> memref<16x128xbf16, #tpu.memory_space<vmem_shared>>
    tpu.wait_dma2 semaphore(%arg44 : memref<!tpu.dma_semaphore, #tpu.memory_space<semaphore_mem>>) src(%arg29 : memref<16x128xbf16, #tpu.memory_space<vmem>>) dst(%dma_wait3A_493 : memref<16x128xbf16, #tpu.memory_space<vmem_shared>>)
    %mul3A_494 = arith.constant 640 : i32
    %mul3A_495 = arith.muli %arg1, %mul3A_494 : i32
    %add3A_496 = arith.constant 272 : i32
    %add3A_497 = arith.addi %mul3A_495, %add3A_496 : i32
    %dma_wait3A_498 = arith.constant 0 : i32
    %dma_wait3A_499 = tpu.memref_slice %arg30[%add3A_497, %dma_wait3A_498] : memref<10240x128xbf16, #tpu.memory_space<vmem_shared>> -> memref<16x128xbf16, #tpu.memory_space<vmem_shared>>
    %dma_wait3A_500 = arith.constant 0 : i32
    %dma_wait3A_501 = tpu.memref_slice %arg30[%add3A_497, %dma_wait3A_500] : memref<10240x128xbf16, #tpu.memory_space<vmem_shared>> -> memref<16x128xbf16, #tpu.memory_space<vmem_shared>>
    tpu.wait_dma2 semaphore(%arg44 : memref<!tpu.dma_semaphore, #tpu.memory_space<semaphore_mem>>) src(%arg29 : memref<16x128xbf16, #tpu.memory_space<vmem>>) dst(%dma_wait3A_501 : memref<16x128xbf16, #tpu.memory_space<vmem_shared>>)
    %mul3A_502 = arith.constant 640 : i32
    %mul3A_503 = arith.muli %arg1, %mul3A_502 : i32
    %add3A_504 = arith.constant 288 : i32
    %add3A_505 = arith.addi %mul3A_503, %add3A_504 : i32
    %dma_wait3A_506 = arith.constant 0 : i32
    %dma_wait3A_507 = tpu.memref_slice %arg30[%add3A_505, %dma_wait3A_506] : memref<10240x128xbf16, #tpu.memory_space<vmem_shared>> -> memref<16x128xbf16, #tpu.memory_space<vmem_shared>>
    %dma_wait3A_508 = arith.constant 0 : i32
    %dma_wait3A_509 = tpu.memref_slice %arg30[%add3A_505, %dma_wait3A_508] : memref<10240x128xbf16, #tpu.memory_space<vmem_shared>> -> memref<16x128xbf16, #tpu.memory_space<vmem_shared>>
    tpu.wait_dma2 semaphore(%arg44 : memref<!tpu.dma_semaphore, #tpu.memory_space<semaphore_mem>>) src(%arg29 : memref<16x128xbf16, #tpu.memory_space<vmem>>) dst(%dma_wait3A_509 : memref<16x128xbf16, #tpu.memory_space<vmem_shared>>)
    %mul3A_510 = arith.constant 640 : i32
    %mul3A_511 = arith.muli %arg1, %mul3A_510 : i32
    %add3A_512 = arith.constant 304 : i32
    %add3A_513 = arith.addi %mul3A_511, %add3A_512 : i32
    %dma_wait3A_514 = arith.constant 0 : i32
    %dma_wait3A_515 = tpu.memref_slice %arg30[%add3A_513, %dma_wait3A_514] : memref<10240x128xbf16, #tpu.memory_space<vmem_shared>> -> memref<16x128xbf16, #tpu.memory_space<vmem_shared>>
    %dma_wait3A_516 = arith.constant 0 : i32
    %dma_wait3A_517 = tpu.memref_slice %arg30[%add3A_513, %dma_wait3A_516] : memref<10240x128xbf16, #tpu.memory_space<vmem_shared>> -> memref<16x128xbf16, #tpu.memory_space<vmem_shared>>
    tpu.wait_dma2 semaphore(%arg44 : memref<!tpu.dma_semaphore, #tpu.memory_space<semaphore_mem>>) src(%arg29 : memref<16x128xbf16, #tpu.memory_space<vmem>>) dst(%dma_wait3A_517 : memref<16x128xbf16, #tpu.memory_space<vmem_shared>>)
    %mul3A_518 = arith.constant 640 : i32
    %mul3A_519 = arith.muli %arg1, %mul3A_518 : i32
    %add3A_520 = arith.constant 320 : i32
    %add3A_521 = arith.addi %mul3A_519, %add3A_520 : i32
    %dma_wait3A_522 = arith.constant 0 : i32
    %dma_wait3A_523 = tpu.memref_slice %arg30[%add3A_521, %dma_wait3A_522] : memref<10240x128xbf16, #tpu.memory_space<vmem_shared>> -> memref<16x128xbf16, #tpu.memory_space<vmem_shared>>
    %dma_wait3A_524 = arith.constant 0 : i32
    %dma_wait3A_525 = tpu.memref_slice %arg30[%add3A_521, %dma_wait3A_524] : memref<10240x128xbf16, #tpu.memory_space<vmem_shared>> -> memref<16x128xbf16, #tpu.memory_space<vmem_shared>>
    tpu.wait_dma2 semaphore(%arg44 : memref<!tpu.dma_semaphore, #tpu.memory_space<semaphore_mem>>) src(%arg29 : memref<16x128xbf16, #tpu.memory_space<vmem>>) dst(%dma_wait3A_525 : memref<16x128xbf16, #tpu.memory_space<vmem_shared>>)
    %mul3A_526 = arith.constant 640 : i32
    %mul3A_527 = arith.muli %arg1, %mul3A_526 : i32
    %add3A_528 = arith.constant 336 : i32
    %add3A_529 = arith.addi %mul3A_527, %add3A_528 : i32
    %dma_wait3A_530 = arith.constant 0 : i32
    %dma_wait3A_531 = tpu.memref_slice %arg30[%add3A_529, %dma_wait3A_530] : memref<10240x128xbf16, #tpu.memory_space<vmem_shared>> -> memref<16x128xbf16, #tpu.memory_space<vmem_shared>>
    %dma_wait3A_532 = arith.constant 0 : i32
    %dma_wait3A_533 = tpu.memref_slice %arg30[%add3A_529, %dma_wait3A_532] : memref<10240x128xbf16, #tpu.memory_space<vmem_shared>> -> memref<16x128xbf16, #tpu.memory_space<vmem_shared>>
    tpu.wait_dma2 semaphore(%arg44 : memref<!tpu.dma_semaphore, #tpu.memory_space<semaphore_mem>>) src(%arg29 : memref<16x128xbf16, #tpu.memory_space<vmem>>) dst(%dma_wait3A_533 : memref<16x128xbf16, #tpu.memory_space<vmem_shared>>)
    %mul3A_534 = arith.constant 640 : i32
    %mul3A_535 = arith.muli %arg1, %mul3A_534 : i32
    %add3A_536 = arith.constant 352 : i32
    %add3A_537 = arith.addi %mul3A_535, %add3A_536 : i32
    %dma_wait3A_538 = arith.constant 0 : i32
    %dma_wait3A_539 = tpu.memref_slice %arg30[%add3A_537, %dma_wait3A_538] : memref<10240x128xbf16, #tpu.memory_space<vmem_shared>> -> memref<16x128xbf16, #tpu.memory_space<vmem_shared>>
    %dma_wait3A_540 = arith.constant 0 : i32
    %dma_wait3A_541 = tpu.memref_slice %arg30[%add3A_537, %dma_wait3A_540] : memref<10240x128xbf16, #tpu.memory_space<vmem_shared>> -> memref<16x128xbf16, #tpu.memory_space<vmem_shared>>
    tpu.wait_dma2 semaphore(%arg44 : memref<!tpu.dma_semaphore, #tpu.memory_space<semaphore_mem>>) src(%arg29 : memref<16x128xbf16, #tpu.memory_space<vmem>>) dst(%dma_wait3A_541 : memref<16x128xbf16, #tpu.memory_space<vmem_shared>>)
    %mul3A_542 = arith.constant 640 : i32
    %mul3A_543 = arith.muli %arg1, %mul3A_542 : i32
    %add3A_544 = arith.constant 368 : i32
    %add3A_545 = arith.addi %mul3A_543, %add3A_544 : i32
    %dma_wait3A_546 = arith.constant 0 : i32
    %dma_wait3A_547 = tpu.memref_slice %arg30[%add3A_545, %dma_wait3A_546] : memref<10240x128xbf16, #tpu.memory_space<vmem_shared>> -> memref<16x128xbf16, #tpu.memory_space<vmem_shared>>
    %dma_wait3A_548 = arith.constant 0 : i32
    %dma_wait3A_549 = tpu.memref_slice %arg30[%add3A_545, %dma_wait3A_548] : memref<10240x128xbf16, #tpu.memory_space<vmem_shared>> -> memref<16x128xbf16, #tpu.memory_space<vmem_shared>>
    tpu.wait_dma2 semaphore(%arg44 : memref<!tpu.dma_semaphore, #tpu.memory_space<semaphore_mem>>) src(%arg29 : memref<16x128xbf16, #tpu.memory_space<vmem>>) dst(%dma_wait3A_549 : memref<16x128xbf16, #tpu.memory_space<vmem_shared>>)
    %mul3A_550 = arith.constant 640 : i32
    %mul3A_551 = arith.muli %arg1, %mul3A_550 : i32
    %add3A_552 = arith.constant 384 : i32
    %add3A_553 = arith.addi %mul3A_551, %add3A_552 : i32
    %dma_wait3A_554 = arith.constant 0 : i32
    %dma_wait3A_555 = tpu.memref_slice %arg30[%add3A_553, %dma_wait3A_554] : memref<10240x128xbf16, #tpu.memory_space<vmem_shared>> -> memref<16x128xbf16, #tpu.memory_space<vmem_shared>>
    %dma_wait3A_556 = arith.constant 0 : i32
    %dma_wait3A_557 = tpu.memref_slice %arg30[%add3A_553, %dma_wait3A_556] : memref<10240x128xbf16, #tpu.memory_space<vmem_shared>> -> memref<16x128xbf16, #tpu.memory_space<vmem_shared>>
    tpu.wait_dma2 semaphore(%arg44 : memref<!tpu.dma_semaphore, #tpu.memory_space<semaphore_mem>>) src(%arg29 : memref<16x128xbf16, #tpu.memory_space<vmem>>) dst(%dma_wait3A_557 : memref<16x128xbf16, #tpu.memory_space<vmem_shared>>)
    %mul3A_558 = arith.constant 640 : i32
    %mul3A_559 = arith.muli %arg1, %mul3A_558 : i32
    %add3A_560 = arith.constant 400 : i32
    %add3A_561 = arith.addi %mul3A_559, %add3A_560 : i32
    %dma_wait3A_562 = arith.constant 0 : i32
    %dma_wait3A_563 = tpu.memref_slice %arg30[%add3A_561, %dma_wait3A_562] : memref<10240x128xbf16, #tpu.memory_space<vmem_shared>> -> memref<16x128xbf16, #tpu.memory_space<vmem_shared>>
    %dma_wait3A_564 = arith.constant 0 : i32
    %dma_wait3A_565 = tpu.memref_slice %arg30[%add3A_561, %dma_wait3A_564] : memref<10240x128xbf16, #tpu.memory_space<vmem_shared>> -> memref<16x128xbf16, #tpu.memory_space<vmem_shared>>
    tpu.wait_dma2 semaphore(%arg44 : memref<!tpu.dma_semaphore, #tpu.memory_space<semaphore_mem>>) src(%arg29 : memref<16x128xbf16, #tpu.memory_space<vmem>>) dst(%dma_wait3A_565 : memref<16x128xbf16, #tpu.memory_space<vmem_shared>>)
    %mul3A_566 = arith.constant 640 : i32
    %mul3A_567 = arith.muli %arg1, %mul3A_566 : i32
    %add3A_568 = arith.constant 416 : i32
    %add3A_569 = arith.addi %mul3A_567, %add3A_568 : i32
    %dma_wait3A_570 = arith.constant 0 : i32
    %dma_wait3A_571 = tpu.memref_slice %arg30[%add3A_569, %dma_wait3A_570] : memref<10240x128xbf16, #tpu.memory_space<vmem_shared>> -> memref<16x128xbf16, #tpu.memory_space<vmem_shared>>
    %dma_wait3A_572 = arith.constant 0 : i32
    %dma_wait3A_573 = tpu.memref_slice %arg30[%add3A_569, %dma_wait3A_572] : memref<10240x128xbf16, #tpu.memory_space<vmem_shared>> -> memref<16x128xbf16, #tpu.memory_space<vmem_shared>>
    tpu.wait_dma2 semaphore(%arg44 : memref<!tpu.dma_semaphore, #tpu.memory_space<semaphore_mem>>) src(%arg29 : memref<16x128xbf16, #tpu.memory_space<vmem>>) dst(%dma_wait3A_573 : memref<16x128xbf16, #tpu.memory_space<vmem_shared>>)
    %mul3A_574 = arith.constant 640 : i32
    %mul3A_575 = arith.muli %arg1, %mul3A_574 : i32
    %add3A_576 = arith.constant 432 : i32
    %add3A_577 = arith.addi %mul3A_575, %add3A_576 : i32
    %dma_wait3A_578 = arith.constant 0 : i32
    %dma_wait3A_579 = tpu.memref_slice %arg30[%add3A_577, %dma_wait3A_578] : memref<10240x128xbf16, #tpu.memory_space<vmem_shared>> -> memref<16x128xbf16, #tpu.memory_space<vmem_shared>>
    %dma_wait3A_580 = arith.constant 0 : i32
    %dma_wait3A_581 = tpu.memref_slice %arg30[%add3A_577, %dma_wait3A_580] : memref<10240x128xbf16, #tpu.memory_space<vmem_shared>> -> memref<16x128xbf16, #tpu.memory_space<vmem_shared>>
    tpu.wait_dma2 semaphore(%arg44 : memref<!tpu.dma_semaphore, #tpu.memory_space<semaphore_mem>>) src(%arg29 : memref<16x128xbf16, #tpu.memory_space<vmem>>) dst(%dma_wait3A_581 : memref<16x128xbf16, #tpu.memory_space<vmem_shared>>)
    %mul3A_582 = arith.constant 640 : i32
    %mul3A_583 = arith.muli %arg1, %mul3A_582 : i32
    %add3A_584 = arith.constant 448 : i32
    %add3A_585 = arith.addi %mul3A_583, %add3A_584 : i32
    %dma_wait3A_586 = arith.constant 0 : i32
    %dma_wait3A_587 = tpu.memref_slice %arg30[%add3A_585, %dma_wait3A_586] : memref<10240x128xbf16, #tpu.memory_space<vmem_shared>> -> memref<16x128xbf16, #tpu.memory_space<vmem_shared>>
    %dma_wait3A_588 = arith.constant 0 : i32
    %dma_wait3A_589 = tpu.memref_slice %arg30[%add3A_585, %dma_wait3A_588] : memref<10240x128xbf16, #tpu.memory_space<vmem_shared>> -> memref<16x128xbf16, #tpu.memory_space<vmem_shared>>
    tpu.wait_dma2 semaphore(%arg44 : memref<!tpu.dma_semaphore, #tpu.memory_space<semaphore_mem>>) src(%arg29 : memref<16x128xbf16, #tpu.memory_space<vmem>>) dst(%dma_wait3A_589 : memref<16x128xbf16, #tpu.memory_space<vmem_shared>>)
    %mul3A_590 = arith.constant 640 : i32
    %mul3A_591 = arith.muli %arg1, %mul3A_590 : i32
    %add3A_592 = arith.constant 464 : i32
    %add3A_593 = arith.addi %mul3A_591, %add3A_592 : i32
    %dma_wait3A_594 = arith.constant 0 : i32
    %dma_wait3A_595 = tpu.memref_slice %arg30[%add3A_593, %dma_wait3A_594] : memref<10240x128xbf16, #tpu.memory_space<vmem_shared>> -> memref<16x128xbf16, #tpu.memory_space<vmem_shared>>
    %dma_wait3A_596 = arith.constant 0 : i32
    %dma_wait3A_597 = tpu.memref_slice %arg30[%add3A_593, %dma_wait3A_596] : memref<10240x128xbf16, #tpu.memory_space<vmem_shared>> -> memref<16x128xbf16, #tpu.memory_space<vmem_shared>>
    tpu.wait_dma2 semaphore(%arg44 : memref<!tpu.dma_semaphore, #tpu.memory_space<semaphore_mem>>) src(%arg29 : memref<16x128xbf16, #tpu.memory_space<vmem>>) dst(%dma_wait3A_597 : memref<16x128xbf16, #tpu.memory_space<vmem_shared>>)
    %mul3A_598 = arith.constant 640 : i32
    %mul3A_599 = arith.muli %arg1, %mul3A_598 : i32
    %add3A_600 = arith.constant 480 : i32
    %add3A_601 = arith.addi %mul3A_599, %add3A_600 : i32
    %dma_wait3A_602 = arith.constant 0 : i32
    %dma_wait3A_603 = tpu.memref_slice %arg30[%add3A_601, %dma_wait3A_602] : memref<10240x128xbf16, #tpu.memory_space<vmem_shared>> -> memref<16x128xbf16, #tpu.memory_space<vmem_shared>>
    %dma_wait3A_604 = arith.constant 0 : i32
    %dma_wait3A_605 = tpu.memref_slice %arg30[%add3A_601, %dma_wait3A_604] : memref<10240x128xbf16, #tpu.memory_space<vmem_shared>> -> memref<16x128xbf16, #tpu.memory_space<vmem_shared>>
    tpu.wait_dma2 semaphore(%arg44 : memref<!tpu.dma_semaphore, #tpu.memory_space<semaphore_mem>>) src(%arg29 : memref<16x128xbf16, #tpu.memory_space<vmem>>) dst(%dma_wait3A_605 : memref<16x128xbf16, #tpu.memory_space<vmem_shared>>)
    %mul3A_606 = arith.constant 640 : i32
    %mul3A_607 = arith.muli %arg1, %mul3A_606 : i32
    %add3A_608 = arith.constant 496 : i32
    %add3A_609 = arith.addi %mul3A_607, %add3A_608 : i32
    %dma_wait3A_610 = arith.constant 0 : i32
    %dma_wait3A_611 = tpu.memref_slice %arg30[%add3A_609, %dma_wait3A_610] : memref<10240x128xbf16, #tpu.memory_space<vmem_shared>> -> memref<16x128xbf16, #tpu.memory_space<vmem_shared>>
    %dma_wait3A_612 = arith.constant 0 : i32
    %dma_wait3A_613 = tpu.memref_slice %arg30[%add3A_609, %dma_wait3A_612] : memref<10240x128xbf16, #tpu.memory_space<vmem_shared>> -> memref<16x128xbf16, #tpu.memory_space<vmem_shared>>
    tpu.wait_dma2 semaphore(%arg44 : memref<!tpu.dma_semaphore, #tpu.memory_space<semaphore_mem>>) src(%arg29 : memref<16x128xbf16, #tpu.memory_space<vmem>>) dst(%dma_wait3A_613 : memref<16x128xbf16, #tpu.memory_space<vmem_shared>>)
    %mul3A_614 = arith.constant 640 : i32
    %mul3A_615 = arith.muli %arg1, %mul3A_614 : i32
    %add3A_616 = arith.constant 512 : i32
    %add3A_617 = arith.addi %mul3A_615, %add3A_616 : i32
    %dma_wait3A_618 = arith.constant 0 : i32
    %dma_wait3A_619 = tpu.memref_slice %arg30[%add3A_617, %dma_wait3A_618] : memref<10240x128xbf16, #tpu.memory_space<vmem_shared>> -> memref<16x128xbf16, #tpu.memory_space<vmem_shared>>
    %dma_wait3A_620 = arith.constant 0 : i32
    %dma_wait3A_621 = tpu.memref_slice %arg30[%add3A_617, %dma_wait3A_620] : memref<10240x128xbf16, #tpu.memory_space<vmem_shared>> -> memref<16x128xbf16, #tpu.memory_space<vmem_shared>>
    tpu.wait_dma2 semaphore(%arg44 : memref<!tpu.dma_semaphore, #tpu.memory_space<semaphore_mem>>) src(%arg29 : memref<16x128xbf16, #tpu.memory_space<vmem>>) dst(%dma_wait3A_621 : memref<16x128xbf16, #tpu.memory_space<vmem_shared>>)
    %mul3A_622 = arith.constant 640 : i32
    %mul3A_623 = arith.muli %arg1, %mul3A_622 : i32
    %add3A_624 = arith.constant 528 : i32
    %add3A_625 = arith.addi %mul3A_623, %add3A_624 : i32
    %dma_wait3A_626 = arith.constant 0 : i32
    %dma_wait3A_627 = tpu.memref_slice %arg30[%add3A_625, %dma_wait3A_626] : memref<10240x128xbf16, #tpu.memory_space<vmem_shared>> -> memref<16x128xbf16, #tpu.memory_space<vmem_shared>>
    %dma_wait3A_628 = arith.constant 0 : i32
    %dma_wait3A_629 = tpu.memref_slice %arg30[%add3A_625, %dma_wait3A_628] : memref<10240x128xbf16, #tpu.memory_space<vmem_shared>> -> memref<16x128xbf16, #tpu.memory_space<vmem_shared>>
    tpu.wait_dma2 semaphore(%arg44 : memref<!tpu.dma_semaphore, #tpu.memory_space<semaphore_mem>>) src(%arg29 : memref<16x128xbf16, #tpu.memory_space<vmem>>) dst(%dma_wait3A_629 : memref<16x128xbf16, #tpu.memory_space<vmem_shared>>)
    %mul3A_630 = arith.constant 640 : i32
    %mul3A_631 = arith.muli %arg1, %mul3A_630 : i32
    %add3A_632 = arith.constant 544 : i32
    %add3A_633 = arith.addi %mul3A_631, %add3A_632 : i32
    %dma_wait3A_634 = arith.constant 0 : i32
    %dma_wait3A_635 = tpu.memref_slice %arg30[%add3A_633, %dma_wait3A_634] : memref<10240x128xbf16, #tpu.memory_space<vmem_shared>> -> memref<16x128xbf16, #tpu.memory_space<vmem_shared>>
    %dma_wait3A_636 = arith.constant 0 : i32
    %dma_wait3A_637 = tpu.memref_slice %arg30[%add3A_633, %dma_wait3A_636] : memref<10240x128xbf16, #tpu.memory_space<vmem_shared>> -> memref<16x128xbf16, #tpu.memory_space<vmem_shared>>
    tpu.wait_dma2 semaphore(%arg44 : memref<!tpu.dma_semaphore, #tpu.memory_space<semaphore_mem>>) src(%arg29 : memref<16x128xbf16, #tpu.memory_space<vmem>>) dst(%dma_wait3A_637 : memref<16x128xbf16, #tpu.memory_space<vmem_shared>>)
    %mul3A_638 = arith.constant 640 : i32
    %mul3A_639 = arith.muli %arg1, %mul3A_638 : i32
    %add3A_640 = arith.constant 560 : i32
    %add3A_641 = arith.addi %mul3A_639, %add3A_640 : i32
    %dma_wait3A_642 = arith.constant 0 : i32
    %dma_wait3A_643 = tpu.memref_slice %arg30[%add3A_641, %dma_wait3A_642] : memref<10240x128xbf16, #tpu.memory_space<vmem_shared>> -> memref<16x128xbf16, #tpu.memory_space<vmem_shared>>
    %dma_wait3A_644 = arith.constant 0 : i32
    %dma_wait3A_645 = tpu.memref_slice %arg30[%add3A_641, %dma_wait3A_644] : memref<10240x128xbf16, #tpu.memory_space<vmem_shared>> -> memref<16x128xbf16, #tpu.memory_space<vmem_shared>>
    tpu.wait_dma2 semaphore(%arg44 : memref<!tpu.dma_semaphore, #tpu.memory_space<semaphore_mem>>) src(%arg29 : memref<16x128xbf16, #tpu.memory_space<vmem>>) dst(%dma_wait3A_645 : memref<16x128xbf16, #tpu.memory_space<vmem_shared>>)
    %mul3A_646 = arith.constant 640 : i32
    %mul3A_647 = arith.muli %arg1, %mul3A_646 : i32
    %add3A_648 = arith.constant 576 : i32
    %add3A_649 = arith.addi %mul3A_647, %add3A_648 : i32
    %dma_wait3A_650 = arith.constant 0 : i32
    %dma_wait3A_651 = tpu.memref_slice %arg30[%add3A_649, %dma_wait3A_650] : memref<10240x128xbf16, #tpu.memory_space<vmem_shared>> -> memref<16x128xbf16, #tpu.memory_space<vmem_shared>>
    %dma_wait3A_652 = arith.constant 0 : i32
    %dma_wait3A_653 = tpu.memref_slice %arg30[%add3A_649, %dma_wait3A_652] : memref<10240x128xbf16, #tpu.memory_space<vmem_shared>> -> memref<16x128xbf16, #tpu.memory_space<vmem_shared>>
    tpu.wait_dma2 semaphore(%arg44 : memref<!tpu.dma_semaphore, #tpu.memory_space<semaphore_mem>>) src(%arg29 : memref<16x128xbf16, #tpu.memory_space<vmem>>) dst(%dma_wait3A_653 : memref<16x128xbf16, #tpu.memory_space<vmem_shared>>)
    %mul3A_654 = arith.constant 640 : i32
    %mul3A_655 = arith.muli %arg1, %mul3A_654 : i32
    %add3A_656 = arith.constant 592 : i32
    %add3A_657 = arith.addi %mul3A_655, %add3A_656 : i32
    %dma_wait3A_658 = arith.constant 0 : i32
    %dma_wait3A_659 = tpu.memref_slice %arg30[%add3A_657, %dma_wait3A_658] : memref<10240x128xbf16, #tpu.memory_space<vmem_shared>> -> memref<16x128xbf16, #tpu.memory_space<vmem_shared>>
    %dma_wait3A_660 = arith.constant 0 : i32
    %dma_wait3A_661 = tpu.memref_slice %arg30[%add3A_657, %dma_wait3A_660] : memref<10240x128xbf16, #tpu.memory_space<vmem_shared>> -> memref<16x128xbf16, #tpu.memory_space<vmem_shared>>
    tpu.wait_dma2 semaphore(%arg44 : memref<!tpu.dma_semaphore, #tpu.memory_space<semaphore_mem>>) src(%arg29 : memref<16x128xbf16, #tpu.memory_space<vmem>>) dst(%dma_wait3A_661 : memref<16x128xbf16, #tpu.memory_space<vmem_shared>>)
    %mul3A_662 = arith.constant 640 : i32
    %mul3A_663 = arith.muli %arg1, %mul3A_662 : i32
    %add3A_664 = arith.constant 608 : i32
    %add3A_665 = arith.addi %mul3A_663, %add3A_664 : i32
    %dma_wait3A_666 = arith.constant 0 : i32
    %dma_wait3A_667 = tpu.memref_slice %arg30[%add3A_665, %dma_wait3A_666] : memref<10240x128xbf16, #tpu.memory_space<vmem_shared>> -> memref<16x128xbf16, #tpu.memory_space<vmem_shared>>
    %dma_wait3A_668 = arith.constant 0 : i32
    %dma_wait3A_669 = tpu.memref_slice %arg30[%add3A_665, %dma_wait3A_668] : memref<10240x128xbf16, #tpu.memory_space<vmem_shared>> -> memref<16x128xbf16, #tpu.memory_space<vmem_shared>>
    tpu.wait_dma2 semaphore(%arg44 : memref<!tpu.dma_semaphore, #tpu.memory_space<semaphore_mem>>) src(%arg29 : memref<16x128xbf16, #tpu.memory_space<vmem>>) dst(%dma_wait3A_669 : memref<16x128xbf16, #tpu.memory_space<vmem_shared>>)
    %mul3A_670 = arith.constant 640 : i32
    %mul3A_671 = arith.muli %arg1, %mul3A_670 : i32
    %add3A_672 = arith.constant 624 : i32
    %add3A_673 = arith.addi %mul3A_671, %add3A_672 : i32
    %dma_wait3A_674 = arith.constant 0 : i32
    %dma_wait3A_675 = tpu.memref_slice %arg30[%add3A_673, %dma_wait3A_674] : memref<10240x128xbf16, #tpu.memory_space<vmem_shared>> -> memref<16x128xbf16, #tpu.memory_space<vmem_shared>>
    %dma_wait3A_676 = arith.constant 0 : i32
    %dma_wait3A_677 = tpu.memref_slice %arg30[%add3A_673, %dma_wait3A_676] : memref<10240x128xbf16, #tpu.memory_space<vmem_shared>> -> memref<16x128xbf16, #tpu.memory_space<vmem_shared>>
    tpu.wait_dma2 semaphore(%arg44 : memref<!tpu.dma_semaphore, #tpu.memory_space<semaphore_mem>>) src(%arg29 : memref<16x128xbf16, #tpu.memory_space<vmem>>) dst(%dma_wait3A_677 : memref<16x128xbf16, #tpu.memory_space<vmem_shared>>)
    %eq3A = arith.constant 0 : i32
    %eq3A_678 = arith.cmpi eq, %arg1, %eq3A : i32
    %convert_element_type3A = arith.extui %eq3A_678 : i1 to i32
    %cond3A = arith.constant 0 : i32
    %cond3A_679 = arith.cmpi ne, %convert_element_type3A, %cond3A : i32
    scf.if %cond3A_679 {
      "tpu.region"() ({
        %run_scoped3A = tpu.sem_alloc : memref<!tpu.dma_semaphore, #tpu.memory_space<semaphore_mem>>
        %dma_start3A_709 = arith.constant 0 : i32
        %dma_start3A_710 = arith.constant 0 : i32
        %dma_start3A_711 = tpu.memref_slice %arg31[%dma_start3A_709, %dma_start3A_710] : memref<80x128xf32, #tpu.memory_space<vmem_shared>> -> memref<16x128xf32, #tpu.memory_space<vmem_shared>>
        %dma_start3A_712 = arith.constant 0 : i32
        %dma_start3A_713 = arith.constant 0 : i32
        %dma_start3A_714 = tpu.memref_slice %arg31[%dma_start3A_712, %dma_start3A_713] : memref<80x128xf32, #tpu.memory_space<vmem_shared>> -> memref<16x128xf32, #tpu.memory_space<vmem_shared>>
        tpu.enqueue_dma source(%arg28 : memref<16x128xf32, #tpu.memory_space<vmem>>) target(%dma_start3A_714 : memref<16x128xf32, #tpu.memory_space<vmem_shared>>) target_semaphore(%run_scoped3A : memref<!tpu.dma_semaphore, #tpu.memory_space<semaphore_mem>>)
        %dma_wait3A_715 = arith.constant 0 : i32
        %dma_wait3A_716 = arith.constant 0 : i32
        %dma_wait3A_717 = tpu.memref_slice %arg31[%dma_wait3A_715, %dma_wait3A_716] : memref<80x128xf32, #tpu.memory_space<vmem_shared>> -> memref<16x128xf32, #tpu.memory_space<vmem_shared>>
        %dma_wait3A_718 = arith.constant 0 : i32
        %dma_wait3A_719 = arith.constant 0 : i32
        %dma_wait3A_720 = tpu.memref_slice %arg31[%dma_wait3A_718, %dma_wait3A_719] : memref<80x128xf32, #tpu.memory_space<vmem_shared>> -> memref<16x128xf32, #tpu.memory_space<vmem_shared>>
        tpu.wait_dma2 semaphore(%run_scoped3A : memref<!tpu.dma_semaphore, #tpu.memory_space<semaphore_mem>>) src(%arg28 : memref<16x128xf32, #tpu.memory_space<vmem>>) dst(%dma_wait3A_720 : memref<16x128xf32, #tpu.memory_space<vmem_shared>>)
        tpu.yield
      }) : () -> ()
      "tpu.region"() ({
        %run_scoped3A = tpu.sem_alloc : memref<!tpu.dma_semaphore, #tpu.memory_space<semaphore_mem>>
        %dma_start3A_709 = arith.constant 16 : i32
        %dma_start3A_710 = arith.constant 0 : i32
        %dma_start3A_711 = tpu.memref_slice %arg31[%dma_start3A_709, %dma_start3A_710] : memref<80x128xf32, #tpu.memory_space<vmem_shared>> -> memref<16x128xf32, #tpu.memory_space<vmem_shared>>
        %dma_start3A_712 = arith.constant 16 : i32
        %dma_start3A_713 = arith.constant 0 : i32
        %dma_start3A_714 = tpu.memref_slice %arg31[%dma_start3A_712, %dma_start3A_713] : memref<80x128xf32, #tpu.memory_space<vmem_shared>> -> memref<16x128xf32, #tpu.memory_space<vmem_shared>>
        tpu.enqueue_dma source(%arg28 : memref<16x128xf32, #tpu.memory_space<vmem>>) target(%dma_start3A_714 : memref<16x128xf32, #tpu.memory_space<vmem_shared>>) target_semaphore(%run_scoped3A : memref<!tpu.dma_semaphore, #tpu.memory_space<semaphore_mem>>)
        %dma_wait3A_715 = arith.constant 16 : i32
        %dma_wait3A_716 = arith.constant 0 : i32
        %dma_wait3A_717 = tpu.memref_slice %arg31[%dma_wait3A_715, %dma_wait3A_716] : memref<80x128xf32, #tpu.memory_space<vmem_shared>> -> memref<16x128xf32, #tpu.memory_space<vmem_shared>>
        %dma_wait3A_718 = arith.constant 16 : i32
        %dma_wait3A_719 = arith.constant 0 : i32
        %dma_wait3A_720 = tpu.memref_slice %arg31[%dma_wait3A_718, %dma_wait3A_719] : memref<80x128xf32, #tpu.memory_space<vmem_shared>> -> memref<16x128xf32, #tpu.memory_space<vmem_shared>>
        tpu.wait_dma2 semaphore(%run_scoped3A : memref<!tpu.dma_semaphore, #tpu.memory_space<semaphore_mem>>) src(%arg28 : memref<16x128xf32, #tpu.memory_space<vmem>>) dst(%dma_wait3A_720 : memref<16x128xf32, #tpu.memory_space<vmem_shared>>)
        tpu.yield
      }) : () -> ()
      "tpu.region"() ({
        %run_scoped3A = tpu.sem_alloc : memref<!tpu.dma_semaphore, #tpu.memory_space<semaphore_mem>>
        %dma_start3A_709 = arith.constant 32 : i32
        %dma_start3A_710 = arith.constant 0 : i32
        %dma_start3A_711 = tpu.memref_slice %arg31[%dma_start3A_709, %dma_start3A_710] : memref<80x128xf32, #tpu.memory_space<vmem_shared>> -> memref<16x128xf32, #tpu.memory_space<vmem_shared>>
        %dma_start3A_712 = arith.constant 32 : i32
        %dma_start3A_713 = arith.constant 0 : i32
        %dma_start3A_714 = tpu.memref_slice %arg31[%dma_start3A_712, %dma_start3A_713] : memref<80x128xf32, #tpu.memory_space<vmem_shared>> -> memref<16x128xf32, #tpu.memory_space<vmem_shared>>
        tpu.enqueue_dma source(%arg28 : memref<16x128xf32, #tpu.memory_space<vmem>>) target(%dma_start3A_714 : memref<16x128xf32, #tpu.memory_space<vmem_shared>>) target_semaphore(%run_scoped3A : memref<!tpu.dma_semaphore, #tpu.memory_space<semaphore_mem>>)
        %dma_wait3A_715 = arith.constant 32 : i32
        %dma_wait3A_716 = arith.constant 0 : i32
        %dma_wait3A_717 = tpu.memref_slice %arg31[%dma_wait3A_715, %dma_wait3A_716] : memref<80x128xf32, #tpu.memory_space<vmem_shared>> -> memref<16x128xf32, #tpu.memory_space<vmem_shared>>
        %dma_wait3A_718 = arith.constant 32 : i32
        %dma_wait3A_719 = arith.constant 0 : i32
        %dma_wait3A_720 = tpu.memref_slice %arg31[%dma_wait3A_718, %dma_wait3A_719] : memref<80x128xf32, #tpu.memory_space<vmem_shared>> -> memref<16x128xf32, #tpu.memory_space<vmem_shared>>
        tpu.wait_dma2 semaphore(%run_scoped3A : memref<!tpu.dma_semaphore, #tpu.memory_space<semaphore_mem>>) src(%arg28 : memref<16x128xf32, #tpu.memory_space<vmem>>) dst(%dma_wait3A_720 : memref<16x128xf32, #tpu.memory_space<vmem_shared>>)
        tpu.yield
      }) : () -> ()
      "tpu.region"() ({
        %run_scoped3A = tpu.sem_alloc : memref<!tpu.dma_semaphore, #tpu.memory_space<semaphore_mem>>
        %dma_start3A_709 = arith.constant 48 : i32
        %dma_start3A_710 = arith.constant 0 : i32
        %dma_start3A_711 = tpu.memref_slice %arg31[%dma_start3A_709, %dma_start3A_710] : memref<80x128xf32, #tpu.memory_space<vmem_shared>> -> memref<16x128xf32, #tpu.memory_space<vmem_shared>>
        %dma_start3A_712 = arith.constant 48 : i32
        %dma_start3A_713 = arith.constant 0 : i32
        %dma_start3A_714 = tpu.memref_slice %arg31[%dma_start3A_712, %dma_start3A_713] : memref<80x128xf32, #tpu.memory_space<vmem_shared>> -> memref<16x128xf32, #tpu.memory_space<vmem_shared>>
        tpu.enqueue_dma source(%arg28 : memref<16x128xf32, #tpu.memory_space<vmem>>) target(%dma_start3A_714 : memref<16x128xf32, #tpu.memory_space<vmem_shared>>) target_semaphore(%run_scoped3A : memref<!tpu.dma_semaphore, #tpu.memory_space<semaphore_mem>>)
        %dma_wait3A_715 = arith.constant 48 : i32
        %dma_wait3A_716 = arith.constant 0 : i32
        %dma_wait3A_717 = tpu.memref_slice %arg31[%dma_wait3A_715, %dma_wait3A_716] : memref<80x128xf32, #tpu.memory_space<vmem_shared>> -> memref<16x128xf32, #tpu.memory_space<vmem_shared>>
        %dma_wait3A_718 = arith.constant 48 : i32
        %dma_wait3A_719 = arith.constant 0 : i32
        %dma_wait3A_720 = tpu.memref_slice %arg31[%dma_wait3A_718, %dma_wait3A_719] : memref<80x128xf32, #tpu.memory_space<vmem_shared>> -> memref<16x128xf32, #tpu.memory_space<vmem_shared>>
        tpu.wait_dma2 semaphore(%run_scoped3A : memref<!tpu.dma_semaphore, #tpu.memory_space<semaphore_mem>>) src(%arg28 : memref<16x128xf32, #tpu.memory_space<vmem>>) dst(%dma_wait3A_720 : memref<16x128xf32, #tpu.memory_space<vmem_shared>>)
        tpu.yield
      }) : () -> ()
      "tpu.region"() ({
        %run_scoped3A = tpu.sem_alloc : memref<!tpu.dma_semaphore, #tpu.memory_space<semaphore_mem>>
        %dma_start3A_709 = arith.constant 64 : i32
        %dma_start3A_710 = arith.constant 0 : i32
        %dma_start3A_711 = tpu.memref_slice %arg31[%dma_start3A_709, %dma_start3A_710] : memref<80x128xf32, #tpu.memory_space<vmem_shared>> -> memref<16x128xf32, #tpu.memory_space<vmem_shared>>
        %dma_start3A_712 = arith.constant 64 : i32
        %dma_start3A_713 = arith.constant 0 : i32
        %dma_start3A_714 = tpu.memref_slice %arg31[%dma_start3A_712, %dma_start3A_713] : memref<80x128xf32, #tpu.memory_space<vmem_shared>> -> memref<16x128xf32, #tpu.memory_space<vmem_shared>>
        tpu.enqueue_dma source(%arg28 : memref<16x128xf32, #tpu.memory_space<vmem>>) target(%dma_start3A_714 : memref<16x128xf32, #tpu.memory_space<vmem_shared>>) target_semaphore(%run_scoped3A : memref<!tpu.dma_semaphore, #tpu.memory_space<semaphore_mem>>)
        %dma_wait3A_715 = arith.constant 64 : i32
        %dma_wait3A_716 = arith.constant 0 : i32
        %dma_wait3A_717 = tpu.memref_slice %arg31[%dma_wait3A_715, %dma_wait3A_716] : memref<80x128xf32, #tpu.memory_space<vmem_shared>> -> memref<16x128xf32, #tpu.memory_space<vmem_shared>>
        %dma_wait3A_718 = arith.constant 64 : i32
        %dma_wait3A_719 = arith.constant 0 : i32
        %dma_wait3A_720 = tpu.memref_slice %arg31[%dma_wait3A_718, %dma_wait3A_719] : memref<80x128xf32, #tpu.memory_space<vmem_shared>> -> memref<16x128xf32, #tpu.memory_space<vmem_shared>>
        tpu.wait_dma2 semaphore(%run_scoped3A : memref<!tpu.dma_semaphore, #tpu.memory_space<semaphore_mem>>) src(%arg28 : memref<16x128xf32, #tpu.memory_space<vmem>>) dst(%dma_wait3A_720 : memref<16x128xf32, #tpu.memory_space<vmem_shared>>)
        tpu.yield
      }) : () -> ()
    } else {
    }
    %barrier3A = arith.constant 0 : index
    tpu.barrier barrier_id(%barrier3A)
    %eq3A_680 = arith.constant 0 : i32
    %eq3A_681 = arith.cmpi eq, %arg0, %eq3A_680 : i32
    %convert_element_type3A_682 = arith.extui %eq3A_681 : i1 to i32
    %cond3A_683 = arith.constant 0 : i32
    %cond3A_684 = arith.cmpi ne, %convert_element_type3A_682, %cond3A_683 : i32
    scf.if %cond3A_684 {
      %dma_start3A_709 = arith.constant 0 : i32
      %dma_start3A_710 = arith.constant 0 : i32
      %dma_start3A_711 = tpu.memref_slice %arg4[%arg1, %dma_start3A_709, %dma_start3A_710] : memref<16x160x128xi32, #tpu.memory_space<hbm>> -> memref<1x1x128xi32, #tpu.memory_space<hbm>>
      %dma_start3A_712 = tpu.memref_squeeze %dma_start3A_711 : memref<1x1x128xi32, #tpu.memory_space<hbm>> -> memref<128xi32, #tpu.memory_space<hbm>>
      %dma_start3A_713 = arith.constant 0 : i32
      %dma_start3A_714 = tpu.memref_slice %arg4[%arg1, %dma_start3A_709, %dma_start3A_713] : memref<16x160x128xi32, #tpu.memory_space<hbm>> -> memref<1x1x128xi32, #tpu.memory_space<hbm>>
      %dma_start3A_715 = tpu.memref_squeeze %dma_start3A_714 : memref<1x1x128xi32, #tpu.memory_space<hbm>> -> memref<128xi32, #tpu.memory_space<hbm>>
      tpu.enqueue_dma source(%dma_start3A_715 : memref<128xi32, #tpu.memory_space<hbm>>) target(%arg10 : memref<128xi32, #tpu.memory_space<vmem>>) target_semaphore(%arg32 : memref<!tpu.dma_semaphore, #tpu.memory_space<semaphore_mem>>)
      %dma_start3A_716 = arith.constant 1 : i32
      %dma_start3A_717 = arith.constant 0 : i32
      %dma_start3A_718 = tpu.memref_slice %arg4[%arg1, %dma_start3A_716, %dma_start3A_717] : memref<16x160x128xi32, #tpu.memory_space<hbm>> -> memref<1x1x128xi32, #tpu.memory_space<hbm>>
      %dma_start3A_719 = tpu.memref_squeeze %dma_start3A_718 : memref<1x1x128xi32, #tpu.memory_space<hbm>> -> memref<128xi32, #tpu.memory_space<hbm>>
      %dma_start3A_720 = arith.constant 0 : i32
      %dma_start3A_721 = tpu.memref_slice %arg4[%arg1, %dma_start3A_716, %dma_start3A_720] : memref<16x160x128xi32, #tpu.memory_space<hbm>> -> memref<1x1x128xi32, #tpu.memory_space<hbm>>
      %dma_start3A_722 = tpu.memref_squeeze %dma_start3A_721 : memref<1x1x128xi32, #tpu.memory_space<hbm>> -> memref<128xi32, #tpu.memory_space<hbm>>
      tpu.enqueue_dma source(%dma_start3A_722 : memref<128xi32, #tpu.memory_space<hbm>>) target(%arg11 : memref<128xi32, #tpu.memory_space<vmem>>) target_semaphore(%arg33 : memref<!tpu.dma_semaphore, #tpu.memory_space<semaphore_mem>>)
      %dma_start3A_723 = arith.constant 2 : i32
      %dma_start3A_724 = arith.constant 0 : i32
      %dma_start3A_725 = tpu.memref_slice %arg4[%arg1, %dma_start3A_723, %dma_start3A_724] : memref<16x160x128xi32, #tpu.memory_space<hbm>> -> memref<1x1x128xi32, #tpu.memory_space<hbm>>
      %dma_start3A_726 = tpu.memref_squeeze %dma_start3A_725 : memref<1x1x128xi32, #tpu.memory_space<hbm>> -> memref<128xi32, #tpu.memory_space<hbm>>
      %dma_start3A_727 = arith.constant 0 : i32
      %dma_start3A_728 = tpu.memref_slice %arg4[%arg1, %dma_start3A_723, %dma_start3A_727] : memref<16x160x128xi32, #tpu.memory_space<hbm>> -> memref<1x1x128xi32, #tpu.memory_space<hbm>>
      %dma_start3A_729 = tpu.memref_squeeze %dma_start3A_728 : memref<1x1x128xi32, #tpu.memory_space<hbm>> -> memref<128xi32, #tpu.memory_space<hbm>>
      tpu.enqueue_dma source(%dma_start3A_729 : memref<128xi32, #tpu.memory_space<hbm>>) target(%arg12 : memref<128xi32, #tpu.memory_space<vmem>>) target_semaphore(%arg34 : memref<!tpu.dma_semaphore, #tpu.memory_space<semaphore_mem>>)
      %dma_start3A_730 = arith.constant 3 : i32
      %dma_start3A_731 = arith.constant 0 : i32
      %dma_start3A_732 = tpu.memref_slice %arg4[%arg1, %dma_start3A_730, %dma_start3A_731] : memref<16x160x128xi32, #tpu.memory_space<hbm>> -> memref<1x1x128xi32, #tpu.memory_space<hbm>>
      %dma_start3A_733 = tpu.memref_squeeze %dma_start3A_732 : memref<1x1x128xi32, #tpu.memory_space<hbm>> -> memref<128xi32, #tpu.memory_space<hbm>>
      %dma_start3A_734 = arith.constant 0 : i32
      %dma_start3A_735 = tpu.memref_slice %arg4[%arg1, %dma_start3A_730, %dma_start3A_734] : memref<16x160x128xi32, #tpu.memory_space<hbm>> -> memref<1x1x128xi32, #tpu.memory_space<hbm>>
      %dma_start3A_736 = tpu.memref_squeeze %dma_start3A_735 : memref<1x1x128xi32, #tpu.memory_space<hbm>> -> memref<128xi32, #tpu.memory_space<hbm>>
      tpu.enqueue_dma source(%dma_start3A_736 : memref<128xi32, #tpu.memory_space<hbm>>) target(%arg13 : memref<128xi32, #tpu.memory_space<vmem>>) target_semaphore(%arg35 : memref<!tpu.dma_semaphore, #tpu.memory_space<semaphore_mem>>)
      %dma_wait3A_737 = arith.constant 0 : i32
      %dma_wait3A_738 = arith.constant 0 : i32
      %dma_wait3A_739 = tpu.memref_slice %arg4[%arg1, %dma_wait3A_737, %dma_wait3A_738] : memref<16x160x128xi32, #tpu.memory_space<hbm>> -> memref<1x1x128xi32, #tpu.memory_space<hbm>>
      %dma_wait3A_740 = tpu.memref_squeeze %dma_wait3A_739 : memref<1x1x128xi32, #tpu.memory_space<hbm>> -> memref<128xi32, #tpu.memory_space<hbm>>
      %dma_wait3A_741 = arith.constant 0 : i32
      %dma_wait3A_742 = tpu.memref_slice %arg4[%arg1, %dma_wait3A_737, %dma_wait3A_741] : memref<16x160x128xi32, #tpu.memory_space<hbm>> -> memref<1x1x128xi32, #tpu.memory_space<hbm>>
      %dma_wait3A_743 = tpu.memref_squeeze %dma_wait3A_742 : memref<1x1x128xi32, #tpu.memory_space<hbm>> -> memref<128xi32, #tpu.memory_space<hbm>>
      tpu.wait_dma2 semaphore(%arg32 : memref<!tpu.dma_semaphore, #tpu.memory_space<semaphore_mem>>) src(%dma_wait3A_743 : memref<128xi32, #tpu.memory_space<hbm>>) dst(%arg10 : memref<128xi32, #tpu.memory_space<vmem>>)
      %get3A = arith.constant 0 : index
      %get3A_744 = tpu.vector_load %arg10[%get3A] {strides = array<i32>} : memref<128xi32, #tpu.memory_space<vmem>>, vector<16xi32>,
      %and3A = arith.constant 16383 : i32
      %and3A_745 = vector.broadcast %and3A : i32 to vector<16xi32>
      %and3A_746 = arith.andi %get3A_744, %and3A_745 : vector<16xi32>
      %swap3A_747 = arith.constant 0 : index
      %swap3A_748 = tpu.vector_load %arg14[%swap3A_747] {strides = array<i32>} : memref<128xi32, #tpu.memory_space<vmem>>, vector<16xi32>,
      tpu.vector_store %arg14[%swap3A_747], %and3A_746 {strides = array<i32>} : memref<128xi32, #tpu.memory_space<vmem>>, vector<16xi32>,
      %shift_right_logical3A = arith.constant 14 : i32
      %shift_right_logical3A_749 = vector.broadcast %shift_right_logical3A : i32 to vector<16xi32>
      %shift_right_logical3A_750 = arith.shrui %get3A_744, %shift_right_logical3A_749 : vector<16xi32>
      %swap3A_751 = arith.constant 0 : index
      %swap3A_752 = tpu.vector_load %arg18[%swap3A_751] {strides = array<i32>} : memref<128xi32, #tpu.memory_space<vmem>>, vector<16xi32>,
      tpu.vector_store %arg18[%swap3A_751], %shift_right_logical3A_750 {strides = array<i32>} : memref<128xi32, #tpu.memory_space<vmem>>, vector<16xi32>,
      %get3A_753 = arith.constant 16 : index
      %get3A_754 = tpu.vector_load %arg10[%get3A_753] {strides = array<i32>} : memref<128xi32, #tpu.memory_space<vmem>>, vector<16xi32>,
      %and3A_755 = arith.constant 16383 : i32
      %and3A_756 = vector.broadcast %and3A_755 : i32 to vector<16xi32>
      %and3A_757 = arith.andi %get3A_754, %and3A_756 : vector<16xi32>
      %swap3A_758 = arith.constant 16 : index
      %swap3A_759 = tpu.vector_load %arg14[%swap3A_758] {strides = array<i32>} : memref<128xi32, #tpu.memory_space<vmem>>, vector<16xi32>,
      tpu.vector_store %arg14[%swap3A_758], %and3A_757 {strides = array<i32>} : memref<128xi32, #tpu.memory_space<vmem>>, vector<16xi32>,
      %shift_right_logical3A_760 = arith.constant 14 : i32
      %shift_right_logical3A_761 = vector.broadcast %shift_right_logical3A_760 : i32 to vector<16xi32>
      %shift_right_logical3A_762 = arith.shrui %get3A_754, %shift_right_logical3A_761 : vector<16xi32>
      %swap3A_763 = arith.constant 16 : index
      %swap3A_764 = tpu.vector_load %arg18[%swap3A_763] {strides = array<i32>} : memref<128xi32, #tpu.memory_space<vmem>>, vector<16xi32>,
      tpu.vector_store %arg18[%swap3A_763], %shift_right_logical3A_762 {strides = array<i32>} : memref<128xi32, #tpu.memory_space<vmem>>, vector<16xi32>,
      %get3A_765 = arith.constant 32 : index
      %get3A_766 = tpu.vector_load %arg10[%get3A_765] {strides = array<i32>} : memref<128xi32, #tpu.memory_space<vmem>>, vector<16xi32>,
      %and3A_767 = arith.constant 16383 : i32
      %and3A_768 = vector.broadcast %and3A_767 : i32 to vector<16xi32>
      %and3A_769 = arith.andi %get3A_766, %and3A_768 : vector<16xi32>
      %swap3A_770 = arith.constant 32 : index
      %swap3A_771 = tpu.vector_load %arg14[%swap3A_770] {strides = array<i32>} : memref<128xi32, #tpu.memory_space<vmem>>, vector<16xi32>,
      tpu.vector_store %arg14[%swap3A_770], %and3A_769 {strides = array<i32>} : memref<128xi32, #tpu.memory_space<vmem>>, vector<16xi32>,
      %shift_right_logical3A_772 = arith.constant 14 : i32
      %shift_right_logical3A_773 = vector.broadcast %shift_right_logical3A_772 : i32 to vector<16xi32>
      %shift_right_logical3A_774 = arith.shrui %get3A_766, %shift_right_logical3A_773 : vector<16xi32>
      %swap3A_775 = arith.constant 32 : index
      %swap3A_776 = tpu.vector_load %arg18[%swap3A_775] {strides = array<i32>} : memref<128xi32, #tpu.memory_space<vmem>>, vector<16xi32>,
      tpu.vector_store %arg18[%swap3A_775], %shift_right_logical3A_774 {strides = array<i32>} : memref<128xi32, #tpu.memory_space<vmem>>, vector<16xi32>,
      %get3A_777 = arith.constant 48 : index
      %get3A_778 = tpu.vector_load %arg10[%get3A_777] {strides = array<i32>} : memref<128xi32, #tpu.memory_space<vmem>>, vector<16xi32>,
      %and3A_779 = arith.constant 16383 : i32
      %and3A_780 = vector.broadcast %and3A_779 : i32 to vector<16xi32>
      %and3A_781 = arith.andi %get3A_778, %and3A_780 : vector<16xi32>
      %swap3A_782 = arith.constant 48 : index
      %swap3A_783 = tpu.vector_load %arg14[%swap3A_782] {strides = array<i32>} : memref<128xi32, #tpu.memory_space<vmem>>, vector<16xi32>,
      tpu.vector_store %arg14[%swap3A_782], %and3A_781 {strides = array<i32>} : memref<128xi32, #tpu.memory_space<vmem>>, vector<16xi32>,
      %shift_right_logical3A_784 = arith.constant 14 : i32
      %shift_right_logical3A_785 = vector.broadcast %shift_right_logical3A_784 : i32 to vector<16xi32>
      %shift_right_logical3A_786 = arith.shrui %get3A_778, %shift_right_logical3A_785 : vector<16xi32>
      %swap3A_787 = arith.constant 48 : index
      %swap3A_788 = tpu.vector_load %arg18[%swap3A_787] {strides = array<i32>} : memref<128xi32, #tpu.memory_space<vmem>>, vector<16xi32>,
      tpu.vector_store %arg18[%swap3A_787], %shift_right_logical3A_786 {strides = array<i32>} : memref<128xi32, #tpu.memory_space<vmem>>, vector<16xi32>,
      %get3A_789 = arith.constant 64 : index
      %get3A_790 = tpu.vector_load %arg10[%get3A_789] {strides = array<i32>} : memref<128xi32, #tpu.memory_space<vmem>>, vector<16xi32>,
      %and3A_791 = arith.constant 16383 : i32
      %and3A_792 = vector.broadcast %and3A_791 : i32 to vector<16xi32>
      %and3A_793 = arith.andi %get3A_790, %and3A_792 : vector<16xi32>
      %swap3A_794 = arith.constant 64 : index
      %swap3A_795 = tpu.vector_load %arg14[%swap3A_794] {strides = array<i32>} : memref<128xi32, #tpu.memory_space<vmem>>, vector<16xi32>,
      tpu.vector_store %arg14[%swap3A_794], %and3A_793 {strides = array<i32>} : memref<128xi32, #tpu.memory_space<vmem>>, vector<16xi32>,
      %shift_right_logical3A_796 = arith.constant 14 : i32
      %shift_right_logical3A_797 = vector.broadcast %shift_right_logical3A_796 : i32 to vector<16xi32>
      %shift_right_logical3A_798 = arith.shrui %get3A_790, %shift_right_logical3A_797 : vector<16xi32>
      %swap3A_799 = arith.constant 64 : index
      %swap3A_800 = tpu.vector_load %arg18[%swap3A_799] {strides = array<i32>} : memref<128xi32, #tpu.memory_space<vmem>>, vector<16xi32>,
      tpu.vector_store %arg18[%swap3A_799], %shift_right_logical3A_798 {strides = array<i32>} : memref<128xi32, #tpu.memory_space<vmem>>, vector<16xi32>,
      %get3A_801 = arith.constant 80 : index
      %get3A_802 = tpu.vector_load %arg10[%get3A_801] {strides = array<i32>} : memref<128xi32, #tpu.memory_space<vmem>>, vector<16xi32>,
      %and3A_803 = arith.constant 16383 : i32
      %and3A_804 = vector.broadcast %and3A_803 : i32 to vector<16xi32>
      %and3A_805 = arith.andi %get3A_802, %and3A_804 : vector<16xi32>
      %swap3A_806 = arith.constant 80 : index
      %swap3A_807 = tpu.vector_load %arg14[%swap3A_806] {strides = array<i32>} : memref<128xi32, #tpu.memory_space<vmem>>, vector<16xi32>,
      tpu.vector_store %arg14[%swap3A_806], %and3A_805 {strides = array<i32>} : memref<128xi32, #tpu.memory_space<vmem>>, vector<16xi32>,
      %shift_right_logical3A_808 = arith.constant 14 : i32
      %shift_right_logical3A_809 = vector.broadcast %shift_right_logical3A_808 : i32 to vector<16xi32>
      %shift_right_logical3A_810 = arith.shrui %get3A_802, %shift_right_logical3A_809 : vector<16xi32>
      %swap3A_811 = arith.constant 80 : index
      %swap3A_812 = tpu.vector_load %arg18[%swap3A_811] {strides = array<i32>} : memref<128xi32, #tpu.memory_space<vmem>>, vector<16xi32>,
      tpu.vector_store %arg18[%swap3A_811], %shift_right_logical3A_810 {strides = array<i32>} : memref<128xi32, #tpu.memory_space<vmem>>, vector<16xi32>,
      %get3A_813 = arith.constant 96 : index
      %get3A_814 = tpu.vector_load %arg10[%get3A_813] {strides = array<i32>} : memref<128xi32, #tpu.memory_space<vmem>>, vector<16xi32>,
      %and3A_815 = arith.constant 16383 : i32
      %and3A_816 = vector.broadcast %and3A_815 : i32 to vector<16xi32>
      %and3A_817 = arith.andi %get3A_814, %and3A_816 : vector<16xi32>
      %swap3A_818 = arith.constant 96 : index
      %swap3A_819 = tpu.vector_load %arg14[%swap3A_818] {strides = array<i32>} : memref<128xi32, #tpu.memory_space<vmem>>, vector<16xi32>,
      tpu.vector_store %arg14[%swap3A_818], %and3A_817 {strides = array<i32>} : memref<128xi32, #tpu.memory_space<vmem>>, vector<16xi32>,
      %shift_right_logical3A_820 = arith.constant 14 : i32
      %shift_right_logical3A_821 = vector.broadcast %shift_right_logical3A_820 : i32 to vector<16xi32>
      %shift_right_logical3A_822 = arith.shrui %get3A_814, %shift_right_logical3A_821 : vector<16xi32>
      %swap3A_823 = arith.constant 96 : index
      %swap3A_824 = tpu.vector_load %arg18[%swap3A_823] {strides = array<i32>} : memref<128xi32, #tpu.memory_space<vmem>>, vector<16xi32>,
      tpu.vector_store %arg18[%swap3A_823], %shift_right_logical3A_822 {strides = array<i32>} : memref<128xi32, #tpu.memory_space<vmem>>, vector<16xi32>,
      %get3A_825 = arith.constant 112 : index
      %get3A_826 = tpu.vector_load %arg10[%get3A_825] {strides = array<i32>} : memref<128xi32, #tpu.memory_space<vmem>>, vector<16xi32>,
      %and3A_827 = arith.constant 16383 : i32
      %and3A_828 = vector.broadcast %and3A_827 : i32 to vector<16xi32>
      %and3A_829 = arith.andi %get3A_826, %and3A_828 : vector<16xi32>
      %swap3A_830 = arith.constant 112 : index
      %swap3A_831 = tpu.vector_load %arg14[%swap3A_830] {strides = array<i32>} : memref<128xi32, #tpu.memory_space<vmem>>, vector<16xi32>,
      tpu.vector_store %arg14[%swap3A_830], %and3A_829 {strides = array<i32>} : memref<128xi32, #tpu.memory_space<vmem>>, vector<16xi32>,
      %shift_right_logical3A_832 = arith.constant 14 : i32
      %shift_right_logical3A_833 = vector.broadcast %shift_right_logical3A_832 : i32 to vector<16xi32>
      %shift_right_logical3A_834 = arith.shrui %get3A_826, %shift_right_logical3A_833 : vector<16xi32>
      %swap3A_835 = arith.constant 112 : index
      %swap3A_836 = tpu.vector_load %arg18[%swap3A_835] {strides = array<i32>} : memref<128xi32, #tpu.memory_space<vmem>>, vector<16xi32>,
      tpu.vector_store %arg18[%swap3A_835], %shift_right_logical3A_834 {strides = array<i32>} : memref<128xi32, #tpu.memory_space<vmem>>, vector<16xi32>,
      %dma_start3A_837 = arith.constant 0 : i32
      %dma_start3A_838 = arith.constant 0 : i32
      %dma_start3A_839 = tpu.memref_slice %arg2[%dma_start3A_837, %dma_start3A_838] : memref<10000x128xbf16, #tpu.memory_space<hbm>> -> memref<10000x128xbf16, #tpu.memory_space<hbm>>
      tpu.enqueue_indirect_dma source(%dma_start3A_839 : memref<10000x128xbf16, #tpu.memory_space<hbm>>) target(%arg22 : memref<128x128xbf16, #tpu.memory_space<vmem>>) offsets(%arg14 : memref<128xi32, #tpu.memory_space<vmem>>) semaphore(%arg36 : memref<!tpu.dma_semaphore, #tpu.memory_space<semaphore_mem>>)
      %dma_start3A_840 = arith.constant 4 : i32
      %dma_start3A_841 = arith.constant 0 : i32
      %dma_start3A_842 = tpu.memref_slice %arg4[%arg1, %dma_start3A_840, %dma_start3A_841] : memref<16x160x128xi32, #tpu.memory_space<hbm>> -> memref<1x1x128xi32, #tpu.memory_space<hbm>>
      %dma_start3A_843 = tpu.memref_squeeze %dma_start3A_842 : memref<1x1x128xi32, #tpu.memory_space<hbm>> -> memref<128xi32, #tpu.memory_space<hbm>>
      %dma_start3A_844 = arith.constant 0 : i32
      %dma_start3A_845 = tpu.memref_slice %arg4[%arg1, %dma_start3A_840, %dma_start3A_844] : memref<16x160x128xi32, #tpu.memory_space<hbm>> -> memref<1x1x128xi32, #tpu.memory_space<hbm>>
      %dma_start3A_846 = tpu.memref_squeeze %dma_start3A_845 : memref<1x1x128xi32, #tpu.memory_space<hbm>> -> memref<128xi32, #tpu.memory_space<hbm>>
      tpu.enqueue_dma source(%dma_start3A_846 : memref<128xi32, #tpu.memory_space<hbm>>) target(%arg10 : memref<128xi32, #tpu.memory_space<vmem>>) target_semaphore(%arg32 : memref<!tpu.dma_semaphore, #tpu.memory_space<semaphore_mem>>)
      %scan3A_847 = arith.constant 0 : i32
      %scan3A_848 = arith.constant 0 : i32
      %scan3A_849 = arith.constant 40 : i32
      %scan3A_850 = arith.addi %scan3A_848, %scan3A_849 : i32
      %scan3A_851 = arith.constant 1 : i32
      %scan3A_852 = scf.for %scan3A_863 = %scan3A_848 to %scan3A_850 step %scan3A_851 iter_args(%scan3A_864 = %scan3A_847) -> (i32)  : i32 {
        %mul3A_865 = arith.constant 4 : i32
        %mul3A_866 = arith.muli %scan3A_863, %mul3A_865 : i32
        %add3A_867 = arith.constant 0 : i32
        %add3A_868 = arith.addi %mul3A_866, %add3A_867 : i32
        %sub3A = arith.constant 3 : i32
        %sub3A_869 = arith.subi %add3A_868, %sub3A : i32
        %ge3A = arith.constant 0 : i32
        %ge3A_870 = arith.cmpi sge, %sub3A_869, %ge3A : i32
        %convert_element_type3A_871 = arith.extui %ge3A_870 : i1 to i32
        %cond3A_872 = arith.constant 0 : i32
        %cond3A_873 = arith.cmpi ne, %convert_element_type3A_871, %cond3A_872 : i32
        scf.if %cond3A_873 {
          %dma_wait3A_1251 = arith.constant 0 : i32
          %dma_wait3A_1252 = arith.constant 0 : i32
          %dma_wait3A_1253 = tpu.memref_slice %arg30[%dma_wait3A_1251, %dma_wait3A_1252] : memref<10240x128xbf16, #tpu.memory_space<vmem_shared>> -> memref<10240x128xbf16, #tpu.memory_space<vmem_shared>>
          tpu.wait_indirect_dma semaphore(%arg41 : memref<!tpu.dma_semaphore, #tpu.memory_space<semaphore_mem>>) src(%arg23 : memref<128x128xbf16, #tpu.memory_space<vmem>>) dst(%dma_wait3A_1253 : memref<10240x128xbf16, #tpu.memory_space<vmem_shared>>)
        } else {
        }
        %add3A_874 = arith.constant 1 : i32
        %add3A_875 = arith.addi %add3A_868, %add3A_874 : i32
        %le3A = arith.constant 159 : i32
        %le3A_876 = arith.cmpi sle, %add3A_875, %le3A : i32
        %convert_element_type3A_877 = arith.extui %le3A_876 : i1 to i32
        %cond3A_878 = arith.constant 0 : i32
        %cond3A_879 = arith.cmpi ne, %convert_element_type3A_877, %cond3A_878 : i32
        scf.if %cond3A_879 {
          %add3A_1251 = arith.constant 1 : i32
          %add3A_1252 = arith.addi %add3A_868, %add3A_1251 : i32
          %dma_wait3A_1253 = arith.constant 0 : i32
          %dma_wait3A_1254 = tpu.memref_slice %arg4[%arg1, %add3A_1252, %dma_wait3A_1253] : memref<16x160x128xi32, #tpu.memory_space<hbm>> -> memref<1x1x128xi32, #tpu.memory_space<hbm>>
          %dma_wait3A_1255 = tpu.memref_squeeze %dma_wait3A_1254 : memref<1x1x128xi32, #tpu.memory_space<hbm>> -> memref<128xi32, #tpu.memory_space<hbm>>
          %dma_wait3A_1256 = arith.constant 0 : i32
          %dma_wait3A_1257 = tpu.memref_slice %arg4[%arg1, %add3A_1252, %dma_wait3A_1256] : memref<16x160x128xi32, #tpu.memory_space<hbm>> -> memref<1x1x128xi32, #tpu.memory_space<hbm>>
          %dma_wait3A_1258 = tpu.memref_squeeze %dma_wait3A_1257 : memref<1x1x128xi32, #tpu.memory_space<hbm>> -> memref<128xi32, #tpu.memory_space<hbm>>
          tpu.wait_dma2 semaphore(%arg33 : memref<!tpu.dma_semaphore, #tpu.memory_space<semaphore_mem>>) src(%dma_wait3A_1258 : memref<128xi32, #tpu.memory_space<hbm>>) dst(%arg11 : memref<128xi32, #tpu.memory_space<vmem>>)
          %get3A_1259 = arith.constant 0 : index
          %get3A_1260 = tpu.vector_load %arg11[%get3A_1259] {strides = array<i32>} : memref<128xi32, #tpu.memory_space<vmem>>, vector<16xi32>,
          %and3A_1261 = arith.constant 16383 : i32
          %and3A_1262 = vector.broadcast %and3A_1261 : i32 to vector<16xi32>
          %and3A_1263 = arith.andi %get3A_1260, %and3A_1262 : vector<16xi32>
          %swap3A_1264 = arith.constant 0 : index
          %swap3A_1265 = tpu.vector_load %arg15[%swap3A_1264] {strides = array<i32>} : memref<128xi32, #tpu.memory_space<vmem>>, vector<16xi32>,
          tpu.vector_store %arg15[%swap3A_1264], %and3A_1263 {strides = array<i32>} : memref<128xi32, #tpu.memory_space<vmem>>, vector<16xi32>,
          %shift_right_logical3A_1266 = arith.constant 14 : i32
          %shift_right_logical3A_1267 = vector.broadcast %shift_right_logical3A_1266 : i32 to vector<16xi32>
          %shift_right_logical3A_1268 = arith.shrui %get3A_1260, %shift_right_logical3A_1267 : vector<16xi32>
          %swap3A_1269 = arith.constant 0 : index
          %swap3A_1270 = tpu.vector_load %arg19[%swap3A_1269] {strides = array<i32>} : memref<128xi32, #tpu.memory_space<vmem>>, vector<16xi32>,
          tpu.vector_store %arg19[%swap3A_1269], %shift_right_logical3A_1268 {strides = array<i32>} : memref<128xi32, #tpu.memory_space<vmem>>, vector<16xi32>,
          %get3A_1271 = arith.constant 16 : index
          %get3A_1272 = tpu.vector_load %arg11[%get3A_1271] {strides = array<i32>} : memref<128xi32, #tpu.memory_space<vmem>>, vector<16xi32>,
          %and3A_1273 = arith.constant 16383 : i32
          %and3A_1274 = vector.broadcast %and3A_1273 : i32 to vector<16xi32>
          %and3A_1275 = arith.andi %get3A_1272, %and3A_1274 : vector<16xi32>
          %swap3A_1276 = arith.constant 16 : index
          %swap3A_1277 = tpu.vector_load %arg15[%swap3A_1276] {strides = array<i32>} : memref<128xi32, #tpu.memory_space<vmem>>, vector<16xi32>,
          tpu.vector_store %arg15[%swap3A_1276], %and3A_1275 {strides = array<i32>} : memref<128xi32, #tpu.memory_space<vmem>>, vector<16xi32>,
          %shift_right_logical3A_1278 = arith.constant 14 : i32
          %shift_right_logical3A_1279 = vector.broadcast %shift_right_logical3A_1278 : i32 to vector<16xi32>
          %shift_right_logical3A_1280 = arith.shrui %get3A_1272, %shift_right_logical3A_1279 : vector<16xi32>
          %swap3A_1281 = arith.constant 16 : index
          %swap3A_1282 = tpu.vector_load %arg19[%swap3A_1281] {strides = array<i32>} : memref<128xi32, #tpu.memory_space<vmem>>, vector<16xi32>,
          tpu.vector_store %arg19[%swap3A_1281], %shift_right_logical3A_1280 {strides = array<i32>} : memref<128xi32, #tpu.memory_space<vmem>>, vector<16xi32>,
          %get3A_1283 = arith.constant 32 : index
          %get3A_1284 = tpu.vector_load %arg11[%get3A_1283] {strides = array<i32>} : memref<128xi32, #tpu.memory_space<vmem>>, vector<16xi32>,
          %and3A_1285 = arith.constant 16383 : i32
          %and3A_1286 = vector.broadcast %and3A_1285 : i32 to vector<16xi32>
          %and3A_1287 = arith.andi %get3A_1284, %and3A_1286 : vector<16xi32>
          %swap3A_1288 = arith.constant 32 : index
          %swap3A_1289 = tpu.vector_load %arg15[%swap3A_1288] {strides = array<i32>} : memref<128xi32, #tpu.memory_space<vmem>>, vector<16xi32>,
          tpu.vector_store %arg15[%swap3A_1288], %and3A_1287 {strides = array<i32>} : memref<128xi32, #tpu.memory_space<vmem>>, vector<16xi32>,
          %shift_right_logical3A_1290 = arith.constant 14 : i32
          %shift_right_logical3A_1291 = vector.broadcast %shift_right_logical3A_1290 : i32 to vector<16xi32>
          %shift_right_logical3A_1292 = arith.shrui %get3A_1284, %shift_right_logical3A_1291 : vector<16xi32>
          %swap3A_1293 = arith.constant 32 : index
          %swap3A_1294 = tpu.vector_load %arg19[%swap3A_1293] {strides = array<i32>} : memref<128xi32, #tpu.memory_space<vmem>>, vector<16xi32>,
          tpu.vector_store %arg19[%swap3A_1293], %shift_right_logical3A_1292 {strides = array<i32>} : memref<128xi32, #tpu.memory_space<vmem>>, vector<16xi32>,
          %get3A_1295 = arith.constant 48 : index
          %get3A_1296 = tpu.vector_load %arg11[%get3A_1295] {strides = array<i32>} : memref<128xi32, #tpu.memory_space<vmem>>, vector<16xi32>,
          %and3A_1297 = arith.constant 16383 : i32
          %and3A_1298 = vector.broadcast %and3A_1297 : i32 to vector<16xi32>
          %and3A_1299 = arith.andi %get3A_1296, %and3A_1298 : vector<16xi32>
          %swap3A_1300 = arith.constant 48 : index
          %swap3A_1301 = tpu.vector_load %arg15[%swap3A_1300] {strides = array<i32>} : memref<128xi32, #tpu.memory_space<vmem>>, vector<16xi32>,
          tpu.vector_store %arg15[%swap3A_1300], %and3A_1299 {strides = array<i32>} : memref<128xi32, #tpu.memory_space<vmem>>, vector<16xi32>,
          %shift_right_logical3A_1302 = arith.constant 14 : i32
          %shift_right_logical3A_1303 = vector.broadcast %shift_right_logical3A_1302 : i32 to vector<16xi32>
          %shift_right_logical3A_1304 = arith.shrui %get3A_1296, %shift_right_logical3A_1303 : vector<16xi32>
          %swap3A_1305 = arith.constant 48 : index
          %swap3A_1306 = tpu.vector_load %arg19[%swap3A_1305] {strides = array<i32>} : memref<128xi32, #tpu.memory_space<vmem>>, vector<16xi32>,
          tpu.vector_store %arg19[%swap3A_1305], %shift_right_logical3A_1304 {strides = array<i32>} : memref<128xi32, #tpu.memory_space<vmem>>, vector<16xi32>,
          %get3A_1307 = arith.constant 64 : index
          %get3A_1308 = tpu.vector_load %arg11[%get3A_1307] {strides = array<i32>} : memref<128xi32, #tpu.memory_space<vmem>>, vector<16xi32>,
          %and3A_1309 = arith.constant 16383 : i32
          %and3A_1310 = vector.broadcast %and3A_1309 : i32 to vector<16xi32>
          %and3A_1311 = arith.andi %get3A_1308, %and3A_1310 : vector<16xi32>
          %swap3A_1312 = arith.constant 64 : index
          %swap3A_1313 = tpu.vector_load %arg15[%swap3A_1312] {strides = array<i32>} : memref<128xi32, #tpu.memory_space<vmem>>, vector<16xi32>,
          tpu.vector_store %arg15[%swap3A_1312], %and3A_1311 {strides = array<i32>} : memref<128xi32, #tpu.memory_space<vmem>>, vector<16xi32>,
          %shift_right_logical3A_1314 = arith.constant 14 : i32
          %shift_right_logical3A_1315 = vector.broadcast %shift_right_logical3A_1314 : i32 to vector<16xi32>
          %shift_right_logical3A_1316 = arith.shrui %get3A_1308, %shift_right_logical3A_1315 : vector<16xi32>
          %swap3A_1317 = arith.constant 64 : index
          %swap3A_1318 = tpu.vector_load %arg19[%swap3A_1317] {strides = array<i32>} : memref<128xi32, #tpu.memory_space<vmem>>, vector<16xi32>,
          tpu.vector_store %arg19[%swap3A_1317], %shift_right_logical3A_1316 {strides = array<i32>} : memref<128xi32, #tpu.memory_space<vmem>>, vector<16xi32>,
          %get3A_1319 = arith.constant 80 : index
          %get3A_1320 = tpu.vector_load %arg11[%get3A_1319] {strides = array<i32>} : memref<128xi32, #tpu.memory_space<vmem>>, vector<16xi32>,
          %and3A_1321 = arith.constant 16383 : i32
          %and3A_1322 = vector.broadcast %and3A_1321 : i32 to vector<16xi32>
          %and3A_1323 = arith.andi %get3A_1320, %and3A_1322 : vector<16xi32>
          %swap3A_1324 = arith.constant 80 : index
          %swap3A_1325 = tpu.vector_load %arg15[%swap3A_1324] {strides = array<i32>} : memref<128xi32, #tpu.memory_space<vmem>>, vector<16xi32>,
          tpu.vector_store %arg15[%swap3A_1324], %and3A_1323 {strides = array<i32>} : memref<128xi32, #tpu.memory_space<vmem>>, vector<16xi32>,
          %shift_right_logical3A_1326 = arith.constant 14 : i32
          %shift_right_logical3A_1327 = vector.broadcast %shift_right_logical3A_1326 : i32 to vector<16xi32>
          %shift_right_logical3A_1328 = arith.shrui %get3A_1320, %shift_right_logical3A_1327 : vector<16xi32>
          %swap3A_1329 = arith.constant 80 : index
          %swap3A_1330 = tpu.vector_load %arg19[%swap3A_1329] {strides = array<i32>} : memref<128xi32, #tpu.memory_space<vmem>>, vector<16xi32>,
          tpu.vector_store %arg19[%swap3A_1329], %shift_right_logical3A_1328 {strides = array<i32>} : memref<128xi32, #tpu.memory_space<vmem>>, vector<16xi32>,
          %get3A_1331 = arith.constant 96 : index
          %get3A_1332 = tpu.vector_load %arg11[%get3A_1331] {strides = array<i32>} : memref<128xi32, #tpu.memory_space<vmem>>, vector<16xi32>,
          %and3A_1333 = arith.constant 16383 : i32
          %and3A_1334 = vector.broadcast %and3A_1333 : i32 to vector<16xi32>
          %and3A_1335 = arith.andi %get3A_1332, %and3A_1334 : vector<16xi32>
          %swap3A_1336 = arith.constant 96 : index
          %swap3A_1337 = tpu.vector_load %arg15[%swap3A_1336] {strides = array<i32>} : memref<128xi32, #tpu.memory_space<vmem>>, vector<16xi32>,
          tpu.vector_store %arg15[%swap3A_1336], %and3A_1335 {strides = array<i32>} : memref<128xi32, #tpu.memory_space<vmem>>, vector<16xi32>,
          %shift_right_logical3A_1338 = arith.constant 14 : i32
          %shift_right_logical3A_1339 = vector.broadcast %shift_right_logical3A_1338 : i32 to vector<16xi32>
          %shift_right_logical3A_1340 = arith.shrui %get3A_1332, %shift_right_logical3A_1339 : vector<16xi32>
          %swap3A_1341 = arith.constant 96 : index
          %swap3A_1342 = tpu.vector_load %arg19[%swap3A_1341] {strides = array<i32>} : memref<128xi32, #tpu.memory_space<vmem>>, vector<16xi32>,
          tpu.vector_store %arg19[%swap3A_1341], %shift_right_logical3A_1340 {strides = array<i32>} : memref<128xi32, #tpu.memory_space<vmem>>, vector<16xi32>,
          %get3A_1343 = arith.constant 112 : index
          %get3A_1344 = tpu.vector_load %arg11[%get3A_1343] {strides = array<i32>} : memref<128xi32, #tpu.memory_space<vmem>>, vector<16xi32>,
          %and3A_1345 = arith.constant 16383 : i32
          %and3A_1346 = vector.broadcast %and3A_1345 : i32 to vector<16xi32>
          %and3A_1347 = arith.andi %get3A_1344, %and3A_1346 : vector<16xi32>
          %swap3A_1348 = arith.constant 112 : index
          %swap3A_1349 = tpu.vector_load %arg15[%swap3A_1348] {strides = array<i32>} : memref<128xi32, #tpu.memory_space<vmem>>, vector<16xi32>,
          tpu.vector_store %arg15[%swap3A_1348], %and3A_1347 {strides = array<i32>} : memref<128xi32, #tpu.memory_space<vmem>>, vector<16xi32>,
          %shift_right_logical3A_1350 = arith.constant 14 : i32
          %shift_right_logical3A_1351 = vector.broadcast %shift_right_logical3A_1350 : i32 to vector<16xi32>
          %shift_right_logical3A_1352 = arith.shrui %get3A_1344, %shift_right_logical3A_1351 : vector<16xi32>
          %swap3A_1353 = arith.constant 112 : index
          %swap3A_1354 = tpu.vector_load %arg19[%swap3A_1353] {strides = array<i32>} : memref<128xi32, #tpu.memory_space<vmem>>, vector<16xi32>,
          tpu.vector_store %arg19[%swap3A_1353], %shift_right_logical3A_1352 {strides = array<i32>} : memref<128xi32, #tpu.memory_space<vmem>>, vector<16xi32>,
          %dma_start3A_1355 = arith.constant 0 : i32
          %dma_start3A_1356 = arith.constant 0 : i32
          %dma_start3A_1357 = tpu.memref_slice %arg2[%dma_start3A_1355, %dma_start3A_1356] : memref<10000x128xbf16, #tpu.memory_space<hbm>> -> memref<10000x128xbf16, #tpu.memory_space<hbm>>
          tpu.enqueue_indirect_dma source(%dma_start3A_1357 : memref<10000x128xbf16, #tpu.memory_space<hbm>>) target(%arg23 : memref<128x128xbf16, #tpu.memory_space<vmem>>) offsets(%arg15 : memref<128xi32, #tpu.memory_space<vmem>>) semaphore(%arg37 : memref<!tpu.dma_semaphore, #tpu.memory_space<semaphore_mem>>)
        } else {
        }
        %dma_wait3A_880 = arith.constant 0 : i32
        %dma_wait3A_881 = arith.constant 0 : i32
        %dma_wait3A_882 = tpu.memref_slice %arg2[%dma_wait3A_880, %dma_wait3A_881] : memref<10000x128xbf16, #tpu.memory_space<hbm>> -> memref<10000x128xbf16, #tpu.memory_space<hbm>>
        tpu.wait_indirect_dma semaphore(%arg36 : memref<!tpu.dma_semaphore, #tpu.memory_space<semaphore_mem>>) src(%dma_wait3A_882 : memref<10000x128xbf16, #tpu.memory_space<hbm>>) dst(%arg22 : memref<128x128xbf16, #tpu.memory_space<vmem>>)
        %dma_start3A_883 = arith.constant 0 : i32
        %dma_start3A_884 = arith.constant 0 : i32
        %dma_start3A_885 = tpu.memref_slice %arg30[%dma_start3A_883, %dma_start3A_884] : memref<10240x128xbf16, #tpu.memory_space<vmem_shared>> -> memref<10240x128xbf16, #tpu.memory_space<vmem_shared>>
        tpu.enqueue_indirect_dma source(%arg22 : memref<128x128xbf16, #tpu.memory_space<vmem>>) target(%dma_start3A_885 : memref<10240x128xbf16, #tpu.memory_space<vmem_shared>>) offsets(%arg18 : memref<128xi32, #tpu.memory_space<vmem>>) semaphore(%arg40 : memref<!tpu.dma_semaphore, #tpu.memory_space<semaphore_mem>>) {add = true}
        %get3A_886 = arith.constant 0 : index
        %get3A_887 = tpu.vector_load %arg18[%get3A_886] {strides = array<i32>} : memref<128xi32, #tpu.memory_space<vmem>>, vector<16xi32>,
        %shift_right_logical3A_888 = arith.constant 7 : i32
        %shift_right_logical3A_889 = vector.broadcast %shift_right_logical3A_888 : i32 to vector<16xi32>
        %shift_right_logical3A_890 = arith.shrui %get3A_887, %shift_right_logical3A_889 : vector<16xi32>
        %and3A_891 = arith.constant 127 : i32
        %and3A_892 = vector.broadcast %and3A_891 : i32 to vector<16xi32>
        %and3A_893 = arith.andi %get3A_887, %and3A_892 : vector<16xi32>
        tpu.vector_store_idx %arg26[%shift_right_logical3A_890, %and3A_893], %broadcast_in_dim3A_2 {add = true} : memref<80x128xf32, #tpu.memory_space<vmem>>[vector<16xi32>, vector<16xi32>], vector<16xf32>,
        %get3A_894 = arith.constant 16 : index
        %get3A_895 = tpu.vector_load %arg18[%get3A_894] {strides = array<i32>} : memref<128xi32, #tpu.memory_space<vmem>>, vector<16xi32>,
        %shift_right_logical3A_896 = arith.constant 7 : i32
        %shift_right_logical3A_897 = vector.broadcast %shift_right_logical3A_896 : i32 to vector<16xi32>
        %shift_right_logical3A_898 = arith.shrui %get3A_895, %shift_right_logical3A_897 : vector<16xi32>
        %and3A_899 = arith.constant 127 : i32
        %and3A_900 = vector.broadcast %and3A_899 : i32 to vector<16xi32>
        %and3A_901 = arith.andi %get3A_895, %and3A_900 : vector<16xi32>
        tpu.vector_store_idx %arg26[%shift_right_logical3A_898, %and3A_901], %broadcast_in_dim3A_2 {add = true} : memref<80x128xf32, #tpu.memory_space<vmem>>[vector<16xi32>, vector<16xi32>], vector<16xf32>,
        %get3A_902 = arith.constant 32 : index
        %get3A_903 = tpu.vector_load %arg18[%get3A_902] {strides = array<i32>} : memref<128xi32, #tpu.memory_space<vmem>>, vector<16xi32>,
        %shift_right_logical3A_904 = arith.constant 7 : i32
        %shift_right_logical3A_905 = vector.broadcast %shift_right_logical3A_904 : i32 to vector<16xi32>
        %shift_right_logical3A_906 = arith.shrui %get3A_903, %shift_right_logical3A_905 : vector<16xi32>
        %and3A_907 = arith.constant 127 : i32
        %and3A_908 = vector.broadcast %and3A_907 : i32 to vector<16xi32>
        %and3A_909 = arith.andi %get3A_903, %and3A_908 : vector<16xi32>
        tpu.vector_store_idx %arg26[%shift_right_logical3A_906, %and3A_909], %broadcast_in_dim3A_2 {add = true} : memref<80x128xf32, #tpu.memory_space<vmem>>[vector<16xi32>, vector<16xi32>], vector<16xf32>,
        %get3A_910 = arith.constant 48 : index
        %get3A_911 = tpu.vector_load %arg18[%get3A_910] {strides = array<i32>} : memref<128xi32, #tpu.memory_space<vmem>>, vector<16xi32>,
        %shift_right_logical3A_912 = arith.constant 7 : i32
        %shift_right_logical3A_913 = vector.broadcast %shift_right_logical3A_912 : i32 to vector<16xi32>
        %shift_right_logical3A_914 = arith.shrui %get3A_911, %shift_right_logical3A_913 : vector<16xi32>
        %and3A_915 = arith.constant 127 : i32
        %and3A_916 = vector.broadcast %and3A_915 : i32 to vector<16xi32>
        %and3A_917 = arith.andi %get3A_911, %and3A_916 : vector<16xi32>
        tpu.vector_store_idx %arg26[%shift_right_logical3A_914, %and3A_917], %broadcast_in_dim3A_2 {add = true} : memref<80x128xf32, #tpu.memory_space<vmem>>[vector<16xi32>, vector<16xi32>], vector<16xf32>,
        %get3A_918 = arith.constant 64 : index
        %get3A_919 = tpu.vector_load %arg18[%get3A_918] {strides = array<i32>} : memref<128xi32, #tpu.memory_space<vmem>>, vector<16xi32>,
        %shift_right_logical3A_920 = arith.constant 7 : i32
        %shift_right_logical3A_921 = vector.broadcast %shift_right_logical3A_920 : i32 to vector<16xi32>
        %shift_right_logical3A_922 = arith.shrui %get3A_919, %shift_right_logical3A_921 : vector<16xi32>
        %and3A_923 = arith.constant 127 : i32
        %and3A_924 = vector.broadcast %and3A_923 : i32 to vector<16xi32>
        %and3A_925 = arith.andi %get3A_919, %and3A_924 : vector<16xi32>
        tpu.vector_store_idx %arg26[%shift_right_logical3A_922, %and3A_925], %broadcast_in_dim3A_2 {add = true} : memref<80x128xf32, #tpu.memory_space<vmem>>[vector<16xi32>, vector<16xi32>], vector<16xf32>,
        %get3A_926 = arith.constant 80 : index
        %get3A_927 = tpu.vector_load %arg18[%get3A_926] {strides = array<i32>} : memref<128xi32, #tpu.memory_space<vmem>>, vector<16xi32>,
        %shift_right_logical3A_928 = arith.constant 7 : i32
        %shift_right_logical3A_929 = vector.broadcast %shift_right_logical3A_928 : i32 to vector<16xi32>
        %shift_right_logical3A_930 = arith.shrui %get3A_927, %shift_right_logical3A_929 : vector<16xi32>
        %and3A_931 = arith.constant 127 : i32
        %and3A_932 = vector.broadcast %and3A_931 : i32 to vector<16xi32>
        %and3A_933 = arith.andi %get3A_927, %and3A_932 : vector<16xi32>
        tpu.vector_store_idx %arg26[%shift_right_logical3A_930, %and3A_933], %broadcast_in_dim3A_2 {add = true} : memref<80x128xf32, #tpu.memory_space<vmem>>[vector<16xi32>, vector<16xi32>], vector<16xf32>,
        %get3A_934 = arith.constant 96 : index
        %get3A_935 = tpu.vector_load %arg18[%get3A_934] {strides = array<i32>} : memref<128xi32, #tpu.memory_space<vmem>>, vector<16xi32>,
        %shift_right_logical3A_936 = arith.constant 7 : i32
        %shift_right_logical3A_937 = vector.broadcast %shift_right_logical3A_936 : i32 to vector<16xi32>
        %shift_right_logical3A_938 = arith.shrui %get3A_935, %shift_right_logical3A_937 : vector<16xi32>
        %and3A_939 = arith.constant 127 : i32
        %and3A_940 = vector.broadcast %and3A_939 : i32 to vector<16xi32>
        %and3A_941 = arith.andi %get3A_935, %and3A_940 : vector<16xi32>
        tpu.vector_store_idx %arg26[%shift_right_logical3A_938, %and3A_941], %broadcast_in_dim3A_2 {add = true} : memref<80x128xf32, #tpu.memory_space<vmem>>[vector<16xi32>, vector<16xi32>], vector<16xf32>,
        %get3A_942 = arith.constant 112 : index
        %get3A_943 = tpu.vector_load %arg18[%get3A_942] {strides = array<i32>} : memref<128xi32, #tpu.memory_space<vmem>>, vector<16xi32>,
        %shift_right_logical3A_944 = arith.constant 7 : i32
        %shift_right_logical3A_945 = vector.broadcast %shift_right_logical3A_944 : i32 to vector<16xi32>
        %shift_right_logical3A_946 = arith.shrui %get3A_943, %shift_right_logical3A_945 : vector<16xi32>
        %and3A_947 = arith.constant 127 : i32
        %and3A_948 = vector.broadcast %and3A_947 : i32 to vector<16xi32>
        %and3A_949 = arith.andi %get3A_943, %and3A_948 : vector<16xi32>
        tpu.vector_store_idx %arg26[%shift_right_logical3A_946, %and3A_949], %broadcast_in_dim3A_2 {add = true} : memref<80x128xf32, #tpu.memory_space<vmem>>[vector<16xi32>, vector<16xi32>], vector<16xf32>,
        %add3A_950 = arith.constant 4 : i32
        %add3A_951 = arith.addi %add3A_868, %add3A_950 : i32
        %add3A_952 = arith.constant 1 : i32
        %add3A_953 = arith.addi %add3A_951, %add3A_952 : i32
        %le3A_954 = arith.constant 159 : i32
        %le3A_955 = arith.cmpi sle, %add3A_953, %le3A_954 : i32
        %convert_element_type3A_956 = arith.extui %le3A_955 : i1 to i32
        %cond3A_957 = arith.constant 0 : i32
        %cond3A_958 = arith.cmpi ne, %convert_element_type3A_956, %cond3A_957 : i32
        scf.if %cond3A_958 {
          %add3A_1251 = arith.constant 4 : i32
          %add3A_1252 = arith.addi %add3A_868, %add3A_1251 : i32
          %add3A_1253 = arith.constant 1 : i32
          %add3A_1254 = arith.addi %add3A_1252, %add3A_1253 : i32
          %dma_start3A_1255 = arith.constant 0 : i32
          %dma_start3A_1256 = tpu.memref_slice %arg4[%arg1, %add3A_1254, %dma_start3A_1255] : memref<16x160x128xi32, #tpu.memory_space<hbm>> -> memref<1x1x128xi32, #tpu.memory_space<hbm>>
          %dma_start3A_1257 = tpu.memref_squeeze %dma_start3A_1256 : memref<1x1x128xi32, #tpu.memory_space<hbm>> -> memref<128xi32, #tpu.memory_space<hbm>>
          %dma_start3A_1258 = arith.constant 0 : i32
          %dma_start3A_1259 = tpu.memref_slice %arg4[%arg1, %add3A_1254, %dma_start3A_1258] : memref<16x160x128xi32, #tpu.memory_space<hbm>> -> memref<1x1x128xi32, #tpu.memory_space<hbm>>
          %dma_start3A_1260 = tpu.memref_squeeze %dma_start3A_1259 : memref<1x1x128xi32, #tpu.memory_space<hbm>> -> memref<128xi32, #tpu.memory_space<hbm>>
          tpu.enqueue_dma source(%dma_start3A_1260 : memref<128xi32, #tpu.memory_space<hbm>>) target(%arg11 : memref<128xi32, #tpu.memory_space<vmem>>) target_semaphore(%arg33 : memref<!tpu.dma_semaphore, #tpu.memory_space<semaphore_mem>>)
        } else {
        }
        %mul3A_959 = arith.constant 4 : i32
        %mul3A_960 = arith.muli %scan3A_863, %mul3A_959 : i32
        %add3A_961 = arith.constant 1 : i32
        %add3A_962 = arith.addi %mul3A_960, %add3A_961 : i32
        %sub3A_963 = arith.constant 3 : i32
        %sub3A_964 = arith.subi %add3A_962, %sub3A_963 : i32
        %ge3A_965 = arith.constant 0 : i32
        %ge3A_966 = arith.cmpi sge, %sub3A_964, %ge3A_965 : i32
        %convert_element_type3A_967 = arith.extui %ge3A_966 : i1 to i32
        %cond3A_968 = arith.constant 0 : i32
        %cond3A_969 = arith.cmpi ne, %convert_element_type3A_967, %cond3A_968 : i32
        scf.if %cond3A_969 {
          %dma_wait3A_1251 = arith.constant 0 : i32
          %dma_wait3A_1252 = arith.constant 0 : i32
          %dma_wait3A_1253 = tpu.memref_slice %arg30[%dma_wait3A_1251, %dma_wait3A_1252] : memref<10240x128xbf16, #tpu.memory_space<vmem_shared>> -> memref<10240x128xbf16, #tpu.memory_space<vmem_shared>>
          tpu.wait_indirect_dma semaphore(%arg42 : memref<!tpu.dma_semaphore, #tpu.memory_space<semaphore_mem>>) src(%arg24 : memref<128x128xbf16, #tpu.memory_space<vmem>>) dst(%dma_wait3A_1253 : memref<10240x128xbf16, #tpu.memory_space<vmem_shared>>)
        } else {
        }
        %add3A_970 = arith.constant 1 : i32
        %add3A_971 = arith.addi %add3A_962, %add3A_970 : i32
        %le3A_972 = arith.constant 159 : i32
        %le3A_973 = arith.cmpi sle, %add3A_971, %le3A_972 : i32
        %convert_element_type3A_974 = arith.extui %le3A_973 : i1 to i32
        %cond3A_975 = arith.constant 0 : i32
        %cond3A_976 = arith.cmpi ne, %convert_element_type3A_974, %cond3A_975 : i32
        scf.if %cond3A_976 {
          %add3A_1251 = arith.constant 1 : i32
          %add3A_1252 = arith.addi %add3A_962, %add3A_1251 : i32
          %dma_wait3A_1253 = arith.constant 0 : i32
          %dma_wait3A_1254 = tpu.memref_slice %arg4[%arg1, %add3A_1252, %dma_wait3A_1253] : memref<16x160x128xi32, #tpu.memory_space<hbm>> -> memref<1x1x128xi32, #tpu.memory_space<hbm>>
          %dma_wait3A_1255 = tpu.memref_squeeze %dma_wait3A_1254 : memref<1x1x128xi32, #tpu.memory_space<hbm>> -> memref<128xi32, #tpu.memory_space<hbm>>
          %dma_wait3A_1256 = arith.constant 0 : i32
          %dma_wait3A_1257 = tpu.memref_slice %arg4[%arg1, %add3A_1252, %dma_wait3A_1256] : memref<16x160x128xi32, #tpu.memory_space<hbm>> -> memref<1x1x128xi32, #tpu.memory_space<hbm>>
          %dma_wait3A_1258 = tpu.memref_squeeze %dma_wait3A_1257 : memref<1x1x128xi32, #tpu.memory_space<hbm>> -> memref<128xi32, #tpu.memory_space<hbm>>
          tpu.wait_dma2 semaphore(%arg34 : memref<!tpu.dma_semaphore, #tpu.memory_space<semaphore_mem>>) src(%dma_wait3A_1258 : memref<128xi32, #tpu.memory_space<hbm>>) dst(%arg12 : memref<128xi32, #tpu.memory_space<vmem>>)
          %get3A_1259 = arith.constant 0 : index
          %get3A_1260 = tpu.vector_load %arg12[%get3A_1259] {strides = array<i32>} : memref<128xi32, #tpu.memory_space<vmem>>, vector<16xi32>,
          %and3A_1261 = arith.constant 16383 : i32
          %and3A_1262 = vector.broadcast %and3A_1261 : i32 to vector<16xi32>
          %and3A_1263 = arith.andi %get3A_1260, %and3A_1262 : vector<16xi32>
          %swap3A_1264 = arith.constant 0 : index
          %swap3A_1265 = tpu.vector_load %arg16[%swap3A_1264] {strides = array<i32>} : memref<128xi32, #tpu.memory_space<vmem>>, vector<16xi32>,
          tpu.vector_store %arg16[%swap3A_1264], %and3A_1263 {strides = array<i32>} : memref<128xi32, #tpu.memory_space<vmem>>, vector<16xi32>,
          %shift_right_logical3A_1266 = arith.constant 14 : i32
          %shift_right_logical3A_1267 = vector.broadcast %shift_right_logical3A_1266 : i32 to vector<16xi32>
          %shift_right_logical3A_1268 = arith.shrui %get3A_1260, %shift_right_logical3A_1267 : vector<16xi32>
          %swap3A_1269 = arith.constant 0 : index
          %swap3A_1270 = tpu.vector_load %arg20[%swap3A_1269] {strides = array<i32>} : memref<128xi32, #tpu.memory_space<vmem>>, vector<16xi32>,
          tpu.vector_store %arg20[%swap3A_1269], %shift_right_logical3A_1268 {strides = array<i32>} : memref<128xi32, #tpu.memory_space<vmem>>, vector<16xi32>,
          %get3A_1271 = arith.constant 16 : index
          %get3A_1272 = tpu.vector_load %arg12[%get3A_1271] {strides = array<i32>} : memref<128xi32, #tpu.memory_space<vmem>>, vector<16xi32>,
          %and3A_1273 = arith.constant 16383 : i32
          %and3A_1274 = vector.broadcast %and3A_1273 : i32 to vector<16xi32>
          %and3A_1275 = arith.andi %get3A_1272, %and3A_1274 : vector<16xi32>
          %swap3A_1276 = arith.constant 16 : index
          %swap3A_1277 = tpu.vector_load %arg16[%swap3A_1276] {strides = array<i32>} : memref<128xi32, #tpu.memory_space<vmem>>, vector<16xi32>,
          tpu.vector_store %arg16[%swap3A_1276], %and3A_1275 {strides = array<i32>} : memref<128xi32, #tpu.memory_space<vmem>>, vector<16xi32>,
          %shift_right_logical3A_1278 = arith.constant 14 : i32
          %shift_right_logical3A_1279 = vector.broadcast %shift_right_logical3A_1278 : i32 to vector<16xi32>
          %shift_right_logical3A_1280 = arith.shrui %get3A_1272, %shift_right_logical3A_1279 : vector<16xi32>
          %swap3A_1281 = arith.constant 16 : index
          %swap3A_1282 = tpu.vector_load %arg20[%swap3A_1281] {strides = array<i32>} : memref<128xi32, #tpu.memory_space<vmem>>, vector<16xi32>,
          tpu.vector_store %arg20[%swap3A_1281], %shift_right_logical3A_1280 {strides = array<i32>} : memref<128xi32, #tpu.memory_space<vmem>>, vector<16xi32>,
          %get3A_1283 = arith.constant 32 : index
          %get3A_1284 = tpu.vector_load %arg12[%get3A_1283] {strides = array<i32>} : memref<128xi32, #tpu.memory_space<vmem>>, vector<16xi32>,
          %and3A_1285 = arith.constant 16383 : i32
          %and3A_1286 = vector.broadcast %and3A_1285 : i32 to vector<16xi32>
          %and3A_1287 = arith.andi %get3A_1284, %and3A_1286 : vector<16xi32>
          %swap3A_1288 = arith.constant 32 : index
          %swap3A_1289 = tpu.vector_load %arg16[%swap3A_1288] {strides = array<i32>} : memref<128xi32, #tpu.memory_space<vmem>>, vector<16xi32>,
          tpu.vector_store %arg16[%swap3A_1288], %and3A_1287 {strides = array<i32>} : memref<128xi32, #tpu.memory_space<vmem>>, vector<16xi32>,
          %shift_right_logical3A_1290 = arith.constant 14 : i32
          %shift_right_logical3A_1291 = vector.broadcast %shift_right_logical3A_1290 : i32 to vector<16xi32>
          %shift_right_logical3A_1292 = arith.shrui %get3A_1284, %shift_right_logical3A_1291 : vector<16xi32>
          %swap3A_1293 = arith.constant 32 : index
          %swap3A_1294 = tpu.vector_load %arg20[%swap3A_1293] {strides = array<i32>} : memref<128xi32, #tpu.memory_space<vmem>>, vector<16xi32>,
          tpu.vector_store %arg20[%swap3A_1293], %shift_right_logical3A_1292 {strides = array<i32>} : memref<128xi32, #tpu.memory_space<vmem>>, vector<16xi32>,
          %get3A_1295 = arith.constant 48 : index
          %get3A_1296 = tpu.vector_load %arg12[%get3A_1295] {strides = array<i32>} : memref<128xi32, #tpu.memory_space<vmem>>, vector<16xi32>,
          %and3A_1297 = arith.constant 16383 : i32
          %and3A_1298 = vector.broadcast %and3A_1297 : i32 to vector<16xi32>
          %and3A_1299 = arith.andi %get3A_1296, %and3A_1298 : vector<16xi32>
          %swap3A_1300 = arith.constant 48 : index
          %swap3A_1301 = tpu.vector_load %arg16[%swap3A_1300] {strides = array<i32>} : memref<128xi32, #tpu.memory_space<vmem>>, vector<16xi32>,
          tpu.vector_store %arg16[%swap3A_1300], %and3A_1299 {strides = array<i32>} : memref<128xi32, #tpu.memory_space<vmem>>, vector<16xi32>,
          %shift_right_logical3A_1302 = arith.constant 14 : i32
          %shift_right_logical3A_1303 = vector.broadcast %shift_right_logical3A_1302 : i32 to vector<16xi32>
          %shift_right_logical3A_1304 = arith.shrui %get3A_1296, %shift_right_logical3A_1303 : vector<16xi32>
          %swap3A_1305 = arith.constant 48 : index
          %swap3A_1306 = tpu.vector_load %arg20[%swap3A_1305] {strides = array<i32>} : memref<128xi32, #tpu.memory_space<vmem>>, vector<16xi32>,
          tpu.vector_store %arg20[%swap3A_1305], %shift_right_logical3A_1304 {strides = array<i32>} : memref<128xi32, #tpu.memory_space<vmem>>, vector<16xi32>,
          %get3A_1307 = arith.constant 64 : index
          %get3A_1308 = tpu.vector_load %arg12[%get3A_1307] {strides = array<i32>} : memref<128xi32, #tpu.memory_space<vmem>>, vector<16xi32>,
          %and3A_1309 = arith.constant 16383 : i32
          %and3A_1310 = vector.broadcast %and3A_1309 : i32 to vector<16xi32>
          %and3A_1311 = arith.andi %get3A_1308, %and3A_1310 : vector<16xi32>
          %swap3A_1312 = arith.constant 64 : index
          %swap3A_1313 = tpu.vector_load %arg16[%swap3A_1312] {strides = array<i32>} : memref<128xi32, #tpu.memory_space<vmem>>, vector<16xi32>,
          tpu.vector_store %arg16[%swap3A_1312], %and3A_1311 {strides = array<i32>} : memref<128xi32, #tpu.memory_space<vmem>>, vector<16xi32>,
          %shift_right_logical3A_1314 = arith.constant 14 : i32
          %shift_right_logical3A_1315 = vector.broadcast %shift_right_logical3A_1314 : i32 to vector<16xi32>
          %shift_right_logical3A_1316 = arith.shrui %get3A_1308, %shift_right_logical3A_1315 : vector<16xi32>
          %swap3A_1317 = arith.constant 64 : index
          %swap3A_1318 = tpu.vector_load %arg20[%swap3A_1317] {strides = array<i32>} : memref<128xi32, #tpu.memory_space<vmem>>, vector<16xi32>,
          tpu.vector_store %arg20[%swap3A_1317], %shift_right_logical3A_1316 {strides = array<i32>} : memref<128xi32, #tpu.memory_space<vmem>>, vector<16xi32>,
          %get3A_1319 = arith.constant 80 : index
          %get3A_1320 = tpu.vector_load %arg12[%get3A_1319] {strides = array<i32>} : memref<128xi32, #tpu.memory_space<vmem>>, vector<16xi32>,
          %and3A_1321 = arith.constant 16383 : i32
          %and3A_1322 = vector.broadcast %and3A_1321 : i32 to vector<16xi32>
          %and3A_1323 = arith.andi %get3A_1320, %and3A_1322 : vector<16xi32>
          %swap3A_1324 = arith.constant 80 : index
          %swap3A_1325 = tpu.vector_load %arg16[%swap3A_1324] {strides = array<i32>} : memref<128xi32, #tpu.memory_space<vmem>>, vector<16xi32>,
          tpu.vector_store %arg16[%swap3A_1324], %and3A_1323 {strides = array<i32>} : memref<128xi32, #tpu.memory_space<vmem>>, vector<16xi32>,
          %shift_right_logical3A_1326 = arith.constant 14 : i32
          %shift_right_logical3A_1327 = vector.broadcast %shift_right_logical3A_1326 : i32 to vector<16xi32>
          %shift_right_logical3A_1328 = arith.shrui %get3A_1320, %shift_right_logical3A_1327 : vector<16xi32>
          %swap3A_1329 = arith.constant 80 : index
          %swap3A_1330 = tpu.vector_load %arg20[%swap3A_1329] {strides = array<i32>} : memref<128xi32, #tpu.memory_space<vmem>>, vector<16xi32>,
          tpu.vector_store %arg20[%swap3A_1329], %shift_right_logical3A_1328 {strides = array<i32>} : memref<128xi32, #tpu.memory_space<vmem>>, vector<16xi32>,
          %get3A_1331 = arith.constant 96 : index
          %get3A_1332 = tpu.vector_load %arg12[%get3A_1331] {strides = array<i32>} : memref<128xi32, #tpu.memory_space<vmem>>, vector<16xi32>,
          %and3A_1333 = arith.constant 16383 : i32
          %and3A_1334 = vector.broadcast %and3A_1333 : i32 to vector<16xi32>
          %and3A_1335 = arith.andi %get3A_1332, %and3A_1334 : vector<16xi32>
          %swap3A_1336 = arith.constant 96 : index
          %swap3A_1337 = tpu.vector_load %arg16[%swap3A_1336] {strides = array<i32>} : memref<128xi32, #tpu.memory_space<vmem>>, vector<16xi32>,
          tpu.vector_store %arg16[%swap3A_1336], %and3A_1335 {strides = array<i32>} : memref<128xi32, #tpu.memory_space<vmem>>, vector<16xi32>,
          %shift_right_logical3A_1338 = arith.constant 14 : i32
          %shift_right_logical3A_1339 = vector.broadcast %shift_right_logical3A_1338 : i32 to vector<16xi32>
          %shift_right_logical3A_1340 = arith.shrui %get3A_1332, %shift_right_logical3A_1339 : vector<16xi32>
          %swap3A_1341 = arith.constant 96 : index
          %swap3A_1342 = tpu.vector_load %arg20[%swap3A_1341] {strides = array<i32>} : memref<128xi32, #tpu.memory_space<vmem>>, vector<16xi32>,
          tpu.vector_store %arg20[%swap3A_1341], %shift_right_logical3A_1340 {strides = array<i32>} : memref<128xi32, #tpu.memory_space<vmem>>, vector<16xi32>,
          %get3A_1343 = arith.constant 112 : index
          %get3A_1344 = tpu.vector_load %arg12[%get3A_1343] {strides = array<i32>} : memref<128xi32, #tpu.memory_space<vmem>>, vector<16xi32>,
          %and3A_1345 = arith.constant 16383 : i32
          %and3A_1346 = vector.broadcast %and3A_1345 : i32 to vector<16xi32>
          %and3A_1347 = arith.andi %get3A_1344, %and3A_1346 : vector<16xi32>
          %swap3A_1348 = arith.constant 112 : index
          %swap3A_1349 = tpu.vector_load %arg16[%swap3A_1348] {strides = array<i32>} : memref<128xi32, #tpu.memory_space<vmem>>, vector<16xi32>,
          tpu.vector_store %arg16[%swap3A_1348], %and3A_1347 {strides = array<i32>} : memref<128xi32, #tpu.memory_space<vmem>>, vector<16xi32>,
          %shift_right_logical3A_1350 = arith.constant 14 : i32
          %shift_right_logical3A_1351 = vector.broadcast %shift_right_logical3A_1350 : i32 to vector<16xi32>
          %shift_right_logical3A_1352 = arith.shrui %get3A_1344, %shift_right_logical3A_1351 : vector<16xi32>
          %swap3A_1353 = arith.constant 112 : index
          %swap3A_1354 = tpu.vector_load %arg20[%swap3A_1353] {strides = array<i32>} : memref<128xi32, #tpu.memory_space<vmem>>, vector<16xi32>,
          tpu.vector_store %arg20[%swap3A_1353], %shift_right_logical3A_1352 {strides = array<i32>} : memref<128xi32, #tpu.memory_space<vmem>>, vector<16xi32>,
          %dma_start3A_1355 = arith.constant 0 : i32
          %dma_start3A_1356 = arith.constant 0 : i32
          %dma_start3A_1357 = tpu.memref_slice %arg2[%dma_start3A_1355, %dma_start3A_1356] : memref<10000x128xbf16, #tpu.memory_space<hbm>> -> memref<10000x128xbf16, #tpu.memory_space<hbm>>
          tpu.enqueue_indirect_dma source(%dma_start3A_1357 : memref<10000x128xbf16, #tpu.memory_space<hbm>>) target(%arg24 : memref<128x128xbf16, #tpu.memory_space<vmem>>) offsets(%arg16 : memref<128xi32, #tpu.memory_space<vmem>>) semaphore(%arg38 : memref<!tpu.dma_semaphore, #tpu.memory_space<semaphore_mem>>)
        } else {
        }
        %dma_wait3A_977 = arith.constant 0 : i32
        %dma_wait3A_978 = arith.constant 0 : i32
        %dma_wait3A_979 = tpu.memref_slice %arg2[%dma_wait3A_977, %dma_wait3A_978] : memref<10000x128xbf16, #tpu.memory_space<hbm>> -> memref<10000x128xbf16, #tpu.memory_space<hbm>>
        tpu.wait_indirect_dma semaphore(%arg37 : memref<!tpu.dma_semaphore, #tpu.memory_space<semaphore_mem>>) src(%dma_wait3A_979 : memref<10000x128xbf16, #tpu.memory_space<hbm>>) dst(%arg23 : memref<128x128xbf16, #tpu.memory_space<vmem>>)
        %dma_start3A_980 = arith.constant 0 : i32
        %dma_start3A_981 = arith.constant 0 : i32
        %dma_start3A_982 = tpu.memref_slice %arg30[%dma_start3A_980, %dma_start3A_981] : memref<10240x128xbf16, #tpu.memory_space<vmem_shared>> -> memref<10240x128xbf16, #tpu.memory_space<vmem_shared>>
        tpu.enqueue_indirect_dma source(%arg23 : memref<128x128xbf16, #tpu.memory_space<vmem>>) target(%dma_start3A_982 : memref<10240x128xbf16, #tpu.memory_space<vmem_shared>>) offsets(%arg19 : memref<128xi32, #tpu.memory_space<vmem>>) semaphore(%arg41 : memref<!tpu.dma_semaphore, #tpu.memory_space<semaphore_mem>>) {add = true}
        %get3A_983 = arith.constant 0 : index
        %get3A_984 = tpu.vector_load %arg19[%get3A_983] {strides = array<i32>} : memref<128xi32, #tpu.memory_space<vmem>>, vector<16xi32>,
        %shift_right_logical3A_985 = arith.constant 7 : i32
        %shift_right_logical3A_986 = vector.broadcast %shift_right_logical3A_985 : i32 to vector<16xi32>
        %shift_right_logical3A_987 = arith.shrui %get3A_984, %shift_right_logical3A_986 : vector<16xi32>
        %and3A_988 = arith.constant 127 : i32
        %and3A_989 = vector.broadcast %and3A_988 : i32 to vector<16xi32>
        %and3A_990 = arith.andi %get3A_984, %and3A_989 : vector<16xi32>
        tpu.vector_store_idx %arg26[%shift_right_logical3A_987, %and3A_990], %broadcast_in_dim3A_2 {add = true} : memref<80x128xf32, #tpu.memory_space<vmem>>[vector<16xi32>, vector<16xi32>], vector<16xf32>,
        %get3A_991 = arith.constant 16 : index
        %get3A_992 = tpu.vector_load %arg19[%get3A_991] {strides = array<i32>} : memref<128xi32, #tpu.memory_space<vmem>>, vector<16xi32>,
        %shift_right_logical3A_993 = arith.constant 7 : i32
        %shift_right_logical3A_994 = vector.broadcast %shift_right_logical3A_993 : i32 to vector<16xi32>
        %shift_right_logical3A_995 = arith.shrui %get3A_992, %shift_right_logical3A_994 : vector<16xi32>
        %and3A_996 = arith.constant 127 : i32
        %and3A_997 = vector.broadcast %and3A_996 : i32 to vector<16xi32>
        %and3A_998 = arith.andi %get3A_992, %and3A_997 : vector<16xi32>
        tpu.vector_store_idx %arg26[%shift_right_logical3A_995, %and3A_998], %broadcast_in_dim3A_2 {add = true} : memref<80x128xf32, #tpu.memory_space<vmem>>[vector<16xi32>, vector<16xi32>], vector<16xf32>,
        %get3A_999 = arith.constant 32 : index
        %get3A_1000 = tpu.vector_load %arg19[%get3A_999] {strides = array<i32>} : memref<128xi32, #tpu.memory_space<vmem>>, vector<16xi32>,
        %shift_right_logical3A_1001 = arith.constant 7 : i32
        %shift_right_logical3A_1002 = vector.broadcast %shift_right_logical3A_1001 : i32 to vector<16xi32>
        %shift_right_logical3A_1003 = arith.shrui %get3A_1000, %shift_right_logical3A_1002 : vector<16xi32>
        %and3A_1004 = arith.constant 127 : i32
        %and3A_1005 = vector.broadcast %and3A_1004 : i32 to vector<16xi32>
        %and3A_1006 = arith.andi %get3A_1000, %and3A_1005 : vector<16xi32>
        tpu.vector_store_idx %arg26[%shift_right_logical3A_1003, %and3A_1006], %broadcast_in_dim3A_2 {add = true} : memref<80x128xf32, #tpu.memory_space<vmem>>[vector<16xi32>, vector<16xi32>], vector<16xf32>,
        %get3A_1007 = arith.constant 48 : index
        %get3A_1008 = tpu.vector_load %arg19[%get3A_1007] {strides = array<i32>} : memref<128xi32, #tpu.memory_space<vmem>>, vector<16xi32>,
        %shift_right_logical3A_1009 = arith.constant 7 : i32
        %shift_right_logical3A_1010 = vector.broadcast %shift_right_logical3A_1009 : i32 to vector<16xi32>
        %shift_right_logical3A_1011 = arith.shrui %get3A_1008, %shift_right_logical3A_1010 : vector<16xi32>
        %and3A_1012 = arith.constant 127 : i32
        %and3A_1013 = vector.broadcast %and3A_1012 : i32 to vector<16xi32>
        %and3A_1014 = arith.andi %get3A_1008, %and3A_1013 : vector<16xi32>
        tpu.vector_store_idx %arg26[%shift_right_logical3A_1011, %and3A_1014], %broadcast_in_dim3A_2 {add = true} : memref<80x128xf32, #tpu.memory_space<vmem>>[vector<16xi32>, vector<16xi32>], vector<16xf32>,
        %get3A_1015 = arith.constant 64 : index
        %get3A_1016 = tpu.vector_load %arg19[%get3A_1015] {strides = array<i32>} : memref<128xi32, #tpu.memory_space<vmem>>, vector<16xi32>,
        %shift_right_logical3A_1017 = arith.constant 7 : i32
        %shift_right_logical3A_1018 = vector.broadcast %shift_right_logical3A_1017 : i32 to vector<16xi32>
        %shift_right_logical3A_1019 = arith.shrui %get3A_1016, %shift_right_logical3A_1018 : vector<16xi32>
        %and3A_1020 = arith.constant 127 : i32
        %and3A_1021 = vector.broadcast %and3A_1020 : i32 to vector<16xi32>
        %and3A_1022 = arith.andi %get3A_1016, %and3A_1021 : vector<16xi32>
        tpu.vector_store_idx %arg26[%shift_right_logical3A_1019, %and3A_1022], %broadcast_in_dim3A_2 {add = true} : memref<80x128xf32, #tpu.memory_space<vmem>>[vector<16xi32>, vector<16xi32>], vector<16xf32>,
        %get3A_1023 = arith.constant 80 : index
        %get3A_1024 = tpu.vector_load %arg19[%get3A_1023] {strides = array<i32>} : memref<128xi32, #tpu.memory_space<vmem>>, vector<16xi32>,
        %shift_right_logical3A_1025 = arith.constant 7 : i32
        %shift_right_logical3A_1026 = vector.broadcast %shift_right_logical3A_1025 : i32 to vector<16xi32>
        %shift_right_logical3A_1027 = arith.shrui %get3A_1024, %shift_right_logical3A_1026 : vector<16xi32>
        %and3A_1028 = arith.constant 127 : i32
        %and3A_1029 = vector.broadcast %and3A_1028 : i32 to vector<16xi32>
        %and3A_1030 = arith.andi %get3A_1024, %and3A_1029 : vector<16xi32>
        tpu.vector_store_idx %arg26[%shift_right_logical3A_1027, %and3A_1030], %broadcast_in_dim3A_2 {add = true} : memref<80x128xf32, #tpu.memory_space<vmem>>[vector<16xi32>, vector<16xi32>], vector<16xf32>,
        %get3A_1031 = arith.constant 96 : index
        %get3A_1032 = tpu.vector_load %arg19[%get3A_1031] {strides = array<i32>} : memref<128xi32, #tpu.memory_space<vmem>>, vector<16xi32>,
        %shift_right_logical3A_1033 = arith.constant 7 : i32
        %shift_right_logical3A_1034 = vector.broadcast %shift_right_logical3A_1033 : i32 to vector<16xi32>
        %shift_right_logical3A_1035 = arith.shrui %get3A_1032, %shift_right_logical3A_1034 : vector<16xi32>
        %and3A_1036 = arith.constant 127 : i32
        %and3A_1037 = vector.broadcast %and3A_1036 : i32 to vector<16xi32>
        %and3A_1038 = arith.andi %get3A_1032, %and3A_1037 : vector<16xi32>
        tpu.vector_store_idx %arg26[%shift_right_logical3A_1035, %and3A_1038], %broadcast_in_dim3A_2 {add = true} : memref<80x128xf32, #tpu.memory_space<vmem>>[vector<16xi32>, vector<16xi32>], vector<16xf32>,
        %get3A_1039 = arith.constant 112 : index
        %get3A_1040 = tpu.vector_load %arg19[%get3A_1039] {strides = array<i32>} : memref<128xi32, #tpu.memory_space<vmem>>, vector<16xi32>,
        %shift_right_logical3A_1041 = arith.constant 7 : i32
        %shift_right_logical3A_1042 = vector.broadcast %shift_right_logical3A_1041 : i32 to vector<16xi32>
        %shift_right_logical3A_1043 = arith.shrui %get3A_1040, %shift_right_logical3A_1042 : vector<16xi32>
        %and3A_1044 = arith.constant 127 : i32
        %and3A_1045 = vector.broadcast %and3A_1044 : i32 to vector<16xi32>
        %and3A_1046 = arith.andi %get3A_1040, %and3A_1045 : vector<16xi32>
        tpu.vector_store_idx %arg26[%shift_right_logical3A_1043, %and3A_1046], %broadcast_in_dim3A_2 {add = true} : memref<80x128xf32, #tpu.memory_space<vmem>>[vector<16xi32>, vector<16xi32>], vector<16xf32>,
        %add3A_1047 = arith.constant 4 : i32
        %add3A_1048 = arith.addi %add3A_962, %add3A_1047 : i32
        %add3A_1049 = arith.constant 1 : i32
        %add3A_1050 = arith.addi %add3A_1048, %add3A_1049 : i32
        %le3A_1051 = arith.constant 159 : i32
        %le3A_1052 = arith.cmpi sle, %add3A_1050, %le3A_1051 : i32
        %convert_element_type3A_1053 = arith.extui %le3A_1052 : i1 to i32
        %cond3A_1054 = arith.constant 0 : i32
        %cond3A_1055 = arith.cmpi ne, %convert_element_type3A_1053, %cond3A_1054 : i32
        scf.if %cond3A_1055 {
          %add3A_1251 = arith.constant 4 : i32
          %add3A_1252 = arith.addi %add3A_962, %add3A_1251 : i32
          %add3A_1253 = arith.constant 1 : i32
          %add3A_1254 = arith.addi %add3A_1252, %add3A_1253 : i32
          %dma_start3A_1255 = arith.constant 0 : i32
          %dma_start3A_1256 = tpu.memref_slice %arg4[%arg1, %add3A_1254, %dma_start3A_1255] : memref<16x160x128xi32, #tpu.memory_space<hbm>> -> memref<1x1x128xi32, #tpu.memory_space<hbm>>
          %dma_start3A_1257 = tpu.memref_squeeze %dma_start3A_1256 : memref<1x1x128xi32, #tpu.memory_space<hbm>> -> memref<128xi32, #tpu.memory_space<hbm>>
          %dma_start3A_1258 = arith.constant 0 : i32
          %dma_start3A_1259 = tpu.memref_slice %arg4[%arg1, %add3A_1254, %dma_start3A_1258] : memref<16x160x128xi32, #tpu.memory_space<hbm>> -> memref<1x1x128xi32, #tpu.memory_space<hbm>>
          %dma_start3A_1260 = tpu.memref_squeeze %dma_start3A_1259 : memref<1x1x128xi32, #tpu.memory_space<hbm>> -> memref<128xi32, #tpu.memory_space<hbm>>
          tpu.enqueue_dma source(%dma_start3A_1260 : memref<128xi32, #tpu.memory_space<hbm>>) target(%arg12 : memref<128xi32, #tpu.memory_space<vmem>>) target_semaphore(%arg34 : memref<!tpu.dma_semaphore, #tpu.memory_space<semaphore_mem>>)
        } else {
        }
        %mul3A_1056 = arith.constant 4 : i32
        %mul3A_1057 = arith.muli %scan3A_863, %mul3A_1056 : i32
        %add3A_1058 = arith.constant 2 : i32
        %add3A_1059 = arith.addi %mul3A_1057, %add3A_1058 : i32
        %sub3A_1060 = arith.constant 3 : i32
        %sub3A_1061 = arith.subi %add3A_1059, %sub3A_1060 : i32
        %ge3A_1062 = arith.constant 0 : i32
        %ge3A_1063 = arith.cmpi sge, %sub3A_1061, %ge3A_1062 : i32
        %convert_element_type3A_1064 = arith.extui %ge3A_1063 : i1 to i32
        %cond3A_1065 = arith.constant 0 : i32
        %cond3A_1066 = arith.cmpi ne, %convert_element_type3A_1064, %cond3A_1065 : i32
        scf.if %cond3A_1066 {
          %dma_wait3A_1251 = arith.constant 0 : i32
          %dma_wait3A_1252 = arith.constant 0 : i32
          %dma_wait3A_1253 = tpu.memref_slice %arg30[%dma_wait3A_1251, %dma_wait3A_1252] : memref<10240x128xbf16, #tpu.memory_space<vmem_shared>> -> memref<10240x128xbf16, #tpu.memory_space<vmem_shared>>
          tpu.wait_indirect_dma semaphore(%arg43 : memref<!tpu.dma_semaphore, #tpu.memory_space<semaphore_mem>>) src(%arg25 : memref<128x128xbf16, #tpu.memory_space<vmem>>) dst(%dma_wait3A_1253 : memref<10240x128xbf16, #tpu.memory_space<vmem_shared>>)
        } else {
        }
        %add3A_1067 = arith.constant 1 : i32
        %add3A_1068 = arith.addi %add3A_1059, %add3A_1067 : i32
        %le3A_1069 = arith.constant 159 : i32
        %le3A_1070 = arith.cmpi sle, %add3A_1068, %le3A_1069 : i32
        %convert_element_type3A_1071 = arith.extui %le3A_1070 : i1 to i32
        %cond3A_1072 = arith.constant 0 : i32
        %cond3A_1073 = arith.cmpi ne, %convert_element_type3A_1071, %cond3A_1072 : i32
        scf.if %cond3A_1073 {
          %add3A_1251 = arith.constant 1 : i32
          %add3A_1252 = arith.addi %add3A_1059, %add3A_1251 : i32
          %dma_wait3A_1253 = arith.constant 0 : i32
          %dma_wait3A_1254 = tpu.memref_slice %arg4[%arg1, %add3A_1252, %dma_wait3A_1253] : memref<16x160x128xi32, #tpu.memory_space<hbm>> -> memref<1x1x128xi32, #tpu.memory_space<hbm>>
          %dma_wait3A_1255 = tpu.memref_squeeze %dma_wait3A_1254 : memref<1x1x128xi32, #tpu.memory_space<hbm>> -> memref<128xi32, #tpu.memory_space<hbm>>
          %dma_wait3A_1256 = arith.constant 0 : i32
          %dma_wait3A_1257 = tpu.memref_slice %arg4[%arg1, %add3A_1252, %dma_wait3A_1256] : memref<16x160x128xi32, #tpu.memory_space<hbm>> -> memref<1x1x128xi32, #tpu.memory_space<hbm>>
          %dma_wait3A_1258 = tpu.memref_squeeze %dma_wait3A_1257 : memref<1x1x128xi32, #tpu.memory_space<hbm>> -> memref<128xi32, #tpu.memory_space<hbm>>
          tpu.wait_dma2 semaphore(%arg35 : memref<!tpu.dma_semaphore, #tpu.memory_space<semaphore_mem>>) src(%dma_wait3A_1258 : memref<128xi32, #tpu.memory_space<hbm>>) dst(%arg13 : memref<128xi32, #tpu.memory_space<vmem>>)
          %get3A_1259 = arith.constant 0 : index
          %get3A_1260 = tpu.vector_load %arg13[%get3A_1259] {strides = array<i32>} : memref<128xi32, #tpu.memory_space<vmem>>, vector<16xi32>,
          %and3A_1261 = arith.constant 16383 : i32
          %and3A_1262 = vector.broadcast %and3A_1261 : i32 to vector<16xi32>
          %and3A_1263 = arith.andi %get3A_1260, %and3A_1262 : vector<16xi32>
          %swap3A_1264 = arith.constant 0 : index
          %swap3A_1265 = tpu.vector_load %arg17[%swap3A_1264] {strides = array<i32>} : memref<128xi32, #tpu.memory_space<vmem>>, vector<16xi32>,
          tpu.vector_store %arg17[%swap3A_1264], %and3A_1263 {strides = array<i32>} : memref<128xi32, #tpu.memory_space<vmem>>, vector<16xi32>,
          %shift_right_logical3A_1266 = arith.constant 14 : i32
          %shift_right_logical3A_1267 = vector.broadcast %shift_right_logical3A_1266 : i32 to vector<16xi32>
          %shift_right_logical3A_1268 = arith.shrui %get3A_1260, %shift_right_logical3A_1267 : vector<16xi32>
          %swap3A_1269 = arith.constant 0 : index
          %swap3A_1270 = tpu.vector_load %arg21[%swap3A_1269] {strides = array<i32>} : memref<128xi32, #tpu.memory_space<vmem>>, vector<16xi32>,
          tpu.vector_store %arg21[%swap3A_1269], %shift_right_logical3A_1268 {strides = array<i32>} : memref<128xi32, #tpu.memory_space<vmem>>, vector<16xi32>,
          %get3A_1271 = arith.constant 16 : index
          %get3A_1272 = tpu.vector_load %arg13[%get3A_1271] {strides = array<i32>} : memref<128xi32, #tpu.memory_space<vmem>>, vector<16xi32>,
          %and3A_1273 = arith.constant 16383 : i32
          %and3A_1274 = vector.broadcast %and3A_1273 : i32 to vector<16xi32>
          %and3A_1275 = arith.andi %get3A_1272, %and3A_1274 : vector<16xi32>
          %swap3A_1276 = arith.constant 16 : index
          %swap3A_1277 = tpu.vector_load %arg17[%swap3A_1276] {strides = array<i32>} : memref<128xi32, #tpu.memory_space<vmem>>, vector<16xi32>,
          tpu.vector_store %arg17[%swap3A_1276], %and3A_1275 {strides = array<i32>} : memref<128xi32, #tpu.memory_space<vmem>>, vector<16xi32>,
          %shift_right_logical3A_1278 = arith.constant 14 : i32
          %shift_right_logical3A_1279 = vector.broadcast %shift_right_logical3A_1278 : i32 to vector<16xi32>
          %shift_right_logical3A_1280 = arith.shrui %get3A_1272, %shift_right_logical3A_1279 : vector<16xi32>
          %swap3A_1281 = arith.constant 16 : index
          %swap3A_1282 = tpu.vector_load %arg21[%swap3A_1281] {strides = array<i32>} : memref<128xi32, #tpu.memory_space<vmem>>, vector<16xi32>,
          tpu.vector_store %arg21[%swap3A_1281], %shift_right_logical3A_1280 {strides = array<i32>} : memref<128xi32, #tpu.memory_space<vmem>>, vector<16xi32>,
          %get3A_1283 = arith.constant 32 : index
          %get3A_1284 = tpu.vector_load %arg13[%get3A_1283] {strides = array<i32>} : memref<128xi32, #tpu.memory_space<vmem>>, vector<16xi32>,
          %and3A_1285 = arith.constant 16383 : i32
          %and3A_1286 = vector.broadcast %and3A_1285 : i32 to vector<16xi32>
          %and3A_1287 = arith.andi %get3A_1284, %and3A_1286 : vector<16xi32>
          %swap3A_1288 = arith.constant 32 : index
          %swap3A_1289 = tpu.vector_load %arg17[%swap3A_1288] {strides = array<i32>} : memref<128xi32, #tpu.memory_space<vmem>>, vector<16xi32>,
          tpu.vector_store %arg17[%swap3A_1288], %and3A_1287 {strides = array<i32>} : memref<128xi32, #tpu.memory_space<vmem>>, vector<16xi32>,
          %shift_right_logical3A_1290 = arith.constant 14 : i32
          %shift_right_logical3A_1291 = vector.broadcast %shift_right_logical3A_1290 : i32 to vector<16xi32>
          %shift_right_logical3A_1292 = arith.shrui %get3A_1284, %shift_right_logical3A_1291 : vector<16xi32>
          %swap3A_1293 = arith.constant 32 : index
          %swap3A_1294 = tpu.vector_load %arg21[%swap3A_1293] {strides = array<i32>} : memref<128xi32, #tpu.memory_space<vmem>>, vector<16xi32>,
          tpu.vector_store %arg21[%swap3A_1293], %shift_right_logical3A_1292 {strides = array<i32>} : memref<128xi32, #tpu.memory_space<vmem>>, vector<16xi32>,
          %get3A_1295 = arith.constant 48 : index
          %get3A_1296 = tpu.vector_load %arg13[%get3A_1295] {strides = array<i32>} : memref<128xi32, #tpu.memory_space<vmem>>, vector<16xi32>,
          %and3A_1297 = arith.constant 16383 : i32
          %and3A_1298 = vector.broadcast %and3A_1297 : i32 to vector<16xi32>
          %and3A_1299 = arith.andi %get3A_1296, %and3A_1298 : vector<16xi32>
          %swap3A_1300 = arith.constant 48 : index
          %swap3A_1301 = tpu.vector_load %arg17[%swap3A_1300] {strides = array<i32>} : memref<128xi32, #tpu.memory_space<vmem>>, vector<16xi32>,
          tpu.vector_store %arg17[%swap3A_1300], %and3A_1299 {strides = array<i32>} : memref<128xi32, #tpu.memory_space<vmem>>, vector<16xi32>,
          %shift_right_logical3A_1302 = arith.constant 14 : i32
          %shift_right_logical3A_1303 = vector.broadcast %shift_right_logical3A_1302 : i32 to vector<16xi32>
          %shift_right_logical3A_1304 = arith.shrui %get3A_1296, %shift_right_logical3A_1303 : vector<16xi32>
          %swap3A_1305 = arith.constant 48 : index
          %swap3A_1306 = tpu.vector_load %arg21[%swap3A_1305] {strides = array<i32>} : memref<128xi32, #tpu.memory_space<vmem>>, vector<16xi32>,
          tpu.vector_store %arg21[%swap3A_1305], %shift_right_logical3A_1304 {strides = array<i32>} : memref<128xi32, #tpu.memory_space<vmem>>, vector<16xi32>,
          %get3A_1307 = arith.constant 64 : index
          %get3A_1308 = tpu.vector_load %arg13[%get3A_1307] {strides = array<i32>} : memref<128xi32, #tpu.memory_space<vmem>>, vector<16xi32>,
          %and3A_1309 = arith.constant 16383 : i32
          %and3A_1310 = vector.broadcast %and3A_1309 : i32 to vector<16xi32>
          %and3A_1311 = arith.andi %get3A_1308, %and3A_1310 : vector<16xi32>
          %swap3A_1312 = arith.constant 64 : index
          %swap3A_1313 = tpu.vector_load %arg17[%swap3A_1312] {strides = array<i32>} : memref<128xi32, #tpu.memory_space<vmem>>, vector<16xi32>,
          tpu.vector_store %arg17[%swap3A_1312], %and3A_1311 {strides = array<i32>} : memref<128xi32, #tpu.memory_space<vmem>>, vector<16xi32>,
          %shift_right_logical3A_1314 = arith.constant 14 : i32
          %shift_right_logical3A_1315 = vector.broadcast %shift_right_logical3A_1314 : i32 to vector<16xi32>
          %shift_right_logical3A_1316 = arith.shrui %get3A_1308, %shift_right_logical3A_1315 : vector<16xi32>
          %swap3A_1317 = arith.constant 64 : index
          %swap3A_1318 = tpu.vector_load %arg21[%swap3A_1317] {strides = array<i32>} : memref<128xi32, #tpu.memory_space<vmem>>, vector<16xi32>,
          tpu.vector_store %arg21[%swap3A_1317], %shift_right_logical3A_1316 {strides = array<i32>} : memref<128xi32, #tpu.memory_space<vmem>>, vector<16xi32>,
          %get3A_1319 = arith.constant 80 : index
          %get3A_1320 = tpu.vector_load %arg13[%get3A_1319] {strides = array<i32>} : memref<128xi32, #tpu.memory_space<vmem>>, vector<16xi32>,
          %and3A_1321 = arith.constant 16383 : i32
          %and3A_1322 = vector.broadcast %and3A_1321 : i32 to vector<16xi32>
          %and3A_1323 = arith.andi %get3A_1320, %and3A_1322 : vector<16xi32>
          %swap3A_1324 = arith.constant 80 : index
          %swap3A_1325 = tpu.vector_load %arg17[%swap3A_1324] {strides = array<i32>} : memref<128xi32, #tpu.memory_space<vmem>>, vector<16xi32>,
          tpu.vector_store %arg17[%swap3A_1324], %and3A_1323 {strides = array<i32>} : memref<128xi32, #tpu.memory_space<vmem>>, vector<16xi32>,
          %shift_right_logical3A_1326 = arith.constant 14 : i32
          %shift_right_logical3A_1327 = vector.broadcast %shift_right_logical3A_1326 : i32 to vector<16xi32>
          %shift_right_logical3A_1328 = arith.shrui %get3A_1320, %shift_right_logical3A_1327 : vector<16xi32>
          %swap3A_1329 = arith.constant 80 : index
          %swap3A_1330 = tpu.vector_load %arg21[%swap3A_1329] {strides = array<i32>} : memref<128xi32, #tpu.memory_space<vmem>>, vector<16xi32>,
          tpu.vector_store %arg21[%swap3A_1329], %shift_right_logical3A_1328 {strides = array<i32>} : memref<128xi32, #tpu.memory_space<vmem>>, vector<16xi32>,
          %get3A_1331 = arith.constant 96 : index
          %get3A_1332 = tpu.vector_load %arg13[%get3A_1331] {strides = array<i32>} : memref<128xi32, #tpu.memory_space<vmem>>, vector<16xi32>,
          %and3A_1333 = arith.constant 16383 : i32
          %and3A_1334 = vector.broadcast %and3A_1333 : i32 to vector<16xi32>
          %and3A_1335 = arith.andi %get3A_1332, %and3A_1334 : vector<16xi32>
          %swap3A_1336 = arith.constant 96 : index
          %swap3A_1337 = tpu.vector_load %arg17[%swap3A_1336] {strides = array<i32>} : memref<128xi32, #tpu.memory_space<vmem>>, vector<16xi32>,
          tpu.vector_store %arg17[%swap3A_1336], %and3A_1335 {strides = array<i32>} : memref<128xi32, #tpu.memory_space<vmem>>, vector<16xi32>,
          %shift_right_logical3A_1338 = arith.constant 14 : i32
          %shift_right_logical3A_1339 = vector.broadcast %shift_right_logical3A_1338 : i32 to vector<16xi32>
          %shift_right_logical3A_1340 = arith.shrui %get3A_1332, %shift_right_logical3A_1339 : vector<16xi32>
          %swap3A_1341 = arith.constant 96 : index
          %swap3A_1342 = tpu.vector_load %arg21[%swap3A_1341] {strides = array<i32>} : memref<128xi32, #tpu.memory_space<vmem>>, vector<16xi32>,
          tpu.vector_store %arg21[%swap3A_1341], %shift_right_logical3A_1340 {strides = array<i32>} : memref<128xi32, #tpu.memory_space<vmem>>, vector<16xi32>,
          %get3A_1343 = arith.constant 112 : index
          %get3A_1344 = tpu.vector_load %arg13[%get3A_1343] {strides = array<i32>} : memref<128xi32, #tpu.memory_space<vmem>>, vector<16xi32>,
          %and3A_1345 = arith.constant 16383 : i32
          %and3A_1346 = vector.broadcast %and3A_1345 : i32 to vector<16xi32>
          %and3A_1347 = arith.andi %get3A_1344, %and3A_1346 : vector<16xi32>
          %swap3A_1348 = arith.constant 112 : index
          %swap3A_1349 = tpu.vector_load %arg17[%swap3A_1348] {strides = array<i32>} : memref<128xi32, #tpu.memory_space<vmem>>, vector<16xi32>,
          tpu.vector_store %arg17[%swap3A_1348], %and3A_1347 {strides = array<i32>} : memref<128xi32, #tpu.memory_space<vmem>>, vector<16xi32>,
          %shift_right_logical3A_1350 = arith.constant 14 : i32
          %shift_right_logical3A_1351 = vector.broadcast %shift_right_logical3A_1350 : i32 to vector<16xi32>
          %shift_right_logical3A_1352 = arith.shrui %get3A_1344, %shift_right_logical3A_1351 : vector<16xi32>
          %swap3A_1353 = arith.constant 112 : index
          %swap3A_1354 = tpu.vector_load %arg21[%swap3A_1353] {strides = array<i32>} : memref<128xi32, #tpu.memory_space<vmem>>, vector<16xi32>,
          tpu.vector_store %arg21[%swap3A_1353], %shift_right_logical3A_1352 {strides = array<i32>} : memref<128xi32, #tpu.memory_space<vmem>>, vector<16xi32>,
          %dma_start3A_1355 = arith.constant 0 : i32
          %dma_start3A_1356 = arith.constant 0 : i32
          %dma_start3A_1357 = tpu.memref_slice %arg2[%dma_start3A_1355, %dma_start3A_1356] : memref<10000x128xbf16, #tpu.memory_space<hbm>> -> memref<10000x128xbf16, #tpu.memory_space<hbm>>
          tpu.enqueue_indirect_dma source(%dma_start3A_1357 : memref<10000x128xbf16, #tpu.memory_space<hbm>>) target(%arg25 : memref<128x128xbf16, #tpu.memory_space<vmem>>) offsets(%arg17 : memref<128xi32, #tpu.memory_space<vmem>>) semaphore(%arg39 : memref<!tpu.dma_semaphore, #tpu.memory_space<semaphore_mem>>)
        } else {
        }
        %dma_wait3A_1074 = arith.constant 0 : i32
        %dma_wait3A_1075 = arith.constant 0 : i32
        %dma_wait3A_1076 = tpu.memref_slice %arg2[%dma_wait3A_1074, %dma_wait3A_1075] : memref<10000x128xbf16, #tpu.memory_space<hbm>> -> memref<10000x128xbf16, #tpu.memory_space<hbm>>
        tpu.wait_indirect_dma semaphore(%arg38 : memref<!tpu.dma_semaphore, #tpu.memory_space<semaphore_mem>>) src(%dma_wait3A_1076 : memref<10000x128xbf16, #tpu.memory_space<hbm>>) dst(%arg24 : memref<128x128xbf16, #tpu.memory_space<vmem>>)
        %dma_start3A_1077 = arith.constant 0 : i32
        %dma_start3A_1078 = arith.constant 0 : i32
        %dma_start3A_1079 = tpu.memref_slice %arg30[%dma_start3A_1077, %dma_start3A_1078] : memref<10240x128xbf16, #tpu.memory_space<vmem_shared>> -> memref<10240x128xbf16, #tpu.memory_space<vmem_shared>>
        tpu.enqueue_indirect_dma source(%arg24 : memref<128x128xbf16, #tpu.memory_space<vmem>>) target(%dma_start3A_1079 : memref<10240x128xbf16, #tpu.memory_space<vmem_shared>>) offsets(%arg20 : memref<128xi32, #tpu.memory_space<vmem>>) semaphore(%arg42 : memref<!tpu.dma_semaphore, #tpu.memory_space<semaphore_mem>>) {add = true}
        %get3A_1080 = arith.constant 0 : index
        %get3A_1081 = tpu.vector_load %arg20[%get3A_1080] {strides = array<i32>} : memref<128xi32, #tpu.memory_space<vmem>>, vector<16xi32>,
        %shift_right_logical3A_1082 = arith.constant 7 : i32
        %shift_right_logical3A_1083 = vector.broadcast %shift_right_logical3A_1082 : i32 to vector<16xi32>
        %shift_right_logical3A_1084 = arith.shrui %get3A_1081, %shift_right_logical3A_1083 : vector<16xi32>
        %and3A_1085 = arith.constant 127 : i32
        %and3A_1086 = vector.broadcast %and3A_1085 : i32 to vector<16xi32>
        %and3A_1087 = arith.andi %get3A_1081, %and3A_1086 : vector<16xi32>
        tpu.vector_store_idx %arg26[%shift_right_logical3A_1084, %and3A_1087], %broadcast_in_dim3A_2 {add = true} : memref<80x128xf32, #tpu.memory_space<vmem>>[vector<16xi32>, vector<16xi32>], vector<16xf32>,
        %get3A_1088 = arith.constant 16 : index
        %get3A_1089 = tpu.vector_load %arg20[%get3A_1088] {strides = array<i32>} : memref<128xi32, #tpu.memory_space<vmem>>, vector<16xi32>,
        %shift_right_logical3A_1090 = arith.constant 7 : i32
        %shift_right_logical3A_1091 = vector.broadcast %shift_right_logical3A_1090 : i32 to vector<16xi32>
        %shift_right_logical3A_1092 = arith.shrui %get3A_1089, %shift_right_logical3A_1091 : vector<16xi32>
        %and3A_1093 = arith.constant 127 : i32
        %and3A_1094 = vector.broadcast %and3A_1093 : i32 to vector<16xi32>
        %and3A_1095 = arith.andi %get3A_1089, %and3A_1094 : vector<16xi32>
        tpu.vector_store_idx %arg26[%shift_right_logical3A_1092, %and3A_1095], %broadcast_in_dim3A_2 {add = true} : memref<80x128xf32, #tpu.memory_space<vmem>>[vector<16xi32>, vector<16xi32>], vector<16xf32>,
        %get3A_1096 = arith.constant 32 : index
        %get3A_1097 = tpu.vector_load %arg20[%get3A_1096] {strides = array<i32>} : memref<128xi32, #tpu.memory_space<vmem>>, vector<16xi32>,
        %shift_right_logical3A_1098 = arith.constant 7 : i32
        %shift_right_logical3A_1099 = vector.broadcast %shift_right_logical3A_1098 : i32 to vector<16xi32>
        %shift_right_logical3A_1100 = arith.shrui %get3A_1097, %shift_right_logical3A_1099 : vector<16xi32>
        %and3A_1101 = arith.constant 127 : i32
        %and3A_1102 = vector.broadcast %and3A_1101 : i32 to vector<16xi32>
        %and3A_1103 = arith.andi %get3A_1097, %and3A_1102 : vector<16xi32>
        tpu.vector_store_idx %arg26[%shift_right_logical3A_1100, %and3A_1103], %broadcast_in_dim3A_2 {add = true} : memref<80x128xf32, #tpu.memory_space<vmem>>[vector<16xi32>, vector<16xi32>], vector<16xf32>,
        %get3A_1104 = arith.constant 48 : index
        %get3A_1105 = tpu.vector_load %arg20[%get3A_1104] {strides = array<i32>} : memref<128xi32, #tpu.memory_space<vmem>>, vector<16xi32>,
        %shift_right_logical3A_1106 = arith.constant 7 : i32
        %shift_right_logical3A_1107 = vector.broadcast %shift_right_logical3A_1106 : i32 to vector<16xi32>
        %shift_right_logical3A_1108 = arith.shrui %get3A_1105, %shift_right_logical3A_1107 : vector<16xi32>
        %and3A_1109 = arith.constant 127 : i32
        %and3A_1110 = vector.broadcast %and3A_1109 : i32 to vector<16xi32>
        %and3A_1111 = arith.andi %get3A_1105, %and3A_1110 : vector<16xi32>
        tpu.vector_store_idx %arg26[%shift_right_logical3A_1108, %and3A_1111], %broadcast_in_dim3A_2 {add = true} : memref<80x128xf32, #tpu.memory_space<vmem>>[vector<16xi32>, vector<16xi32>], vector<16xf32>,
        %get3A_1112 = arith.constant 64 : index
        %get3A_1113 = tpu.vector_load %arg20[%get3A_1112] {strides = array<i32>} : memref<128xi32, #tpu.memory_space<vmem>>, vector<16xi32>,
        %shift_right_logical3A_1114 = arith.constant 7 : i32
        %shift_right_logical3A_1115 = vector.broadcast %shift_right_logical3A_1114 : i32 to vector<16xi32>
        %shift_right_logical3A_1116 = arith.shrui %get3A_1113, %shift_right_logical3A_1115 : vector<16xi32>
        %and3A_1117 = arith.constant 127 : i32
        %and3A_1118 = vector.broadcast %and3A_1117 : i32 to vector<16xi32>
        %and3A_1119 = arith.andi %get3A_1113, %and3A_1118 : vector<16xi32>
        tpu.vector_store_idx %arg26[%shift_right_logical3A_1116, %and3A_1119], %broadcast_in_dim3A_2 {add = true} : memref<80x128xf32, #tpu.memory_space<vmem>>[vector<16xi32>, vector<16xi32>], vector<16xf32>,
        %get3A_1120 = arith.constant 80 : index
        %get3A_1121 = tpu.vector_load %arg20[%get3A_1120] {strides = array<i32>} : memref<128xi32, #tpu.memory_space<vmem>>, vector<16xi32>,
        %shift_right_logical3A_1122 = arith.constant 7 : i32
        %shift_right_logical3A_1123 = vector.broadcast %shift_right_logical3A_1122 : i32 to vector<16xi32>
        %shift_right_logical3A_1124 = arith.shrui %get3A_1121, %shift_right_logical3A_1123 : vector<16xi32>
        %and3A_1125 = arith.constant 127 : i32
        %and3A_1126 = vector.broadcast %and3A_1125 : i32 to vector<16xi32>
        %and3A_1127 = arith.andi %get3A_1121, %and3A_1126 : vector<16xi32>
        tpu.vector_store_idx %arg26[%shift_right_logical3A_1124, %and3A_1127], %broadcast_in_dim3A_2 {add = true} : memref<80x128xf32, #tpu.memory_space<vmem>>[vector<16xi32>, vector<16xi32>], vector<16xf32>,
        %get3A_1128 = arith.constant 96 : index
        %get3A_1129 = tpu.vector_load %arg20[%get3A_1128] {strides = array<i32>} : memref<128xi32, #tpu.memory_space<vmem>>, vector<16xi32>,
        %shift_right_logical3A_1130 = arith.constant 7 : i32
        %shift_right_logical3A_1131 = vector.broadcast %shift_right_logical3A_1130 : i32 to vector<16xi32>
        %shift_right_logical3A_1132 = arith.shrui %get3A_1129, %shift_right_logical3A_1131 : vector<16xi32>
        %and3A_1133 = arith.constant 127 : i32
        %and3A_1134 = vector.broadcast %and3A_1133 : i32 to vector<16xi32>
        %and3A_1135 = arith.andi %get3A_1129, %and3A_1134 : vector<16xi32>
        tpu.vector_store_idx %arg26[%shift_right_logical3A_1132, %and3A_1135], %broadcast_in_dim3A_2 {add = true} : memref<80x128xf32, #tpu.memory_space<vmem>>[vector<16xi32>, vector<16xi32>], vector<16xf32>,
        %get3A_1136 = arith.constant 112 : index
        %get3A_1137 = tpu.vector_load %arg20[%get3A_1136] {strides = array<i32>} : memref<128xi32, #tpu.memory_space<vmem>>, vector<16xi32>,
        %shift_right_logical3A_1138 = arith.constant 7 : i32
        %shift_right_logical3A_1139 = vector.broadcast %shift_right_logical3A_1138 : i32 to vector<16xi32>
        %shift_right_logical3A_1140 = arith.shrui %get3A_1137, %shift_right_logical3A_1139 : vector<16xi32>
        %and3A_1141 = arith.constant 127 : i32
        %and3A_1142 = vector.broadcast %and3A_1141 : i32 to vector<16xi32>
        %and3A_1143 = arith.andi %get3A_1137, %and3A_1142 : vector<16xi32>
        tpu.vector_store_idx %arg26[%shift_right_logical3A_1140, %and3A_1143], %broadcast_in_dim3A_2 {add = true} : memref<80x128xf32, #tpu.memory_space<vmem>>[vector<16xi32>, vector<16xi32>], vector<16xf32>,
        %add3A_1144 = arith.constant 4 : i32
        %add3A_1145 = arith.addi %add3A_1059, %add3A_1144 : i32
        %add3A_1146 = arith.constant 1 : i32
        %add3A_1147 = arith.addi %add3A_1145, %add3A_1146 : i32
        %le3A_1148 = arith.constant 159 : i32
        %le3A_1149 = arith.cmpi sle, %add3A_1147, %le3A_1148 : i32
        %convert_element_type3A_1150 = arith.extui %le3A_1149 : i1 to i32
        %cond3A_1151 = arith.constant 0 : i32
        %cond3A_1152 = arith.cmpi ne, %convert_element_type3A_1150, %cond3A_1151 : i32
        scf.if %cond3A_1152 {
          %add3A_1251 = arith.constant 4 : i32
          %add3A_1252 = arith.addi %add3A_1059, %add3A_1251 : i32
          %add3A_1253 = arith.constant 1 : i32
          %add3A_1254 = arith.addi %add3A_1252, %add3A_1253 : i32
          %dma_start3A_1255 = arith.constant 0 : i32
          %dma_start3A_1256 = tpu.memref_slice %arg4[%arg1, %add3A_1254, %dma_start3A_1255] : memref<16x160x128xi32, #tpu.memory_space<hbm>> -> memref<1x1x128xi32, #tpu.memory_space<hbm>>
          %dma_start3A_1257 = tpu.memref_squeeze %dma_start3A_1256 : memref<1x1x128xi32, #tpu.memory_space<hbm>> -> memref<128xi32, #tpu.memory_space<hbm>>
          %dma_start3A_1258 = arith.constant 0 : i32
          %dma_start3A_1259 = tpu.memref_slice %arg4[%arg1, %add3A_1254, %dma_start3A_1258] : memref<16x160x128xi32, #tpu.memory_space<hbm>> -> memref<1x1x128xi32, #tpu.memory_space<hbm>>
          %dma_start3A_1260 = tpu.memref_squeeze %dma_start3A_1259 : memref<1x1x128xi32, #tpu.memory_space<hbm>> -> memref<128xi32, #tpu.memory_space<hbm>>
          tpu.enqueue_dma source(%dma_start3A_1260 : memref<128xi32, #tpu.memory_space<hbm>>) target(%arg13 : memref<128xi32, #tpu.memory_space<vmem>>) target_semaphore(%arg35 : memref<!tpu.dma_semaphore, #tpu.memory_space<semaphore_mem>>)
        } else {
        }
        %mul3A_1153 = arith.constant 4 : i32
        %mul3A_1154 = arith.muli %scan3A_863, %mul3A_1153 : i32
        %add3A_1155 = arith.constant 3 : i32
        %add3A_1156 = arith.addi %mul3A_1154, %add3A_1155 : i32
        %sub3A_1157 = arith.constant 3 : i32
        %sub3A_1158 = arith.subi %add3A_1156, %sub3A_1157 : i32
        %ge3A_1159 = arith.constant 0 : i32
        %ge3A_1160 = arith.cmpi sge, %sub3A_1158, %ge3A_1159 : i32
        %convert_element_type3A_1161 = arith.extui %ge3A_1160 : i1 to i32
        %cond3A_1162 = arith.constant 0 : i32
        %cond3A_1163 = arith.cmpi ne, %convert_element_type3A_1161, %cond3A_1162 : i32
        scf.if %cond3A_1163 {
          %dma_wait3A_1251 = arith.constant 0 : i32
          %dma_wait3A_1252 = arith.constant 0 : i32
          %dma_wait3A_1253 = tpu.memref_slice %arg30[%dma_wait3A_1251, %dma_wait3A_1252] : memref<10240x128xbf16, #tpu.memory_space<vmem_shared>> -> memref<10240x128xbf16, #tpu.memory_space<vmem_shared>>
          tpu.wait_indirect_dma semaphore(%arg40 : memref<!tpu.dma_semaphore, #tpu.memory_space<semaphore_mem>>) src(%arg22 : memref<128x128xbf16, #tpu.memory_space<vmem>>) dst(%dma_wait3A_1253 : memref<10240x128xbf16, #tpu.memory_space<vmem_shared>>)
        } else {
        }
        %add3A_1164 = arith.constant 1 : i32
        %add3A_1165 = arith.addi %add3A_1156, %add3A_1164 : i32
        %le3A_1166 = arith.constant 159 : i32
        %le3A_1167 = arith.cmpi sle, %add3A_1165, %le3A_1166 : i32
        %convert_element_type3A_1168 = arith.extui %le3A_1167 : i1 to i32
        %cond3A_1169 = arith.constant 0 : i32
        %cond3A_1170 = arith.cmpi ne, %convert_element_type3A_1168, %cond3A_1169 : i32
        scf.if %cond3A_1170 {
          %add3A_1251 = arith.constant 1 : i32
          %add3A_1252 = arith.addi %add3A_1156, %add3A_1251 : i32
          %dma_wait3A_1253 = arith.constant 0 : i32
          %dma_wait3A_1254 = tpu.memref_slice %arg4[%arg1, %add3A_1252, %dma_wait3A_1253] : memref<16x160x128xi32, #tpu.memory_space<hbm>> -> memref<1x1x128xi32, #tpu.memory_space<hbm>>
          %dma_wait3A_1255 = tpu.memref_squeeze %dma_wait3A_1254 : memref<1x1x128xi32, #tpu.memory_space<hbm>> -> memref<128xi32, #tpu.memory_space<hbm>>
          %dma_wait3A_1256 = arith.constant 0 : i32
          %dma_wait3A_1257 = tpu.memref_slice %arg4[%arg1, %add3A_1252, %dma_wait3A_1256] : memref<16x160x128xi32, #tpu.memory_space<hbm>> -> memref<1x1x128xi32, #tpu.memory_space<hbm>>
          %dma_wait3A_1258 = tpu.memref_squeeze %dma_wait3A_1257 : memref<1x1x128xi32, #tpu.memory_space<hbm>> -> memref<128xi32, #tpu.memory_space<hbm>>
          tpu.wait_dma2 semaphore(%arg32 : memref<!tpu.dma_semaphore, #tpu.memory_space<semaphore_mem>>) src(%dma_wait3A_1258 : memref<128xi32, #tpu.memory_space<hbm>>) dst(%arg10 : memref<128xi32, #tpu.memory_space<vmem>>)
          %get3A_1259 = arith.constant 0 : index
          %get3A_1260 = tpu.vector_load %arg10[%get3A_1259] {strides = array<i32>} : memref<128xi32, #tpu.memory_space<vmem>>, vector<16xi32>,
          %and3A_1261 = arith.constant 16383 : i32
          %and3A_1262 = vector.broadcast %and3A_1261 : i32 to vector<16xi32>
          %and3A_1263 = arith.andi %get3A_1260, %and3A_1262 : vector<16xi32>
          %swap3A_1264 = arith.constant 0 : index
          %swap3A_1265 = tpu.vector_load %arg14[%swap3A_1264] {strides = array<i32>} : memref<128xi32, #tpu.memory_space<vmem>>, vector<16xi32>,
          tpu.vector_store %arg14[%swap3A_1264], %and3A_1263 {strides = array<i32>} : memref<128xi32, #tpu.memory_space<vmem>>, vector<16xi32>,
          %shift_right_logical3A_1266 = arith.constant 14 : i32
          %shift_right_logical3A_1267 = vector.broadcast %shift_right_logical3A_1266 : i32 to vector<16xi32>
          %shift_right_logical3A_1268 = arith.shrui %get3A_1260, %shift_right_logical3A_1267 : vector<16xi32>
          %swap3A_1269 = arith.constant 0 : index
          %swap3A_1270 = tpu.vector_load %arg18[%swap3A_1269] {strides = array<i32>} : memref<128xi32, #tpu.memory_space<vmem>>, vector<16xi32>,
          tpu.vector_store %arg18[%swap3A_1269], %shift_right_logical3A_1268 {strides = array<i32>} : memref<128xi32, #tpu.memory_space<vmem>>, vector<16xi32>,
          %get3A_1271 = arith.constant 16 : index
          %get3A_1272 = tpu.vector_load %arg10[%get3A_1271] {strides = array<i32>} : memref<128xi32, #tpu.memory_space<vmem>>, vector<16xi32>,
          %and3A_1273 = arith.constant 16383 : i32
          %and3A_1274 = vector.broadcast %and3A_1273 : i32 to vector<16xi32>
          %and3A_1275 = arith.andi %get3A_1272, %and3A_1274 : vector<16xi32>
          %swap3A_1276 = arith.constant 16 : index
          %swap3A_1277 = tpu.vector_load %arg14[%swap3A_1276] {strides = array<i32>} : memref<128xi32, #tpu.memory_space<vmem>>, vector<16xi32>,
          tpu.vector_store %arg14[%swap3A_1276], %and3A_1275 {strides = array<i32>} : memref<128xi32, #tpu.memory_space<vmem>>, vector<16xi32>,
          %shift_right_logical3A_1278 = arith.constant 14 : i32
          %shift_right_logical3A_1279 = vector.broadcast %shift_right_logical3A_1278 : i32 to vector<16xi32>
          %shift_right_logical3A_1280 = arith.shrui %get3A_1272, %shift_right_logical3A_1279 : vector<16xi32>
          %swap3A_1281 = arith.constant 16 : index
          %swap3A_1282 = tpu.vector_load %arg18[%swap3A_1281] {strides = array<i32>} : memref<128xi32, #tpu.memory_space<vmem>>, vector<16xi32>,
          tpu.vector_store %arg18[%swap3A_1281], %shift_right_logical3A_1280 {strides = array<i32>} : memref<128xi32, #tpu.memory_space<vmem>>, vector<16xi32>,
          %get3A_1283 = arith.constant 32 : index
          %get3A_1284 = tpu.vector_load %arg10[%get3A_1283] {strides = array<i32>} : memref<128xi32, #tpu.memory_space<vmem>>, vector<16xi32>,
          %and3A_1285 = arith.constant 16383 : i32
          %and3A_1286 = vector.broadcast %and3A_1285 : i32 to vector<16xi32>
          %and3A_1287 = arith.andi %get3A_1284, %and3A_1286 : vector<16xi32>
          %swap3A_1288 = arith.constant 32 : index
          %swap3A_1289 = tpu.vector_load %arg14[%swap3A_1288] {strides = array<i32>} : memref<128xi32, #tpu.memory_space<vmem>>, vector<16xi32>,
          tpu.vector_store %arg14[%swap3A_1288], %and3A_1287 {strides = array<i32>} : memref<128xi32, #tpu.memory_space<vmem>>, vector<16xi32>,
          %shift_right_logical3A_1290 = arith.constant 14 : i32
          %shift_right_logical3A_1291 = vector.broadcast %shift_right_logical3A_1290 : i32 to vector<16xi32>
          %shift_right_logical3A_1292 = arith.shrui %get3A_1284, %shift_right_logical3A_1291 : vector<16xi32>
          %swap3A_1293 = arith.constant 32 : index
          %swap3A_1294 = tpu.vector_load %arg18[%swap3A_1293] {strides = array<i32>} : memref<128xi32, #tpu.memory_space<vmem>>, vector<16xi32>,
          tpu.vector_store %arg18[%swap3A_1293], %shift_right_logical3A_1292 {strides = array<i32>} : memref<128xi32, #tpu.memory_space<vmem>>, vector<16xi32>,
          %get3A_1295 = arith.constant 48 : index
          %get3A_1296 = tpu.vector_load %arg10[%get3A_1295] {strides = array<i32>} : memref<128xi32, #tpu.memory_space<vmem>>, vector<16xi32>,
          %and3A_1297 = arith.constant 16383 : i32
          %and3A_1298 = vector.broadcast %and3A_1297 : i32 to vector<16xi32>
          %and3A_1299 = arith.andi %get3A_1296, %and3A_1298 : vector<16xi32>
          %swap3A_1300 = arith.constant 48 : index
          %swap3A_1301 = tpu.vector_load %arg14[%swap3A_1300] {strides = array<i32>} : memref<128xi32, #tpu.memory_space<vmem>>, vector<16xi32>,
          tpu.vector_store %arg14[%swap3A_1300], %and3A_1299 {strides = array<i32>} : memref<128xi32, #tpu.memory_space<vmem>>, vector<16xi32>,
          %shift_right_logical3A_1302 = arith.constant 14 : i32
          %shift_right_logical3A_1303 = vector.broadcast %shift_right_logical3A_1302 : i32 to vector<16xi32>
          %shift_right_logical3A_1304 = arith.shrui %get3A_1296, %shift_right_logical3A_1303 : vector<16xi32>
          %swap3A_1305 = arith.constant 48 : index
          %swap3A_1306 = tpu.vector_load %arg18[%swap3A_1305] {strides = array<i32>} : memref<128xi32, #tpu.memory_space<vmem>>, vector<16xi32>,
          tpu.vector_store %arg18[%swap3A_1305], %shift_right_logical3A_1304 {strides = array<i32>} : memref<128xi32, #tpu.memory_space<vmem>>, vector<16xi32>,
          %get3A_1307 = arith.constant 64 : index
          %get3A_1308 = tpu.vector_load %arg10[%get3A_1307] {strides = array<i32>} : memref<128xi32, #tpu.memory_space<vmem>>, vector<16xi32>,
          %and3A_1309 = arith.constant 16383 : i32
          %and3A_1310 = vector.broadcast %and3A_1309 : i32 to vector<16xi32>
          %and3A_1311 = arith.andi %get3A_1308, %and3A_1310 : vector<16xi32>
          %swap3A_1312 = arith.constant 64 : index
          %swap3A_1313 = tpu.vector_load %arg14[%swap3A_1312] {strides = array<i32>} : memref<128xi32, #tpu.memory_space<vmem>>, vector<16xi32>,
          tpu.vector_store %arg14[%swap3A_1312], %and3A_1311 {strides = array<i32>} : memref<128xi32, #tpu.memory_space<vmem>>, vector<16xi32>,
          %shift_right_logical3A_1314 = arith.constant 14 : i32
          %shift_right_logical3A_1315 = vector.broadcast %shift_right_logical3A_1314 : i32 to vector<16xi32>
          %shift_right_logical3A_1316 = arith.shrui %get3A_1308, %shift_right_logical3A_1315 : vector<16xi32>
          %swap3A_1317 = arith.constant 64 : index
          %swap3A_1318 = tpu.vector_load %arg18[%swap3A_1317] {strides = array<i32>} : memref<128xi32, #tpu.memory_space<vmem>>, vector<16xi32>,
          tpu.vector_store %arg18[%swap3A_1317], %shift_right_logical3A_1316 {strides = array<i32>} : memref<128xi32, #tpu.memory_space<vmem>>, vector<16xi32>,
          %get3A_1319 = arith.constant 80 : index
          %get3A_1320 = tpu.vector_load %arg10[%get3A_1319] {strides = array<i32>} : memref<128xi32, #tpu.memory_space<vmem>>, vector<16xi32>,
          %and3A_1321 = arith.constant 16383 : i32
          %and3A_1322 = vector.broadcast %and3A_1321 : i32 to vector<16xi32>
          %and3A_1323 = arith.andi %get3A_1320, %and3A_1322 : vector<16xi32>
          %swap3A_1324 = arith.constant 80 : index
          %swap3A_1325 = tpu.vector_load %arg14[%swap3A_1324] {strides = array<i32>} : memref<128xi32, #tpu.memory_space<vmem>>, vector<16xi32>,
          tpu.vector_store %arg14[%swap3A_1324], %and3A_1323 {strides = array<i32>} : memref<128xi32, #tpu.memory_space<vmem>>, vector<16xi32>,
          %shift_right_logical3A_1326 = arith.constant 14 : i32
          %shift_right_logical3A_1327 = vector.broadcast %shift_right_logical3A_1326 : i32 to vector<16xi32>
          %shift_right_logical3A_1328 = arith.shrui %get3A_1320, %shift_right_logical3A_1327 : vector<16xi32>
          %swap3A_1329 = arith.constant 80 : index
          %swap3A_1330 = tpu.vector_load %arg18[%swap3A_1329] {strides = array<i32>} : memref<128xi32, #tpu.memory_space<vmem>>, vector<16xi32>,
          tpu.vector_store %arg18[%swap3A_1329], %shift_right_logical3A_1328 {strides = array<i32>} : memref<128xi32, #tpu.memory_space<vmem>>, vector<16xi32>,
          %get3A_1331 = arith.constant 96 : index
          %get3A_1332 = tpu.vector_load %arg10[%get3A_1331] {strides = array<i32>} : memref<128xi32, #tpu.memory_space<vmem>>, vector<16xi32>,
          %and3A_1333 = arith.constant 16383 : i32
          %and3A_1334 = vector.broadcast %and3A_1333 : i32 to vector<16xi32>
          %and3A_1335 = arith.andi %get3A_1332, %and3A_1334 : vector<16xi32>
          %swap3A_1336 = arith.constant 96 : index
          %swap3A_1337 = tpu.vector_load %arg14[%swap3A_1336] {strides = array<i32>} : memref<128xi32, #tpu.memory_space<vmem>>, vector<16xi32>,
          tpu.vector_store %arg14[%swap3A_1336], %and3A_1335 {strides = array<i32>} : memref<128xi32, #tpu.memory_space<vmem>>, vector<16xi32>,
          %shift_right_logical3A_1338 = arith.constant 14 : i32
          %shift_right_logical3A_1339 = vector.broadcast %shift_right_logical3A_1338 : i32 to vector<16xi32>
          %shift_right_logical3A_1340 = arith.shrui %get3A_1332, %shift_right_logical3A_1339 : vector<16xi32>
          %swap3A_1341 = arith.constant 96 : index
          %swap3A_1342 = tpu.vector_load %arg18[%swap3A_1341] {strides = array<i32>} : memref<128xi32, #tpu.memory_space<vmem>>, vector<16xi32>,
          tpu.vector_store %arg18[%swap3A_1341], %shift_right_logical3A_1340 {strides = array<i32>} : memref<128xi32, #tpu.memory_space<vmem>>, vector<16xi32>,
          %get3A_1343 = arith.constant 112 : index
          %get3A_1344 = tpu.vector_load %arg10[%get3A_1343] {strides = array<i32>} : memref<128xi32, #tpu.memory_space<vmem>>, vector<16xi32>,
          %and3A_1345 = arith.constant 16383 : i32
          %and3A_1346 = vector.broadcast %and3A_1345 : i32 to vector<16xi32>
          %and3A_1347 = arith.andi %get3A_1344, %and3A_1346 : vector<16xi32>
          %swap3A_1348 = arith.constant 112 : index
          %swap3A_1349 = tpu.vector_load %arg14[%swap3A_1348] {strides = array<i32>} : memref<128xi32, #tpu.memory_space<vmem>>, vector<16xi32>,
          tpu.vector_store %arg14[%swap3A_1348], %and3A_1347 {strides = array<i32>} : memref<128xi32, #tpu.memory_space<vmem>>, vector<16xi32>,
          %shift_right_logical3A_1350 = arith.constant 14 : i32
          %shift_right_logical3A_1351 = vector.broadcast %shift_right_logical3A_1350 : i32 to vector<16xi32>
          %shift_right_logical3A_1352 = arith.shrui %get3A_1344, %shift_right_logical3A_1351 : vector<16xi32>
          %swap3A_1353 = arith.constant 112 : index
          %swap3A_1354 = tpu.vector_load %arg18[%swap3A_1353] {strides = array<i32>} : memref<128xi32, #tpu.memory_space<vmem>>, vector<16xi32>,
          tpu.vector_store %arg18[%swap3A_1353], %shift_right_logical3A_1352 {strides = array<i32>} : memref<128xi32, #tpu.memory_space<vmem>>, vector<16xi32>,
          %dma_start3A_1355 = arith.constant 0 : i32
          %dma_start3A_1356 = arith.constant 0 : i32
          %dma_start3A_1357 = tpu.memref_slice %arg2[%dma_start3A_1355, %dma_start3A_1356] : memref<10000x128xbf16, #tpu.memory_space<hbm>> -> memref<10000x128xbf16, #tpu.memory_space<hbm>>
          tpu.enqueue_indirect_dma source(%dma_start3A_1357 : memref<10000x128xbf16, #tpu.memory_space<hbm>>) target(%arg22 : memref<128x128xbf16, #tpu.memory_space<vmem>>) offsets(%arg14 : memref<128xi32, #tpu.memory_space<vmem>>) semaphore(%arg36 : memref<!tpu.dma_semaphore, #tpu.memory_space<semaphore_mem>>)
        } else {
        }
        %dma_wait3A_1171 = arith.constant 0 : i32
        %dma_wait3A_1172 = arith.constant 0 : i32
        %dma_wait3A_1173 = tpu.memref_slice %arg2[%dma_wait3A_1171, %dma_wait3A_1172] : memref<10000x128xbf16, #tpu.memory_space<hbm>> -> memref<10000x128xbf16, #tpu.memory_space<hbm>>
        tpu.wait_indirect_dma semaphore(%arg39 : memref<!tpu.dma_semaphore, #tpu.memory_space<semaphore_mem>>) src(%dma_wait3A_1173 : memref<10000x128xbf16, #tpu.memory_space<hbm>>) dst(%arg25 : memref<128x128xbf16, #tpu.memory_space<vmem>>)
        %dma_start3A_1174 = arith.constant 0 : i32
        %dma_start3A_1175 = arith.constant 0 : i32
        %dma_start3A_1176 = tpu.memref_slice %arg30[%dma_start3A_1174, %dma_start3A_1175] : memref<10240x128xbf16, #tpu.memory_space<vmem_shared>> -> memref<10240x128xbf16, #tpu.memory_space<vmem_shared>>
        tpu.enqueue_indirect_dma source(%arg25 : memref<128x128xbf16, #tpu.memory_space<vmem>>) target(%dma_start3A_1176 : memref<10240x128xbf16, #tpu.memory_space<vmem_shared>>) offsets(%arg21 : memref<128xi32, #tpu.memory_space<vmem>>) semaphore(%arg43 : memref<!tpu.dma_semaphore, #tpu.memory_space<semaphore_mem>>) {add = true}
        %get3A_1177 = arith.constant 0 : index
        %get3A_1178 = tpu.vector_load %arg21[%get3A_1177] {strides = array<i32>} : memref<128xi32, #tpu.memory_space<vmem>>, vector<16xi32>,
        %shift_right_logical3A_1179 = arith.constant 7 : i32
        %shift_right_logical3A_1180 = vector.broadcast %shift_right_logical3A_1179 : i32 to vector<16xi32>
        %shift_right_logical3A_1181 = arith.shrui %get3A_1178, %shift_right_logical3A_1180 : vector<16xi32>
        %and3A_1182 = arith.constant 127 : i32
        %and3A_1183 = vector.broadcast %and3A_1182 : i32 to vector<16xi32>
        %and3A_1184 = arith.andi %get3A_1178, %and3A_1183 : vector<16xi32>
        tpu.vector_store_idx %arg26[%shift_right_logical3A_1181, %and3A_1184], %broadcast_in_dim3A_2 {add = true} : memref<80x128xf32, #tpu.memory_space<vmem>>[vector<16xi32>, vector<16xi32>], vector<16xf32>,
        %get3A_1185 = arith.constant 16 : index
        %get3A_1186 = tpu.vector_load %arg21[%get3A_1185] {strides = array<i32>} : memref<128xi32, #tpu.memory_space<vmem>>, vector<16xi32>,
        %shift_right_logical3A_1187 = arith.constant 7 : i32
        %shift_right_logical3A_1188 = vector.broadcast %shift_right_logical3A_1187 : i32 to vector<16xi32>
        %shift_right_logical3A_1189 = arith.shrui %get3A_1186, %shift_right_logical3A_1188 : vector<16xi32>
        %and3A_1190 = arith.constant 127 : i32
        %and3A_1191 = vector.broadcast %and3A_1190 : i32 to vector<16xi32>
        %and3A_1192 = arith.andi %get3A_1186, %and3A_1191 : vector<16xi32>
        tpu.vector_store_idx %arg26[%shift_right_logical3A_1189, %and3A_1192], %broadcast_in_dim3A_2 {add = true} : memref<80x128xf32, #tpu.memory_space<vmem>>[vector<16xi32>, vector<16xi32>], vector<16xf32>,
        %get3A_1193 = arith.constant 32 : index
        %get3A_1194 = tpu.vector_load %arg21[%get3A_1193] {strides = array<i32>} : memref<128xi32, #tpu.memory_space<vmem>>, vector<16xi32>,
        %shift_right_logical3A_1195 = arith.constant 7 : i32
        %shift_right_logical3A_1196 = vector.broadcast %shift_right_logical3A_1195 : i32 to vector<16xi32>
        %shift_right_logical3A_1197 = arith.shrui %get3A_1194, %shift_right_logical3A_1196 : vector<16xi32>
        %and3A_1198 = arith.constant 127 : i32
        %and3A_1199 = vector.broadcast %and3A_1198 : i32 to vector<16xi32>
        %and3A_1200 = arith.andi %get3A_1194, %and3A_1199 : vector<16xi32>
        tpu.vector_store_idx %arg26[%shift_right_logical3A_1197, %and3A_1200], %broadcast_in_dim3A_2 {add = true} : memref<80x128xf32, #tpu.memory_space<vmem>>[vector<16xi32>, vector<16xi32>], vector<16xf32>,
        %get3A_1201 = arith.constant 48 : index
        %get3A_1202 = tpu.vector_load %arg21[%get3A_1201] {strides = array<i32>} : memref<128xi32, #tpu.memory_space<vmem>>, vector<16xi32>,
        %shift_right_logical3A_1203 = arith.constant 7 : i32
        %shift_right_logical3A_1204 = vector.broadcast %shift_right_logical3A_1203 : i32 to vector<16xi32>
        %shift_right_logical3A_1205 = arith.shrui %get3A_1202, %shift_right_logical3A_1204 : vector<16xi32>
        %and3A_1206 = arith.constant 127 : i32
        %and3A_1207 = vector.broadcast %and3A_1206 : i32 to vector<16xi32>
        %and3A_1208 = arith.andi %get3A_1202, %and3A_1207 : vector<16xi32>
        tpu.vector_store_idx %arg26[%shift_right_logical3A_1205, %and3A_1208], %broadcast_in_dim3A_2 {add = true} : memref<80x128xf32, #tpu.memory_space<vmem>>[vector<16xi32>, vector<16xi32>], vector<16xf32>,
        %get3A_1209 = arith.constant 64 : index
        %get3A_1210 = tpu.vector_load %arg21[%get3A_1209] {strides = array<i32>} : memref<128xi32, #tpu.memory_space<vmem>>, vector<16xi32>,
        %shift_right_logical3A_1211 = arith.constant 7 : i32
        %shift_right_logical3A_1212 = vector.broadcast %shift_right_logical3A_1211 : i32 to vector<16xi32>
        %shift_right_logical3A_1213 = arith.shrui %get3A_1210, %shift_right_logical3A_1212 : vector<16xi32>
        %and3A_1214 = arith.constant 127 : i32
        %and3A_1215 = vector.broadcast %and3A_1214 : i32 to vector<16xi32>
        %and3A_1216 = arith.andi %get3A_1210, %and3A_1215 : vector<16xi32>
        tpu.vector_store_idx %arg26[%shift_right_logical3A_1213, %and3A_1216], %broadcast_in_dim3A_2 {add = true} : memref<80x128xf32, #tpu.memory_space<vmem>>[vector<16xi32>, vector<16xi32>], vector<16xf32>,
        %get3A_1217 = arith.constant 80 : index
        %get3A_1218 = tpu.vector_load %arg21[%get3A_1217] {strides = array<i32>} : memref<128xi32, #tpu.memory_space<vmem>>, vector<16xi32>,
        %shift_right_logical3A_1219 = arith.constant 7 : i32
        %shift_right_logical3A_1220 = vector.broadcast %shift_right_logical3A_1219 : i32 to vector<16xi32>
        %shift_right_logical3A_1221 = arith.shrui %get3A_1218, %shift_right_logical3A_1220 : vector<16xi32>
        %and3A_1222 = arith.constant 127 : i32
        %and3A_1223 = vector.broadcast %and3A_1222 : i32 to vector<16xi32>
        %and3A_1224 = arith.andi %get3A_1218, %and3A_1223 : vector<16xi32>
        tpu.vector_store_idx %arg26[%shift_right_logical3A_1221, %and3A_1224], %broadcast_in_dim3A_2 {add = true} : memref<80x128xf32, #tpu.memory_space<vmem>>[vector<16xi32>, vector<16xi32>], vector<16xf32>,
        %get3A_1225 = arith.constant 96 : index
        %get3A_1226 = tpu.vector_load %arg21[%get3A_1225] {strides = array<i32>} : memref<128xi32, #tpu.memory_space<vmem>>, vector<16xi32>,
        %shift_right_logical3A_1227 = arith.constant 7 : i32
        %shift_right_logical3A_1228 = vector.broadcast %shift_right_logical3A_1227 : i32 to vector<16xi32>
        %shift_right_logical3A_1229 = arith.shrui %get3A_1226, %shift_right_logical3A_1228 : vector<16xi32>
        %and3A_1230 = arith.constant 127 : i32
        %and3A_1231 = vector.broadcast %and3A_1230 : i32 to vector<16xi32>
        %and3A_1232 = arith.andi %get3A_1226, %and3A_1231 : vector<16xi32>
        tpu.vector_store_idx %arg26[%shift_right_logical3A_1229, %and3A_1232], %broadcast_in_dim3A_2 {add = true} : memref<80x128xf32, #tpu.memory_space<vmem>>[vector<16xi32>, vector<16xi32>], vector<16xf32>,
        %get3A_1233 = arith.constant 112 : index
        %get3A_1234 = tpu.vector_load %arg21[%get3A_1233] {strides = array<i32>} : memref<128xi32, #tpu.memory_space<vmem>>, vector<16xi32>,
        %shift_right_logical3A_1235 = arith.constant 7 : i32
        %shift_right_logical3A_1236 = vector.broadcast %shift_right_logical3A_1235 : i32 to vector<16xi32>
        %shift_right_logical3A_1237 = arith.shrui %get3A_1234, %shift_right_logical3A_1236 : vector<16xi32>
        %and3A_1238 = arith.constant 127 : i32
        %and3A_1239 = vector.broadcast %and3A_1238 : i32 to vector<16xi32>
        %and3A_1240 = arith.andi %get3A_1234, %and3A_1239 : vector<16xi32>
        tpu.vector_store_idx %arg26[%shift_right_logical3A_1237, %and3A_1240], %broadcast_in_dim3A_2 {add = true} : memref<80x128xf32, #tpu.memory_space<vmem>>[vector<16xi32>, vector<16xi32>], vector<16xf32>,
        %add3A_1241 = arith.constant 4 : i32
        %add3A_1242 = arith.addi %add3A_1156, %add3A_1241 : i32
        %add3A_1243 = arith.constant 1 : i32
        %add3A_1244 = arith.addi %add3A_1242, %add3A_1243 : i32
        %le3A_1245 = arith.constant 159 : i32
        %le3A_1246 = arith.cmpi sle, %add3A_1244, %le3A_1245 : i32
        %convert_element_type3A_1247 = arith.extui %le3A_1246 : i1 to i32
        %cond3A_1248 = arith.constant 0 : i32
        %cond3A_1249 = arith.cmpi ne, %convert_element_type3A_1247, %cond3A_1248 : i32
        scf.if %cond3A_1249 {
          %add3A_1251 = arith.constant 4 : i32
          %add3A_1252 = arith.addi %add3A_1156, %add3A_1251 : i32
          %add3A_1253 = arith.constant 1 : i32
          %add3A_1254 = arith.addi %add3A_1252, %add3A_1253 : i32
          %dma_start3A_1255 = arith.constant 0 : i32
          %dma_start3A_1256 = tpu.memref_slice %arg4[%arg1, %add3A_1254, %dma_start3A_1255] : memref<16x160x128xi32, #tpu.memory_space<hbm>> -> memref<1x1x128xi32, #tpu.memory_space<hbm>>
          %dma_start3A_1257 = tpu.memref_squeeze %dma_start3A_1256 : memref<1x1x128xi32, #tpu.memory_space<hbm>> -> memref<128xi32, #tpu.memory_space<hbm>>
          %dma_start3A_1258 = arith.constant 0 : i32
          %dma_start3A_1259 = tpu.memref_slice %arg4[%arg1, %add3A_1254, %dma_start3A_1258] : memref<16x160x128xi32, #tpu.memory_space<hbm>> -> memref<1x1x128xi32, #tpu.memory_space<hbm>>
          %dma_start3A_1260 = tpu.memref_squeeze %dma_start3A_1259 : memref<1x1x128xi32, #tpu.memory_space<hbm>> -> memref<128xi32, #tpu.memory_space<hbm>>
          tpu.enqueue_dma source(%dma_start3A_1260 : memref<128xi32, #tpu.memory_space<hbm>>) target(%arg10 : memref<128xi32, #tpu.memory_space<vmem>>) target_semaphore(%arg32 : memref<!tpu.dma_semaphore, #tpu.memory_space<semaphore_mem>>)
        } else {
        }
        %scan3A_1250 = arith.constant 0 : i32
        scf.yield %scan3A_1250 : i32
      }
      %scan3A_853 = arith.constant 40 : i32
      %dma_wait3A_854 = arith.constant 0 : i32
      %dma_wait3A_855 = arith.constant 0 : i32
      %dma_wait3A_856 = tpu.memref_slice %arg30[%dma_wait3A_854, %dma_wait3A_855] : memref<10240x128xbf16, #tpu.memory_space<vmem_shared>> -> memref<10240x128xbf16, #tpu.memory_space<vmem_shared>>
      tpu.wait_indirect_dma semaphore(%arg41 : memref<!tpu.dma_semaphore, #tpu.memory_space<semaphore_mem>>) src(%arg23 : memref<128x128xbf16, #tpu.memory_space<vmem>>) dst(%dma_wait3A_856 : memref<10240x128xbf16, #tpu.memory_space<vmem_shared>>)
      %dma_wait3A_857 = arith.constant 0 : i32
      %dma_wait3A_858 = arith.constant 0 : i32
      %dma_wait3A_859 = tpu.memref_slice %arg30[%dma_wait3A_857, %dma_wait3A_858] : memref<10240x128xbf16, #tpu.memory_space<vmem_shared>> -> memref<10240x128xbf16, #tpu.memory_space<vmem_shared>>
      tpu.wait_indirect_dma semaphore(%arg42 : memref<!tpu.dma_semaphore, #tpu.memory_space<semaphore_mem>>) src(%arg24 : memref<128x128xbf16, #tpu.memory_space<vmem>>) dst(%dma_wait3A_859 : memref<10240x128xbf16, #tpu.memory_space<vmem_shared>>)
      %dma_wait3A_860 = arith.constant 0 : i32
      %dma_wait3A_861 = arith.constant 0 : i32
      %dma_wait3A_862 = tpu.memref_slice %arg30[%dma_wait3A_860, %dma_wait3A_861] : memref<10240x128xbf16, #tpu.memory_space<vmem_shared>> -> memref<10240x128xbf16, #tpu.memory_space<vmem_shared>>
      tpu.wait_indirect_dma semaphore(%arg43 : memref<!tpu.dma_semaphore, #tpu.memory_space<semaphore_mem>>) src(%arg25 : memref<128x128xbf16, #tpu.memory_space<vmem>>) dst(%dma_wait3A_862 : memref<10240x128xbf16, #tpu.memory_space<vmem_shared>>)
    } else {
    }
    %eq3A_685 = arith.constant 1 : i32
    %eq3A_686 = arith.cmpi eq, %arg0, %eq3A_685 : i32
    %convert_element_type3A_687 = arith.extui %eq3A_686 : i1 to i32
    %cond3A_688 = arith.constant 0 : i32
    %cond3A_689 = arith.cmpi ne, %convert_element_type3A_687, %cond3A_688 : i32
    scf.if %cond3A_689 {
      %dma_start3A_709 = arith.constant 0 : i32
      %dma_start3A_710 = arith.constant 0 : i32
      %dma_start3A_711 = tpu.memref_slice %arg5[%arg1, %dma_start3A_709, %dma_start3A_710] : memref<16x160x128xi32, #tpu.memory_space<hbm>> -> memref<1x1x128xi32, #tpu.memory_space<hbm>>
      %dma_start3A_712 = tpu.memref_squeeze %dma_start3A_711 : memref<1x1x128xi32, #tpu.memory_space<hbm>> -> memref<128xi32, #tpu.memory_space<hbm>>
      %dma_start3A_713 = arith.constant 0 : i32
      %dma_start3A_714 = tpu.memref_slice %arg5[%arg1, %dma_start3A_709, %dma_start3A_713] : memref<16x160x128xi32, #tpu.memory_space<hbm>> -> memref<1x1x128xi32, #tpu.memory_space<hbm>>
      %dma_start3A_715 = tpu.memref_squeeze %dma_start3A_714 : memref<1x1x128xi32, #tpu.memory_space<hbm>> -> memref<128xi32, #tpu.memory_space<hbm>>
      tpu.enqueue_dma source(%dma_start3A_715 : memref<128xi32, #tpu.memory_space<hbm>>) target(%arg10 : memref<128xi32, #tpu.memory_space<vmem>>) target_semaphore(%arg32 : memref<!tpu.dma_semaphore, #tpu.memory_space<semaphore_mem>>)
      %dma_start3A_716 = arith.constant 1 : i32
      %dma_start3A_717 = arith.constant 0 : i32
      %dma_start3A_718 = tpu.memref_slice %arg5[%arg1, %dma_start3A_716, %dma_start3A_717] : memref<16x160x128xi32, #tpu.memory_space<hbm>> -> memref<1x1x128xi32, #tpu.memory_space<hbm>>
      %dma_start3A_719 = tpu.memref_squeeze %dma_start3A_718 : memref<1x1x128xi32, #tpu.memory_space<hbm>> -> memref<128xi32, #tpu.memory_space<hbm>>
      %dma_start3A_720 = arith.constant 0 : i32
      %dma_start3A_721 = tpu.memref_slice %arg5[%arg1, %dma_start3A_716, %dma_start3A_720] : memref<16x160x128xi32, #tpu.memory_space<hbm>> -> memref<1x1x128xi32, #tpu.memory_space<hbm>>
      %dma_start3A_722 = tpu.memref_squeeze %dma_start3A_721 : memref<1x1x128xi32, #tpu.memory_space<hbm>> -> memref<128xi32, #tpu.memory_space<hbm>>
      tpu.enqueue_dma source(%dma_start3A_722 : memref<128xi32, #tpu.memory_space<hbm>>) target(%arg11 : memref<128xi32, #tpu.memory_space<vmem>>) target_semaphore(%arg33 : memref<!tpu.dma_semaphore, #tpu.memory_space<semaphore_mem>>)
      %dma_start3A_723 = arith.constant 2 : i32
      %dma_start3A_724 = arith.constant 0 : i32
      %dma_start3A_725 = tpu.memref_slice %arg5[%arg1, %dma_start3A_723, %dma_start3A_724] : memref<16x160x128xi32, #tpu.memory_space<hbm>> -> memref<1x1x128xi32, #tpu.memory_space<hbm>>
      %dma_start3A_726 = tpu.memref_squeeze %dma_start3A_725 : memref<1x1x128xi32, #tpu.memory_space<hbm>> -> memref<128xi32, #tpu.memory_space<hbm>>
      %dma_start3A_727 = arith.constant 0 : i32
      %dma_start3A_728 = tpu.memref_slice %arg5[%arg1, %dma_start3A_723, %dma_start3A_727] : memref<16x160x128xi32, #tpu.memory_space<hbm>> -> memref<1x1x128xi32, #tpu.memory_space<hbm>>
      %dma_start3A_729 = tpu.memref_squeeze %dma_start3A_728 : memref<1x1x128xi32, #tpu.memory_space<hbm>> -> memref<128xi32, #tpu.memory_space<hbm>>
      tpu.enqueue_dma source(%dma_start3A_729 : memref<128xi32, #tpu.memory_space<hbm>>) target(%arg12 : memref<128xi32, #tpu.memory_space<vmem>>) target_semaphore(%arg34 : memref<!tpu.dma_semaphore, #tpu.memory_space<semaphore_mem>>)
      %dma_start3A_730 = arith.constant 3 : i32
      %dma_start3A_731 = arith.constant 0 : i32
      %dma_start3A_732 = tpu.memref_slice %arg5[%arg1, %dma_start3A_730, %dma_start3A_731] : memref<16x160x128xi32, #tpu.memory_space<hbm>> -> memref<1x1x128xi32, #tpu.memory_space<hbm>>
      %dma_start3A_733 = tpu.memref_squeeze %dma_start3A_732 : memref<1x1x128xi32, #tpu.memory_space<hbm>> -> memref<128xi32, #tpu.memory_space<hbm>>
      %dma_start3A_734 = arith.constant 0 : i32
      %dma_start3A_735 = tpu.memref_slice %arg5[%arg1, %dma_start3A_730, %dma_start3A_734] : memref<16x160x128xi32, #tpu.memory_space<hbm>> -> memref<1x1x128xi32, #tpu.memory_space<hbm>>
      %dma_start3A_736 = tpu.memref_squeeze %dma_start3A_735 : memref<1x1x128xi32, #tpu.memory_space<hbm>> -> memref<128xi32, #tpu.memory_space<hbm>>
      tpu.enqueue_dma source(%dma_start3A_736 : memref<128xi32, #tpu.memory_space<hbm>>) target(%arg13 : memref<128xi32, #tpu.memory_space<vmem>>) target_semaphore(%arg35 : memref<!tpu.dma_semaphore, #tpu.memory_space<semaphore_mem>>)
      %dma_wait3A_737 = arith.constant 0 : i32
      %dma_wait3A_738 = arith.constant 0 : i32
      %dma_wait3A_739 = tpu.memref_slice %arg5[%arg1, %dma_wait3A_737, %dma_wait3A_738] : memref<16x160x128xi32, #tpu.memory_space<hbm>> -> memref<1x1x128xi32, #tpu.memory_space<hbm>>
      %dma_wait3A_740 = tpu.memref_squeeze %dma_wait3A_739 : memref<1x1x128xi32, #tpu.memory_space<hbm>> -> memref<128xi32, #tpu.memory_space<hbm>>
      %dma_wait3A_741 = arith.constant 0 : i32
      %dma_wait3A_742 = tpu.memref_slice %arg5[%arg1, %dma_wait3A_737, %dma_wait3A_741] : memref<16x160x128xi32, #tpu.memory_space<hbm>> -> memref<1x1x128xi32, #tpu.memory_space<hbm>>
      %dma_wait3A_743 = tpu.memref_squeeze %dma_wait3A_742 : memref<1x1x128xi32, #tpu.memory_space<hbm>> -> memref<128xi32, #tpu.memory_space<hbm>>
      tpu.wait_dma2 semaphore(%arg32 : memref<!tpu.dma_semaphore, #tpu.memory_space<semaphore_mem>>) src(%dma_wait3A_743 : memref<128xi32, #tpu.memory_space<hbm>>) dst(%arg10 : memref<128xi32, #tpu.memory_space<vmem>>)
      %get3A = arith.constant 0 : index
      %get3A_744 = tpu.vector_load %arg10[%get3A] {strides = array<i32>} : memref<128xi32, #tpu.memory_space<vmem>>, vector<16xi32>,
      %and3A = arith.constant 16383 : i32
      %and3A_745 = vector.broadcast %and3A : i32 to vector<16xi32>
      %and3A_746 = arith.andi %get3A_744, %and3A_745 : vector<16xi32>
      %swap3A_747 = arith.constant 0 : index
      %swap3A_748 = tpu.vector_load %arg14[%swap3A_747] {strides = array<i32>} : memref<128xi32, #tpu.memory_space<vmem>>, vector<16xi32>,
      tpu.vector_store %arg14[%swap3A_747], %and3A_746 {strides = array<i32>} : memref<128xi32, #tpu.memory_space<vmem>>, vector<16xi32>,
      %shift_right_logical3A = arith.constant 14 : i32
      %shift_right_logical3A_749 = vector.broadcast %shift_right_logical3A : i32 to vector<16xi32>
      %shift_right_logical3A_750 = arith.shrui %get3A_744, %shift_right_logical3A_749 : vector<16xi32>
      %swap3A_751 = arith.constant 0 : index
      %swap3A_752 = tpu.vector_load %arg18[%swap3A_751] {strides = array<i32>} : memref<128xi32, #tpu.memory_space<vmem>>, vector<16xi32>,
      tpu.vector_store %arg18[%swap3A_751], %shift_right_logical3A_750 {strides = array<i32>} : memref<128xi32, #tpu.memory_space<vmem>>, vector<16xi32>,
      %get3A_753 = arith.constant 16 : index
      %get3A_754 = tpu.vector_load %arg10[%get3A_753] {strides = array<i32>} : memref<128xi32, #tpu.memory_space<vmem>>, vector<16xi32>,
      %and3A_755 = arith.constant 16383 : i32
      %and3A_756 = vector.broadcast %and3A_755 : i32 to vector<16xi32>
      %and3A_757 = arith.andi %get3A_754, %and3A_756 : vector<16xi32>
      %swap3A_758 = arith.constant 16 : index
      %swap3A_759 = tpu.vector_load %arg14[%swap3A_758] {strides = array<i32>} : memref<128xi32, #tpu.memory_space<vmem>>, vector<16xi32>,
      tpu.vector_store %arg14[%swap3A_758], %and3A_757 {strides = array<i32>} : memref<128xi32, #tpu.memory_space<vmem>>, vector<16xi32>,
      %shift_right_logical3A_760 = arith.constant 14 : i32
      %shift_right_logical3A_761 = vector.broadcast %shift_right_logical3A_760 : i32 to vector<16xi32>
      %shift_right_logical3A_762 = arith.shrui %get3A_754, %shift_right_logical3A_761 : vector<16xi32>
      %swap3A_763 = arith.constant 16 : index
      %swap3A_764 = tpu.vector_load %arg18[%swap3A_763] {strides = array<i32>} : memref<128xi32, #tpu.memory_space<vmem>>, vector<16xi32>,
      tpu.vector_store %arg18[%swap3A_763], %shift_right_logical3A_762 {strides = array<i32>} : memref<128xi32, #tpu.memory_space<vmem>>, vector<16xi32>,
      %get3A_765 = arith.constant 32 : index
      %get3A_766 = tpu.vector_load %arg10[%get3A_765] {strides = array<i32>} : memref<128xi32, #tpu.memory_space<vmem>>, vector<16xi32>,
      %and3A_767 = arith.constant 16383 : i32
      %and3A_768 = vector.broadcast %and3A_767 : i32 to vector<16xi32>
      %and3A_769 = arith.andi %get3A_766, %and3A_768 : vector<16xi32>
      %swap3A_770 = arith.constant 32 : index
      %swap3A_771 = tpu.vector_load %arg14[%swap3A_770] {strides = array<i32>} : memref<128xi32, #tpu.memory_space<vmem>>, vector<16xi32>,
      tpu.vector_store %arg14[%swap3A_770], %and3A_769 {strides = array<i32>} : memref<128xi32, #tpu.memory_space<vmem>>, vector<16xi32>,
      %shift_right_logical3A_772 = arith.constant 14 : i32
      %shift_right_logical3A_773 = vector.broadcast %shift_right_logical3A_772 : i32 to vector<16xi32>
      %shift_right_logical3A_774 = arith.shrui %get3A_766, %shift_right_logical3A_773 : vector<16xi32>
      %swap3A_775 = arith.constant 32 : index
      %swap3A_776 = tpu.vector_load %arg18[%swap3A_775] {strides = array<i32>} : memref<128xi32, #tpu.memory_space<vmem>>, vector<16xi32>,
      tpu.vector_store %arg18[%swap3A_775], %shift_right_logical3A_774 {strides = array<i32>} : memref<128xi32, #tpu.memory_space<vmem>>, vector<16xi32>,
      %get3A_777 = arith.constant 48 : index
      %get3A_778 = tpu.vector_load %arg10[%get3A_777] {strides = array<i32>} : memref<128xi32, #tpu.memory_space<vmem>>, vector<16xi32>,
      %and3A_779 = arith.constant 16383 : i32
      %and3A_780 = vector.broadcast %and3A_779 : i32 to vector<16xi32>
      %and3A_781 = arith.andi %get3A_778, %and3A_780 : vector<16xi32>
      %swap3A_782 = arith.constant 48 : index
      %swap3A_783 = tpu.vector_load %arg14[%swap3A_782] {strides = array<i32>} : memref<128xi32, #tpu.memory_space<vmem>>, vector<16xi32>,
      tpu.vector_store %arg14[%swap3A_782], %and3A_781 {strides = array<i32>} : memref<128xi32, #tpu.memory_space<vmem>>, vector<16xi32>,
      %shift_right_logical3A_784 = arith.constant 14 : i32
      %shift_right_logical3A_785 = vector.broadcast %shift_right_logical3A_784 : i32 to vector<16xi32>
      %shift_right_logical3A_786 = arith.shrui %get3A_778, %shift_right_logical3A_785 : vector<16xi32>
      %swap3A_787 = arith.constant 48 : index
      %swap3A_788 = tpu.vector_load %arg18[%swap3A_787] {strides = array<i32>} : memref<128xi32, #tpu.memory_space<vmem>>, vector<16xi32>,
      tpu.vector_store %arg18[%swap3A_787], %shift_right_logical3A_786 {strides = array<i32>} : memref<128xi32, #tpu.memory_space<vmem>>, vector<16xi32>,
      %get3A_789 = arith.constant 64 : index
      %get3A_790 = tpu.vector_load %arg10[%get3A_789] {strides = array<i32>} : memref<128xi32, #tpu.memory_space<vmem>>, vector<16xi32>,
      %and3A_791 = arith.constant 16383 : i32
      %and3A_792 = vector.broadcast %and3A_791 : i32 to vector<16xi32>
      %and3A_793 = arith.andi %get3A_790, %and3A_792 : vector<16xi32>
      %swap3A_794 = arith.constant 64 : index
      %swap3A_795 = tpu.vector_load %arg14[%swap3A_794] {strides = array<i32>} : memref<128xi32, #tpu.memory_space<vmem>>, vector<16xi32>,
      tpu.vector_store %arg14[%swap3A_794], %and3A_793 {strides = array<i32>} : memref<128xi32, #tpu.memory_space<vmem>>, vector<16xi32>,
      %shift_right_logical3A_796 = arith.constant 14 : i32
      %shift_right_logical3A_797 = vector.broadcast %shift_right_logical3A_796 : i32 to vector<16xi32>
      %shift_right_logical3A_798 = arith.shrui %get3A_790, %shift_right_logical3A_797 : vector<16xi32>
      %swap3A_799 = arith.constant 64 : index
      %swap3A_800 = tpu.vector_load %arg18[%swap3A_799] {strides = array<i32>} : memref<128xi32, #tpu.memory_space<vmem>>, vector<16xi32>,
      tpu.vector_store %arg18[%swap3A_799], %shift_right_logical3A_798 {strides = array<i32>} : memref<128xi32, #tpu.memory_space<vmem>>, vector<16xi32>,
      %get3A_801 = arith.constant 80 : index
      %get3A_802 = tpu.vector_load %arg10[%get3A_801] {strides = array<i32>} : memref<128xi32, #tpu.memory_space<vmem>>, vector<16xi32>,
      %and3A_803 = arith.constant 16383 : i32
      %and3A_804 = vector.broadcast %and3A_803 : i32 to vector<16xi32>
      %and3A_805 = arith.andi %get3A_802, %and3A_804 : vector<16xi32>
      %swap3A_806 = arith.constant 80 : index
      %swap3A_807 = tpu.vector_load %arg14[%swap3A_806] {strides = array<i32>} : memref<128xi32, #tpu.memory_space<vmem>>, vector<16xi32>,
      tpu.vector_store %arg14[%swap3A_806], %and3A_805 {strides = array<i32>} : memref<128xi32, #tpu.memory_space<vmem>>, vector<16xi32>,
      %shift_right_logical3A_808 = arith.constant 14 : i32
      %shift_right_logical3A_809 = vector.broadcast %shift_right_logical3A_808 : i32 to vector<16xi32>
      %shift_right_logical3A_810 = arith.shrui %get3A_802, %shift_right_logical3A_809 : vector<16xi32>
      %swap3A_811 = arith.constant 80 : index
      %swap3A_812 = tpu.vector_load %arg18[%swap3A_811] {strides = array<i32>} : memref<128xi32, #tpu.memory_space<vmem>>, vector<16xi32>,
      tpu.vector_store %arg18[%swap3A_811], %shift_right_logical3A_810 {strides = array<i32>} : memref<128xi32, #tpu.memory_space<vmem>>, vector<16xi32>,
      %get3A_813 = arith.constant 96 : index
      %get3A_814 = tpu.vector_load %arg10[%get3A_813] {strides = array<i32>} : memref<128xi32, #tpu.memory_space<vmem>>, vector<16xi32>,
      %and3A_815 = arith.constant 16383 : i32
      %and3A_816 = vector.broadcast %and3A_815 : i32 to vector<16xi32>
      %and3A_817 = arith.andi %get3A_814, %and3A_816 : vector<16xi32>
      %swap3A_818 = arith.constant 96 : index
      %swap3A_819 = tpu.vector_load %arg14[%swap3A_818] {strides = array<i32>} : memref<128xi32, #tpu.memory_space<vmem>>, vector<16xi32>,
      tpu.vector_store %arg14[%swap3A_818], %and3A_817 {strides = array<i32>} : memref<128xi32, #tpu.memory_space<vmem>>, vector<16xi32>,
      %shift_right_logical3A_820 = arith.constant 14 : i32
      %shift_right_logical3A_821 = vector.broadcast %shift_right_logical3A_820 : i32 to vector<16xi32>
      %shift_right_logical3A_822 = arith.shrui %get3A_814, %shift_right_logical3A_821 : vector<16xi32>
      %swap3A_823 = arith.constant 96 : index
      %swap3A_824 = tpu.vector_load %arg18[%swap3A_823] {strides = array<i32>} : memref<128xi32, #tpu.memory_space<vmem>>, vector<16xi32>,
      tpu.vector_store %arg18[%swap3A_823], %shift_right_logical3A_822 {strides = array<i32>} : memref<128xi32, #tpu.memory_space<vmem>>, vector<16xi32>,
      %get3A_825 = arith.constant 112 : index
      %get3A_826 = tpu.vector_load %arg10[%get3A_825] {strides = array<i32>} : memref<128xi32, #tpu.memory_space<vmem>>, vector<16xi32>,
      %and3A_827 = arith.constant 16383 : i32
      %and3A_828 = vector.broadcast %and3A_827 : i32 to vector<16xi32>
      %and3A_829 = arith.andi %get3A_826, %and3A_828 : vector<16xi32>
      %swap3A_830 = arith.constant 112 : index
      %swap3A_831 = tpu.vector_load %arg14[%swap3A_830] {strides = array<i32>} : memref<128xi32, #tpu.memory_space<vmem>>, vector<16xi32>,
      tpu.vector_store %arg14[%swap3A_830], %and3A_829 {strides = array<i32>} : memref<128xi32, #tpu.memory_space<vmem>>, vector<16xi32>,
      %shift_right_logical3A_832 = arith.constant 14 : i32
      %shift_right_logical3A_833 = vector.broadcast %shift_right_logical3A_832 : i32 to vector<16xi32>
      %shift_right_logical3A_834 = arith.shrui %get3A_826, %shift_right_logical3A_833 : vector<16xi32>
      %swap3A_835 = arith.constant 112 : index
      %swap3A_836 = tpu.vector_load %arg18[%swap3A_835] {strides = array<i32>} : memref<128xi32, #tpu.memory_space<vmem>>, vector<16xi32>,
      tpu.vector_store %arg18[%swap3A_835], %shift_right_logical3A_834 {strides = array<i32>} : memref<128xi32, #tpu.memory_space<vmem>>, vector<16xi32>,
      %dma_start3A_837 = arith.constant 0 : i32
      %dma_start3A_838 = arith.constant 0 : i32
      %dma_start3A_839 = tpu.memref_slice %arg3[%dma_start3A_837, %dma_start3A_838] : memref<10000x128xbf16, #tpu.memory_space<hbm>> -> memref<10000x128xbf16, #tpu.memory_space<hbm>>
      tpu.enqueue_indirect_dma source(%dma_start3A_839 : memref<10000x128xbf16, #tpu.memory_space<hbm>>) target(%arg22 : memref<128x128xbf16, #tpu.memory_space<vmem>>) offsets(%arg14 : memref<128xi32, #tpu.memory_space<vmem>>) semaphore(%arg36 : memref<!tpu.dma_semaphore, #tpu.memory_space<semaphore_mem>>)
      %dma_start3A_840 = arith.constant 4 : i32
      %dma_start3A_841 = arith.constant 0 : i32
      %dma_start3A_842 = tpu.memref_slice %arg5[%arg1, %dma_start3A_840, %dma_start3A_841] : memref<16x160x128xi32, #tpu.memory_space<hbm>> -> memref<1x1x128xi32, #tpu.memory_space<hbm>>
      %dma_start3A_843 = tpu.memref_squeeze %dma_start3A_842 : memref<1x1x128xi32, #tpu.memory_space<hbm>> -> memref<128xi32, #tpu.memory_space<hbm>>
      %dma_start3A_844 = arith.constant 0 : i32
      %dma_start3A_845 = tpu.memref_slice %arg5[%arg1, %dma_start3A_840, %dma_start3A_844] : memref<16x160x128xi32, #tpu.memory_space<hbm>> -> memref<1x1x128xi32, #tpu.memory_space<hbm>>
      %dma_start3A_846 = tpu.memref_squeeze %dma_start3A_845 : memref<1x1x128xi32, #tpu.memory_space<hbm>> -> memref<128xi32, #tpu.memory_space<hbm>>
      tpu.enqueue_dma source(%dma_start3A_846 : memref<128xi32, #tpu.memory_space<hbm>>) target(%arg10 : memref<128xi32, #tpu.memory_space<vmem>>) target_semaphore(%arg32 : memref<!tpu.dma_semaphore, #tpu.memory_space<semaphore_mem>>)
      %scan3A_847 = arith.constant 0 : i32
      %scan3A_848 = arith.constant 0 : i32
      %scan3A_849 = arith.constant 40 : i32
      %scan3A_850 = arith.addi %scan3A_848, %scan3A_849 : i32
      %scan3A_851 = arith.constant 1 : i32
      %scan3A_852 = scf.for %scan3A_863 = %scan3A_848 to %scan3A_850 step %scan3A_851 iter_args(%scan3A_864 = %scan3A_847) -> (i32)  : i32 {
        %mul3A_865 = arith.constant 4 : i32
        %mul3A_866 = arith.muli %scan3A_863, %mul3A_865 : i32
        %add3A_867 = arith.constant 0 : i32
        %add3A_868 = arith.addi %mul3A_866, %add3A_867 : i32
        %sub3A = arith.constant 3 : i32
        %sub3A_869 = arith.subi %add3A_868, %sub3A : i32
        %ge3A = arith.constant 0 : i32
        %ge3A_870 = arith.cmpi sge, %sub3A_869, %ge3A : i32
        %convert_element_type3A_871 = arith.extui %ge3A_870 : i1 to i32
        %cond3A_872 = arith.constant 0 : i32
        %cond3A_873 = arith.cmpi ne, %convert_element_type3A_871, %cond3A_872 : i32
        scf.if %cond3A_873 {
          %dma_wait3A_1251 = arith.constant 0 : i32
          %dma_wait3A_1252 = arith.constant 0 : i32
          %dma_wait3A_1253 = tpu.memref_slice %arg30[%dma_wait3A_1251, %dma_wait3A_1252] : memref<10240x128xbf16, #tpu.memory_space<vmem_shared>> -> memref<10240x128xbf16, #tpu.memory_space<vmem_shared>>
          tpu.wait_indirect_dma semaphore(%arg41 : memref<!tpu.dma_semaphore, #tpu.memory_space<semaphore_mem>>) src(%arg23 : memref<128x128xbf16, #tpu.memory_space<vmem>>) dst(%dma_wait3A_1253 : memref<10240x128xbf16, #tpu.memory_space<vmem_shared>>)
        } else {
        }
        %add3A_874 = arith.constant 1 : i32
        %add3A_875 = arith.addi %add3A_868, %add3A_874 : i32
        %le3A = arith.constant 159 : i32
        %le3A_876 = arith.cmpi sle, %add3A_875, %le3A : i32
        %convert_element_type3A_877 = arith.extui %le3A_876 : i1 to i32
        %cond3A_878 = arith.constant 0 : i32
        %cond3A_879 = arith.cmpi ne, %convert_element_type3A_877, %cond3A_878 : i32
        scf.if %cond3A_879 {
          %add3A_1251 = arith.constant 1 : i32
          %add3A_1252 = arith.addi %add3A_868, %add3A_1251 : i32
          %dma_wait3A_1253 = arith.constant 0 : i32
          %dma_wait3A_1254 = tpu.memref_slice %arg5[%arg1, %add3A_1252, %dma_wait3A_1253] : memref<16x160x128xi32, #tpu.memory_space<hbm>> -> memref<1x1x128xi32, #tpu.memory_space<hbm>>
          %dma_wait3A_1255 = tpu.memref_squeeze %dma_wait3A_1254 : memref<1x1x128xi32, #tpu.memory_space<hbm>> -> memref<128xi32, #tpu.memory_space<hbm>>
          %dma_wait3A_1256 = arith.constant 0 : i32
          %dma_wait3A_1257 = tpu.memref_slice %arg5[%arg1, %add3A_1252, %dma_wait3A_1256] : memref<16x160x128xi32, #tpu.memory_space<hbm>> -> memref<1x1x128xi32, #tpu.memory_space<hbm>>
          %dma_wait3A_1258 = tpu.memref_squeeze %dma_wait3A_1257 : memref<1x1x128xi32, #tpu.memory_space<hbm>> -> memref<128xi32, #tpu.memory_space<hbm>>
          tpu.wait_dma2 semaphore(%arg33 : memref<!tpu.dma_semaphore, #tpu.memory_space<semaphore_mem>>) src(%dma_wait3A_1258 : memref<128xi32, #tpu.memory_space<hbm>>) dst(%arg11 : memref<128xi32, #tpu.memory_space<vmem>>)
          %get3A_1259 = arith.constant 0 : index
          %get3A_1260 = tpu.vector_load %arg11[%get3A_1259] {strides = array<i32>} : memref<128xi32, #tpu.memory_space<vmem>>, vector<16xi32>,
          %and3A_1261 = arith.constant 16383 : i32
          %and3A_1262 = vector.broadcast %and3A_1261 : i32 to vector<16xi32>
          %and3A_1263 = arith.andi %get3A_1260, %and3A_1262 : vector<16xi32>
          %swap3A_1264 = arith.constant 0 : index
          %swap3A_1265 = tpu.vector_load %arg15[%swap3A_1264] {strides = array<i32>} : memref<128xi32, #tpu.memory_space<vmem>>, vector<16xi32>,
          tpu.vector_store %arg15[%swap3A_1264], %and3A_1263 {strides = array<i32>} : memref<128xi32, #tpu.memory_space<vmem>>, vector<16xi32>,
          %shift_right_logical3A_1266 = arith.constant 14 : i32
          %shift_right_logical3A_1267 = vector.broadcast %shift_right_logical3A_1266 : i32 to vector<16xi32>
          %shift_right_logical3A_1268 = arith.shrui %get3A_1260, %shift_right_logical3A_1267 : vector<16xi32>
          %swap3A_1269 = arith.constant 0 : index
          %swap3A_1270 = tpu.vector_load %arg19[%swap3A_1269] {strides = array<i32>} : memref<128xi32, #tpu.memory_space<vmem>>, vector<16xi32>,
          tpu.vector_store %arg19[%swap3A_1269], %shift_right_logical3A_1268 {strides = array<i32>} : memref<128xi32, #tpu.memory_space<vmem>>, vector<16xi32>,
          %get3A_1271 = arith.constant 16 : index
          %get3A_1272 = tpu.vector_load %arg11[%get3A_1271] {strides = array<i32>} : memref<128xi32, #tpu.memory_space<vmem>>, vector<16xi32>,
          %and3A_1273 = arith.constant 16383 : i32
          %and3A_1274 = vector.broadcast %and3A_1273 : i32 to vector<16xi32>
          %and3A_1275 = arith.andi %get3A_1272, %and3A_1274 : vector<16xi32>
          %swap3A_1276 = arith.constant 16 : index
          %swap3A_1277 = tpu.vector_load %arg15[%swap3A_1276] {strides = array<i32>} : memref<128xi32, #tpu.memory_space<vmem>>, vector<16xi32>,
          tpu.vector_store %arg15[%swap3A_1276], %and3A_1275 {strides = array<i32>} : memref<128xi32, #tpu.memory_space<vmem>>, vector<16xi32>,
          %shift_right_logical3A_1278 = arith.constant 14 : i32
          %shift_right_logical3A_1279 = vector.broadcast %shift_right_logical3A_1278 : i32 to vector<16xi32>
          %shift_right_logical3A_1280 = arith.shrui %get3A_1272, %shift_right_logical3A_1279 : vector<16xi32>
          %swap3A_1281 = arith.constant 16 : index
          %swap3A_1282 = tpu.vector_load %arg19[%swap3A_1281] {strides = array<i32>} : memref<128xi32, #tpu.memory_space<vmem>>, vector<16xi32>,
          tpu.vector_store %arg19[%swap3A_1281], %shift_right_logical3A_1280 {strides = array<i32>} : memref<128xi32, #tpu.memory_space<vmem>>, vector<16xi32>,
          %get3A_1283 = arith.constant 32 : index
          %get3A_1284 = tpu.vector_load %arg11[%get3A_1283] {strides = array<i32>} : memref<128xi32, #tpu.memory_space<vmem>>, vector<16xi32>,
          %and3A_1285 = arith.constant 16383 : i32
          %and3A_1286 = vector.broadcast %and3A_1285 : i32 to vector<16xi32>
          %and3A_1287 = arith.andi %get3A_1284, %and3A_1286 : vector<16xi32>
          %swap3A_1288 = arith.constant 32 : index
          %swap3A_1289 = tpu.vector_load %arg15[%swap3A_1288] {strides = array<i32>} : memref<128xi32, #tpu.memory_space<vmem>>, vector<16xi32>,
          tpu.vector_store %arg15[%swap3A_1288], %and3A_1287 {strides = array<i32>} : memref<128xi32, #tpu.memory_space<vmem>>, vector<16xi32>,
          %shift_right_logical3A_1290 = arith.constant 14 : i32
          %shift_right_logical3A_1291 = vector.broadcast %shift_right_logical3A_1290 : i32 to vector<16xi32>
          %shift_right_logical3A_1292 = arith.shrui %get3A_1284, %shift_right_logical3A_1291 : vector<16xi32>
          %swap3A_1293 = arith.constant 32 : index
          %swap3A_1294 = tpu.vector_load %arg19[%swap3A_1293] {strides = array<i32>} : memref<128xi32, #tpu.memory_space<vmem>>, vector<16xi32>,
          tpu.vector_store %arg19[%swap3A_1293], %shift_right_logical3A_1292 {strides = array<i32>} : memref<128xi32, #tpu.memory_space<vmem>>, vector<16xi32>,
          %get3A_1295 = arith.constant 48 : index
          %get3A_1296 = tpu.vector_load %arg11[%get3A_1295] {strides = array<i32>} : memref<128xi32, #tpu.memory_space<vmem>>, vector<16xi32>,
          %and3A_1297 = arith.constant 16383 : i32
          %and3A_1298 = vector.broadcast %and3A_1297 : i32 to vector<16xi32>
          %and3A_1299 = arith.andi %get3A_1296, %and3A_1298 : vector<16xi32>
          %swap3A_1300 = arith.constant 48 : index
          %swap3A_1301 = tpu.vector_load %arg15[%swap3A_1300] {strides = array<i32>} : memref<128xi32, #tpu.memory_space<vmem>>, vector<16xi32>,
          tpu.vector_store %arg15[%swap3A_1300], %and3A_1299 {strides = array<i32>} : memref<128xi32, #tpu.memory_space<vmem>>, vector<16xi32>,
          %shift_right_logical3A_1302 = arith.constant 14 : i32
          %shift_right_logical3A_1303 = vector.broadcast %shift_right_logical3A_1302 : i32 to vector<16xi32>
          %shift_right_logical3A_1304 = arith.shrui %get3A_1296, %shift_right_logical3A_1303 : vector<16xi32>
          %swap3A_1305 = arith.constant 48 : index
          %swap3A_1306 = tpu.vector_load %arg19[%swap3A_1305] {strides = array<i32>} : memref<128xi32, #tpu.memory_space<vmem>>, vector<16xi32>,
          tpu.vector_store %arg19[%swap3A_1305], %shift_right_logical3A_1304 {strides = array<i32>} : memref<128xi32, #tpu.memory_space<vmem>>, vector<16xi32>,
          %get3A_1307 = arith.constant 64 : index
          %get3A_1308 = tpu.vector_load %arg11[%get3A_1307] {strides = array<i32>} : memref<128xi32, #tpu.memory_space<vmem>>, vector<16xi32>,
          %and3A_1309 = arith.constant 16383 : i32
          %and3A_1310 = vector.broadcast %and3A_1309 : i32 to vector<16xi32>
          %and3A_1311 = arith.andi %get3A_1308, %and3A_1310 : vector<16xi32>
          %swap3A_1312 = arith.constant 64 : index
          %swap3A_1313 = tpu.vector_load %arg15[%swap3A_1312] {strides = array<i32>} : memref<128xi32, #tpu.memory_space<vmem>>, vector<16xi32>,
          tpu.vector_store %arg15[%swap3A_1312], %and3A_1311 {strides = array<i32>} : memref<128xi32, #tpu.memory_space<vmem>>, vector<16xi32>,
          %shift_right_logical3A_1314 = arith.constant 14 : i32
          %shift_right_logical3A_1315 = vector.broadcast %shift_right_logical3A_1314 : i32 to vector<16xi32>
          %shift_right_logical3A_1316 = arith.shrui %get3A_1308, %shift_right_logical3A_1315 : vector<16xi32>
          %swap3A_1317 = arith.constant 64 : index
          %swap3A_1318 = tpu.vector_load %arg19[%swap3A_1317] {strides = array<i32>} : memref<128xi32, #tpu.memory_space<vmem>>, vector<16xi32>,
          tpu.vector_store %arg19[%swap3A_1317], %shift_right_logical3A_1316 {strides = array<i32>} : memref<128xi32, #tpu.memory_space<vmem>>, vector<16xi32>,
          %get3A_1319 = arith.constant 80 : index
          %get3A_1320 = tpu.vector_load %arg11[%get3A_1319] {strides = array<i32>} : memref<128xi32, #tpu.memory_space<vmem>>, vector<16xi32>,
          %and3A_1321 = arith.constant 16383 : i32
          %and3A_1322 = vector.broadcast %and3A_1321 : i32 to vector<16xi32>
          %and3A_1323 = arith.andi %get3A_1320, %and3A_1322 : vector<16xi32>
          %swap3A_1324 = arith.constant 80 : index
          %swap3A_1325 = tpu.vector_load %arg15[%swap3A_1324] {strides = array<i32>} : memref<128xi32, #tpu.memory_space<vmem>>, vector<16xi32>,
          tpu.vector_store %arg15[%swap3A_1324], %and3A_1323 {strides = array<i32>} : memref<128xi32, #tpu.memory_space<vmem>>, vector<16xi32>,
          %shift_right_logical3A_1326 = arith.constant 14 : i32
          %shift_right_logical3A_1327 = vector.broadcast %shift_right_logical3A_1326 : i32 to vector<16xi32>
          %shift_right_logical3A_1328 = arith.shrui %get3A_1320, %shift_right_logical3A_1327 : vector<16xi32>
          %swap3A_1329 = arith.constant 80 : index
          %swap3A_1330 = tpu.vector_load %arg19[%swap3A_1329] {strides = array<i32>} : memref<128xi32, #tpu.memory_space<vmem>>, vector<16xi32>,
          tpu.vector_store %arg19[%swap3A_1329], %shift_right_logical3A_1328 {strides = array<i32>} : memref<128xi32, #tpu.memory_space<vmem>>, vector<16xi32>,
          %get3A_1331 = arith.constant 96 : index
          %get3A_1332 = tpu.vector_load %arg11[%get3A_1331] {strides = array<i32>} : memref<128xi32, #tpu.memory_space<vmem>>, vector<16xi32>,
          %and3A_1333 = arith.constant 16383 : i32
          %and3A_1334 = vector.broadcast %and3A_1333 : i32 to vector<16xi32>
          %and3A_1335 = arith.andi %get3A_1332, %and3A_1334 : vector<16xi32>
          %swap3A_1336 = arith.constant 96 : index
          %swap3A_1337 = tpu.vector_load %arg15[%swap3A_1336] {strides = array<i32>} : memref<128xi32, #tpu.memory_space<vmem>>, vector<16xi32>,
          tpu.vector_store %arg15[%swap3A_1336], %and3A_1335 {strides = array<i32>} : memref<128xi32, #tpu.memory_space<vmem>>, vector<16xi32>,
          %shift_right_logical3A_1338 = arith.constant 14 : i32
          %shift_right_logical3A_1339 = vector.broadcast %shift_right_logical3A_1338 : i32 to vector<16xi32>
          %shift_right_logical3A_1340 = arith.shrui %get3A_1332, %shift_right_logical3A_1339 : vector<16xi32>
          %swap3A_1341 = arith.constant 96 : index
          %swap3A_1342 = tpu.vector_load %arg19[%swap3A_1341] {strides = array<i32>} : memref<128xi32, #tpu.memory_space<vmem>>, vector<16xi32>,
          tpu.vector_store %arg19[%swap3A_1341], %shift_right_logical3A_1340 {strides = array<i32>} : memref<128xi32, #tpu.memory_space<vmem>>, vector<16xi32>,
          %get3A_1343 = arith.constant 112 : index
          %get3A_1344 = tpu.vector_load %arg11[%get3A_1343] {strides = array<i32>} : memref<128xi32, #tpu.memory_space<vmem>>, vector<16xi32>,
          %and3A_1345 = arith.constant 16383 : i32
          %and3A_1346 = vector.broadcast %and3A_1345 : i32 to vector<16xi32>
          %and3A_1347 = arith.andi %get3A_1344, %and3A_1346 : vector<16xi32>
          %swap3A_1348 = arith.constant 112 : index
          %swap3A_1349 = tpu.vector_load %arg15[%swap3A_1348] {strides = array<i32>} : memref<128xi32, #tpu.memory_space<vmem>>, vector<16xi32>,
          tpu.vector_store %arg15[%swap3A_1348], %and3A_1347 {strides = array<i32>} : memref<128xi32, #tpu.memory_space<vmem>>, vector<16xi32>,
          %shift_right_logical3A_1350 = arith.constant 14 : i32
          %shift_right_logical3A_1351 = vector.broadcast %shift_right_logical3A_1350 : i32 to vector<16xi32>
          %shift_right_logical3A_1352 = arith.shrui %get3A_1344, %shift_right_logical3A_1351 : vector<16xi32>
          %swap3A_1353 = arith.constant 112 : index
          %swap3A_1354 = tpu.vector_load %arg19[%swap3A_1353] {strides = array<i32>} : memref<128xi32, #tpu.memory_space<vmem>>, vector<16xi32>,
          tpu.vector_store %arg19[%swap3A_1353], %shift_right_logical3A_1352 {strides = array<i32>} : memref<128xi32, #tpu.memory_space<vmem>>, vector<16xi32>,
          %dma_start3A_1355 = arith.constant 0 : i32
          %dma_start3A_1356 = arith.constant 0 : i32
          %dma_start3A_1357 = tpu.memref_slice %arg3[%dma_start3A_1355, %dma_start3A_1356] : memref<10000x128xbf16, #tpu.memory_space<hbm>> -> memref<10000x128xbf16, #tpu.memory_space<hbm>>
          tpu.enqueue_indirect_dma source(%dma_start3A_1357 : memref<10000x128xbf16, #tpu.memory_space<hbm>>) target(%arg23 : memref<128x128xbf16, #tpu.memory_space<vmem>>) offsets(%arg15 : memref<128xi32, #tpu.memory_space<vmem>>) semaphore(%arg37 : memref<!tpu.dma_semaphore, #tpu.memory_space<semaphore_mem>>)
        } else {
        }
        %dma_wait3A_880 = arith.constant 0 : i32
        %dma_wait3A_881 = arith.constant 0 : i32
        %dma_wait3A_882 = tpu.memref_slice %arg3[%dma_wait3A_880, %dma_wait3A_881] : memref<10000x128xbf16, #tpu.memory_space<hbm>> -> memref<10000x128xbf16, #tpu.memory_space<hbm>>
        tpu.wait_indirect_dma semaphore(%arg36 : memref<!tpu.dma_semaphore, #tpu.memory_space<semaphore_mem>>) src(%dma_wait3A_882 : memref<10000x128xbf16, #tpu.memory_space<hbm>>) dst(%arg22 : memref<128x128xbf16, #tpu.memory_space<vmem>>)
        %dma_start3A_883 = arith.constant 0 : i32
        %dma_start3A_884 = arith.constant 0 : i32
        %dma_start3A_885 = tpu.memref_slice %arg30[%dma_start3A_883, %dma_start3A_884] : memref<10240x128xbf16, #tpu.memory_space<vmem_shared>> -> memref<10240x128xbf16, #tpu.memory_space<vmem_shared>>
        tpu.enqueue_indirect_dma source(%arg22 : memref<128x128xbf16, #tpu.memory_space<vmem>>) target(%dma_start3A_885 : memref<10240x128xbf16, #tpu.memory_space<vmem_shared>>) offsets(%arg18 : memref<128xi32, #tpu.memory_space<vmem>>) semaphore(%arg40 : memref<!tpu.dma_semaphore, #tpu.memory_space<semaphore_mem>>) {add = true}
        %get3A_886 = arith.constant 0 : index
        %get3A_887 = tpu.vector_load %arg18[%get3A_886] {strides = array<i32>} : memref<128xi32, #tpu.memory_space<vmem>>, vector<16xi32>,
        %shift_right_logical3A_888 = arith.constant 7 : i32
        %shift_right_logical3A_889 = vector.broadcast %shift_right_logical3A_888 : i32 to vector<16xi32>
        %shift_right_logical3A_890 = arith.shrui %get3A_887, %shift_right_logical3A_889 : vector<16xi32>
        %and3A_891 = arith.constant 127 : i32
        %and3A_892 = vector.broadcast %and3A_891 : i32 to vector<16xi32>
        %and3A_893 = arith.andi %get3A_887, %and3A_892 : vector<16xi32>
        tpu.vector_store_idx %arg26[%shift_right_logical3A_890, %and3A_893], %broadcast_in_dim3A_2 {add = true} : memref<80x128xf32, #tpu.memory_space<vmem>>[vector<16xi32>, vector<16xi32>], vector<16xf32>,
        %get3A_894 = arith.constant 16 : index
        %get3A_895 = tpu.vector_load %arg18[%get3A_894] {strides = array<i32>} : memref<128xi32, #tpu.memory_space<vmem>>, vector<16xi32>,
        %shift_right_logical3A_896 = arith.constant 7 : i32
        %shift_right_logical3A_897 = vector.broadcast %shift_right_logical3A_896 : i32 to vector<16xi32>
        %shift_right_logical3A_898 = arith.shrui %get3A_895, %shift_right_logical3A_897 : vector<16xi32>
        %and3A_899 = arith.constant 127 : i32
        %and3A_900 = vector.broadcast %and3A_899 : i32 to vector<16xi32>
        %and3A_901 = arith.andi %get3A_895, %and3A_900 : vector<16xi32>
        tpu.vector_store_idx %arg26[%shift_right_logical3A_898, %and3A_901], %broadcast_in_dim3A_2 {add = true} : memref<80x128xf32, #tpu.memory_space<vmem>>[vector<16xi32>, vector<16xi32>], vector<16xf32>,
        %get3A_902 = arith.constant 32 : index
        %get3A_903 = tpu.vector_load %arg18[%get3A_902] {strides = array<i32>} : memref<128xi32, #tpu.memory_space<vmem>>, vector<16xi32>,
        %shift_right_logical3A_904 = arith.constant 7 : i32
        %shift_right_logical3A_905 = vector.broadcast %shift_right_logical3A_904 : i32 to vector<16xi32>
        %shift_right_logical3A_906 = arith.shrui %get3A_903, %shift_right_logical3A_905 : vector<16xi32>
        %and3A_907 = arith.constant 127 : i32
        %and3A_908 = vector.broadcast %and3A_907 : i32 to vector<16xi32>
        %and3A_909 = arith.andi %get3A_903, %and3A_908 : vector<16xi32>
        tpu.vector_store_idx %arg26[%shift_right_logical3A_906, %and3A_909], %broadcast_in_dim3A_2 {add = true} : memref<80x128xf32, #tpu.memory_space<vmem>>[vector<16xi32>, vector<16xi32>], vector<16xf32>,
        %get3A_910 = arith.constant 48 : index
        %get3A_911 = tpu.vector_load %arg18[%get3A_910] {strides = array<i32>} : memref<128xi32, #tpu.memory_space<vmem>>, vector<16xi32>,
        %shift_right_logical3A_912 = arith.constant 7 : i32
        %shift_right_logical3A_913 = vector.broadcast %shift_right_logical3A_912 : i32 to vector<16xi32>
        %shift_right_logical3A_914 = arith.shrui %get3A_911, %shift_right_logical3A_913 : vector<16xi32>
        %and3A_915 = arith.constant 127 : i32
        %and3A_916 = vector.broadcast %and3A_915 : i32 to vector<16xi32>
        %and3A_917 = arith.andi %get3A_911, %and3A_916 : vector<16xi32>
        tpu.vector_store_idx %arg26[%shift_right_logical3A_914, %and3A_917], %broadcast_in_dim3A_2 {add = true} : memref<80x128xf32, #tpu.memory_space<vmem>>[vector<16xi32>, vector<16xi32>], vector<16xf32>,
        %get3A_918 = arith.constant 64 : index
        %get3A_919 = tpu.vector_load %arg18[%get3A_918] {strides = array<i32>} : memref<128xi32, #tpu.memory_space<vmem>>, vector<16xi32>,
        %shift_right_logical3A_920 = arith.constant 7 : i32
        %shift_right_logical3A_921 = vector.broadcast %shift_right_logical3A_920 : i32 to vector<16xi32>
        %shift_right_logical3A_922 = arith.shrui %get3A_919, %shift_right_logical3A_921 : vector<16xi32>
        %and3A_923 = arith.constant 127 : i32
        %and3A_924 = vector.broadcast %and3A_923 : i32 to vector<16xi32>
        %and3A_925 = arith.andi %get3A_919, %and3A_924 : vector<16xi32>
        tpu.vector_store_idx %arg26[%shift_right_logical3A_922, %and3A_925], %broadcast_in_dim3A_2 {add = true} : memref<80x128xf32, #tpu.memory_space<vmem>>[vector<16xi32>, vector<16xi32>], vector<16xf32>,
        %get3A_926 = arith.constant 80 : index
        %get3A_927 = tpu.vector_load %arg18[%get3A_926] {strides = array<i32>} : memref<128xi32, #tpu.memory_space<vmem>>, vector<16xi32>,
        %shift_right_logical3A_928 = arith.constant 7 : i32
        %shift_right_logical3A_929 = vector.broadcast %shift_right_logical3A_928 : i32 to vector<16xi32>
        %shift_right_logical3A_930 = arith.shrui %get3A_927, %shift_right_logical3A_929 : vector<16xi32>
        %and3A_931 = arith.constant 127 : i32
        %and3A_932 = vector.broadcast %and3A_931 : i32 to vector<16xi32>
        %and3A_933 = arith.andi %get3A_927, %and3A_932 : vector<16xi32>
        tpu.vector_store_idx %arg26[%shift_right_logical3A_930, %and3A_933], %broadcast_in_dim3A_2 {add = true} : memref<80x128xf32, #tpu.memory_space<vmem>>[vector<16xi32>, vector<16xi32>], vector<16xf32>,
        %get3A_934 = arith.constant 96 : index
        %get3A_935 = tpu.vector_load %arg18[%get3A_934] {strides = array<i32>} : memref<128xi32, #tpu.memory_space<vmem>>, vector<16xi32>,
        %shift_right_logical3A_936 = arith.constant 7 : i32
        %shift_right_logical3A_937 = vector.broadcast %shift_right_logical3A_936 : i32 to vector<16xi32>
        %shift_right_logical3A_938 = arith.shrui %get3A_935, %shift_right_logical3A_937 : vector<16xi32>
        %and3A_939 = arith.constant 127 : i32
        %and3A_940 = vector.broadcast %and3A_939 : i32 to vector<16xi32>
        %and3A_941 = arith.andi %get3A_935, %and3A_940 : vector<16xi32>
        tpu.vector_store_idx %arg26[%shift_right_logical3A_938, %and3A_941], %broadcast_in_dim3A_2 {add = true} : memref<80x128xf32, #tpu.memory_space<vmem>>[vector<16xi32>, vector<16xi32>], vector<16xf32>,
        %get3A_942 = arith.constant 112 : index
        %get3A_943 = tpu.vector_load %arg18[%get3A_942] {strides = array<i32>} : memref<128xi32, #tpu.memory_space<vmem>>, vector<16xi32>,
        %shift_right_logical3A_944 = arith.constant 7 : i32
        %shift_right_logical3A_945 = vector.broadcast %shift_right_logical3A_944 : i32 to vector<16xi32>
        %shift_right_logical3A_946 = arith.shrui %get3A_943, %shift_right_logical3A_945 : vector<16xi32>
        %and3A_947 = arith.constant 127 : i32
        %and3A_948 = vector.broadcast %and3A_947 : i32 to vector<16xi32>
        %and3A_949 = arith.andi %get3A_943, %and3A_948 : vector<16xi32>
        tpu.vector_store_idx %arg26[%shift_right_logical3A_946, %and3A_949], %broadcast_in_dim3A_2 {add = true} : memref<80x128xf32, #tpu.memory_space<vmem>>[vector<16xi32>, vector<16xi32>], vector<16xf32>,
        %add3A_950 = arith.constant 4 : i32
        %add3A_951 = arith.addi %add3A_868, %add3A_950 : i32
        %add3A_952 = arith.constant 1 : i32
        %add3A_953 = arith.addi %add3A_951, %add3A_952 : i32
        %le3A_954 = arith.constant 159 : i32
        %le3A_955 = arith.cmpi sle, %add3A_953, %le3A_954 : i32
        %convert_element_type3A_956 = arith.extui %le3A_955 : i1 to i32
        %cond3A_957 = arith.constant 0 : i32
        %cond3A_958 = arith.cmpi ne, %convert_element_type3A_956, %cond3A_957 : i32
        scf.if %cond3A_958 {
          %add3A_1251 = arith.constant 4 : i32
          %add3A_1252 = arith.addi %add3A_868, %add3A_1251 : i32
          %add3A_1253 = arith.constant 1 : i32
          %add3A_1254 = arith.addi %add3A_1252, %add3A_1253 : i32
          %dma_start3A_1255 = arith.constant 0 : i32
          %dma_start3A_1256 = tpu.memref_slice %arg5[%arg1, %add3A_1254, %dma_start3A_1255] : memref<16x160x128xi32, #tpu.memory_space<hbm>> -> memref<1x1x128xi32, #tpu.memory_space<hbm>>
          %dma_start3A_1257 = tpu.memref_squeeze %dma_start3A_1256 : memref<1x1x128xi32, #tpu.memory_space<hbm>> -> memref<128xi32, #tpu.memory_space<hbm>>
          %dma_start3A_1258 = arith.constant 0 : i32
          %dma_start3A_1259 = tpu.memref_slice %arg5[%arg1, %add3A_1254, %dma_start3A_1258] : memref<16x160x128xi32, #tpu.memory_space<hbm>> -> memref<1x1x128xi32, #tpu.memory_space<hbm>>
          %dma_start3A_1260 = tpu.memref_squeeze %dma_start3A_1259 : memref<1x1x128xi32, #tpu.memory_space<hbm>> -> memref<128xi32, #tpu.memory_space<hbm>>
          tpu.enqueue_dma source(%dma_start3A_1260 : memref<128xi32, #tpu.memory_space<hbm>>) target(%arg11 : memref<128xi32, #tpu.memory_space<vmem>>) target_semaphore(%arg33 : memref<!tpu.dma_semaphore, #tpu.memory_space<semaphore_mem>>)
        } else {
        }
        %mul3A_959 = arith.constant 4 : i32
        %mul3A_960 = arith.muli %scan3A_863, %mul3A_959 : i32
        %add3A_961 = arith.constant 1 : i32
        %add3A_962 = arith.addi %mul3A_960, %add3A_961 : i32
        %sub3A_963 = arith.constant 3 : i32
        %sub3A_964 = arith.subi %add3A_962, %sub3A_963 : i32
        %ge3A_965 = arith.constant 0 : i32
        %ge3A_966 = arith.cmpi sge, %sub3A_964, %ge3A_965 : i32
        %convert_element_type3A_967 = arith.extui %ge3A_966 : i1 to i32
        %cond3A_968 = arith.constant 0 : i32
        %cond3A_969 = arith.cmpi ne, %convert_element_type3A_967, %cond3A_968 : i32
        scf.if %cond3A_969 {
          %dma_wait3A_1251 = arith.constant 0 : i32
          %dma_wait3A_1252 = arith.constant 0 : i32
          %dma_wait3A_1253 = tpu.memref_slice %arg30[%dma_wait3A_1251, %dma_wait3A_1252] : memref<10240x128xbf16, #tpu.memory_space<vmem_shared>> -> memref<10240x128xbf16, #tpu.memory_space<vmem_shared>>
          tpu.wait_indirect_dma semaphore(%arg42 : memref<!tpu.dma_semaphore, #tpu.memory_space<semaphore_mem>>) src(%arg24 : memref<128x128xbf16, #tpu.memory_space<vmem>>) dst(%dma_wait3A_1253 : memref<10240x128xbf16, #tpu.memory_space<vmem_shared>>)
        } else {
        }
        %add3A_970 = arith.constant 1 : i32
        %add3A_971 = arith.addi %add3A_962, %add3A_970 : i32
        %le3A_972 = arith.constant 159 : i32
        %le3A_973 = arith.cmpi sle, %add3A_971, %le3A_972 : i32
        %convert_element_type3A_974 = arith.extui %le3A_973 : i1 to i32
        %cond3A_975 = arith.constant 0 : i32
        %cond3A_976 = arith.cmpi ne, %convert_element_type3A_974, %cond3A_975 : i32
        scf.if %cond3A_976 {
          %add3A_1251 = arith.constant 1 : i32
          %add3A_1252 = arith.addi %add3A_962, %add3A_1251 : i32
          %dma_wait3A_1253 = arith.constant 0 : i32
          %dma_wait3A_1254 = tpu.memref_slice %arg5[%arg1, %add3A_1252, %dma_wait3A_1253] : memref<16x160x128xi32, #tpu.memory_space<hbm>> -> memref<1x1x128xi32, #tpu.memory_space<hbm>>
          %dma_wait3A_1255 = tpu.memref_squeeze %dma_wait3A_1254 : memref<1x1x128xi32, #tpu.memory_space<hbm>> -> memref<128xi32, #tpu.memory_space<hbm>>
          %dma_wait3A_1256 = arith.constant 0 : i32
          %dma_wait3A_1257 = tpu.memref_slice %arg5[%arg1, %add3A_1252, %dma_wait3A_1256] : memref<16x160x128xi32, #tpu.memory_space<hbm>> -> memref<1x1x128xi32, #tpu.memory_space<hbm>>
          %dma_wait3A_1258 = tpu.memref_squeeze %dma_wait3A_1257 : memref<1x1x128xi32, #tpu.memory_space<hbm>> -> memref<128xi32, #tpu.memory_space<hbm>>
          tpu.wait_dma2 semaphore(%arg34 : memref<!tpu.dma_semaphore, #tpu.memory_space<semaphore_mem>>) src(%dma_wait3A_1258 : memref<128xi32, #tpu.memory_space<hbm>>) dst(%arg12 : memref<128xi32, #tpu.memory_space<vmem>>)
          %get3A_1259 = arith.constant 0 : index
          %get3A_1260 = tpu.vector_load %arg12[%get3A_1259] {strides = array<i32>} : memref<128xi32, #tpu.memory_space<vmem>>, vector<16xi32>,
          %and3A_1261 = arith.constant 16383 : i32
          %and3A_1262 = vector.broadcast %and3A_1261 : i32 to vector<16xi32>
          %and3A_1263 = arith.andi %get3A_1260, %and3A_1262 : vector<16xi32>
          %swap3A_1264 = arith.constant 0 : index
          %swap3A_1265 = tpu.vector_load %arg16[%swap3A_1264] {strides = array<i32>} : memref<128xi32, #tpu.memory_space<vmem>>, vector<16xi32>,
          tpu.vector_store %arg16[%swap3A_1264], %and3A_1263 {strides = array<i32>} : memref<128xi32, #tpu.memory_space<vmem>>, vector<16xi32>,
          %shift_right_logical3A_1266 = arith.constant 14 : i32
          %shift_right_logical3A_1267 = vector.broadcast %shift_right_logical3A_1266 : i32 to vector<16xi32>
          %shift_right_logical3A_1268 = arith.shrui %get3A_1260, %shift_right_logical3A_1267 : vector<16xi32>
          %swap3A_1269 = arith.constant 0 : index
          %swap3A_1270 = tpu.vector_load %arg20[%swap3A_1269] {strides = array<i32>} : memref<128xi32, #tpu.memory_space<vmem>>, vector<16xi32>,
          tpu.vector_store %arg20[%swap3A_1269], %shift_right_logical3A_1268 {strides = array<i32>} : memref<128xi32, #tpu.memory_space<vmem>>, vector<16xi32>,
          %get3A_1271 = arith.constant 16 : index
          %get3A_1272 = tpu.vector_load %arg12[%get3A_1271] {strides = array<i32>} : memref<128xi32, #tpu.memory_space<vmem>>, vector<16xi32>,
          %and3A_1273 = arith.constant 16383 : i32
          %and3A_1274 = vector.broadcast %and3A_1273 : i32 to vector<16xi32>
          %and3A_1275 = arith.andi %get3A_1272, %and3A_1274 : vector<16xi32>
          %swap3A_1276 = arith.constant 16 : index
          %swap3A_1277 = tpu.vector_load %arg16[%swap3A_1276] {strides = array<i32>} : memref<128xi32, #tpu.memory_space<vmem>>, vector<16xi32>,
          tpu.vector_store %arg16[%swap3A_1276], %and3A_1275 {strides = array<i32>} : memref<128xi32, #tpu.memory_space<vmem>>, vector<16xi32>,
          %shift_right_logical3A_1278 = arith.constant 14 : i32
          %shift_right_logical3A_1279 = vector.broadcast %shift_right_logical3A_1278 : i32 to vector<16xi32>
          %shift_right_logical3A_1280 = arith.shrui %get3A_1272, %shift_right_logical3A_1279 : vector<16xi32>
          %swap3A_1281 = arith.constant 16 : index
          %swap3A_1282 = tpu.vector_load %arg20[%swap3A_1281] {strides = array<i32>} : memref<128xi32, #tpu.memory_space<vmem>>, vector<16xi32>,
          tpu.vector_store %arg20[%swap3A_1281], %shift_right_logical3A_1280 {strides = array<i32>} : memref<128xi32, #tpu.memory_space<vmem>>, vector<16xi32>,
          %get3A_1283 = arith.constant 32 : index
          %get3A_1284 = tpu.vector_load %arg12[%get3A_1283] {strides = array<i32>} : memref<128xi32, #tpu.memory_space<vmem>>, vector<16xi32>,
          %and3A_1285 = arith.constant 16383 : i32
          %and3A_1286 = vector.broadcast %and3A_1285 : i32 to vector<16xi32>
          %and3A_1287 = arith.andi %get3A_1284, %and3A_1286 : vector<16xi32>
          %swap3A_1288 = arith.constant 32 : index
          %swap3A_1289 = tpu.vector_load %arg16[%swap3A_1288] {strides = array<i32>} : memref<128xi32, #tpu.memory_space<vmem>>, vector<16xi32>,
          tpu.vector_store %arg16[%swap3A_1288], %and3A_1287 {strides = array<i32>} : memref<128xi32, #tpu.memory_space<vmem>>, vector<16xi32>,
          %shift_right_logical3A_1290 = arith.constant 14 : i32
          %shift_right_logical3A_1291 = vector.broadcast %shift_right_logical3A_1290 : i32 to vector<16xi32>
          %shift_right_logical3A_1292 = arith.shrui %get3A_1284, %shift_right_logical3A_1291 : vector<16xi32>
          %swap3A_1293 = arith.constant 32 : index
          %swap3A_1294 = tpu.vector_load %arg20[%swap3A_1293] {strides = array<i32>} : memref<128xi32, #tpu.memory_space<vmem>>, vector<16xi32>,
          tpu.vector_store %arg20[%swap3A_1293], %shift_right_logical3A_1292 {strides = array<i32>} : memref<128xi32, #tpu.memory_space<vmem>>, vector<16xi32>,
          %get3A_1295 = arith.constant 48 : index
          %get3A_1296 = tpu.vector_load %arg12[%get3A_1295] {strides = array<i32>} : memref<128xi32, #tpu.memory_space<vmem>>, vector<16xi32>,
          %and3A_1297 = arith.constant 16383 : i32
          %and3A_1298 = vector.broadcast %and3A_1297 : i32 to vector<16xi32>
          %and3A_1299 = arith.andi %get3A_1296, %and3A_1298 : vector<16xi32>
          %swap3A_1300 = arith.constant 48 : index
          %swap3A_1301 = tpu.vector_load %arg16[%swap3A_1300] {strides = array<i32>} : memref<128xi32, #tpu.memory_space<vmem>>, vector<16xi32>,
          tpu.vector_store %arg16[%swap3A_1300], %and3A_1299 {strides = array<i32>} : memref<128xi32, #tpu.memory_space<vmem>>, vector<16xi32>,
          %shift_right_logical3A_1302 = arith.constant 14 : i32
          %shift_right_logical3A_1303 = vector.broadcast %shift_right_logical3A_1302 : i32 to vector<16xi32>
          %shift_right_logical3A_1304 = arith.shrui %get3A_1296, %shift_right_logical3A_1303 : vector<16xi32>
          %swap3A_1305 = arith.constant 48 : index
          %swap3A_1306 = tpu.vector_load %arg20[%swap3A_1305] {strides = array<i32>} : memref<128xi32, #tpu.memory_space<vmem>>, vector<16xi32>,
          tpu.vector_store %arg20[%swap3A_1305], %shift_right_logical3A_1304 {strides = array<i32>} : memref<128xi32, #tpu.memory_space<vmem>>, vector<16xi32>,
          %get3A_1307 = arith.constant 64 : index
          %get3A_1308 = tpu.vector_load %arg12[%get3A_1307] {strides = array<i32>} : memref<128xi32, #tpu.memory_space<vmem>>, vector<16xi32>,
          %and3A_1309 = arith.constant 16383 : i32
          %and3A_1310 = vector.broadcast %and3A_1309 : i32 to vector<16xi32>
          %and3A_1311 = arith.andi %get3A_1308, %and3A_1310 : vector<16xi32>
          %swap3A_1312 = arith.constant 64 : index
          %swap3A_1313 = tpu.vector_load %arg16[%swap3A_1312] {strides = array<i32>} : memref<128xi32, #tpu.memory_space<vmem>>, vector<16xi32>,
          tpu.vector_store %arg16[%swap3A_1312], %and3A_1311 {strides = array<i32>} : memref<128xi32, #tpu.memory_space<vmem>>, vector<16xi32>,
          %shift_right_logical3A_1314 = arith.constant 14 : i32
          %shift_right_logical3A_1315 = vector.broadcast %shift_right_logical3A_1314 : i32 to vector<16xi32>
          %shift_right_logical3A_1316 = arith.shrui %get3A_1308, %shift_right_logical3A_1315 : vector<16xi32>
          %swap3A_1317 = arith.constant 64 : index
          %swap3A_1318 = tpu.vector_load %arg20[%swap3A_1317] {strides = array<i32>} : memref<128xi32, #tpu.memory_space<vmem>>, vector<16xi32>,
          tpu.vector_store %arg20[%swap3A_1317], %shift_right_logical3A_1316 {strides = array<i32>} : memref<128xi32, #tpu.memory_space<vmem>>, vector<16xi32>,
          %get3A_1319 = arith.constant 80 : index
          %get3A_1320 = tpu.vector_load %arg12[%get3A_1319] {strides = array<i32>} : memref<128xi32, #tpu.memory_space<vmem>>, vector<16xi32>,
          %and3A_1321 = arith.constant 16383 : i32
          %and3A_1322 = vector.broadcast %and3A_1321 : i32 to vector<16xi32>
          %and3A_1323 = arith.andi %get3A_1320, %and3A_1322 : vector<16xi32>
          %swap3A_1324 = arith.constant 80 : index
          %swap3A_1325 = tpu.vector_load %arg16[%swap3A_1324] {strides = array<i32>} : memref<128xi32, #tpu.memory_space<vmem>>, vector<16xi32>,
          tpu.vector_store %arg16[%swap3A_1324], %and3A_1323 {strides = array<i32>} : memref<128xi32, #tpu.memory_space<vmem>>, vector<16xi32>,
          %shift_right_logical3A_1326 = arith.constant 14 : i32
          %shift_right_logical3A_1327 = vector.broadcast %shift_right_logical3A_1326 : i32 to vector<16xi32>
          %shift_right_logical3A_1328 = arith.shrui %get3A_1320, %shift_right_logical3A_1327 : vector<16xi32>
          %swap3A_1329 = arith.constant 80 : index
          %swap3A_1330 = tpu.vector_load %arg20[%swap3A_1329] {strides = array<i32>} : memref<128xi32, #tpu.memory_space<vmem>>, vector<16xi32>,
          tpu.vector_store %arg20[%swap3A_1329], %shift_right_logical3A_1328 {strides = array<i32>} : memref<128xi32, #tpu.memory_space<vmem>>, vector<16xi32>,
          %get3A_1331 = arith.constant 96 : index
          %get3A_1332 = tpu.vector_load %arg12[%get3A_1331] {strides = array<i32>} : memref<128xi32, #tpu.memory_space<vmem>>, vector<16xi32>,
          %and3A_1333 = arith.constant 16383 : i32
          %and3A_1334 = vector.broadcast %and3A_1333 : i32 to vector<16xi32>
          %and3A_1335 = arith.andi %get3A_1332, %and3A_1334 : vector<16xi32>
          %swap3A_1336 = arith.constant 96 : index
          %swap3A_1337 = tpu.vector_load %arg16[%swap3A_1336] {strides = array<i32>} : memref<128xi32, #tpu.memory_space<vmem>>, vector<16xi32>,
          tpu.vector_store %arg16[%swap3A_1336], %and3A_1335 {strides = array<i32>} : memref<128xi32, #tpu.memory_space<vmem>>, vector<16xi32>,
          %shift_right_logical3A_1338 = arith.constant 14 : i32
          %shift_right_logical3A_1339 = vector.broadcast %shift_right_logical3A_1338 : i32 to vector<16xi32>
          %shift_right_logical3A_1340 = arith.shrui %get3A_1332, %shift_right_logical3A_1339 : vector<16xi32>
          %swap3A_1341 = arith.constant 96 : index
          %swap3A_1342 = tpu.vector_load %arg20[%swap3A_1341] {strides = array<i32>} : memref<128xi32, #tpu.memory_space<vmem>>, vector<16xi32>,
          tpu.vector_store %arg20[%swap3A_1341], %shift_right_logical3A_1340 {strides = array<i32>} : memref<128xi32, #tpu.memory_space<vmem>>, vector<16xi32>,
          %get3A_1343 = arith.constant 112 : index
          %get3A_1344 = tpu.vector_load %arg12[%get3A_1343] {strides = array<i32>} : memref<128xi32, #tpu.memory_space<vmem>>, vector<16xi32>,
          %and3A_1345 = arith.constant 16383 : i32
          %and3A_1346 = vector.broadcast %and3A_1345 : i32 to vector<16xi32>
          %and3A_1347 = arith.andi %get3A_1344, %and3A_1346 : vector<16xi32>
          %swap3A_1348 = arith.constant 112 : index
          %swap3A_1349 = tpu.vector_load %arg16[%swap3A_1348] {strides = array<i32>} : memref<128xi32, #tpu.memory_space<vmem>>, vector<16xi32>,
          tpu.vector_store %arg16[%swap3A_1348], %and3A_1347 {strides = array<i32>} : memref<128xi32, #tpu.memory_space<vmem>>, vector<16xi32>,
          %shift_right_logical3A_1350 = arith.constant 14 : i32
          %shift_right_logical3A_1351 = vector.broadcast %shift_right_logical3A_1350 : i32 to vector<16xi32>
          %shift_right_logical3A_1352 = arith.shrui %get3A_1344, %shift_right_logical3A_1351 : vector<16xi32>
          %swap3A_1353 = arith.constant 112 : index
          %swap3A_1354 = tpu.vector_load %arg20[%swap3A_1353] {strides = array<i32>} : memref<128xi32, #tpu.memory_space<vmem>>, vector<16xi32>,
          tpu.vector_store %arg20[%swap3A_1353], %shift_right_logical3A_1352 {strides = array<i32>} : memref<128xi32, #tpu.memory_space<vmem>>, vector<16xi32>,
          %dma_start3A_1355 = arith.constant 0 : i32
          %dma_start3A_1356 = arith.constant 0 : i32
          %dma_start3A_1357 = tpu.memref_slice %arg3[%dma_start3A_1355, %dma_start3A_1356] : memref<10000x128xbf16, #tpu.memory_space<hbm>> -> memref<10000x128xbf16, #tpu.memory_space<hbm>>
          tpu.enqueue_indirect_dma source(%dma_start3A_1357 : memref<10000x128xbf16, #tpu.memory_space<hbm>>) target(%arg24 : memref<128x128xbf16, #tpu.memory_space<vmem>>) offsets(%arg16 : memref<128xi32, #tpu.memory_space<vmem>>) semaphore(%arg38 : memref<!tpu.dma_semaphore, #tpu.memory_space<semaphore_mem>>)
        } else {
        }
        %dma_wait3A_977 = arith.constant 0 : i32
        %dma_wait3A_978 = arith.constant 0 : i32
        %dma_wait3A_979 = tpu.memref_slice %arg3[%dma_wait3A_977, %dma_wait3A_978] : memref<10000x128xbf16, #tpu.memory_space<hbm>> -> memref<10000x128xbf16, #tpu.memory_space<hbm>>
        tpu.wait_indirect_dma semaphore(%arg37 : memref<!tpu.dma_semaphore, #tpu.memory_space<semaphore_mem>>) src(%dma_wait3A_979 : memref<10000x128xbf16, #tpu.memory_space<hbm>>) dst(%arg23 : memref<128x128xbf16, #tpu.memory_space<vmem>>)
        %dma_start3A_980 = arith.constant 0 : i32
        %dma_start3A_981 = arith.constant 0 : i32
        %dma_start3A_982 = tpu.memref_slice %arg30[%dma_start3A_980, %dma_start3A_981] : memref<10240x128xbf16, #tpu.memory_space<vmem_shared>> -> memref<10240x128xbf16, #tpu.memory_space<vmem_shared>>
        tpu.enqueue_indirect_dma source(%arg23 : memref<128x128xbf16, #tpu.memory_space<vmem>>) target(%dma_start3A_982 : memref<10240x128xbf16, #tpu.memory_space<vmem_shared>>) offsets(%arg19 : memref<128xi32, #tpu.memory_space<vmem>>) semaphore(%arg41 : memref<!tpu.dma_semaphore, #tpu.memory_space<semaphore_mem>>) {add = true}
        %get3A_983 = arith.constant 0 : index
        %get3A_984 = tpu.vector_load %arg19[%get3A_983] {strides = array<i32>} : memref<128xi32, #tpu.memory_space<vmem>>, vector<16xi32>,
        %shift_right_logical3A_985 = arith.constant 7 : i32
        %shift_right_logical3A_986 = vector.broadcast %shift_right_logical3A_985 : i32 to vector<16xi32>
        %shift_right_logical3A_987 = arith.shrui %get3A_984, %shift_right_logical3A_986 : vector<16xi32>
        %and3A_988 = arith.constant 127 : i32
        %and3A_989 = vector.broadcast %and3A_988 : i32 to vector<16xi32>
        %and3A_990 = arith.andi %get3A_984, %and3A_989 : vector<16xi32>
        tpu.vector_store_idx %arg26[%shift_right_logical3A_987, %and3A_990], %broadcast_in_dim3A_2 {add = true} : memref<80x128xf32, #tpu.memory_space<vmem>>[vector<16xi32>, vector<16xi32>], vector<16xf32>,
        %get3A_991 = arith.constant 16 : index
        %get3A_992 = tpu.vector_load %arg19[%get3A_991] {strides = array<i32>} : memref<128xi32, #tpu.memory_space<vmem>>, vector<16xi32>,
        %shift_right_logical3A_993 = arith.constant 7 : i32
        %shift_right_logical3A_994 = vector.broadcast %shift_right_logical3A_993 : i32 to vector<16xi32>
        %shift_right_logical3A_995 = arith.shrui %get3A_992, %shift_right_logical3A_994 : vector<16xi32>
        %and3A_996 = arith.constant 127 : i32
        %and3A_997 = vector.broadcast %and3A_996 : i32 to vector<16xi32>
        %and3A_998 = arith.andi %get3A_992, %and3A_997 : vector<16xi32>
        tpu.vector_store_idx %arg26[%shift_right_logical3A_995, %and3A_998], %broadcast_in_dim3A_2 {add = true} : memref<80x128xf32, #tpu.memory_space<vmem>>[vector<16xi32>, vector<16xi32>], vector<16xf32>,
        %get3A_999 = arith.constant 32 : index
        %get3A_1000 = tpu.vector_load %arg19[%get3A_999] {strides = array<i32>} : memref<128xi32, #tpu.memory_space<vmem>>, vector<16xi32>,
        %shift_right_logical3A_1001 = arith.constant 7 : i32
        %shift_right_logical3A_1002 = vector.broadcast %shift_right_logical3A_1001 : i32 to vector<16xi32>
        %shift_right_logical3A_1003 = arith.shrui %get3A_1000, %shift_right_logical3A_1002 : vector<16xi32>
        %and3A_1004 = arith.constant 127 : i32
        %and3A_1005 = vector.broadcast %and3A_1004 : i32 to vector<16xi32>
        %and3A_1006 = arith.andi %get3A_1000, %and3A_1005 : vector<16xi32>
        tpu.vector_store_idx %arg26[%shift_right_logical3A_1003, %and3A_1006], %broadcast_in_dim3A_2 {add = true} : memref<80x128xf32, #tpu.memory_space<vmem>>[vector<16xi32>, vector<16xi32>], vector<16xf32>,
        %get3A_1007 = arith.constant 48 : index
        %get3A_1008 = tpu.vector_load %arg19[%get3A_1007] {strides = array<i32>} : memref<128xi32, #tpu.memory_space<vmem>>, vector<16xi32>,
        %shift_right_logical3A_1009 = arith.constant 7 : i32
        %shift_right_logical3A_1010 = vector.broadcast %shift_right_logical3A_1009 : i32 to vector<16xi32>
        %shift_right_logical3A_1011 = arith.shrui %get3A_1008, %shift_right_logical3A_1010 : vector<16xi32>
        %and3A_1012 = arith.constant 127 : i32
        %and3A_1013 = vector.broadcast %and3A_1012 : i32 to vector<16xi32>
        %and3A_1014 = arith.andi %get3A_1008, %and3A_1013 : vector<16xi32>
        tpu.vector_store_idx %arg26[%shift_right_logical3A_1011, %and3A_1014], %broadcast_in_dim3A_2 {add = true} : memref<80x128xf32, #tpu.memory_space<vmem>>[vector<16xi32>, vector<16xi32>], vector<16xf32>,
        %get3A_1015 = arith.constant 64 : index
        %get3A_1016 = tpu.vector_load %arg19[%get3A_1015] {strides = array<i32>} : memref<128xi32, #tpu.memory_space<vmem>>, vector<16xi32>,
        %shift_right_logical3A_1017 = arith.constant 7 : i32
        %shift_right_logical3A_1018 = vector.broadcast %shift_right_logical3A_1017 : i32 to vector<16xi32>
        %shift_right_logical3A_1019 = arith.shrui %get3A_1016, %shift_right_logical3A_1018 : vector<16xi32>
        %and3A_1020 = arith.constant 127 : i32
        %and3A_1021 = vector.broadcast %and3A_1020 : i32 to vector<16xi32>
        %and3A_1022 = arith.andi %get3A_1016, %and3A_1021 : vector<16xi32>
        tpu.vector_store_idx %arg26[%shift_right_logical3A_1019, %and3A_1022], %broadcast_in_dim3A_2 {add = true} : memref<80x128xf32, #tpu.memory_space<vmem>>[vector<16xi32>, vector<16xi32>], vector<16xf32>,
        %get3A_1023 = arith.constant 80 : index
        %get3A_1024 = tpu.vector_load %arg19[%get3A_1023] {strides = array<i32>} : memref<128xi32, #tpu.memory_space<vmem>>, vector<16xi32>,
        %shift_right_logical3A_1025 = arith.constant 7 : i32
        %shift_right_logical3A_1026 = vector.broadcast %shift_right_logical3A_1025 : i32 to vector<16xi32>
        %shift_right_logical3A_1027 = arith.shrui %get3A_1024, %shift_right_logical3A_1026 : vector<16xi32>
        %and3A_1028 = arith.constant 127 : i32
        %and3A_1029 = vector.broadcast %and3A_1028 : i32 to vector<16xi32>
        %and3A_1030 = arith.andi %get3A_1024, %and3A_1029 : vector<16xi32>
        tpu.vector_store_idx %arg26[%shift_right_logical3A_1027, %and3A_1030], %broadcast_in_dim3A_2 {add = true} : memref<80x128xf32, #tpu.memory_space<vmem>>[vector<16xi32>, vector<16xi32>], vector<16xf32>,
        %get3A_1031 = arith.constant 96 : index
        %get3A_1032 = tpu.vector_load %arg19[%get3A_1031] {strides = array<i32>} : memref<128xi32, #tpu.memory_space<vmem>>, vector<16xi32>,
        %shift_right_logical3A_1033 = arith.constant 7 : i32
        %shift_right_logical3A_1034 = vector.broadcast %shift_right_logical3A_1033 : i32 to vector<16xi32>
        %shift_right_logical3A_1035 = arith.shrui %get3A_1032, %shift_right_logical3A_1034 : vector<16xi32>
        %and3A_1036 = arith.constant 127 : i32
        %and3A_1037 = vector.broadcast %and3A_1036 : i32 to vector<16xi32>
        %and3A_1038 = arith.andi %get3A_1032, %and3A_1037 : vector<16xi32>
        tpu.vector_store_idx %arg26[%shift_right_logical3A_1035, %and3A_1038], %broadcast_in_dim3A_2 {add = true} : memref<80x128xf32, #tpu.memory_space<vmem>>[vector<16xi32>, vector<16xi32>], vector<16xf32>,
        %get3A_1039 = arith.constant 112 : index
        %get3A_1040 = tpu.vector_load %arg19[%get3A_1039] {strides = array<i32>} : memref<128xi32, #tpu.memory_space<vmem>>, vector<16xi32>,
        %shift_right_logical3A_1041 = arith.constant 7 : i32
        %shift_right_logical3A_1042 = vector.broadcast %shift_right_logical3A_1041 : i32 to vector<16xi32>
        %shift_right_logical3A_1043 = arith.shrui %get3A_1040, %shift_right_logical3A_1042 : vector<16xi32>
        %and3A_1044 = arith.constant 127 : i32
        %and3A_1045 = vector.broadcast %and3A_1044 : i32 to vector<16xi32>
        %and3A_1046 = arith.andi %get3A_1040, %and3A_1045 : vector<16xi32>
        tpu.vector_store_idx %arg26[%shift_right_logical3A_1043, %and3A_1046], %broadcast_in_dim3A_2 {add = true} : memref<80x128xf32, #tpu.memory_space<vmem>>[vector<16xi32>, vector<16xi32>], vector<16xf32>,
        %add3A_1047 = arith.constant 4 : i32
        %add3A_1048 = arith.addi %add3A_962, %add3A_1047 : i32
        %add3A_1049 = arith.constant 1 : i32
        %add3A_1050 = arith.addi %add3A_1048, %add3A_1049 : i32
        %le3A_1051 = arith.constant 159 : i32
        %le3A_1052 = arith.cmpi sle, %add3A_1050, %le3A_1051 : i32
        %convert_element_type3A_1053 = arith.extui %le3A_1052 : i1 to i32
        %cond3A_1054 = arith.constant 0 : i32
        %cond3A_1055 = arith.cmpi ne, %convert_element_type3A_1053, %cond3A_1054 : i32
        scf.if %cond3A_1055 {
          %add3A_1251 = arith.constant 4 : i32
          %add3A_1252 = arith.addi %add3A_962, %add3A_1251 : i32
          %add3A_1253 = arith.constant 1 : i32
          %add3A_1254 = arith.addi %add3A_1252, %add3A_1253 : i32
          %dma_start3A_1255 = arith.constant 0 : i32
          %dma_start3A_1256 = tpu.memref_slice %arg5[%arg1, %add3A_1254, %dma_start3A_1255] : memref<16x160x128xi32, #tpu.memory_space<hbm>> -> memref<1x1x128xi32, #tpu.memory_space<hbm>>
          %dma_start3A_1257 = tpu.memref_squeeze %dma_start3A_1256 : memref<1x1x128xi32, #tpu.memory_space<hbm>> -> memref<128xi32, #tpu.memory_space<hbm>>
          %dma_start3A_1258 = arith.constant 0 : i32
          %dma_start3A_1259 = tpu.memref_slice %arg5[%arg1, %add3A_1254, %dma_start3A_1258] : memref<16x160x128xi32, #tpu.memory_space<hbm>> -> memref<1x1x128xi32, #tpu.memory_space<hbm>>
          %dma_start3A_1260 = tpu.memref_squeeze %dma_start3A_1259 : memref<1x1x128xi32, #tpu.memory_space<hbm>> -> memref<128xi32, #tpu.memory_space<hbm>>
          tpu.enqueue_dma source(%dma_start3A_1260 : memref<128xi32, #tpu.memory_space<hbm>>) target(%arg12 : memref<128xi32, #tpu.memory_space<vmem>>) target_semaphore(%arg34 : memref<!tpu.dma_semaphore, #tpu.memory_space<semaphore_mem>>)
        } else {
        }
        %mul3A_1056 = arith.constant 4 : i32
        %mul3A_1057 = arith.muli %scan3A_863, %mul3A_1056 : i32
        %add3A_1058 = arith.constant 2 : i32
        %add3A_1059 = arith.addi %mul3A_1057, %add3A_1058 : i32
        %sub3A_1060 = arith.constant 3 : i32
        %sub3A_1061 = arith.subi %add3A_1059, %sub3A_1060 : i32
        %ge3A_1062 = arith.constant 0 : i32
        %ge3A_1063 = arith.cmpi sge, %sub3A_1061, %ge3A_1062 : i32
        %convert_element_type3A_1064 = arith.extui %ge3A_1063 : i1 to i32
        %cond3A_1065 = arith.constant 0 : i32
        %cond3A_1066 = arith.cmpi ne, %convert_element_type3A_1064, %cond3A_1065 : i32
        scf.if %cond3A_1066 {
          %dma_wait3A_1251 = arith.constant 0 : i32
          %dma_wait3A_1252 = arith.constant 0 : i32
          %dma_wait3A_1253 = tpu.memref_slice %arg30[%dma_wait3A_1251, %dma_wait3A_1252] : memref<10240x128xbf16, #tpu.memory_space<vmem_shared>> -> memref<10240x128xbf16, #tpu.memory_space<vmem_shared>>
          tpu.wait_indirect_dma semaphore(%arg43 : memref<!tpu.dma_semaphore, #tpu.memory_space<semaphore_mem>>) src(%arg25 : memref<128x128xbf16, #tpu.memory_space<vmem>>) dst(%dma_wait3A_1253 : memref<10240x128xbf16, #tpu.memory_space<vmem_shared>>)
        } else {
        }
        %add3A_1067 = arith.constant 1 : i32
        %add3A_1068 = arith.addi %add3A_1059, %add3A_1067 : i32
        %le3A_1069 = arith.constant 159 : i32
        %le3A_1070 = arith.cmpi sle, %add3A_1068, %le3A_1069 : i32
        %convert_element_type3A_1071 = arith.extui %le3A_1070 : i1 to i32
        %cond3A_1072 = arith.constant 0 : i32
        %cond3A_1073 = arith.cmpi ne, %convert_element_type3A_1071, %cond3A_1072 : i32
        scf.if %cond3A_1073 {
          %add3A_1251 = arith.constant 1 : i32
          %add3A_1252 = arith.addi %add3A_1059, %add3A_1251 : i32
          %dma_wait3A_1253 = arith.constant 0 : i32
          %dma_wait3A_1254 = tpu.memref_slice %arg5[%arg1, %add3A_1252, %dma_wait3A_1253] : memref<16x160x128xi32, #tpu.memory_space<hbm>> -> memref<1x1x128xi32, #tpu.memory_space<hbm>>
          %dma_wait3A_1255 = tpu.memref_squeeze %dma_wait3A_1254 : memref<1x1x128xi32, #tpu.memory_space<hbm>> -> memref<128xi32, #tpu.memory_space<hbm>>
          %dma_wait3A_1256 = arith.constant 0 : i32
          %dma_wait3A_1257 = tpu.memref_slice %arg5[%arg1, %add3A_1252, %dma_wait3A_1256] : memref<16x160x128xi32, #tpu.memory_space<hbm>> -> memref<1x1x128xi32, #tpu.memory_space<hbm>>
          %dma_wait3A_1258 = tpu.memref_squeeze %dma_wait3A_1257 : memref<1x1x128xi32, #tpu.memory_space<hbm>> -> memref<128xi32, #tpu.memory_space<hbm>>
          tpu.wait_dma2 semaphore(%arg35 : memref<!tpu.dma_semaphore, #tpu.memory_space<semaphore_mem>>) src(%dma_wait3A_1258 : memref<128xi32, #tpu.memory_space<hbm>>) dst(%arg13 : memref<128xi32, #tpu.memory_space<vmem>>)
          %get3A_1259 = arith.constant 0 : index
          %get3A_1260 = tpu.vector_load %arg13[%get3A_1259] {strides = array<i32>} : memref<128xi32, #tpu.memory_space<vmem>>, vector<16xi32>,
          %and3A_1261 = arith.constant 16383 : i32
          %and3A_1262 = vector.broadcast %and3A_1261 : i32 to vector<16xi32>
          %and3A_1263 = arith.andi %get3A_1260, %and3A_1262 : vector<16xi32>
          %swap3A_1264 = arith.constant 0 : index
          %swap3A_1265 = tpu.vector_load %arg17[%swap3A_1264] {strides = array<i32>} : memref<128xi32, #tpu.memory_space<vmem>>, vector<16xi32>,
          tpu.vector_store %arg17[%swap3A_1264], %and3A_1263 {strides = array<i32>} : memref<128xi32, #tpu.memory_space<vmem>>, vector<16xi32>,
          %shift_right_logical3A_1266 = arith.constant 14 : i32
          %shift_right_logical3A_1267 = vector.broadcast %shift_right_logical3A_1266 : i32 to vector<16xi32>
          %shift_right_logical3A_1268 = arith.shrui %get3A_1260, %shift_right_logical3A_1267 : vector<16xi32>
          %swap3A_1269 = arith.constant 0 : index
          %swap3A_1270 = tpu.vector_load %arg21[%swap3A_1269] {strides = array<i32>} : memref<128xi32, #tpu.memory_space<vmem>>, vector<16xi32>,
          tpu.vector_store %arg21[%swap3A_1269], %shift_right_logical3A_1268 {strides = array<i32>} : memref<128xi32, #tpu.memory_space<vmem>>, vector<16xi32>,
          %get3A_1271 = arith.constant 16 : index
          %get3A_1272 = tpu.vector_load %arg13[%get3A_1271] {strides = array<i32>} : memref<128xi32, #tpu.memory_space<vmem>>, vector<16xi32>,
          %and3A_1273 = arith.constant 16383 : i32
          %and3A_1274 = vector.broadcast %and3A_1273 : i32 to vector<16xi32>
          %and3A_1275 = arith.andi %get3A_1272, %and3A_1274 : vector<16xi32>
          %swap3A_1276 = arith.constant 16 : index
          %swap3A_1277 = tpu.vector_load %arg17[%swap3A_1276] {strides = array<i32>} : memref<128xi32, #tpu.memory_space<vmem>>, vector<16xi32>,
          tpu.vector_store %arg17[%swap3A_1276], %and3A_1275 {strides = array<i32>} : memref<128xi32, #tpu.memory_space<vmem>>, vector<16xi32>,
          %shift_right_logical3A_1278 = arith.constant 14 : i32
          %shift_right_logical3A_1279 = vector.broadcast %shift_right_logical3A_1278 : i32 to vector<16xi32>
          %shift_right_logical3A_1280 = arith.shrui %get3A_1272, %shift_right_logical3A_1279 : vector<16xi32>
          %swap3A_1281 = arith.constant 16 : index
          %swap3A_1282 = tpu.vector_load %arg21[%swap3A_1281] {strides = array<i32>} : memref<128xi32, #tpu.memory_space<vmem>>, vector<16xi32>,
          tpu.vector_store %arg21[%swap3A_1281], %shift_right_logical3A_1280 {strides = array<i32>} : memref<128xi32, #tpu.memory_space<vmem>>, vector<16xi32>,
          %get3A_1283 = arith.constant 32 : index
          %get3A_1284 = tpu.vector_load %arg13[%get3A_1283] {strides = array<i32>} : memref<128xi32, #tpu.memory_space<vmem>>, vector<16xi32>,
          %and3A_1285 = arith.constant 16383 : i32
          %and3A_1286 = vector.broadcast %and3A_1285 : i32 to vector<16xi32>
          %and3A_1287 = arith.andi %get3A_1284, %and3A_1286 : vector<16xi32>
          %swap3A_1288 = arith.constant 32 : index
          %swap3A_1289 = tpu.vector_load %arg17[%swap3A_1288] {strides = array<i32>} : memref<128xi32, #tpu.memory_space<vmem>>, vector<16xi32>,
          tpu.vector_store %arg17[%swap3A_1288], %and3A_1287 {strides = array<i32>} : memref<128xi32, #tpu.memory_space<vmem>>, vector<16xi32>,
          %shift_right_logical3A_1290 = arith.constant 14 : i32
          %shift_right_logical3A_1291 = vector.broadcast %shift_right_logical3A_1290 : i32 to vector<16xi32>
          %shift_right_logical3A_1292 = arith.shrui %get3A_1284, %shift_right_logical3A_1291 : vector<16xi32>
          %swap3A_1293 = arith.constant 32 : index
          %swap3A_1294 = tpu.vector_load %arg21[%swap3A_1293] {strides = array<i32>} : memref<128xi32, #tpu.memory_space<vmem>>, vector<16xi32>,
          tpu.vector_store %arg21[%swap3A_1293], %shift_right_logical3A_1292 {strides = array<i32>} : memref<128xi32, #tpu.memory_space<vmem>>, vector<16xi32>,
          %get3A_1295 = arith.constant 48 : index
          %get3A_1296 = tpu.vector_load %arg13[%get3A_1295] {strides = array<i32>} : memref<128xi32, #tpu.memory_space<vmem>>, vector<16xi32>,
          %and3A_1297 = arith.constant 16383 : i32
          %and3A_1298 = vector.broadcast %and3A_1297 : i32 to vector<16xi32>
          %and3A_1299 = arith.andi %get3A_1296, %and3A_1298 : vector<16xi32>
          %swap3A_1300 = arith.constant 48 : index
          %swap3A_1301 = tpu.vector_load %arg17[%swap3A_1300] {strides = array<i32>} : memref<128xi32, #tpu.memory_space<vmem>>, vector<16xi32>,
          tpu.vector_store %arg17[%swap3A_1300], %and3A_1299 {strides = array<i32>} : memref<128xi32, #tpu.memory_space<vmem>>, vector<16xi32>,
          %shift_right_logical3A_1302 = arith.constant 14 : i32
          %shift_right_logical3A_1303 = vector.broadcast %shift_right_logical3A_1302 : i32 to vector<16xi32>
          %shift_right_logical3A_1304 = arith.shrui %get3A_1296, %shift_right_logical3A_1303 : vector<16xi32>
          %swap3A_1305 = arith.constant 48 : index
          %swap3A_1306 = tpu.vector_load %arg21[%swap3A_1305] {strides = array<i32>} : memref<128xi32, #tpu.memory_space<vmem>>, vector<16xi32>,
          tpu.vector_store %arg21[%swap3A_1305], %shift_right_logical3A_1304 {strides = array<i32>} : memref<128xi32, #tpu.memory_space<vmem>>, vector<16xi32>,
          %get3A_1307 = arith.constant 64 : index
          %get3A_1308 = tpu.vector_load %arg13[%get3A_1307] {strides = array<i32>} : memref<128xi32, #tpu.memory_space<vmem>>, vector<16xi32>,
          %and3A_1309 = arith.constant 16383 : i32
          %and3A_1310 = vector.broadcast %and3A_1309 : i32 to vector<16xi32>
          %and3A_1311 = arith.andi %get3A_1308, %and3A_1310 : vector<16xi32>
          %swap3A_1312 = arith.constant 64 : index
          %swap3A_1313 = tpu.vector_load %arg17[%swap3A_1312] {strides = array<i32>} : memref<128xi32, #tpu.memory_space<vmem>>, vector<16xi32>,
          tpu.vector_store %arg17[%swap3A_1312], %and3A_1311 {strides = array<i32>} : memref<128xi32, #tpu.memory_space<vmem>>, vector<16xi32>,
          %shift_right_logical3A_1314 = arith.constant 14 : i32
          %shift_right_logical3A_1315 = vector.broadcast %shift_right_logical3A_1314 : i32 to vector<16xi32>
          %shift_right_logical3A_1316 = arith.shrui %get3A_1308, %shift_right_logical3A_1315 : vector<16xi32>
          %swap3A_1317 = arith.constant 64 : index
          %swap3A_1318 = tpu.vector_load %arg21[%swap3A_1317] {strides = array<i32>} : memref<128xi32, #tpu.memory_space<vmem>>, vector<16xi32>,
          tpu.vector_store %arg21[%swap3A_1317], %shift_right_logical3A_1316 {strides = array<i32>} : memref<128xi32, #tpu.memory_space<vmem>>, vector<16xi32>,
          %get3A_1319 = arith.constant 80 : index
          %get3A_1320 = tpu.vector_load %arg13[%get3A_1319] {strides = array<i32>} : memref<128xi32, #tpu.memory_space<vmem>>, vector<16xi32>,
          %and3A_1321 = arith.constant 16383 : i32
          %and3A_1322 = vector.broadcast %and3A_1321 : i32 to vector<16xi32>
          %and3A_1323 = arith.andi %get3A_1320, %and3A_1322 : vector<16xi32>
          %swap3A_1324 = arith.constant 80 : index
          %swap3A_1325 = tpu.vector_load %arg17[%swap3A_1324] {strides = array<i32>} : memref<128xi32, #tpu.memory_space<vmem>>, vector<16xi32>,
          tpu.vector_store %arg17[%swap3A_1324], %and3A_1323 {strides = array<i32>} : memref<128xi32, #tpu.memory_space<vmem>>, vector<16xi32>,
          %shift_right_logical3A_1326 = arith.constant 14 : i32
          %shift_right_logical3A_1327 = vector.broadcast %shift_right_logical3A_1326 : i32 to vector<16xi32>
          %shift_right_logical3A_1328 = arith.shrui %get3A_1320, %shift_right_logical3A_1327 : vector<16xi32>
          %swap3A_1329 = arith.constant 80 : index
          %swap3A_1330 = tpu.vector_load %arg21[%swap3A_1329] {strides = array<i32>} : memref<128xi32, #tpu.memory_space<vmem>>, vector<16xi32>,
          tpu.vector_store %arg21[%swap3A_1329], %shift_right_logical3A_1328 {strides = array<i32>} : memref<128xi32, #tpu.memory_space<vmem>>, vector<16xi32>,
          %get3A_1331 = arith.constant 96 : index
          %get3A_1332 = tpu.vector_load %arg13[%get3A_1331] {strides = array<i32>} : memref<128xi32, #tpu.memory_space<vmem>>, vector<16xi32>,
          %and3A_1333 = arith.constant 16383 : i32
          %and3A_1334 = vector.broadcast %and3A_1333 : i32 to vector<16xi32>
          %and3A_1335 = arith.andi %get3A_1332, %and3A_1334 : vector<16xi32>
          %swap3A_1336 = arith.constant 96 : index
          %swap3A_1337 = tpu.vector_load %arg17[%swap3A_1336] {strides = array<i32>} : memref<128xi32, #tpu.memory_space<vmem>>, vector<16xi32>,
          tpu.vector_store %arg17[%swap3A_1336], %and3A_1335 {strides = array<i32>} : memref<128xi32, #tpu.memory_space<vmem>>, vector<16xi32>,
          %shift_right_logical3A_1338 = arith.constant 14 : i32
          %shift_right_logical3A_1339 = vector.broadcast %shift_right_logical3A_1338 : i32 to vector<16xi32>
          %shift_right_logical3A_1340 = arith.shrui %get3A_1332, %shift_right_logical3A_1339 : vector<16xi32>
          %swap3A_1341 = arith.constant 96 : index
          %swap3A_1342 = tpu.vector_load %arg21[%swap3A_1341] {strides = array<i32>} : memref<128xi32, #tpu.memory_space<vmem>>, vector<16xi32>,
          tpu.vector_store %arg21[%swap3A_1341], %shift_right_logical3A_1340 {strides = array<i32>} : memref<128xi32, #tpu.memory_space<vmem>>, vector<16xi32>,
          %get3A_1343 = arith.constant 112 : index
          %get3A_1344 = tpu.vector_load %arg13[%get3A_1343] {strides = array<i32>} : memref<128xi32, #tpu.memory_space<vmem>>, vector<16xi32>,
          %and3A_1345 = arith.constant 16383 : i32
          %and3A_1346 = vector.broadcast %and3A_1345 : i32 to vector<16xi32>
          %and3A_1347 = arith.andi %get3A_1344, %and3A_1346 : vector<16xi32>
          %swap3A_1348 = arith.constant 112 : index
          %swap3A_1349 = tpu.vector_load %arg17[%swap3A_1348] {strides = array<i32>} : memref<128xi32, #tpu.memory_space<vmem>>, vector<16xi32>,
          tpu.vector_store %arg17[%swap3A_1348], %and3A_1347 {strides = array<i32>} : memref<128xi32, #tpu.memory_space<vmem>>, vector<16xi32>,
          %shift_right_logical3A_1350 = arith.constant 14 : i32
          %shift_right_logical3A_1351 = vector.broadcast %shift_right_logical3A_1350 : i32 to vector<16xi32>
          %shift_right_logical3A_1352 = arith.shrui %get3A_1344, %shift_right_logical3A_1351 : vector<16xi32>
          %swap3A_1353 = arith.constant 112 : index
          %swap3A_1354 = tpu.vector_load %arg21[%swap3A_1353] {strides = array<i32>} : memref<128xi32, #tpu.memory_space<vmem>>, vector<16xi32>,
          tpu.vector_store %arg21[%swap3A_1353], %shift_right_logical3A_1352 {strides = array<i32>} : memref<128xi32, #tpu.memory_space<vmem>>, vector<16xi32>,
          %dma_start3A_1355 = arith.constant 0 : i32
          %dma_start3A_1356 = arith.constant 0 : i32
          %dma_start3A_1357 = tpu.memref_slice %arg3[%dma_start3A_1355, %dma_start3A_1356] : memref<10000x128xbf16, #tpu.memory_space<hbm>> -> memref<10000x128xbf16, #tpu.memory_space<hbm>>
          tpu.enqueue_indirect_dma source(%dma_start3A_1357 : memref<10000x128xbf16, #tpu.memory_space<hbm>>) target(%arg25 : memref<128x128xbf16, #tpu.memory_space<vmem>>) offsets(%arg17 : memref<128xi32, #tpu.memory_space<vmem>>) semaphore(%arg39 : memref<!tpu.dma_semaphore, #tpu.memory_space<semaphore_mem>>)
        } else {
        }
        %dma_wait3A_1074 = arith.constant 0 : i32
        %dma_wait3A_1075 = arith.constant 0 : i32
        %dma_wait3A_1076 = tpu.memref_slice %arg3[%dma_wait3A_1074, %dma_wait3A_1075] : memref<10000x128xbf16, #tpu.memory_space<hbm>> -> memref<10000x128xbf16, #tpu.memory_space<hbm>>
        tpu.wait_indirect_dma semaphore(%arg38 : memref<!tpu.dma_semaphore, #tpu.memory_space<semaphore_mem>>) src(%dma_wait3A_1076 : memref<10000x128xbf16, #tpu.memory_space<hbm>>) dst(%arg24 : memref<128x128xbf16, #tpu.memory_space<vmem>>)
        %dma_start3A_1077 = arith.constant 0 : i32
        %dma_start3A_1078 = arith.constant 0 : i32
        %dma_start3A_1079 = tpu.memref_slice %arg30[%dma_start3A_1077, %dma_start3A_1078] : memref<10240x128xbf16, #tpu.memory_space<vmem_shared>> -> memref<10240x128xbf16, #tpu.memory_space<vmem_shared>>
        tpu.enqueue_indirect_dma source(%arg24 : memref<128x128xbf16, #tpu.memory_space<vmem>>) target(%dma_start3A_1079 : memref<10240x128xbf16, #tpu.memory_space<vmem_shared>>) offsets(%arg20 : memref<128xi32, #tpu.memory_space<vmem>>) semaphore(%arg42 : memref<!tpu.dma_semaphore, #tpu.memory_space<semaphore_mem>>) {add = true}
        %get3A_1080 = arith.constant 0 : index
        %get3A_1081 = tpu.vector_load %arg20[%get3A_1080] {strides = array<i32>} : memref<128xi32, #tpu.memory_space<vmem>>, vector<16xi32>,
        %shift_right_logical3A_1082 = arith.constant 7 : i32
        %shift_right_logical3A_1083 = vector.broadcast %shift_right_logical3A_1082 : i32 to vector<16xi32>
        %shift_right_logical3A_1084 = arith.shrui %get3A_1081, %shift_right_logical3A_1083 : vector<16xi32>
        %and3A_1085 = arith.constant 127 : i32
        %and3A_1086 = vector.broadcast %and3A_1085 : i32 to vector<16xi32>
        %and3A_1087 = arith.andi %get3A_1081, %and3A_1086 : vector<16xi32>
        tpu.vector_store_idx %arg26[%shift_right_logical3A_1084, %and3A_1087], %broadcast_in_dim3A_2 {add = true} : memref<80x128xf32, #tpu.memory_space<vmem>>[vector<16xi32>, vector<16xi32>], vector<16xf32>,
        %get3A_1088 = arith.constant 16 : index
        %get3A_1089 = tpu.vector_load %arg20[%get3A_1088] {strides = array<i32>} : memref<128xi32, #tpu.memory_space<vmem>>, vector<16xi32>,
        %shift_right_logical3A_1090 = arith.constant 7 : i32
        %shift_right_logical3A_1091 = vector.broadcast %shift_right_logical3A_1090 : i32 to vector<16xi32>
        %shift_right_logical3A_1092 = arith.shrui %get3A_1089, %shift_right_logical3A_1091 : vector<16xi32>
        %and3A_1093 = arith.constant 127 : i32
        %and3A_1094 = vector.broadcast %and3A_1093 : i32 to vector<16xi32>
        %and3A_1095 = arith.andi %get3A_1089, %and3A_1094 : vector<16xi32>
        tpu.vector_store_idx %arg26[%shift_right_logical3A_1092, %and3A_1095], %broadcast_in_dim3A_2 {add = true} : memref<80x128xf32, #tpu.memory_space<vmem>>[vector<16xi32>, vector<16xi32>], vector<16xf32>,
        %get3A_1096 = arith.constant 32 : index
        %get3A_1097 = tpu.vector_load %arg20[%get3A_1096] {strides = array<i32>} : memref<128xi32, #tpu.memory_space<vmem>>, vector<16xi32>,
        %shift_right_logical3A_1098 = arith.constant 7 : i32
        %shift_right_logical3A_1099 = vector.broadcast %shift_right_logical3A_1098 : i32 to vector<16xi32>
        %shift_right_logical3A_1100 = arith.shrui %get3A_1097, %shift_right_logical3A_1099 : vector<16xi32>
        %and3A_1101 = arith.constant 127 : i32
        %and3A_1102 = vector.broadcast %and3A_1101 : i32 to vector<16xi32>
        %and3A_1103 = arith.andi %get3A_1097, %and3A_1102 : vector<16xi32>
        tpu.vector_store_idx %arg26[%shift_right_logical3A_1100, %and3A_1103], %broadcast_in_dim3A_2 {add = true} : memref<80x128xf32, #tpu.memory_space<vmem>>[vector<16xi32>, vector<16xi32>], vector<16xf32>,
        %get3A_1104 = arith.constant 48 : index
        %get3A_1105 = tpu.vector_load %arg20[%get3A_1104] {strides = array<i32>} : memref<128xi32, #tpu.memory_space<vmem>>, vector<16xi32>,
        %shift_right_logical3A_1106 = arith.constant 7 : i32
        %shift_right_logical3A_1107 = vector.broadcast %shift_right_logical3A_1106 : i32 to vector<16xi32>
        %shift_right_logical3A_1108 = arith.shrui %get3A_1105, %shift_right_logical3A_1107 : vector<16xi32>
        %and3A_1109 = arith.constant 127 : i32
        %and3A_1110 = vector.broadcast %and3A_1109 : i32 to vector<16xi32>
        %and3A_1111 = arith.andi %get3A_1105, %and3A_1110 : vector<16xi32>
        tpu.vector_store_idx %arg26[%shift_right_logical3A_1108, %and3A_1111], %broadcast_in_dim3A_2 {add = true} : memref<80x128xf32, #tpu.memory_space<vmem>>[vector<16xi32>, vector<16xi32>], vector<16xf32>,
        %get3A_1112 = arith.constant 64 : index
        %get3A_1113 = tpu.vector_load %arg20[%get3A_1112] {strides = array<i32>} : memref<128xi32, #tpu.memory_space<vmem>>, vector<16xi32>,
        %shift_right_logical3A_1114 = arith.constant 7 : i32
        %shift_right_logical3A_1115 = vector.broadcast %shift_right_logical3A_1114 : i32 to vector<16xi32>
        %shift_right_logical3A_1116 = arith.shrui %get3A_1113, %shift_right_logical3A_1115 : vector<16xi32>
        %and3A_1117 = arith.constant 127 : i32
        %and3A_1118 = vector.broadcast %and3A_1117 : i32 to vector<16xi32>
        %and3A_1119 = arith.andi %get3A_1113, %and3A_1118 : vector<16xi32>
        tpu.vector_store_idx %arg26[%shift_right_logical3A_1116, %and3A_1119], %broadcast_in_dim3A_2 {add = true} : memref<80x128xf32, #tpu.memory_space<vmem>>[vector<16xi32>, vector<16xi32>], vector<16xf32>,
        %get3A_1120 = arith.constant 80 : index
        %get3A_1121 = tpu.vector_load %arg20[%get3A_1120] {strides = array<i32>} : memref<128xi32, #tpu.memory_space<vmem>>, vector<16xi32>,
        %shift_right_logical3A_1122 = arith.constant 7 : i32
        %shift_right_logical3A_1123 = vector.broadcast %shift_right_logical3A_1122 : i32 to vector<16xi32>
        %shift_right_logical3A_1124 = arith.shrui %get3A_1121, %shift_right_logical3A_1123 : vector<16xi32>
        %and3A_1125 = arith.constant 127 : i32
        %and3A_1126 = vector.broadcast %and3A_1125 : i32 to vector<16xi32>
        %and3A_1127 = arith.andi %get3A_1121, %and3A_1126 : vector<16xi32>
        tpu.vector_store_idx %arg26[%shift_right_logical3A_1124, %and3A_1127], %broadcast_in_dim3A_2 {add = true} : memref<80x128xf32, #tpu.memory_space<vmem>>[vector<16xi32>, vector<16xi32>], vector<16xf32>,
        %get3A_1128 = arith.constant 96 : index
        %get3A_1129 = tpu.vector_load %arg20[%get3A_1128] {strides = array<i32>} : memref<128xi32, #tpu.memory_space<vmem>>, vector<16xi32>,
        %shift_right_logical3A_1130 = arith.constant 7 : i32
        %shift_right_logical3A_1131 = vector.broadcast %shift_right_logical3A_1130 : i32 to vector<16xi32>
        %shift_right_logical3A_1132 = arith.shrui %get3A_1129, %shift_right_logical3A_1131 : vector<16xi32>
        %and3A_1133 = arith.constant 127 : i32
        %and3A_1134 = vector.broadcast %and3A_1133 : i32 to vector<16xi32>
        %and3A_1135 = arith.andi %get3A_1129, %and3A_1134 : vector<16xi32>
        tpu.vector_store_idx %arg26[%shift_right_logical3A_1132, %and3A_1135], %broadcast_in_dim3A_2 {add = true} : memref<80x128xf32, #tpu.memory_space<vmem>>[vector<16xi32>, vector<16xi32>], vector<16xf32>,
        %get3A_1136 = arith.constant 112 : index
        %get3A_1137 = tpu.vector_load %arg20[%get3A_1136] {strides = array<i32>} : memref<128xi32, #tpu.memory_space<vmem>>, vector<16xi32>,
        %shift_right_logical3A_1138 = arith.constant 7 : i32
        %shift_right_logical3A_1139 = vector.broadcast %shift_right_logical3A_1138 : i32 to vector<16xi32>
        %shift_right_logical3A_1140 = arith.shrui %get3A_1137, %shift_right_logical3A_1139 : vector<16xi32>
        %and3A_1141 = arith.constant 127 : i32
        %and3A_1142 = vector.broadcast %and3A_1141 : i32 to vector<16xi32>
        %and3A_1143 = arith.andi %get3A_1137, %and3A_1142 : vector<16xi32>
        tpu.vector_store_idx %arg26[%shift_right_logical3A_1140, %and3A_1143], %broadcast_in_dim3A_2 {add = true} : memref<80x128xf32, #tpu.memory_space<vmem>>[vector<16xi32>, vector<16xi32>], vector<16xf32>,
        %add3A_1144 = arith.constant 4 : i32
        %add3A_1145 = arith.addi %add3A_1059, %add3A_1144 : i32
        %add3A_1146 = arith.constant 1 : i32
        %add3A_1147 = arith.addi %add3A_1145, %add3A_1146 : i32
        %le3A_1148 = arith.constant 159 : i32
        %le3A_1149 = arith.cmpi sle, %add3A_1147, %le3A_1148 : i32
        %convert_element_type3A_1150 = arith.extui %le3A_1149 : i1 to i32
        %cond3A_1151 = arith.constant 0 : i32
        %cond3A_1152 = arith.cmpi ne, %convert_element_type3A_1150, %cond3A_1151 : i32
        scf.if %cond3A_1152 {
          %add3A_1251 = arith.constant 4 : i32
          %add3A_1252 = arith.addi %add3A_1059, %add3A_1251 : i32
          %add3A_1253 = arith.constant 1 : i32
          %add3A_1254 = arith.addi %add3A_1252, %add3A_1253 : i32
          %dma_start3A_1255 = arith.constant 0 : i32
          %dma_start3A_1256 = tpu.memref_slice %arg5[%arg1, %add3A_1254, %dma_start3A_1255] : memref<16x160x128xi32, #tpu.memory_space<hbm>> -> memref<1x1x128xi32, #tpu.memory_space<hbm>>
          %dma_start3A_1257 = tpu.memref_squeeze %dma_start3A_1256 : memref<1x1x128xi32, #tpu.memory_space<hbm>> -> memref<128xi32, #tpu.memory_space<hbm>>
          %dma_start3A_1258 = arith.constant 0 : i32
          %dma_start3A_1259 = tpu.memref_slice %arg5[%arg1, %add3A_1254, %dma_start3A_1258] : memref<16x160x128xi32, #tpu.memory_space<hbm>> -> memref<1x1x128xi32, #tpu.memory_space<hbm>>
          %dma_start3A_1260 = tpu.memref_squeeze %dma_start3A_1259 : memref<1x1x128xi32, #tpu.memory_space<hbm>> -> memref<128xi32, #tpu.memory_space<hbm>>
          tpu.enqueue_dma source(%dma_start3A_1260 : memref<128xi32, #tpu.memory_space<hbm>>) target(%arg13 : memref<128xi32, #tpu.memory_space<vmem>>) target_semaphore(%arg35 : memref<!tpu.dma_semaphore, #tpu.memory_space<semaphore_mem>>)
        } else {
        }
        %mul3A_1153 = arith.constant 4 : i32
        %mul3A_1154 = arith.muli %scan3A_863, %mul3A_1153 : i32
        %add3A_1155 = arith.constant 3 : i32
        %add3A_1156 = arith.addi %mul3A_1154, %add3A_1155 : i32
        %sub3A_1157 = arith.constant 3 : i32
        %sub3A_1158 = arith.subi %add3A_1156, %sub3A_1157 : i32
        %ge3A_1159 = arith.constant 0 : i32
        %ge3A_1160 = arith.cmpi sge, %sub3A_1158, %ge3A_1159 : i32
        %convert_element_type3A_1161 = arith.extui %ge3A_1160 : i1 to i32
        %cond3A_1162 = arith.constant 0 : i32
        %cond3A_1163 = arith.cmpi ne, %convert_element_type3A_1161, %cond3A_1162 : i32
        scf.if %cond3A_1163 {
          %dma_wait3A_1251 = arith.constant 0 : i32
          %dma_wait3A_1252 = arith.constant 0 : i32
          %dma_wait3A_1253 = tpu.memref_slice %arg30[%dma_wait3A_1251, %dma_wait3A_1252] : memref<10240x128xbf16, #tpu.memory_space<vmem_shared>> -> memref<10240x128xbf16, #tpu.memory_space<vmem_shared>>
          tpu.wait_indirect_dma semaphore(%arg40 : memref<!tpu.dma_semaphore, #tpu.memory_space<semaphore_mem>>) src(%arg22 : memref<128x128xbf16, #tpu.memory_space<vmem>>) dst(%dma_wait3A_1253 : memref<10240x128xbf16, #tpu.memory_space<vmem_shared>>)
        } else {
        }
        %add3A_1164 = arith.constant 1 : i32
        %add3A_1165 = arith.addi %add3A_1156, %add3A_1164 : i32
        %le3A_1166 = arith.constant 159 : i32
        %le3A_1167 = arith.cmpi sle, %add3A_1165, %le3A_1166 : i32
        %convert_element_type3A_1168 = arith.extui %le3A_1167 : i1 to i32
        %cond3A_1169 = arith.constant 0 : i32
        %cond3A_1170 = arith.cmpi ne, %convert_element_type3A_1168, %cond3A_1169 : i32
        scf.if %cond3A_1170 {
          %add3A_1251 = arith.constant 1 : i32
          %add3A_1252 = arith.addi %add3A_1156, %add3A_1251 : i32
          %dma_wait3A_1253 = arith.constant 0 : i32
          %dma_wait3A_1254 = tpu.memref_slice %arg5[%arg1, %add3A_1252, %dma_wait3A_1253] : memref<16x160x128xi32, #tpu.memory_space<hbm>> -> memref<1x1x128xi32, #tpu.memory_space<hbm>>
          %dma_wait3A_1255 = tpu.memref_squeeze %dma_wait3A_1254 : memref<1x1x128xi32, #tpu.memory_space<hbm>> -> memref<128xi32, #tpu.memory_space<hbm>>
          %dma_wait3A_1256 = arith.constant 0 : i32
          %dma_wait3A_1257 = tpu.memref_slice %arg5[%arg1, %add3A_1252, %dma_wait3A_1256] : memref<16x160x128xi32, #tpu.memory_space<hbm>> -> memref<1x1x128xi32, #tpu.memory_space<hbm>>
          %dma_wait3A_1258 = tpu.memref_squeeze %dma_wait3A_1257 : memref<1x1x128xi32, #tpu.memory_space<hbm>> -> memref<128xi32, #tpu.memory_space<hbm>>
          tpu.wait_dma2 semaphore(%arg32 : memref<!tpu.dma_semaphore, #tpu.memory_space<semaphore_mem>>) src(%dma_wait3A_1258 : memref<128xi32, #tpu.memory_space<hbm>>) dst(%arg10 : memref<128xi32, #tpu.memory_space<vmem>>)
          %get3A_1259 = arith.constant 0 : index
          %get3A_1260 = tpu.vector_load %arg10[%get3A_1259] {strides = array<i32>} : memref<128xi32, #tpu.memory_space<vmem>>, vector<16xi32>,
          %and3A_1261 = arith.constant 16383 : i32
          %and3A_1262 = vector.broadcast %and3A_1261 : i32 to vector<16xi32>
          %and3A_1263 = arith.andi %get3A_1260, %and3A_1262 : vector<16xi32>
          %swap3A_1264 = arith.constant 0 : index
          %swap3A_1265 = tpu.vector_load %arg14[%swap3A_1264] {strides = array<i32>} : memref<128xi32, #tpu.memory_space<vmem>>, vector<16xi32>,
          tpu.vector_store %arg14[%swap3A_1264], %and3A_1263 {strides = array<i32>} : memref<128xi32, #tpu.memory_space<vmem>>, vector<16xi32>,
          %shift_right_logical3A_1266 = arith.constant 14 : i32
          %shift_right_logical3A_1267 = vector.broadcast %shift_right_logical3A_1266 : i32 to vector<16xi32>
          %shift_right_logical3A_1268 = arith.shrui %get3A_1260, %shift_right_logical3A_1267 : vector<16xi32>
          %swap3A_1269 = arith.constant 0 : index
          %swap3A_1270 = tpu.vector_load %arg18[%swap3A_1269] {strides = array<i32>} : memref<128xi32, #tpu.memory_space<vmem>>, vector<16xi32>,
          tpu.vector_store %arg18[%swap3A_1269], %shift_right_logical3A_1268 {strides = array<i32>} : memref<128xi32, #tpu.memory_space<vmem>>, vector<16xi32>,
          %get3A_1271 = arith.constant 16 : index
          %get3A_1272 = tpu.vector_load %arg10[%get3A_1271] {strides = array<i32>} : memref<128xi32, #tpu.memory_space<vmem>>, vector<16xi32>,
          %and3A_1273 = arith.constant 16383 : i32
          %and3A_1274 = vector.broadcast %and3A_1273 : i32 to vector<16xi32>
          %and3A_1275 = arith.andi %get3A_1272, %and3A_1274 : vector<16xi32>
          %swap3A_1276 = arith.constant 16 : index
          %swap3A_1277 = tpu.vector_load %arg14[%swap3A_1276] {strides = array<i32>} : memref<128xi32, #tpu.memory_space<vmem>>, vector<16xi32>,
          tpu.vector_store %arg14[%swap3A_1276], %and3A_1275 {strides = array<i32>} : memref<128xi32, #tpu.memory_space<vmem>>, vector<16xi32>,
          %shift_right_logical3A_1278 = arith.constant 14 : i32
          %shift_right_logical3A_1279 = vector.broadcast %shift_right_logical3A_1278 : i32 to vector<16xi32>
          %shift_right_logical3A_1280 = arith.shrui %get3A_1272, %shift_right_logical3A_1279 : vector<16xi32>
          %swap3A_1281 = arith.constant 16 : index
          %swap3A_1282 = tpu.vector_load %arg18[%swap3A_1281] {strides = array<i32>} : memref<128xi32, #tpu.memory_space<vmem>>, vector<16xi32>,
          tpu.vector_store %arg18[%swap3A_1281], %shift_right_logical3A_1280 {strides = array<i32>} : memref<128xi32, #tpu.memory_space<vmem>>, vector<16xi32>,
          %get3A_1283 = arith.constant 32 : index
          %get3A_1284 = tpu.vector_load %arg10[%get3A_1283] {strides = array<i32>} : memref<128xi32, #tpu.memory_space<vmem>>, vector<16xi32>,
          %and3A_1285 = arith.constant 16383 : i32
          %and3A_1286 = vector.broadcast %and3A_1285 : i32 to vector<16xi32>
          %and3A_1287 = arith.andi %get3A_1284, %and3A_1286 : vector<16xi32>
          %swap3A_1288 = arith.constant 32 : index
          %swap3A_1289 = tpu.vector_load %arg14[%swap3A_1288] {strides = array<i32>} : memref<128xi32, #tpu.memory_space<vmem>>, vector<16xi32>,
          tpu.vector_store %arg14[%swap3A_1288], %and3A_1287 {strides = array<i32>} : memref<128xi32, #tpu.memory_space<vmem>>, vector<16xi32>,
          %shift_right_logical3A_1290 = arith.constant 14 : i32
          %shift_right_logical3A_1291 = vector.broadcast %shift_right_logical3A_1290 : i32 to vector<16xi32>
          %shift_right_logical3A_1292 = arith.shrui %get3A_1284, %shift_right_logical3A_1291 : vector<16xi32>
          %swap3A_1293 = arith.constant 32 : index
          %swap3A_1294 = tpu.vector_load %arg18[%swap3A_1293] {strides = array<i32>} : memref<128xi32, #tpu.memory_space<vmem>>, vector<16xi32>,
          tpu.vector_store %arg18[%swap3A_1293], %shift_right_logical3A_1292 {strides = array<i32>} : memref<128xi32, #tpu.memory_space<vmem>>, vector<16xi32>,
          %get3A_1295 = arith.constant 48 : index
          %get3A_1296 = tpu.vector_load %arg10[%get3A_1295] {strides = array<i32>} : memref<128xi32, #tpu.memory_space<vmem>>, vector<16xi32>,
          %and3A_1297 = arith.constant 16383 : i32
          %and3A_1298 = vector.broadcast %and3A_1297 : i32 to vector<16xi32>
          %and3A_1299 = arith.andi %get3A_1296, %and3A_1298 : vector<16xi32>
          %swap3A_1300 = arith.constant 48 : index
          %swap3A_1301 = tpu.vector_load %arg14[%swap3A_1300] {strides = array<i32>} : memref<128xi32, #tpu.memory_space<vmem>>, vector<16xi32>,
          tpu.vector_store %arg14[%swap3A_1300], %and3A_1299 {strides = array<i32>} : memref<128xi32, #tpu.memory_space<vmem>>, vector<16xi32>,
          %shift_right_logical3A_1302 = arith.constant 14 : i32
          %shift_right_logical3A_1303 = vector.broadcast %shift_right_logical3A_1302 : i32 to vector<16xi32>
          %shift_right_logical3A_1304 = arith.shrui %get3A_1296, %shift_right_logical3A_1303 : vector<16xi32>
          %swap3A_1305 = arith.constant 48 : index
          %swap3A_1306 = tpu.vector_load %arg18[%swap3A_1305] {strides = array<i32>} : memref<128xi32, #tpu.memory_space<vmem>>, vector<16xi32>,
          tpu.vector_store %arg18[%swap3A_1305], %shift_right_logical3A_1304 {strides = array<i32>} : memref<128xi32, #tpu.memory_space<vmem>>, vector<16xi32>,
          %get3A_1307 = arith.constant 64 : index
          %get3A_1308 = tpu.vector_load %arg10[%get3A_1307] {strides = array<i32>} : memref<128xi32, #tpu.memory_space<vmem>>, vector<16xi32>,
          %and3A_1309 = arith.constant 16383 : i32
          %and3A_1310 = vector.broadcast %and3A_1309 : i32 to vector<16xi32>
          %and3A_1311 = arith.andi %get3A_1308, %and3A_1310 : vector<16xi32>
          %swap3A_1312 = arith.constant 64 : index
          %swap3A_1313 = tpu.vector_load %arg14[%swap3A_1312] {strides = array<i32>} : memref<128xi32, #tpu.memory_space<vmem>>, vector<16xi32>,
          tpu.vector_store %arg14[%swap3A_1312], %and3A_1311 {strides = array<i32>} : memref<128xi32, #tpu.memory_space<vmem>>, vector<16xi32>,
          %shift_right_logical3A_1314 = arith.constant 14 : i32
          %shift_right_logical3A_1315 = vector.broadcast %shift_right_logical3A_1314 : i32 to vector<16xi32>
          %shift_right_logical3A_1316 = arith.shrui %get3A_1308, %shift_right_logical3A_1315 : vector<16xi32>
          %swap3A_1317 = arith.constant 64 : index
          %swap3A_1318 = tpu.vector_load %arg18[%swap3A_1317] {strides = array<i32>} : memref<128xi32, #tpu.memory_space<vmem>>, vector<16xi32>,
          tpu.vector_store %arg18[%swap3A_1317], %shift_right_logical3A_1316 {strides = array<i32>} : memref<128xi32, #tpu.memory_space<vmem>>, vector<16xi32>,
          %get3A_1319 = arith.constant 80 : index
          %get3A_1320 = tpu.vector_load %arg10[%get3A_1319] {strides = array<i32>} : memref<128xi32, #tpu.memory_space<vmem>>, vector<16xi32>,
          %and3A_1321 = arith.constant 16383 : i32
          %and3A_1322 = vector.broadcast %and3A_1321 : i32 to vector<16xi32>
          %and3A_1323 = arith.andi %get3A_1320, %and3A_1322 : vector<16xi32>
          %swap3A_1324 = arith.constant 80 : index
          %swap3A_1325 = tpu.vector_load %arg14[%swap3A_1324] {strides = array<i32>} : memref<128xi32, #tpu.memory_space<vmem>>, vector<16xi32>,
          tpu.vector_store %arg14[%swap3A_1324], %and3A_1323 {strides = array<i32>} : memref<128xi32, #tpu.memory_space<vmem>>, vector<16xi32>,
          %shift_right_logical3A_1326 = arith.constant 14 : i32
          %shift_right_logical3A_1327 = vector.broadcast %shift_right_logical3A_1326 : i32 to vector<16xi32>
          %shift_right_logical3A_1328 = arith.shrui %get3A_1320, %shift_right_logical3A_1327 : vector<16xi32>
          %swap3A_1329 = arith.constant 80 : index
          %swap3A_1330 = tpu.vector_load %arg18[%swap3A_1329] {strides = array<i32>} : memref<128xi32, #tpu.memory_space<vmem>>, vector<16xi32>,
          tpu.vector_store %arg18[%swap3A_1329], %shift_right_logical3A_1328 {strides = array<i32>} : memref<128xi32, #tpu.memory_space<vmem>>, vector<16xi32>,
          %get3A_1331 = arith.constant 96 : index
          %get3A_1332 = tpu.vector_load %arg10[%get3A_1331] {strides = array<i32>} : memref<128xi32, #tpu.memory_space<vmem>>, vector<16xi32>,
          %and3A_1333 = arith.constant 16383 : i32
          %and3A_1334 = vector.broadcast %and3A_1333 : i32 to vector<16xi32>
          %and3A_1335 = arith.andi %get3A_1332, %and3A_1334 : vector<16xi32>
          %swap3A_1336 = arith.constant 96 : index
          %swap3A_1337 = tpu.vector_load %arg14[%swap3A_1336] {strides = array<i32>} : memref<128xi32, #tpu.memory_space<vmem>>, vector<16xi32>,
          tpu.vector_store %arg14[%swap3A_1336], %and3A_1335 {strides = array<i32>} : memref<128xi32, #tpu.memory_space<vmem>>, vector<16xi32>,
          %shift_right_logical3A_1338 = arith.constant 14 : i32
          %shift_right_logical3A_1339 = vector.broadcast %shift_right_logical3A_1338 : i32 to vector<16xi32>
          %shift_right_logical3A_1340 = arith.shrui %get3A_1332, %shift_right_logical3A_1339 : vector<16xi32>
          %swap3A_1341 = arith.constant 96 : index
          %swap3A_1342 = tpu.vector_load %arg18[%swap3A_1341] {strides = array<i32>} : memref<128xi32, #tpu.memory_space<vmem>>, vector<16xi32>,
          tpu.vector_store %arg18[%swap3A_1341], %shift_right_logical3A_1340 {strides = array<i32>} : memref<128xi32, #tpu.memory_space<vmem>>, vector<16xi32>,
          %get3A_1343 = arith.constant 112 : index
          %get3A_1344 = tpu.vector_load %arg10[%get3A_1343] {strides = array<i32>} : memref<128xi32, #tpu.memory_space<vmem>>, vector<16xi32>,
          %and3A_1345 = arith.constant 16383 : i32
          %and3A_1346 = vector.broadcast %and3A_1345 : i32 to vector<16xi32>
          %and3A_1347 = arith.andi %get3A_1344, %and3A_1346 : vector<16xi32>
          %swap3A_1348 = arith.constant 112 : index
          %swap3A_1349 = tpu.vector_load %arg14[%swap3A_1348] {strides = array<i32>} : memref<128xi32, #tpu.memory_space<vmem>>, vector<16xi32>,
          tpu.vector_store %arg14[%swap3A_1348], %and3A_1347 {strides = array<i32>} : memref<128xi32, #tpu.memory_space<vmem>>, vector<16xi32>,
          %shift_right_logical3A_1350 = arith.constant 14 : i32
          %shift_right_logical3A_1351 = vector.broadcast %shift_right_logical3A_1350 : i32 to vector<16xi32>
          %shift_right_logical3A_1352 = arith.shrui %get3A_1344, %shift_right_logical3A_1351 : vector<16xi32>
          %swap3A_1353 = arith.constant 112 : index
          %swap3A_1354 = tpu.vector_load %arg18[%swap3A_1353] {strides = array<i32>} : memref<128xi32, #tpu.memory_space<vmem>>, vector<16xi32>,
          tpu.vector_store %arg18[%swap3A_1353], %shift_right_logical3A_1352 {strides = array<i32>} : memref<128xi32, #tpu.memory_space<vmem>>, vector<16xi32>,
          %dma_start3A_1355 = arith.constant 0 : i32
          %dma_start3A_1356 = arith.constant 0 : i32
          %dma_start3A_1357 = tpu.memref_slice %arg3[%dma_start3A_1355, %dma_start3A_1356] : memref<10000x128xbf16, #tpu.memory_space<hbm>> -> memref<10000x128xbf16, #tpu.memory_space<hbm>>
          tpu.enqueue_indirect_dma source(%dma_start3A_1357 : memref<10000x128xbf16, #tpu.memory_space<hbm>>) target(%arg22 : memref<128x128xbf16, #tpu.memory_space<vmem>>) offsets(%arg14 : memref<128xi32, #tpu.memory_space<vmem>>) semaphore(%arg36 : memref<!tpu.dma_semaphore, #tpu.memory_space<semaphore_mem>>)
        } else {
        }
        %dma_wait3A_1171 = arith.constant 0 : i32
        %dma_wait3A_1172 = arith.constant 0 : i32
        %dma_wait3A_1173 = tpu.memref_slice %arg3[%dma_wait3A_1171, %dma_wait3A_1172] : memref<10000x128xbf16, #tpu.memory_space<hbm>> -> memref<10000x128xbf16, #tpu.memory_space<hbm>>
        tpu.wait_indirect_dma semaphore(%arg39 : memref<!tpu.dma_semaphore, #tpu.memory_space<semaphore_mem>>) src(%dma_wait3A_1173 : memref<10000x128xbf16, #tpu.memory_space<hbm>>) dst(%arg25 : memref<128x128xbf16, #tpu.memory_space<vmem>>)
        %dma_start3A_1174 = arith.constant 0 : i32
        %dma_start3A_1175 = arith.constant 0 : i32
        %dma_start3A_1176 = tpu.memref_slice %arg30[%dma_start3A_1174, %dma_start3A_1175] : memref<10240x128xbf16, #tpu.memory_space<vmem_shared>> -> memref<10240x128xbf16, #tpu.memory_space<vmem_shared>>
        tpu.enqueue_indirect_dma source(%arg25 : memref<128x128xbf16, #tpu.memory_space<vmem>>) target(%dma_start3A_1176 : memref<10240x128xbf16, #tpu.memory_space<vmem_shared>>) offsets(%arg21 : memref<128xi32, #tpu.memory_space<vmem>>) semaphore(%arg43 : memref<!tpu.dma_semaphore, #tpu.memory_space<semaphore_mem>>) {add = true}
        %get3A_1177 = arith.constant 0 : index
        %get3A_1178 = tpu.vector_load %arg21[%get3A_1177] {strides = array<i32>} : memref<128xi32, #tpu.memory_space<vmem>>, vector<16xi32>,
        %shift_right_logical3A_1179 = arith.constant 7 : i32
        %shift_right_logical3A_1180 = vector.broadcast %shift_right_logical3A_1179 : i32 to vector<16xi32>
        %shift_right_logical3A_1181 = arith.shrui %get3A_1178, %shift_right_logical3A_1180 : vector<16xi32>
        %and3A_1182 = arith.constant 127 : i32
        %and3A_1183 = vector.broadcast %and3A_1182 : i32 to vector<16xi32>
        %and3A_1184 = arith.andi %get3A_1178, %and3A_1183 : vector<16xi32>
        tpu.vector_store_idx %arg26[%shift_right_logical3A_1181, %and3A_1184], %broadcast_in_dim3A_2 {add = true} : memref<80x128xf32, #tpu.memory_space<vmem>>[vector<16xi32>, vector<16xi32>], vector<16xf32>,
        %get3A_1185 = arith.constant 16 : index
        %get3A_1186 = tpu.vector_load %arg21[%get3A_1185] {strides = array<i32>} : memref<128xi32, #tpu.memory_space<vmem>>, vector<16xi32>,
        %shift_right_logical3A_1187 = arith.constant 7 : i32
        %shift_right_logical3A_1188 = vector.broadcast %shift_right_logical3A_1187 : i32 to vector<16xi32>
        %shift_right_logical3A_1189 = arith.shrui %get3A_1186, %shift_right_logical3A_1188 : vector<16xi32>
        %and3A_1190 = arith.constant 127 : i32
        %and3A_1191 = vector.broadcast %and3A_1190 : i32 to vector<16xi32>
        %and3A_1192 = arith.andi %get3A_1186, %and3A_1191 : vector<16xi32>
        tpu.vector_store_idx %arg26[%shift_right_logical3A_1189, %and3A_1192], %broadcast_in_dim3A_2 {add = true} : memref<80x128xf32, #tpu.memory_space<vmem>>[vector<16xi32>, vector<16xi32>], vector<16xf32>,
        %get3A_1193 = arith.constant 32 : index
        %get3A_1194 = tpu.vector_load %arg21[%get3A_1193] {strides = array<i32>} : memref<128xi32, #tpu.memory_space<vmem>>, vector<16xi32>,
        %shift_right_logical3A_1195 = arith.constant 7 : i32
        %shift_right_logical3A_1196 = vector.broadcast %shift_right_logical3A_1195 : i32 to vector<16xi32>
        %shift_right_logical3A_1197 = arith.shrui %get3A_1194, %shift_right_logical3A_1196 : vector<16xi32>
        %and3A_1198 = arith.constant 127 : i32
        %and3A_1199 = vector.broadcast %and3A_1198 : i32 to vector<16xi32>
        %and3A_1200 = arith.andi %get3A_1194, %and3A_1199 : vector<16xi32>
        tpu.vector_store_idx %arg26[%shift_right_logical3A_1197, %and3A_1200], %broadcast_in_dim3A_2 {add = true} : memref<80x128xf32, #tpu.memory_space<vmem>>[vector<16xi32>, vector<16xi32>], vector<16xf32>,
        %get3A_1201 = arith.constant 48 : index
        %get3A_1202 = tpu.vector_load %arg21[%get3A_1201] {strides = array<i32>} : memref<128xi32, #tpu.memory_space<vmem>>, vector<16xi32>,
        %shift_right_logical3A_1203 = arith.constant 7 : i32
        %shift_right_logical3A_1204 = vector.broadcast %shift_right_logical3A_1203 : i32 to vector<16xi32>
        %shift_right_logical3A_1205 = arith.shrui %get3A_1202, %shift_right_logical3A_1204 : vector<16xi32>
        %and3A_1206 = arith.constant 127 : i32
        %and3A_1207 = vector.broadcast %and3A_1206 : i32 to vector<16xi32>
        %and3A_1208 = arith.andi %get3A_1202, %and3A_1207 : vector<16xi32>
        tpu.vector_store_idx %arg26[%shift_right_logical3A_1205, %and3A_1208], %broadcast_in_dim3A_2 {add = true} : memref<80x128xf32, #tpu.memory_space<vmem>>[vector<16xi32>, vector<16xi32>], vector<16xf32>,
        %get3A_1209 = arith.constant 64 : index
        %get3A_1210 = tpu.vector_load %arg21[%get3A_1209] {strides = array<i32>} : memref<128xi32, #tpu.memory_space<vmem>>, vector<16xi32>,
        %shift_right_logical3A_1211 = arith.constant 7 : i32
        %shift_right_logical3A_1212 = vector.broadcast %shift_right_logical3A_1211 : i32 to vector<16xi32>
        %shift_right_logical3A_1213 = arith.shrui %get3A_1210, %shift_right_logical3A_1212 : vector<16xi32>
        %and3A_1214 = arith.constant 127 : i32
        %and3A_1215 = vector.broadcast %and3A_1214 : i32 to vector<16xi32>
        %and3A_1216 = arith.andi %get3A_1210, %and3A_1215 : vector<16xi32>
        tpu.vector_store_idx %arg26[%shift_right_logical3A_1213, %and3A_1216], %broadcast_in_dim3A_2 {add = true} : memref<80x128xf32, #tpu.memory_space<vmem>>[vector<16xi32>, vector<16xi32>], vector<16xf32>,
        %get3A_1217 = arith.constant 80 : index
        %get3A_1218 = tpu.vector_load %arg21[%get3A_1217] {strides = array<i32>} : memref<128xi32, #tpu.memory_space<vmem>>, vector<16xi32>,
        %shift_right_logical3A_1219 = arith.constant 7 : i32
        %shift_right_logical3A_1220 = vector.broadcast %shift_right_logical3A_1219 : i32 to vector<16xi32>
        %shift_right_logical3A_1221 = arith.shrui %get3A_1218, %shift_right_logical3A_1220 : vector<16xi32>
        %and3A_1222 = arith.constant 127 : i32
        %and3A_1223 = vector.broadcast %and3A_1222 : i32 to vector<16xi32>
        %and3A_1224 = arith.andi %get3A_1218, %and3A_1223 : vector<16xi32>
        tpu.vector_store_idx %arg26[%shift_right_logical3A_1221, %and3A_1224], %broadcast_in_dim3A_2 {add = true} : memref<80x128xf32, #tpu.memory_space<vmem>>[vector<16xi32>, vector<16xi32>], vector<16xf32>,
        %get3A_1225 = arith.constant 96 : index
        %get3A_1226 = tpu.vector_load %arg21[%get3A_1225] {strides = array<i32>} : memref<128xi32, #tpu.memory_space<vmem>>, vector<16xi32>,
        %shift_right_logical3A_1227 = arith.constant 7 : i32
        %shift_right_logical3A_1228 = vector.broadcast %shift_right_logical3A_1227 : i32 to vector<16xi32>
        %shift_right_logical3A_1229 = arith.shrui %get3A_1226, %shift_right_logical3A_1228 : vector<16xi32>
        %and3A_1230 = arith.constant 127 : i32
        %and3A_1231 = vector.broadcast %and3A_1230 : i32 to vector<16xi32>
        %and3A_1232 = arith.andi %get3A_1226, %and3A_1231 : vector<16xi32>
        tpu.vector_store_idx %arg26[%shift_right_logical3A_1229, %and3A_1232], %broadcast_in_dim3A_2 {add = true} : memref<80x128xf32, #tpu.memory_space<vmem>>[vector<16xi32>, vector<16xi32>], vector<16xf32>,
        %get3A_1233 = arith.constant 112 : index
        %get3A_1234 = tpu.vector_load %arg21[%get3A_1233] {strides = array<i32>} : memref<128xi32, #tpu.memory_space<vmem>>, vector<16xi32>,
        %shift_right_logical3A_1235 = arith.constant 7 : i32
        %shift_right_logical3A_1236 = vector.broadcast %shift_right_logical3A_1235 : i32 to vector<16xi32>
        %shift_right_logical3A_1237 = arith.shrui %get3A_1234, %shift_right_logical3A_1236 : vector<16xi32>
        %and3A_1238 = arith.constant 127 : i32
        %and3A_1239 = vector.broadcast %and3A_1238 : i32 to vector<16xi32>
        %and3A_1240 = arith.andi %get3A_1234, %and3A_1239 : vector<16xi32>
        tpu.vector_store_idx %arg26[%shift_right_logical3A_1237, %and3A_1240], %broadcast_in_dim3A_2 {add = true} : memref<80x128xf32, #tpu.memory_space<vmem>>[vector<16xi32>, vector<16xi32>], vector<16xf32>,
        %add3A_1241 = arith.constant 4 : i32
        %add3A_1242 = arith.addi %add3A_1156, %add3A_1241 : i32
        %add3A_1243 = arith.constant 1 : i32
        %add3A_1244 = arith.addi %add3A_1242, %add3A_1243 : i32
        %le3A_1245 = arith.constant 159 : i32
        %le3A_1246 = arith.cmpi sle, %add3A_1244, %le3A_1245 : i32
        %convert_element_type3A_1247 = arith.extui %le3A_1246 : i1 to i32
        %cond3A_1248 = arith.constant 0 : i32
        %cond3A_1249 = arith.cmpi ne, %convert_element_type3A_1247, %cond3A_1248 : i32
        scf.if %cond3A_1249 {
          %add3A_1251 = arith.constant 4 : i32
          %add3A_1252 = arith.addi %add3A_1156, %add3A_1251 : i32
          %add3A_1253 = arith.constant 1 : i32
          %add3A_1254 = arith.addi %add3A_1252, %add3A_1253 : i32
          %dma_start3A_1255 = arith.constant 0 : i32
          %dma_start3A_1256 = tpu.memref_slice %arg5[%arg1, %add3A_1254, %dma_start3A_1255] : memref<16x160x128xi32, #tpu.memory_space<hbm>> -> memref<1x1x128xi32, #tpu.memory_space<hbm>>
          %dma_start3A_1257 = tpu.memref_squeeze %dma_start3A_1256 : memref<1x1x128xi32, #tpu.memory_space<hbm>> -> memref<128xi32, #tpu.memory_space<hbm>>
          %dma_start3A_1258 = arith.constant 0 : i32
          %dma_start3A_1259 = tpu.memref_slice %arg5[%arg1, %add3A_1254, %dma_start3A_1258] : memref<16x160x128xi32, #tpu.memory_space<hbm>> -> memref<1x1x128xi32, #tpu.memory_space<hbm>>
          %dma_start3A_1260 = tpu.memref_squeeze %dma_start3A_1259 : memref<1x1x128xi32, #tpu.memory_space<hbm>> -> memref<128xi32, #tpu.memory_space<hbm>>
          tpu.enqueue_dma source(%dma_start3A_1260 : memref<128xi32, #tpu.memory_space<hbm>>) target(%arg10 : memref<128xi32, #tpu.memory_space<vmem>>) target_semaphore(%arg32 : memref<!tpu.dma_semaphore, #tpu.memory_space<semaphore_mem>>)
        } else {
        }
        %scan3A_1250 = arith.constant 0 : i32
        scf.yield %scan3A_1250 : i32
      }
      %scan3A_853 = arith.constant 40 : i32
      %dma_wait3A_854 = arith.constant 0 : i32
      %dma_wait3A_855 = arith.constant 0 : i32
      %dma_wait3A_856 = tpu.memref_slice %arg30[%dma_wait3A_854, %dma_wait3A_855] : memref<10240x128xbf16, #tpu.memory_space<vmem_shared>> -> memref<10240x128xbf16, #tpu.memory_space<vmem_shared>>
      tpu.wait_indirect_dma semaphore(%arg41 : memref<!tpu.dma_semaphore, #tpu.memory_space<semaphore_mem>>) src(%arg23 : memref<128x128xbf16, #tpu.memory_space<vmem>>) dst(%dma_wait3A_856 : memref<10240x128xbf16, #tpu.memory_space<vmem_shared>>)
      %dma_wait3A_857 = arith.constant 0 : i32
      %dma_wait3A_858 = arith.constant 0 : i32
      %dma_wait3A_859 = tpu.memref_slice %arg30[%dma_wait3A_857, %dma_wait3A_858] : memref<10240x128xbf16, #tpu.memory_space<vmem_shared>> -> memref<10240x128xbf16, #tpu.memory_space<vmem_shared>>
      tpu.wait_indirect_dma semaphore(%arg42 : memref<!tpu.dma_semaphore, #tpu.memory_space<semaphore_mem>>) src(%arg24 : memref<128x128xbf16, #tpu.memory_space<vmem>>) dst(%dma_wait3A_859 : memref<10240x128xbf16, #tpu.memory_space<vmem_shared>>)
      %dma_wait3A_860 = arith.constant 0 : i32
      %dma_wait3A_861 = arith.constant 0 : i32
      %dma_wait3A_862 = tpu.memref_slice %arg30[%dma_wait3A_860, %dma_wait3A_861] : memref<10240x128xbf16, #tpu.memory_space<vmem_shared>> -> memref<10240x128xbf16, #tpu.memory_space<vmem_shared>>
      tpu.wait_indirect_dma semaphore(%arg43 : memref<!tpu.dma_semaphore, #tpu.memory_space<semaphore_mem>>) src(%arg25 : memref<128x128xbf16, #tpu.memory_space<vmem>>) dst(%dma_wait3A_862 : memref<10240x128xbf16, #tpu.memory_space<vmem_shared>>)
    } else {
    }
    %dma_start3A_690 = arith.constant 0 : i32
    %dma_start3A_691 = arith.constant 0 : i32
    %dma_start3A_692 = tpu.memref_slice %arg31[%dma_start3A_690, %dma_start3A_691] : memref<80x128xf32, #tpu.memory_space<vmem_shared>> -> memref<80x128xf32, #tpu.memory_space<vmem_shared>>
    tpu.enqueue_indirect_dma source(%arg26 : memref<80x128xf32, #tpu.memory_space<vmem>>) target(%dma_start3A_692 : memref<80x128xf32, #tpu.memory_space<vmem_shared>>) offsets(%arg27 : memref<80xi32, #tpu.memory_space<vmem>>) semaphore(%arg44 : memref<!tpu.dma_semaphore, #tpu.memory_space<semaphore_mem>>) {add = true}
    %dma_wait3A_693 = arith.constant 0 : i32
    %dma_wait3A_694 = arith.constant 0 : i32
    %dma_wait3A_695 = tpu.memref_slice %arg31[%dma_wait3A_693, %dma_wait3A_694] : memref<80x128xf32, #tpu.memory_space<vmem_shared>> -> memref<80x128xf32, #tpu.memory_space<vmem_shared>>
    tpu.wait_indirect_dma semaphore(%arg44 : memref<!tpu.dma_semaphore, #tpu.memory_space<semaphore_mem>>) src(%arg26 : memref<80x128xf32, #tpu.memory_space<vmem>>) dst(%dma_wait3A_695 : memref<80x128xf32, #tpu.memory_space<vmem_shared>>)
    %barrier3A_696 = arith.constant 0 : index
    tpu.barrier barrier_id(%barrier3A_696)
    %mul3A_697 = arith.constant 640 : i32
    %mul3A_698 = arith.muli %arg1, %mul3A_697 : i32
    %eq3A_699 = arith.constant 0 : i32
    %eq3A_700 = arith.cmpi eq, %arg0, %eq3A_699 : i32
    %convert_element_type3A_701 = arith.extui %eq3A_700 : i1 to i32
    %cond3A_702 = arith.constant 0 : i32
    %cond3A_703 = arith.cmpi ne, %convert_element_type3A_701, %cond3A_702 : i32
    scf.if %cond3A_703 {
      "tpu.region"() ({
        %run_scoped3A = tpu.sem_alloc : memref<!tpu.dma_semaphore, #tpu.memory_space<semaphore_mem>>
        %dma_start3A_714 = arith.constant 0 : i32
        %dma_start3A_715 = tpu.memref_slice %arg6[%mul3A_698, %dma_start3A_714] : memref<10240x128xbf16, #tpu.memory_space<hbm>> -> memref<640x128xbf16, #tpu.memory_space<hbm>>
        %dma_start3A_716 = arith.constant 0 : i32
        %dma_start3A_717 = tpu.memref_slice %arg30[%mul3A_698, %dma_start3A_716] : memref<10240x128xbf16, #tpu.memory_space<vmem_shared>> -> memref<640x128xbf16, #tpu.memory_space<vmem_shared>>
        tpu.enqueue_dma source(%dma_start3A_717 : memref<640x128xbf16, #tpu.memory_space<vmem_shared>>) target(%dma_start3A_715 : memref<640x128xbf16, #tpu.memory_space<hbm>>) target_semaphore(%run_scoped3A : memref<!tpu.dma_semaphore, #tpu.memory_space<semaphore_mem>>)
        %dma_wait3A_718 = arith.constant 0 : i32
        %dma_wait3A_719 = tpu.memref_slice %arg6[%mul3A_698, %dma_wait3A_718] : memref<10240x128xbf16, #tpu.memory_space<hbm>> -> memref<640x128xbf16, #tpu.memory_space<hbm>>
        %dma_wait3A_720 = arith.constant 0 : i32
        %dma_wait3A_721 = tpu.memref_slice %arg30[%mul3A_698, %dma_wait3A_720] : memref<10240x128xbf16, #tpu.memory_space<vmem_shared>> -> memref<640x128xbf16, #tpu.memory_space<vmem_shared>>
        tpu.wait_dma2 semaphore(%run_scoped3A : memref<!tpu.dma_semaphore, #tpu.memory_space<semaphore_mem>>) src(%dma_wait3A_721 : memref<640x128xbf16, #tpu.memory_space<vmem_shared>>) dst(%dma_wait3A_719 : memref<640x128xbf16, #tpu.memory_space<hbm>>)
        tpu.yield
      }) : () -> ()
      %eq3A_709 = arith.constant 0 : i32
      %eq3A_710 = arith.cmpi eq, %arg1, %eq3A_709 : i32
      %convert_element_type3A_711 = arith.extui %eq3A_710 : i1 to i32
      %cond3A_712 = arith.constant 0 : i32
      %cond3A_713 = arith.cmpi ne, %convert_element_type3A_711, %cond3A_712 : i32
      scf.if %cond3A_713 {
        "tpu.region"() ({
          %run_scoped3A = tpu.sem_alloc : memref<!tpu.dma_semaphore, #tpu.memory_space<semaphore_mem>>
          tpu.enqueue_dma source(%arg31 : memref<80x128xf32, #tpu.memory_space<vmem_shared>>) target(%arg7 : memref<80x128xf32, #tpu.memory_space<hbm>>) target_semaphore(%run_scoped3A : memref<!tpu.dma_semaphore, #tpu.memory_space<semaphore_mem>>)
          tpu.wait_dma2 semaphore(%run_scoped3A : memref<!tpu.dma_semaphore, #tpu.memory_space<semaphore_mem>>) src(%arg31 : memref<80x128xf32, #tpu.memory_space<vmem_shared>>) dst(%arg7 : memref<80x128xf32, #tpu.memory_space<hbm>>)
          tpu.yield
        }) : () -> ()
      } else {
      }
    } else {
    }
    %eq3A_704 = arith.constant 1 : i32
    %eq3A_705 = arith.cmpi eq, %arg0, %eq3A_704 : i32
    %convert_element_type3A_706 = arith.extui %eq3A_705 : i1 to i32
    %cond3A_707 = arith.constant 0 : i32
    %cond3A_708 = arith.cmpi ne, %convert_element_type3A_706, %cond3A_707 : i32
    scf.if %cond3A_708 {
      "tpu.region"() ({
        %run_scoped3A = tpu.sem_alloc : memref<!tpu.dma_semaphore, #tpu.memory_space<semaphore_mem>>
        %dma_start3A_714 = arith.constant 0 : i32
        %dma_start3A_715 = tpu.memref_slice %arg8[%mul3A_698, %dma_start3A_714] : memref<10240x128xbf16, #tpu.memory_space<hbm>> -> memref<640x128xbf16, #tpu.memory_space<hbm>>
        %dma_start3A_716 = arith.constant 0 : i32
        %dma_start3A_717 = tpu.memref_slice %arg30[%mul3A_698, %dma_start3A_716] : memref<10240x128xbf16, #tpu.memory_space<vmem_shared>> -> memref<640x128xbf16, #tpu.memory_space<vmem_shared>>
        tpu.enqueue_dma source(%dma_start3A_717 : memref<640x128xbf16, #tpu.memory_space<vmem_shared>>) target(%dma_start3A_715 : memref<640x128xbf16, #tpu.memory_space<hbm>>) target_semaphore(%run_scoped3A : memref<!tpu.dma_semaphore, #tpu.memory_space<semaphore_mem>>)
        %dma_wait3A_718 = arith.constant 0 : i32
        %dma_wait3A_719 = tpu.memref_slice %arg8[%mul3A_698, %dma_wait3A_718] : memref<10240x128xbf16, #tpu.memory_space<hbm>> -> memref<640x128xbf16, #tpu.memory_space<hbm>>
        %dma_wait3A_720 = arith.constant 0 : i32
        %dma_wait3A_721 = tpu.memref_slice %arg30[%mul3A_698, %dma_wait3A_720] : memref<10240x128xbf16, #tpu.memory_space<vmem_shared>> -> memref<640x128xbf16, #tpu.memory_space<vmem_shared>>
        tpu.wait_dma2 semaphore(%run_scoped3A : memref<!tpu.dma_semaphore, #tpu.memory_space<semaphore_mem>>) src(%dma_wait3A_721 : memref<640x128xbf16, #tpu.memory_space<vmem_shared>>) dst(%dma_wait3A_719 : memref<640x128xbf16, #tpu.memory_space<hbm>>)
        tpu.yield
      }) : () -> ()
      %eq3A_709 = arith.constant 0 : i32
      %eq3A_710 = arith.cmpi eq, %arg1, %eq3A_709 : i32
      %convert_element_type3A_711 = arith.extui %eq3A_710 : i1 to i32
      %cond3A_712 = arith.constant 0 : i32
      %cond3A_713 = arith.cmpi ne, %convert_element_type3A_711, %cond3A_712 : i32
      scf.if %cond3A_713 {
        "tpu.region"() ({
          %run_scoped3A = tpu.sem_alloc : memref<!tpu.dma_semaphore, #tpu.memory_space<semaphore_mem>>
          tpu.enqueue_dma source(%arg31 : memref<80x128xf32, #tpu.memory_space<vmem_shared>>) target(%arg9 : memref<80x128xf32, #tpu.memory_space<hbm>>) target_semaphore(%run_scoped3A : memref<!tpu.dma_semaphore, #tpu.memory_space<semaphore_mem>>)
          tpu.wait_dma2 semaphore(%run_scoped3A : memref<!tpu.dma_semaphore, #tpu.memory_space<semaphore_mem>>) src(%arg31 : memref<80x128xf32, #tpu.memory_space<vmem_shared>>) dst(%arg9 : memref<80x128xf32, #tpu.memory_space<hbm>>)
          tpu.yield
        }) : () -> ()
      } else {
      }
    } else {
    }
    return
  }
}

module attributes {stable_mosaic.version = 14 : i64} {
  func.func @_tc_pre_body(%arg0: i32, %arg1: memref<2000x128xf32, #tpu.memory_space<vmem>>, %arg2: memref<2000x128xf32, #tpu.memory_space<vmem>>, %arg3: memref<128x128xf32, #tpu.memory_space<vmem>>, %arg4: memref<128x128xf32, #tpu.memory_space<vmem>>, %arg5: memref<128x128xf32, #tpu.memory_space<vmem>>, %arg6: memref<128x128xf32, #tpu.memory_space<vmem>>, %arg7: memref<1x128xf32, #tpu.memory_space<vmem>>, %arg8: memref<1x128xf32, #tpu.memory_space<vmem>>, %arg9: memref<1x128xf32, #tpu.memory_space<vmem>>, %arg10: memref<1x128xf32, #tpu.memory_space<vmem>>, %arg11: memref<2000x128xf32, #tpu.memory_space<vmem>>, %arg12: memref<2000x128xf32, #tpu.memory_space<vmem>>) attributes {dimension_semantics = [#tpu.dimension_semantics<arbitrary>], iteration_bounds = array<i64: 5>, scalar_prefetch = 0 : i64, scratch_operands = 0 : i64, tpu.core_type = #tpu.core_type<tc>, window_params = [{transform_indices = @transform_0, window_bounds = array<i64: 2000, 128>}, {transform_indices = @transform_1, window_bounds = array<i64: 2000, 128>}, {pipeline_mode = #tpu.pipeline_mode<synchronous>, transform_indices = @transform_2, window_bounds = array<i64: 128, 128>}, {pipeline_mode = #tpu.pipeline_mode<synchronous>, transform_indices = @transform_3, window_bounds = array<i64: 128, 128>}, {pipeline_mode = #tpu.pipeline_mode<synchronous>, transform_indices = @transform_4, window_bounds = array<i64: 128, 128>}, {pipeline_mode = #tpu.pipeline_mode<synchronous>, transform_indices = @transform_5, window_bounds = array<i64: 128, 128>}, {pipeline_mode = #tpu.pipeline_mode<synchronous>, transform_indices = @transform_6, window_bounds = array<i64: 1, 128>}, {pipeline_mode = #tpu.pipeline_mode<synchronous>, transform_indices = @transform_7, window_bounds = array<i64: 1, 128>}, {pipeline_mode = #tpu.pipeline_mode<synchronous>, transform_indices = @transform_8, window_bounds = array<i64: 1, 128>}, {pipeline_mode = #tpu.pipeline_mode<synchronous>, transform_indices = @transform_9, window_bounds = array<i64: 1, 128>}, {transform_indices = @transform_10, window_bounds = array<i64: 2000, 128>}, {transform_indices = @transform_11, window_bounds = array<i64: 2000, 128>}]} {
    %get3A = arith.constant 0 : index
    %get3A_0 = arith.constant 0 : index
    %get3A_1 = vector.load %arg1[%get3A, %get3A_0] : memref<2000x128xf32, #tpu.memory_space<vmem>>, vector<2000x128xf32>
    %get3A_2 = arith.constant 0 : index
    %get3A_3 = arith.constant 0 : index
    %get3A_4 = vector.load %arg2[%get3A_2, %get3A_3] : memref<2000x128xf32, #tpu.memory_space<vmem>>, vector<2000x128xf32>
    %get3A_5 = arith.constant 0 : index
    %get3A_6 = arith.constant 0 : index
    %get3A_7 = vector.load %arg3[%get3A_5, %get3A_6] : memref<128x128xf32, #tpu.memory_space<vmem>>, vector<128x128xf32>
    %dot_general3A = arith.constant dense<0.000000e+00> : vector<2000x128xf32>
    %dot_general3A_8 = tpu.matmul %get3A_1, %get3A_7, %dot_general3A {dimension_numbers = #tpu.dot_dimension_numbers<[1], [0], [0], [1], [0, 0, 1, 1], [], []>, transpose_lhs_hint = false} : vector<2000x128xf32>, vector<128x128xf32>, vector<2000x128xf32> -> vector<2000x128xf32>
    %add3A = arith.addf %get3A_1, %dot_general3A_8 : vector<2000x128xf32>
    %get3A_9 = arith.constant 0 : index
    %get3A_10 = arith.constant 0 : index
    %get3A_11 = vector.load %arg7[%get3A_9, %get3A_10] : memref<1x128xf32, #tpu.memory_space<vmem>>, vector<1x128xf32>
    %add3A_12 = vector.broadcast %get3A_11 : vector<1x128xf32> to vector<2000x128xf32>
    %add3A_13 = arith.addf %add3A, %add3A_12 : vector<2000x128xf32>
    %get3A_14 = arith.constant 0 : index
    %get3A_15 = arith.constant 0 : index
    %get3A_16 = vector.load %arg4[%get3A_14, %get3A_15] : memref<128x128xf32, #tpu.memory_space<vmem>>, vector<128x128xf32>
    %dot_general3A_17 = arith.constant dense<0.000000e+00> : vector<2000x128xf32>
    %dot_general3A_18 = tpu.matmul %get3A_1, %get3A_16, %dot_general3A_17 {dimension_numbers = #tpu.dot_dimension_numbers<[1], [0], [0], [1], [0, 0, 1, 1], [], []>, transpose_lhs_hint = false} : vector<2000x128xf32>, vector<128x128xf32>, vector<2000x128xf32> -> vector<2000x128xf32>
    %add3A_19 = arith.addf %add3A_13, %dot_general3A_18 : vector<2000x128xf32>
    %get3A_20 = arith.constant 0 : index
    %get3A_21 = arith.constant 0 : index
    %get3A_22 = vector.load %arg8[%get3A_20, %get3A_21] : memref<1x128xf32, #tpu.memory_space<vmem>>, vector<1x128xf32>
    %add3A_23 = vector.broadcast %get3A_22 : vector<1x128xf32> to vector<2000x128xf32>
    %add3A_24 = arith.addf %add3A_19, %add3A_23 : vector<2000x128xf32>
    %swap3A = arith.constant 0 : index
    %swap3A_25 = arith.constant 0 : index
    %swap3A_26 = vector.load %arg12[%swap3A, %swap3A_25] : memref<2000x128xf32, #tpu.memory_space<vmem>>, vector<2000x128xf32>
    tpu.vector_store %arg12[%swap3A, %swap3A_25], %add3A_24 {strides = array<i32>} : memref<2000x128xf32, #tpu.memory_space<vmem>>, vector<2000x128xf32>,
    %get3A_27 = arith.constant 0 : index
    %get3A_28 = arith.constant 0 : index
    %get3A_29 = vector.load %arg5[%get3A_27, %get3A_28] : memref<128x128xf32, #tpu.memory_space<vmem>>, vector<128x128xf32>
    %dot_general3A_30 = arith.constant dense<0.000000e+00> : vector<2000x128xf32>
    %dot_general3A_31 = tpu.matmul %get3A_4, %get3A_29, %dot_general3A_30 {dimension_numbers = #tpu.dot_dimension_numbers<[1], [0], [0], [1], [0, 0, 1, 1], [], []>, transpose_lhs_hint = false} : vector<2000x128xf32>, vector<128x128xf32>, vector<2000x128xf32> -> vector<2000x128xf32>
    %get3A_32 = arith.constant 0 : index
    %get3A_33 = arith.constant 0 : index
    %get3A_34 = vector.load %arg9[%get3A_32, %get3A_33] : memref<1x128xf32, #tpu.memory_space<vmem>>, vector<1x128xf32>
    %add3A_35 = vector.broadcast %get3A_34 : vector<1x128xf32> to vector<2000x128xf32>
    %add3A_36 = arith.addf %dot_general3A_31, %add3A_35 : vector<2000x128xf32>
    %max3A = arith.constant 0.000000e+00 : f32
    %max3A_37 = vector.broadcast %max3A : f32 to vector<2000x128xf32>
    %max3A_38 = arith.maximumf %add3A_36, %max3A_37 : vector<2000x128xf32>
    %get3A_39 = arith.constant 0 : index
    %get3A_40 = arith.constant 0 : index
    %get3A_41 = vector.load %arg6[%get3A_39, %get3A_40] : memref<128x128xf32, #tpu.memory_space<vmem>>, vector<128x128xf32>
    %dot_general3A_42 = arith.constant dense<0.000000e+00> : vector<2000x128xf32>
    %dot_general3A_43 = tpu.matmul %max3A_38, %get3A_41, %dot_general3A_42 {dimension_numbers = #tpu.dot_dimension_numbers<[1], [0], [0], [1], [0, 0, 1, 1], [], []>, transpose_lhs_hint = false} : vector<2000x128xf32>, vector<128x128xf32>, vector<2000x128xf32> -> vector<2000x128xf32>
    %get3A_44 = arith.constant 0 : index
    %get3A_45 = arith.constant 0 : index
    %get3A_46 = vector.load %arg10[%get3A_44, %get3A_45] : memref<1x128xf32, #tpu.memory_space<vmem>>, vector<1x128xf32>
    %add3A_47 = vector.broadcast %get3A_46 : vector<1x128xf32> to vector<2000x128xf32>
    %add3A_48 = arith.addf %dot_general3A_43, %add3A_47 : vector<2000x128xf32>
    %add3A_49 = arith.addf %get3A_4, %add3A_48 : vector<2000x128xf32>
    %swap3A_50 = arith.constant 0 : index
    %swap3A_51 = arith.constant 0 : index
    %swap3A_52 = vector.load %arg11[%swap3A_50, %swap3A_51] : memref<2000x128xf32, #tpu.memory_space<vmem>>, vector<2000x128xf32>
    tpu.vector_store %arg11[%swap3A_50, %swap3A_51], %add3A_49 {strides = array<i32>} : memref<2000x128xf32, #tpu.memory_space<vmem>>, vector<2000x128xf32>,
    return
  }
  func.func @transform_0(%arg0: i32) -> (i32, i32) {
    %c0_i32 = arith.constant 0 : i32
    %c0_i32_0 = arith.constant 0 : i32
    return %arg0, %c0_i32 : i32, i32
  }
  func.func @transform_1(%arg0: i32) -> (i32, i32) {
    %c0_i32 = arith.constant 0 : i32
    %c0_i32_0 = arith.constant 0 : i32
    return %arg0, %c0_i32 : i32, i32
  }
  func.func @transform_2(%arg0: i32) -> (i32, i32) {
    %c0_i32 = arith.constant 0 : i32
    %c0_i32_0 = arith.constant 0 : i32
    %c0_i32_1 = arith.constant 0 : i32
    return %c0_i32, %c0_i32_0 : i32, i32
  }
  func.func @transform_3(%arg0: i32) -> (i32, i32) {
    %c0_i32 = arith.constant 0 : i32
    %c0_i32_0 = arith.constant 0 : i32
    %c0_i32_1 = arith.constant 0 : i32
    return %c0_i32, %c0_i32_0 : i32, i32
  }
  func.func @transform_4(%arg0: i32) -> (i32, i32) {
    %c0_i32 = arith.constant 0 : i32
    %c0_i32_0 = arith.constant 0 : i32
    %c0_i32_1 = arith.constant 0 : i32
    return %c0_i32, %c0_i32_0 : i32, i32
  }
  func.func @transform_5(%arg0: i32) -> (i32, i32) {
    %c0_i32 = arith.constant 0 : i32
    %c0_i32_0 = arith.constant 0 : i32
    %c0_i32_1 = arith.constant 0 : i32
    return %c0_i32, %c0_i32_0 : i32, i32
  }
  func.func @transform_6(%arg0: i32) -> (i32, i32) {
    %c0_i32 = arith.constant 0 : i32
    %c0_i32_0 = arith.constant 0 : i32
    %c0_i32_1 = arith.constant 0 : i32
    return %c0_i32, %c0_i32_0 : i32, i32
  }
  func.func @transform_7(%arg0: i32) -> (i32, i32) {
    %c0_i32 = arith.constant 0 : i32
    %c0_i32_0 = arith.constant 0 : i32
    %c0_i32_1 = arith.constant 0 : i32
    return %c0_i32, %c0_i32_0 : i32, i32
  }
  func.func @transform_8(%arg0: i32) -> (i32, i32) {
    %c0_i32 = arith.constant 0 : i32
    %c0_i32_0 = arith.constant 0 : i32
    %c0_i32_1 = arith.constant 0 : i32
    return %c0_i32, %c0_i32_0 : i32, i32
  }
  func.func @transform_9(%arg0: i32) -> (i32, i32) {
    %c0_i32 = arith.constant 0 : i32
    %c0_i32_0 = arith.constant 0 : i32
    %c0_i32_1 = arith.constant 0 : i32
    return %c0_i32, %c0_i32_0 : i32, i32
  }
  func.func @transform_10(%arg0: i32) -> (i32, i32) {
    %c0_i32 = arith.constant 0 : i32
    %c0_i32_0 = arith.constant 0 : i32
    return %arg0, %c0_i32 : i32, i32
  }
  func.func @transform_11(%arg0: i32) -> (i32, i32) {
    %c0_i32 = arith.constant 0 : i32
    %c0_i32_0 = arith.constant 0 : i32
    return %arg0, %c0_i32 : i32, i32
  }
}

module attributes {stable_mosaic.version = 14 : i64} {
  func.func @_tc_post_body(%arg0: i32, %arg1: memref<2000x128xf32, #tpu.memory_space<vmem>>, %arg2: memref<2000x128xbf16, #tpu.memory_space<vmem>>, %arg3: memref<2000x1xf32, #tpu.memory_space<vmem>>, %arg4: memref<2000x128xbf16, #tpu.memory_space<vmem>>, %arg5: memref<2000x1xf32, #tpu.memory_space<vmem>>, %arg6: memref<128x128xf32, #tpu.memory_space<vmem>>, %arg7: memref<128x128xf32, #tpu.memory_space<vmem>>, %arg8: memref<128x128xf32, #tpu.memory_space<vmem>>, %arg9: memref<1x128xf32, #tpu.memory_space<vmem>>, %arg10: memref<1x128xf32, #tpu.memory_space<vmem>>, %arg11: memref<1x128xf32, #tpu.memory_space<vmem>>, %arg12: memref<2000x128xf32, #tpu.memory_space<vmem>>) attributes {dimension_semantics = [#tpu.dimension_semantics<arbitrary>], iteration_bounds = array<i64: 5>, scalar_prefetch = 0 : i64, scratch_operands = 0 : i64, tpu.core_type = #tpu.core_type<tc>, window_params = [{transform_indices = @transform_0, window_bounds = array<i64: 2000, 128>}, {transform_indices = @transform_1, window_bounds = array<i64: 2000, 128>}, {transform_indices = @transform_2, window_bounds = array<i64: 2000, 1>}, {transform_indices = @transform_3, window_bounds = array<i64: 2000, 128>}, {transform_indices = @transform_4, window_bounds = array<i64: 2000, 1>}, {pipeline_mode = #tpu.pipeline_mode<synchronous>, transform_indices = @transform_5, window_bounds = array<i64: 128, 128>}, {pipeline_mode = #tpu.pipeline_mode<synchronous>, transform_indices = @transform_6, window_bounds = array<i64: 128, 128>}, {pipeline_mode = #tpu.pipeline_mode<synchronous>, transform_indices = @transform_7, window_bounds = array<i64: 128, 128>}, {pipeline_mode = #tpu.pipeline_mode<synchronous>, transform_indices = @transform_8, window_bounds = array<i64: 1, 128>}, {pipeline_mode = #tpu.pipeline_mode<synchronous>, transform_indices = @transform_9, window_bounds = array<i64: 1, 128>}, {pipeline_mode = #tpu.pipeline_mode<synchronous>, transform_indices = @transform_10, window_bounds = array<i64: 1, 128>}, {transform_indices = @transform_11, window_bounds = array<i64: 2000, 128>}]} {
    %get3A = arith.constant 0 : index
    %get3A_0 = arith.constant 0 : index
    %get3A_1 = vector.load %arg2[%get3A, %get3A_0] : memref<2000x128xbf16, #tpu.memory_space<vmem>>, vector<2000x128xbf16>
    %convert_element_type3A = arith.extf %get3A_1 : vector<2000x128xbf16> to vector<2000x128xf32>
    %get3A_2 = arith.constant 0 : index
    %get3A_3 = arith.constant 0 : index
    %get3A_4 = vector.load %arg3[%get3A_2, %get3A_3] : memref<2000x1xf32, #tpu.memory_space<vmem>>, vector<2000x1xf32>
    %max3A = arith.constant 1.000000e+00 : f32
    %max3A_5 = vector.broadcast %max3A : f32 to vector<2000x1xf32>
    %max3A_6 = arith.maximumf %get3A_4, %max3A_5 : vector<2000x1xf32>
    %div3A = vector.broadcast %max3A_6 : vector<2000x1xf32> to vector<2000x128xf32>
    %div3A_7 = arith.divf %convert_element_type3A, %div3A : vector<2000x128xf32>
    %get3A_8 = arith.constant 0 : index
    %get3A_9 = arith.constant 0 : index
    %get3A_10 = vector.load %arg4[%get3A_8, %get3A_9] : memref<2000x128xbf16, #tpu.memory_space<vmem>>, vector<2000x128xbf16>
    %convert_element_type3A_11 = arith.extf %get3A_10 : vector<2000x128xbf16> to vector<2000x128xf32>
    %get3A_12 = arith.constant 0 : index
    %get3A_13 = arith.constant 0 : index
    %get3A_14 = vector.load %arg5[%get3A_12, %get3A_13] : memref<2000x1xf32, #tpu.memory_space<vmem>>, vector<2000x1xf32>
    %max3A_15 = arith.constant 1.000000e+00 : f32
    %max3A_16 = vector.broadcast %max3A_15 : f32 to vector<2000x1xf32>
    %max3A_17 = arith.maximumf %get3A_14, %max3A_16 : vector<2000x1xf32>
    %div3A_18 = vector.broadcast %max3A_17 : vector<2000x1xf32> to vector<2000x128xf32>
    %div3A_19 = arith.divf %convert_element_type3A_11, %div3A_18 : vector<2000x128xf32>
    %get3A_20 = arith.constant 0 : index
    %get3A_21 = arith.constant 0 : index
    %get3A_22 = vector.load %arg1[%get3A_20, %get3A_21] : memref<2000x128xf32, #tpu.memory_space<vmem>>, vector<2000x128xf32>
    %get3A_23 = arith.constant 0 : index
    %get3A_24 = arith.constant 0 : index
    %get3A_25 = vector.load %arg6[%get3A_23, %get3A_24] : memref<128x128xf32, #tpu.memory_space<vmem>>, vector<128x128xf32>
    %dot_general3A = arith.constant dense<0.000000e+00> : vector<2000x128xf32>
    %dot_general3A_26 = tpu.matmul %div3A_7, %get3A_25, %dot_general3A {dimension_numbers = #tpu.dot_dimension_numbers<[1], [0], [0], [1], [0, 0, 1, 1], [], []>, transpose_lhs_hint = false} : vector<2000x128xf32>, vector<128x128xf32>, vector<2000x128xf32> -> vector<2000x128xf32>
    %add3A = arith.addf %get3A_22, %dot_general3A_26 : vector<2000x128xf32>
    %get3A_27 = arith.constant 0 : index
    %get3A_28 = arith.constant 0 : index
    %get3A_29 = vector.load %arg7[%get3A_27, %get3A_28] : memref<128x128xf32, #tpu.memory_space<vmem>>, vector<128x128xf32>
    %dot_general3A_30 = arith.constant dense<0.000000e+00> : vector<2000x128xf32>
    %dot_general3A_31 = tpu.matmul %div3A_19, %get3A_29, %dot_general3A_30 {dimension_numbers = #tpu.dot_dimension_numbers<[1], [0], [0], [1], [0, 0, 1, 1], [], []>, transpose_lhs_hint = false} : vector<2000x128xf32>, vector<128x128xf32>, vector<2000x128xf32> -> vector<2000x128xf32>
    %add3A_32 = arith.addf %add3A, %dot_general3A_31 : vector<2000x128xf32>
    %max3A_33 = arith.constant 0.000000e+00 : f32
    %max3A_34 = vector.broadcast %max3A_33 : f32 to vector<2000x128xf32>
    %max3A_35 = arith.maximumf %add3A_32, %max3A_34 : vector<2000x128xf32>
    %get3A_36 = arith.constant 0 : index
    %get3A_37 = arith.constant 0 : index
    %get3A_38 = vector.load %arg8[%get3A_36, %get3A_37] : memref<128x128xf32, #tpu.memory_space<vmem>>, vector<128x128xf32>
    %dot_general3A_39 = arith.constant dense<0.000000e+00> : vector<2000x128xf32>
    %dot_general3A_40 = tpu.matmul %max3A_35, %get3A_38, %dot_general3A_39 {dimension_numbers = #tpu.dot_dimension_numbers<[1], [0], [0], [1], [0, 0, 1, 1], [], []>, transpose_lhs_hint = false} : vector<2000x128xf32>, vector<128x128xf32>, vector<2000x128xf32> -> vector<2000x128xf32>
    %get3A_41 = arith.constant 0 : index
    %get3A_42 = arith.constant 0 : index
    %get3A_43 = vector.load %arg9[%get3A_41, %get3A_42] : memref<1x128xf32, #tpu.memory_space<vmem>>, vector<1x128xf32>
    %add3A_44 = vector.broadcast %get3A_43 : vector<1x128xf32> to vector<2000x128xf32>
    %add3A_45 = arith.addf %dot_general3A_40, %add3A_44 : vector<2000x128xf32>
    %max3A_46 = arith.constant 0.000000e+00 : f32
    %max3A_47 = vector.broadcast %max3A_46 : f32 to vector<2000x128xf32>
    %max3A_48 = arith.maximumf %add3A_45, %max3A_47 : vector<2000x128xf32>
    %reduce_sum3A = arith.constant dense<0.000000e+00> : vector<2000xf32>
    %reduce_sum3A_49 = vector.multi_reduction <add>, %max3A_48, %reduce_sum3A [1] : vector<2000x128xf32> to vector<2000xf32>
    %broadcast_in_dim3A = vector.shape_cast %reduce_sum3A_49 : vector<2000xf32> to vector<2000x1xf32>
    %div3A_50 = arith.constant 1.280000e+02 : f32
    %div3A_51 = vector.broadcast %div3A_50 : f32 to vector<2000x1xf32>
    %div3A_52 = arith.divf %broadcast_in_dim3A, %div3A_51 : vector<2000x1xf32>
    %sub3A = vector.broadcast %div3A_52 : vector<2000x1xf32> to vector<2000x128xf32>
    %sub3A_53 = arith.subf %max3A_48, %sub3A : vector<2000x128xf32>
    %mul3A = arith.mulf %sub3A_53, %sub3A_53 : vector<2000x128xf32>
    %reduce_sum3A_54 = arith.constant dense<0.000000e+00> : vector<2000xf32>
    %reduce_sum3A_55 = vector.multi_reduction <add>, %mul3A, %reduce_sum3A_54 [1] : vector<2000x128xf32> to vector<2000xf32>
    %broadcast_in_dim3A_56 = vector.shape_cast %reduce_sum3A_55 : vector<2000xf32> to vector<2000x1xf32>
    %div3A_57 = arith.constant 1.280000e+02 : f32
    %div3A_58 = vector.broadcast %div3A_57 : f32 to vector<2000x1xf32>
    %div3A_59 = arith.divf %broadcast_in_dim3A_56, %div3A_58 : vector<2000x1xf32>
    %add3A_60 = arith.constant 9.99999974E-6 : f32
    %add3A_61 = vector.broadcast %add3A_60 : f32 to vector<2000x1xf32>
    %add3A_62 = arith.addf %div3A_59, %add3A_61 : vector<2000x1xf32>
    %rsqrt3A = math.rsqrt %add3A_62 : vector<2000x1xf32>
    %mul3A_63 = vector.broadcast %rsqrt3A : vector<2000x1xf32> to vector<2000x128xf32>
    %mul3A_64 = arith.mulf %sub3A_53, %mul3A_63 : vector<2000x128xf32>
    %get3A_65 = arith.constant 0 : index
    %get3A_66 = arith.constant 0 : index
    %get3A_67 = vector.load %arg10[%get3A_65, %get3A_66] : memref<1x128xf32, #tpu.memory_space<vmem>>, vector<1x128xf32>
    %mul3A_68 = vector.broadcast %get3A_67 : vector<1x128xf32> to vector<2000x128xf32>
    %mul3A_69 = arith.mulf %mul3A_64, %mul3A_68 : vector<2000x128xf32>
    %get3A_70 = arith.constant 0 : index
    %get3A_71 = arith.constant 0 : index
    %get3A_72 = vector.load %arg11[%get3A_70, %get3A_71] : memref<1x128xf32, #tpu.memory_space<vmem>>, vector<1x128xf32>
    %add3A_73 = vector.broadcast %get3A_72 : vector<1x128xf32> to vector<2000x128xf32>
    %add3A_74 = arith.addf %mul3A_69, %add3A_73 : vector<2000x128xf32>
    %add3A_75 = arith.addf %max3A_35, %add3A_74 : vector<2000x128xf32>
    %swap3A = arith.constant 0 : index
    %swap3A_76 = arith.constant 0 : index
    %swap3A_77 = vector.load %arg12[%swap3A, %swap3A_76] : memref<2000x128xf32, #tpu.memory_space<vmem>>, vector<2000x128xf32>
    tpu.vector_store %arg12[%swap3A, %swap3A_76], %add3A_75 {strides = array<i32>} : memref<2000x128xf32, #tpu.memory_space<vmem>>, vector<2000x128xf32>,
    return
  }
  func.func @transform_0(%arg0: i32) -> (i32, i32) {
    %c0_i32 = arith.constant 0 : i32
    %c0_i32_0 = arith.constant 0 : i32
    return %arg0, %c0_i32 : i32, i32
  }
  func.func @transform_1(%arg0: i32) -> (i32, i32) {
    %c0_i32 = arith.constant 0 : i32
    %c0_i32_0 = arith.constant 0 : i32
    return %arg0, %c0_i32 : i32, i32
  }
  func.func @transform_2(%arg0: i32) -> (i32, i32) {
    %c0_i32 = arith.constant 0 : i32
    %c0_i32_0 = arith.constant 0 : i32
    return %arg0, %c0_i32 : i32, i32
  }
  func.func @transform_3(%arg0: i32) -> (i32, i32) {
    %c0_i32 = arith.constant 0 : i32
    %c0_i32_0 = arith.constant 0 : i32
    return %arg0, %c0_i32 : i32, i32
  }
  func.func @transform_4(%arg0: i32) -> (i32, i32) {
    %c0_i32 = arith.constant 0 : i32
    %c0_i32_0 = arith.constant 0 : i32
    return %arg0, %c0_i32 : i32, i32
  }
  func.func @transform_5(%arg0: i32) -> (i32, i32) {
    %c0_i32 = arith.constant 0 : i32
    %c0_i32_0 = arith.constant 0 : i32
    %c0_i32_1 = arith.constant 0 : i32
    return %c0_i32, %c0_i32_0 : i32, i32
  }
  func.func @transform_6(%arg0: i32) -> (i32, i32) {
    %c0_i32 = arith.constant 0 : i32
    %c0_i32_0 = arith.constant 0 : i32
    %c0_i32_1 = arith.constant 0 : i32
    return %c0_i32, %c0_i32_0 : i32, i32
  }
  func.func @transform_7(%arg0: i32) -> (i32, i32) {
    %c0_i32 = arith.constant 0 : i32
    %c0_i32_0 = arith.constant 0 : i32
    %c0_i32_1 = arith.constant 0 : i32
    return %c0_i32, %c0_i32_0 : i32, i32
  }
  func.func @transform_8(%arg0: i32) -> (i32, i32) {
    %c0_i32 = arith.constant 0 : i32
    %c0_i32_0 = arith.constant 0 : i32
    %c0_i32_1 = arith.constant 0 : i32
    return %c0_i32, %c0_i32_0 : i32, i32
  }
  func.func @transform_9(%arg0: i32) -> (i32, i32) {
    %c0_i32 = arith.constant 0 : i32
    %c0_i32_0 = arith.constant 0 : i32
    %c0_i32_1 = arith.constant 0 : i32
    return %c0_i32, %c0_i32_0 : i32, i32
  }
  func.func @transform_10(%arg0: i32) -> (i32, i32) {
    %c0_i32 = arith.constant 0 : i32
    %c0_i32_0 = arith.constant 0 : i32
    %c0_i32_1 = arith.constant 0 : i32
    return %c0_i32, %c0_i32_0 : i32, i32
  }
  func.func @transform_11(%arg0: i32) -> (i32, i32) {
    %c0_i32 = arith.constant 0 : i32
    %c0_i32_0 = arith.constant 0 : i32
    return %arg0, %c0_i32 : i32, i32
  }
}

</mosaic_0001>

<sc_bundles>
// kernel: kernel.5.cloned.1.call-start
scs
__scs_entry_jumppad:
0x0: {  	(pc) =	sbr.rel $0x88, $3  }
0x1: {  	(tag) =	ssettag $0x0;
	lr =	simm.s32 $0x1  }
0x2: {  	[smem:$0x3F8F] =	sst lr;
	_ =	strace $0xD0000000  }
0x3: {  	_ = 	snop  }
0x4: {  	_ = 	snop  }
0x5: {  	_ = 	snop  }
0x6: {  	_ = 	snop  }
0x7: {  	_ = 	snop  }
__scs_overlays_trampoline_lowered:
0x8: {  	[smem:$0x3F9E] =	sst s0  }
0x9: {  	[smem:$0x3F9F] =	sst s1  }
0xa: {  	[smem:$0x3FA0] =	sst s2  }
0xb: {  	[smem:$0x3FA1] =	sst s3  }
0xc: {  	[smem:$0x3FA2] =	sst s4  }
0xd: {  	[smem:$0x3FA3] =	sst s5  }
0xe: {  	[smem:$0x3FA4] =	sst s6  }
0xf: {  	[smem:$0x3FA5] =	sst s7  }
0x10: {  	[smem:$0x3FA6] =	sst s8  }
0x11: {  	[smem:$0x3FA7] =	sst s9;
	s0 =	simm.s32 @!p0 $0x0  }
0x12: {  	s1 =	sld [smem:$0x3F8D];
	s0 =	simm.s32 @p0 $0x1  }
0x13: {  	[smem:$0x3FA8] =	sst s0;
	s0 =	simm.s32 @!p1 $0x0  }
0x14: {  	s2 =	sld [smem:$0x3F8C];
	s0 =	simm.s32 @p1 $0x1  }
0x15: {  	[smem:$0x3FA9] =	sst s0;
	s0 =	simm.s32 @!p2 $0x0  }
0x16: {  	s3 =	sld [smem:$0x3FDB];
	s0 =	simm.s32 @p2 $0x1  }
0x17: {  	s4 =	simm.s32 $0x1BF5;
	[smem:$0x3FAB] =	sst s0  }
0x18: {  	s0 =	sld [smem:$0x3F8E];
	_ =	swait.ge [sflag:s4], $0x0  }
0x19: {  	s7 =	sld [smem:$0x3F8F]  }
0x1a: {  	s8 =	sadd.s32 $0xFFFFE003, lr  }
0x1b: {  	s9 =	sadd.s32 $0xFFFFFEF7, lr;
	s5 =	simm.s32 $0xFFFFFFFF;
	p2 =	slt.u32 s8, $0xFFFFF086  }
0x1c: {  	p1 =	slt.u32 s9, $0xF7A;
	s5 =	simm.s32 @!p2 $0x0  }
0x1d: {  	s5 =	simm.s32 @p1 $0x1;
	p0 =	seq.s32 s7, s2  }
0x1e: {  	s7 =	smul.u32 @!p0 $0xF7A, s2;
	p2 =	seq.s32 @!p0 s5, $0x0  }
0x1f: {  	s9 =	smul.u32 $0xF7A, s1;
	s8 =	simm.s32 @!p0 $0x1BF5;
	p2 =	por !p2, p0  }
0x20: {  	[sflag:s8] =	ssyncset.s32 @!p0 $0xFFFFF086;
	s6 =	sadd.s32 @!p0 s3, s7;
	s7 =	simm.s32 @!p0 $0x108  }
0x21: {  	s3 =	sadd.s32 s3, s9;
	s6 =	sadd.s32 @!p0 $0x88, s6;
	s7 =	simm.s32 @p2 $0x1082  }
0x22: {  	[simem:s7], [sflag:s8] =	dma.local @!p0 [hbm:s6], $0xF7A  }
0x23: {  	s9 =	sor.u32 $0xD0000000, s2;
	s6 =	simm.s32 $0x108;
	_ =	swait.ge @!p0 [sflag:s8], $0x0  }
0x24: {  	s3 =	sadd.s32 $0x88, s3;
	s6 =	simm.s32 @!p1 $0x1082;
	[sflag:s4] =	ssyncset.s32 $0xFFFFF086  }
0x25: {  	[simem:s6], [sflag:s4] =	dma.local [hbm:s3], $0xF7A  }
0x26: {  	[smem:$0x3F8F] =	sst s1;
	(tag) =	ssettag s2;
	_ =	strace s9  }
0x27: {  	s1 =	sld [smem:$0x3F9F]  }
0x28: {  	s2 =	sld [smem:$0x3FA0]  }
0x29: {  	s4 =	sld [smem:$0x3FA2]  }
0x2a: {  	p0 =	seq.s32 s5, $0x0;
	s5 =	sld [smem:$0x3FA3]  }
0x2b: {  	s6 =	sld [smem:$0x3FA4]  }
0x2c: {  	s7 =	sld [smem:$0x3FA5]  }
0x2d: {  	s3 =	simm.s32 $0x108;
	s8 =	sld [smem:$0x3FA6]  }
0x2e: {  	s3 =	simm.s32 @!p0 $0x1082;
	s9 =	sld [smem:$0x3FA7]  }
0x2f: {  	lr =	sadd.s32 s0, s3;
	s0 =	sld [smem:$0x3F9E]  }
0x30: {  	s3 =	sld [smem:$0x3FA1]  }
0x31: {  	[smem:$0x3FAA] =	sst s10  }
0x32: {  	s10 =	sld [smem:$0x3FA8];
	_ =	sdelay $0x3  }
0x33: {  	p0 =	seq.s32 s10, $0x1;
	s10 =	sld [smem:$0x3FAA];
	_ =	sdelay $0x3  }
0x34: {  	[smem:$0x3FAA] =	sst s10  }
0x35: {  	s10 =	sld [smem:$0x3FA9];
	_ =	sdelay $0x3  }
0x36: {  	p1 =	seq.s32 s10, $0x1;
	s10 =	sld [smem:$0x3FAA];
	_ =	sdelay $0x3  }
0x37: {  	[smem:$0x3FAA] =	sst s10  }
0x38: {  	s10 =	sld [smem:$0x3FAB]  }
0x39: {  	_ = 	snop;
	(pc) =	sbr.ind lr, $3  }
0x3a: {  	_ = 	snop  }
0x3b: {  	_ = 	snop  }
0x3c: {  	p2 =	seq.s32 s10, $0x1;
	s10 =	sld [smem:$0x3FAA]  }
0x3d: {  	_ =	shalt  }
0x3e: {  	_ =	shalt  }
0x3f: {  	_ =	shalt  }
0x40: {  	_ =	shalt  }
0x41: {  	_ =	shalt  }
0x42: {  	_ =	shalt  }
0x43: {  	_ =	shalt  }
0x44: {  	_ =	shalt  }
0x45: {  	_ =	shalt  }
0x46: {  	_ =	shalt  }
0x47: {  	_ =	shalt  }
0x48: {  	_ =	shalt  }
0x49: {  	_ =	shalt  }
0x4a: {  	_ =	shalt  }
0x4b: {  	_ =	shalt  }
0x4c: {  	_ =	shalt  }
0x4d: {  	_ =	shalt  }
0x4e: {  	_ =	shalt  }
0x4f: {  	_ =	shalt  }
0x50: {  	_ =	shalt  }
0x51: {  	_ =	shalt  }
0x52: {  	_ =	shalt  }
0x53: {  	_ =	shalt  }
0x54: {  	_ =	shalt  }
0x55: {  	_ =	shalt  }
0x56: {  	_ =	shalt  }
0x57: {  	_ =	shalt  }
0x58: {  	_ =	shalt  }
0x59: {  	_ =	shalt  }
0x5a: {  	_ =	shalt  }
0x5b: {  	_ =	shalt  }
0x5c: {  	_ =	shalt  }
0x5d: {  	_ =	shalt  }
0x5e: {  	_ =	shalt  }
0x5f: {  	_ =	shalt  }
0x60: {  	_ =	shalt  }
0x61: {  	_ =	shalt  }
0x62: {  	_ =	shalt  }
0x63: {  	_ =	shalt  }
0x64: {  	_ =	shalt  }
0x65: {  	_ =	shalt  }
0x66: {  	_ =	shalt  }
0x67: {  	_ =	shalt  }
0x68: {  	_ =	shalt  }
0x69: {  	_ =	shalt  }
0x6a: {  	_ =	shalt  }
0x6b: {  	_ =	shalt  }
0x6c: {  	_ =	shalt  }
0x6d: {  	_ =	shalt  }
0x6e: {  	_ =	shalt  }
0x6f: {  	_ =	shalt  }
0x70: {  	_ =	shalt  }
0x71: {  	_ =	shalt  }
0x72: {  	_ =	shalt  }
0x73: {  	_ =	shalt  }
0x74: {  	_ =	shalt  }
0x75: {  	_ =	shalt  }
0x76: {  	_ =	shalt  }
0x77: {  	_ =	shalt  }
0x78: {  	_ =	shalt  }
0x79: {  	_ =	shalt  }
0x7a: {  	_ =	shalt  }
0x7b: {  	_ =	shalt  }
0x7c: {  	_ =	shalt  }
0x7d: {  	_ =	shalt  }
0x7e: {  	_ =	shalt  }
0x7f: {  	_ =	shalt  }
0x80: {  	_ =	shalt  }
0x81: {  	_ =	shalt  }
0x82: {  	_ =	shalt  }
0x83: {  	_ =	shalt  }
0x84: {  	_ =	shalt  }
0x85: {  	_ =	shalt  }
0x86: {  	_ =	shalt  }
0x87: {  	_ =	shalt  }
.Lfunc_end0:
.L_simem_size_0:
called_computation_lowered:
.L_overlay_start_0:
0x88: {  	s2 =	sld [smem:$0x3FD9]  }
0x89: {  	s3 =	sld [smem:$0x3FFE];
	_ =	sdelay $0x1  }
0x8a: {  	s1 =	srdreg.scid  }
0x8b: {  	s0 =	sand.u32 $0x1, s1  }
0x8c: {  	s14 =	sshll.u32 s0, $0xA;
	s2 =	sadd.s32 s3, s2  }
0x8d: {  	s2 =	sadd.s32 s2, s14  }
0x8e: {  	[smem:$0x3FB6] =	sst s2  }
0x8f: {  	_ = 	snop  }
0x90: {  	s2 =	sld [smem:$0x3FD0];
	_ =	sdelay $0x2  }
0x91: {  	s15 =	simm.s32 $0xA;
	s4 =	simm.s32 $0x10  }
0x92: {  	[smem:s4], [sflag:s15] =	dma.local [hbm:s2], $0x1  }
0x93: {  	_ =	swait.eq [sflag:s15], $0x1  }
0x94: {  	[sflag:s15] =	ssyncset.done $0x0  }
0x95: {  	[sflag:s15] =	ssyncadd.s32 $0xFFFFFFFF  }
0x96: {  	s16 =	sld [smem:$0x11];
	(tm) =	ssettm $0x1  }
0x97: {  	s17 =	sld [smem:$0x3FFB];
	_ =	sdelay $0x3  }
0x98: {  	_ =	strace s17  }
0x99: {  	s3 =	sld [smem:$0x3FFC];
	_ =	sdelay $0x3  }
0x9a: {  	_ =	strace s3  }
0x9b: {  	s3 =	sld [smem:$0x3FFD];
	_ =	sdelay $0x3  }
0x9c: {  	_ =	strace s3  }
0x9d: {  	_ =	strace $0x8FFFFFFF  }
0x9e: {  	s18 =	sld [smem:$0x3FDB];
	_ =	sdelay $0x1  }
0x9f: {  	s19 =	simm.s32 $_scs_section_size  }
0xa0: {  	s5 =	simm.s32 $_size__tile_overlayer_lowered;
	s6 =	simm.s32 $_tile_overlayer_lowered  }
0xa1: {  	s22 =	simm.s32 $0x1BFF;
	s21 =	sshll.u32 s6, $0x1;
	s3 =	sadd.s32 s19, s18  }
0xa2: {  	s7 =	simm.s32 $0x0;
	s20 =	sshll.u32 s5, $0x1;
	s5 =	sadd.s32 s21, s3  }
0xa3: {  	[timem:s7], [sflag:s22] =	dma.local [hbm:s5], s20  }
0xa4: {  	_ =	swait.ge [sflag:s22], s20  }
0xa5: {  	s4 =	ssub.s32 $0x0, s20;
	[sflag:s22] =	ssyncset.done $0x0  }
0xa6: {  	[sflag:s22] =	ssyncadd.s32 s4;
	_ =	sdelay $0x1  }
0xa7: {  	s23 =	simm.s32 $0x1B8B  }
0xa8: {  	_ =	swait.ge [sflag:s23], $0x1  }
0xa9: {  	[sflag:s23] =	ssyncset.done $0x0  }
0xaa: {  	s25 =	simm.s32 $0x1B8E;
	s24 =	sld [smem:$0x3FFE];
	[sflag:s23] =	ssyncadd.s32 $0xFFFFFFFF  }
0xab: {  	s26 =	simm.s32 $execute0_lowered;
	[smem:$0x3FD2] =	sst s25  }
0xac: {  	s5 =	sshll.u32 s26, $0x1;
	_ =	strace $0x80000046;
	[dreg:$0x1] =	wrdreg $0xFFFFFFFF  }
0xad: {  	s28 =	simm.s32 $_size_execute0_lowered;
	s3 =	sadd.s32 s3, s5;
	[dreg:$0x0] =	wrdreg $0x0  }
0xae: {  	s5 =	sshll.u32 s28, $0x1;
	[dreg:$0x2] =	wrdreg s3  }
0xaf: {  	[dreg:$0x3] =	wrdreg s5  }
0xb0: {  	[dreg:$0x4] =	wrdreg $0xC0  }
0xb1: {  	_ =	task [dreg:s7], $0x5FFFF  }
0xb2: {  	[dreg:$0x1] =	wrdreg $0xFFFFFFFF  }
0xb3: {  	[dreg:$0x0] =	wrdreg $0x60  }
0xb4: {  	[dreg:$0x2] =	wrdreg s24  }
0xb5: {  	[dreg:$0x3] =	wrdreg s16  }
0xb6: {  	[dreg:$0x4] =	wrdreg $0xBA500  }
0xb7: {  	[dreg:$0x5] =	wrdreg $0x15A500  }
0xb8: {  	[dreg:$0x6] =	wrdreg $0x9  }
0xb9: {  	_ =	task.clear_ibuf [dreg:s7], $0x7FFFF;
	_ =	strace $0x90000046  }
0xba: {  	s29 =	simm.s32 $0x9;
	_ =	strace $0x80000048  }
0xbb: {  	_ =	swait.ge [sflag:s29], $0x1  }
0xbc: {  	[sflag:s29] =	ssyncadd.s32 $0xFFFFFFFF  }
0xbd: {  	_ =	strace $0x90000048  }
0xbe: {  	_ =	sfence  }
0xbf: {  	s30 =	sld [smem:$0x0];
	_ =	sdelay $0x2  }
0xc0: {  	s31 =	sshll.u32 s1, $0xD;
	s1 =	sshrl.u32 s1, $0x2  }
0xc1: {  	s3 =	sand.u32 $0x4000, s31;
	s1 =	sadd.s32 s1, s30  }
0xc2: {  	s0 =	sor.u32 s3, s0;
	s1 =	sshll.u32 s1, $0x11  }
0xc3: {  	s0 =	sor.u32 s1, s0  }
0xc4: {  	s0 =	sadd.s32 $0x8F2B, s0  }
0xc5: {  	[sflag:s0] =	ssyncadd.remote.s32 $0x1  }
0xc6: {  	_ =	sfence.sel $0xFFFF  }
0xc7: {  	[dreg:$0x0] =	wrdreg $0xFFFFFFFF;
	(pc) =	sbr.abs _section_cstart, $3  }
0xc8: {  	[dreg:$0x1] =	wrdreg $0xFFFFFFFF  }
0xc9: {  	_ =	task.clear_ibuf [dreg:s7], $0x2FFFF;
	_ =	strace $0x9FFFFFFF  }
0xca: {  	(tm) =	ssettm $0x7FFFFFFF  }
0xcb: {  	_ =	shalt  }
tec
execute0_lowered:
.L_overlay_start_1:
0x0: {  	(tag) =	ssettag $0x1  }
0x1: {  	s0 =	rddreg [dreg:$0x0]  }
0x2: {  	s2 =	rddreg [dreg:$0x1]  }
0x3: {  	s1 =	rddreg [dreg:$0x2]  }
0x4: {  	s22 =	rddreg [dreg:$0x3];
	s13 =	stileid.u32  }
0x5: {  	s14 =	simm.s32 $0x0;
	s25 =	srdreg.scid;
	s5 =	smul.u32 $0x14000, s13  }
0x6: {  	[smem:$0x7FF] =	sst s14;
	s4 =	sadd.s32 $0x2E00, s0;
	s10 =	smul.u32 $0x28000, s13  }
0x7: {  	s6 =	sadd.s32 $0x16800, s0;
	s3 =	sadd.s32 $0x2A200, s0;
	s15 =	smul.u32 $0x5000, s13  }
0x8: {  	s7 =	sadd.s32 $0x34200, s0;
	s8 =	sadd.s32 $0x3E200, s0;
	s20 =	smul.u32 $0xA00, s13  }
0x9: {  	p1 =	sne.s32 s13, $0x0;
	p2 =	seq.s32 s13, $0x0;
	s13 =	sadd.s32 $0x1800, s22  }
0xa: {  	_ =	strace $0x80000047;
	[dreg:$0x6] =	wrdreg s8;
	s8 =	sand.u32 $0x1, s25  }
0xb: {  	[smem:$0x7F4] =	sst s13;
	s9 =	sshrl.u32 s5, $0x4;
	s26 =	ssub.s32 $0x2, s8  }
0xc: {  	s5 =	sshrl.u32 s5, $0x1;
	s11 =	sadd.s32 s9, s0;
	s0 =	sadd.s32 $0x52800, s0  }
0xd: {  	s10 =	sshrl.u32 s10, $0x2;
	s2 =	sadd.s32 s2, s9;
	[dreg:$0x7] =	wrdreg s0  }
0xe: {  	s29 =	sadd.s32 s5, s1;
	s5 =	sadd.s32 s10, s1;
	[dreg:$0xf] =	wrdreg s2  }
0xf: {  	s12 =	sshrl.u32 s26, $0x1;
	s10 =	sadd.s32 $0x400, s5;
	[dreg:$0x8] =	wrdreg s29  }
0x10: {  	s0 =	ssub.s32 s26, s12;
	s12 =	sadd.s32 $0x800, s5;
	[dreg:$0x9] =	wrdreg s10  }
0x11: {  	s16 =	sadd.s32 $0xC00, s5;
	[dreg:$0xa] =	wrdreg s12  }
0x12: {  	s17 =	sadd.s32 $0x1000, s5;
	[dreg:$0xb] =	wrdreg s16  }
0x13: {  	s18 =	sadd.s32 $0x1400, s5;
	[dreg:$0xc] =	wrdreg s17  }
0x14: {  	s19 =	sadd.s32 $0x1800, s5;
	[dreg:$0xd] =	wrdreg s18  }
0x15: {  	s21 =	sadd.s32 $0x1C00, s5;
	[dreg:$0xe] =	wrdreg s19  }
0x16: {  	s23 =	sadd.s32 $0x2000, s5;
	[dreg:$0x12] =	wrdreg s21  }
0x17: {  	s24 =	sadd.s32 $0x2400, s5;
	[dreg:$0x13] =	wrdreg s23  }
0x18: {  	s25 =	sadd.s32 $0x2800, s5;
	[dreg:$0x14] =	wrdreg s24  }
0x19: {  	s26 =	sadd.s32 $0x2C00, s5;
	[dreg:$0x15] =	wrdreg s25  }
0x1a: {  	p0 =	sne.s32 s8, $0x0;
	s8 =	sadd.s32 $0x3400, s5;
	[dreg:$0x16] =	wrdreg s26  }
0x1b: {  	[dreg:$0x18] =	wrdreg s8;
	s12 =	sadd.s32 $0x3C00, s5  }
0x1c: {  	s10 =	sshrl.u32 s15, $0x3;
	s15 =	sadd.s32 $0x4000, s5;
	[dreg:$0x1a] =	wrdreg s12  }
0x1d: {  	s16 =	sadd.s32 $0x4400, s5;
	[dreg:$0x1b] =	wrdreg s15  }
0x1e: {  	s17 =	sadd.s32 $0x4800, s5;
	[dreg:$0x1c] =	wrdreg s16  }
0x1f: {  	s18 =	sadd.s32 $0x4C00, s5;
	[dreg:$0x1d] =	wrdreg s17  }
0x20: {  	s21 =	sadd.s32 $0x5000, s5;
	[dreg:$0x1e] =	wrdreg s18  }
0x21: {  	s23 =	sadd.s32 $0x5400, s5;
	[dreg:$0x1f] =	wrdreg s21  }
0x22: {  	s24 =	sadd.s32 $0x5800, s5;
	[smem:$0x7DD] =	sst s23  }
0x23: {  	s25 =	sadd.s32 $0x5C00, s5;
	[smem:$0x7DE] =	sst s24  }
0x24: {  	s26 =	sadd.s32 $0x6000, s5;
	[smem:$0x7DF] =	sst s25  }
0x25: {  	s8 =	sadd.s32 $0x6800, s5;
	[smem:$0x7E0] =	sst s26  }
0x26: {  	s19 =	sadd.s32 s20, s7;
	s0 =	smax.u32 s0, $0x1;
	[smem:$0x7E2] =	sst s8  }
0x27: {  	s2 =	sadd.s32 s7, s10;
	s7 =	sadd.s32 $0x3000, s5;
	[smem:$0x7F1] =	sst s0  }
0x28: {  	s9 =	sadd.s32 s3, s10;
	s10 =	sadd.s32 $0x3800, s5;
	[dreg:$0x17] =	wrdreg s7  }
0x29: {  	s12 =	sadd.s32 $0x7000, s5;
	[dreg:$0x19] =	wrdreg s10  }
0x2a: {  	s15 =	sadd.s32 $0x7400, s5;
	[smem:$0x7E4] =	sst s12  }
0x2b: {  	s16 =	sadd.s32 $0x7800, s5;
	[smem:$0x7E5] =	sst s15  }
0x2c: {  	s17 =	sadd.s32 $0x7C00, s5;
	[smem:$0x7E6] =	sst s16  }
0x2d: {  	s18 =	sadd.s32 $0x8000, s5;
	[smem:$0x7E7] =	sst s17  }
0x2e: {  	s21 =	sadd.s32 $0x8400, s5;
	[smem:$0x7E8] =	sst s18  }
0x2f: {  	s23 =	sadd.s32 $0x8800, s5;
	[smem:$0x7E9] =	sst s21  }
0x30: {  	s24 =	sadd.s32 $0x8C00, s5;
	[smem:$0x7EA] =	sst s23  }
0x31: {  	s25 =	sadd.s32 $0x9000, s5;
	[smem:$0x7EB] =	sst s24  }
0x32: {  	s26 =	sadd.s32 $0x9400, s5;
	[smem:$0x7EC] =	sst s25  }
0x33: {  	s8 =	sadd.s32 $0x9C00, s5;
	[smem:$0x7ED] =	sst s26  }
0x34: {  	[smem:$0x7EF] =	sst s8  }
0x35: {  	[dreg:$0x10] =	wrdreg s2  }
0x36: {  	s7 =	sadd.s32 $0x6400, s5;
	[dreg:$0x11] =	wrdreg s9  }
0x37: {  	s28 =	simm.s32 $0x6;
	s10 =	sadd.s32 $0x6C00, s5;
	[smem:$0x7E1] =	sst s7  }
0x38: {  	s30 =	simm.s32 $0x4;
	s12 =	sadd.s32 $0x1000, s22;
	[smem:$0x7E3] =	sst s10  }
0x39: {  	s31 =	simm.s32 $0x380;
	s15 =	sadd.s32 $0x2000, s22;
	[smem:$0x7F3] =	sst s12  }
0x3a: {  	s13 =	simm.s32 $0x2;
	s16 =	sadd.s32 $0x10, s2;
	[smem:$0x7F5] =	sst s15  }
0x3b: {  	s20 =	sadd.s32 s20, s3;
	s17 =	sadd.s32 $0x20, s2;
	[smem:$0x7F6] =	sst s16  }
0x3c: {  	s0 =	simm.s32 $0x6600;
	s18 =	sadd.s32 $0x30, s2;
	[smem:$0x7F7] =	sst s17  }
0x3d: {  	s21 =	sadd.s32 $0x40, s2;
	s23 =	sadd.s32 $0x10, s9;
	[smem:$0x7F8] =	sst s18  }
0x3e: {  	s24 =	sadd.s32 $0x20, s9;
	s25 =	sadd.s32 $0x30, s9;
	[smem:$0x7F9] =	sst s21  }
0x3f: {  	s26 =	sadd.s32 $0x40, s9;
	s8 =	simm.s32 $0x500;
	[smem:$0x7FA] =	sst s23  }
0x40: {  	s2 =	simm.s32 $0xC;
	s7 =	sadd.s32 $0x9800, s5;
	[smem:$0x7FB] =	sst s24  }
0x41: {  	s10 =	sadd.s32 $0x3E800, s11;
	s11 =	sadd.s32 $0x800, s22;
	[smem:$0x7FC] =	sst s25  }
0x42: {  	[smem:$0x7FD] =	sst s26;
	s17 =	simm.s32 $0xB650;
	s18 =	simm.s32 $0xD  }
.Ltmp0:
0x43: {  	s12 =	simm.s32 $0x600;
	s15 =	simm.s32 $0x2600;
	(pc) =	sbr.rel .LBB2_1-.Ltmp0, $4  }
0x44: {  	s21 =	simm.s32 $0x5;
	s23 =	simm.s32 $0x8600;
	[smem:$0x7EE] =	sst s7  }
0x45: {  	v0 =	vimm.f32 $0.0e+00;
	v1 =	vlaneseq.u32;
	s24 =	simm.s32 $0x3;
	s26 =	simm.s32 $0x4600;
	[smem:$0x7F0] =	sst s10  }
0x46: {  	v2 =	vimm.bf16 $0.0e+00;
	v7 =	vimm.f32 $1.000000000e+00;
	v3 =	vor.u32 $0x10, v1;
	s16 =	simm.s32 $0x8;
	s5 =	simm.s32 $0x580;
	[smem:$0x7F2] =	sst s11  }
0x47: {  	v4 =	vor.u32 $0x20, v1;
	v5 =	vor.u32 $0x30, v1;
	v6 =	vor.u32 $0x40, v1;
	s10 =	simm.s32 $0x80;
	s7 =	simm.s32 $0x7;
	s11 =	simm.s32 $0xB  }
.LBB2_14:
0x48: {  	s3 =	simm.s32 $0xE  }
0x49: {  	_ =	swait.ge [sflag:s3], $0x500  }
0x4a: {  	[sflag:s3] =	ssyncset.done $0x0  }
0x4b: {  	[sflag:s3] =	ssyncadd.s32 $0xFFFFFB00  }
.LBB2_15:
0x4c: {  	s3 =	sld [smem:$0x7F1];
	_ =	sdelay $0x1  }
0x4d: {  	s14 =	sadd.s32 $0x1, s14  }
0x4e: {  	p3 =	sne.s32 s14, s3  }
.Ltmp1:
0x4f: {  	_ = 	snop;
	(pc) =	sbr.rel @!p3 .LBB2_16-.Ltmp1, $1  }
0x50: {  	_ =	sdelay $0x3  }
.LBB2_1:
0x51: {  	s3 =	simm.s32 $0xAE90  }
0x52: {  	[tilespmem:s3+$0xFFFFFFF0] =	vst v0  }
0x53: {  	[tilespmem:s3+$0x0] =	vst v0  }
0x54: {  	[tilespmem:s3+$0x20] =	vst v0  }
0x55: {  	[tilespmem:s3+$0x30] =	vst v0  }
0x56: {  	[tilespmem:s3+$0xFFFFFFC0] =	vst v0  }
0x57: {  	[tilespmem:s3+$0xFFFFFFD0] =	vst v0  }
0x58: {  	[tilespmem:s3+$0xFFFFFFE0] =	vst v0  }
0x59: {  	[dreg:$0x5] =	wrdreg s14;
	s14 =	simm.s32 $0x0;
	s9 =	simm.s32 $0x100;
	[tilespmem:s3+$0x10] =	vst v0  }
.LBB2_2:
0x5a: {  	p3 =	sne.s32 s9, $0xF00;
	[tilespmem:s14+$0xB680] =	vst v2  }
0x5b: {  	[tilespmem:s14+$0xB650] =	vst v2  }
0x5c: {  	[tilespmem:s14+$0xB660] =	vst v2  }
0x5d: {  	s3 =	sadd.s32 $0x80, s3;
	[tilespmem:s14+$0xB670] =	vst v2  }
0x5e: {  	[tilespmem:s3+$0xFFFFFFF0] =	vst v0  }
0x5f: {  	[tilespmem:s3+$0x0] =	vst v0  }
0x60: {  	[tilespmem:s3+$0x20] =	vst v0  }
.Ltmp2:
0x61: {  	[tilespmem:s3+$0x30] =	vst v0;
	(pc) =	sbr.rel @p3 .LBB2_2-.Ltmp2, $4  }
0x62: {  	[tilespmem:s3+$0xFFFFFFC0] =	vst v0  }
0x63: {  	[tilespmem:s3+$0xFFFFFFD0] =	vst v0  }
0x64: {  	[tilespmem:s3+$0xFFFFFFE0] =	vst v0  }
0x65: {  	s14 =	sshra.s32 s9, $0x2;
	s9 =	sadd.s32 $0x100, s9;
	[tilespmem:s3+$0x10] =	vst v0  }
0x66: {  	[tilespmem:s14+$0xB680] =	vst v2  }
0x67: {  	[tilespmem:s14+$0xB650] =	vst v2  }
0x68: {  	[tilespmem:s14+$0xB660] =	vst v2  }
0x69: {  	[tilespmem:s14+$0xB670] =	vst v2;
	s3 =	simm.s32 $0x0;
	s9 =	simm.s32 $0x200  }
.LBB2_4:
0x6a: {  	p3 =	sne.s32 s9, $0x9E00;
	[tilespmem:s3+$0x8670] =	vst v0  }
0x6b: {  	[tilespmem:s3+$0x8600] =	vst v0  }
0x6c: {  	[tilespmem:s3+$0x8610] =	vst v0  }
.Ltmp3:
0x6d: {  	[tilespmem:s3+$0x8620] =	vst v0;
	(pc) =	sbr.rel @p3 .LBB2_4-.Ltmp3, $4  }
0x6e: {  	[tilespmem:s3+$0x8630] =	vst v0  }
0x6f: {  	[tilespmem:s3+$0x8640] =	vst v0  }
0x70: {  	[tilespmem:s3+$0x8650] =	vst v0  }
0x71: {  	[tilespmem:s3+$0x8660] =	vst v0;
	s3 =	sshra.s32 s9, $0x2;
	s9 =	sadd.s32 $0x200, s9  }
0x72: {  	[tilespmem:s3+$0x8670] =	vst v0  }
0x73: {  	[tilespmem:s3+$0x8600] =	vst v0  }
0x74: {  	[tilespmem:s3+$0x8610] =	vst v0  }
0x75: {  	[tilespmem:s3+$0x8620] =	vst v0  }
0x76: {  	[tilespmem:s3+$0x8630] =	vst v0  }
0x77: {  	[tilespmem:s3+$0x8640] =	vst v0  }
0x78: {  	[tilespmem:s3+$0x8650] =	vst v0  }
0x79: {  	[tilespmem:s3+$0x8660] =	vst v0  }
0x7a: {  	[tilespmem:$0xAE00] =	vst v1  }
0x7b: {  	[tilespmem:$0xAE10] =	vst v3  }
0x7c: {  	[tilespmem:$0xAE20] =	vst v4  }
0x7d: {  	[tilespmem:$0xAE30] =	vst v5  }
0x7e: {  	s14 =	rddreg [dreg:$0x9];
	[tilespmem:$0xAE40] =	vst v6  }
0x7f: {  	[spmem:s29] =	stream.linear.scatter [tilespmem:s17], [sflag:$0xD], $0x400, $0x38;
	[tilespmem:$0x15CD0] =	vst v63  }
0x80: {  	s25 =	rddreg [dreg:$0xa]  }
0x81: {  	[spmem:s14] =	stream.linear.scatter [tilespmem:s17], [sflag:$0xD], $0x400, $0x38;
	[tilespmem:$0x15CD0] =	vst v63  }
0x82: {  	s9 =	rddreg [dreg:$0xc]  }
0x83: {  	[spmem:s25] =	stream.linear.scatter [tilespmem:s17], [sflag:$0xD], $0x400, $0x38;
	[tilespmem:$0x15CD0] =	vst v63  }
0x84: {  	s29 =	rddreg [dreg:$0xb]  }
0x85: {  	[spmem:s29] =	stream.linear.scatter [tilespmem:s17], [sflag:$0xD], $0x400, $0x38;
	[tilespmem:$0x15CD0] =	vst v63  }
0x86: {  	s14 =	rddreg [dreg:$0xd]  }
0x87: {  	[spmem:s9] =	stream.linear.scatter [tilespmem:s17], [sflag:$0xD], $0x400, $0x38;
	[tilespmem:$0x15CD0] =	vst v63  }
0x88: {  	s25 =	rddreg [dreg:$0xe]  }
0x89: {  	[spmem:s14] =	stream.linear.scatter [tilespmem:s17], [sflag:$0xD], $0x400, $0x38;
	[tilespmem:$0x15CD0] =	vst v63  }
0x8a: {  	s29 =	rddreg [dreg:$0x12]  }
0x8b: {  	[spmem:s25] =	stream.linear.scatter [tilespmem:s17], [sflag:$0xD], $0x400, $0x38;
	[tilespmem:$0x15CD0] =	vst v63  }
0x8c: {  	s9 =	rddreg [dreg:$0x13]  }
0x8d: {  	[spmem:s29] =	stream.linear.scatter [tilespmem:s17], [sflag:$0xD], $0x400, $0x38;
	[tilespmem:$0x15CD0] =	vst v63  }
0x8e: {  	s14 =	rddreg [dreg:$0x14]  }
0x8f: {  	[spmem:s9] =	stream.linear.scatter [tilespmem:s17], [sflag:$0xD], $0x400, $0x38;
	[tilespmem:$0x15CD0] =	vst v63  }
0x90: {  	s25 =	rddreg [dreg:$0x15]  }
0x91: {  	[spmem:s14] =	stream.linear.scatter [tilespmem:s17], [sflag:$0xD], $0x400, $0x38;
	[tilespmem:$0x15CD0] =	vst v63  }
0x92: {  	s29 =	rddreg [dreg:$0x16]  }
0x93: {  	[spmem:s25] =	stream.linear.scatter [tilespmem:s17], [sflag:$0xD], $0x400, $0x38;
	[tilespmem:$0x15CD0] =	vst v63  }
0x94: {  	s9 =	rddreg [dreg:$0x17]  }
0x95: {  	[spmem:s29] =	stream.linear.scatter [tilespmem:s17], [sflag:$0xD], $0x400, $0x38;
	[tilespmem:$0x15CD0] =	vst v63  }
0x96: {  	s14 =	rddreg [dreg:$0x18]  }
0x97: {  	[spmem:s9] =	stream.linear.scatter [tilespmem:s17], [sflag:$0xD], $0x400, $0x38;
	[tilespmem:$0x15CD0] =	vst v63  }
0x98: {  	s25 =	rddreg [dreg:$0x19]  }
0x99: {  	[spmem:s14] =	stream.linear.scatter [tilespmem:s17], [sflag:$0xD], $0x400, $0x38;
	[tilespmem:$0x15CD0] =	vst v63  }
0x9a: {  	s29 =	rddreg [dreg:$0x1a]  }
0x9b: {  	[spmem:s25] =	stream.linear.scatter [tilespmem:s17], [sflag:$0xD], $0x400, $0x38;
	[tilespmem:$0x15CD0] =	vst v63  }
0x9c: {  	s9 =	rddreg [dreg:$0x1b]  }
0x9d: {  	[spmem:s29] =	stream.linear.scatter [tilespmem:s17], [sflag:$0xD], $0x400, $0x38;
	[tilespmem:$0x15CD0] =	vst v63  }
0x9e: {  	s14 =	rddreg [dreg:$0x1c]  }
0x9f: {  	[spmem:s9] =	stream.linear.scatter [tilespmem:s17], [sflag:$0xD], $0x400, $0x38;
	[tilespmem:$0x15CD0] =	vst v63  }
0xa0: {  	s25 =	rddreg [dreg:$0x1d]  }
0xa1: {  	[spmem:s14] =	stream.linear.scatter [tilespmem:s17], [sflag:$0xD], $0x400, $0x38;
	[tilespmem:$0x15CD0] =	vst v63  }
0xa2: {  	s29 =	rddreg [dreg:$0x1e]  }
0xa3: {  	[spmem:s25] =	stream.linear.scatter [tilespmem:s17], [sflag:$0xD], $0x400, $0x38;
	[tilespmem:$0x15CD0] =	vst v63  }
0xa4: {  	s9 =	rddreg [dreg:$0x1f]  }
0xa5: {  	[spmem:s29] =	stream.linear.scatter [tilespmem:s17], [sflag:$0xD], $0x400, $0x38;
	[tilespmem:$0x15CD0] =	vst v63  }
0xa6: {  	s14 =	sld [smem:$0x7DD]  }
0xa7: {  	[spmem:s9] =	stream.linear.scatter [tilespmem:s17], [sflag:$0xD], $0x400, $0x38;
	[tilespmem:$0x15CD0] =	vst v63  }
0xa8: {  	s25 =	sld [smem:$0x7DE]  }
0xa9: {  	[spmem:s14] =	stream.linear.scatter [tilespmem:s17], [sflag:$0xD], $0x400, $0x38;
	[tilespmem:$0x15CD0] =	vst v63  }
0xaa: {  	s29 =	sld [smem:$0x7DF]  }
0xab: {  	[spmem:s25] =	stream.linear.scatter [tilespmem:s17], [sflag:$0xD], $0x400, $0x38;
	[tilespmem:$0x15CD0] =	vst v63  }
0xac: {  	s9 =	sld [smem:$0x7E0]  }
0xad: {  	[spmem:s29] =	stream.linear.scatter [tilespmem:s17], [sflag:$0xD], $0x400, $0x38;
	[tilespmem:$0x15CD0] =	vst v63  }
0xae: {  	s14 =	sld [smem:$0x7E1]  }
0xaf: {  	[spmem:s9] =	stream.linear.scatter [tilespmem:s17], [sflag:$0xD], $0x400, $0x38;
	[tilespmem:$0x15CD0] =	vst v63  }
0xb0: {  	s25 =	sld [smem:$0x7E2]  }
0xb1: {  	[spmem:s14] =	stream.linear.scatter [tilespmem:s17], [sflag:$0xD], $0x400, $0x38;
	[tilespmem:$0x15CD0] =	vst v63  }
0xb2: {  	s29 =	sld [smem:$0x7E3]  }
0xb3: {  	[spmem:s25] =	stream.linear.scatter [tilespmem:s17], [sflag:$0xD], $0x400, $0x38;
	[tilespmem:$0x15CD0] =	vst v63  }
0xb4: {  	s9 =	sld [smem:$0x7E4]  }
0xb5: {  	[spmem:s29] =	stream.linear.scatter [tilespmem:s17], [sflag:$0xD], $0x400, $0x38;
	[tilespmem:$0x15CD0] =	vst v63  }
0xb6: {  	s14 =	sld [smem:$0x7E5]  }
0xb7: {  	[spmem:s9] =	stream.linear.scatter [tilespmem:s17], [sflag:$0xD], $0x400, $0x38;
	[tilespmem:$0x15CD0] =	vst v63  }
0xb8: {  	s25 =	sld [smem:$0x7E6]  }
0xb9: {  	[spmem:s14] =	stream.linear.scatter [tilespmem:s17], [sflag:$0xD], $0x400, $0x38;
	[tilespmem:$0x15CD0] =	vst v63  }
0xba: {  	s29 =	sld [smem:$0x7E7]  }
0xbb: {  	[spmem:s25] =	stream.linear.scatter [tilespmem:s17], [sflag:$0xD], $0x400, $0x38;
	[tilespmem:$0x15CD0] =	vst v63  }
0xbc: {  	s9 =	sld [smem:$0x7E8]  }
0xbd: {  	[spmem:s29] =	stream.linear.scatter [tilespmem:s17], [sflag:$0xD], $0x400, $0x38;
	[tilespmem:$0x15CD0] =	vst v63  }
0xbe: {  	s14 =	sld [smem:$0x7E9]  }
0xbf: {  	[spmem:s9] =	stream.linear.scatter [tilespmem:s17], [sflag:$0xD], $0x400, $0x38;
	[tilespmem:$0x15CD0] =	vst v63  }
0xc0: {  	s25 =	sld [smem:$0x7EA]  }
0xc1: {  	[spmem:s14] =	stream.linear.scatter [tilespmem:s17], [sflag:$0xD], $0x400, $0x38;
	[tilespmem:$0x15CD0] =	vst v63  }
0xc2: {  	s29 =	sld [smem:$0x7EB]  }
0xc3: {  	[spmem:s25] =	stream.linear.scatter [tilespmem:s17], [sflag:$0xD], $0x400, $0x38;
	[tilespmem:$0x15CD0] =	vst v63  }
0xc4: {  	s9 =	sld [smem:$0x7EC]  }
0xc5: {  	[spmem:s29] =	stream.linear.scatter [tilespmem:s17], [sflag:$0xD], $0x400, $0x38;
	[tilespmem:$0x15CD0] =	vst v63  }
0xc6: {  	s14 =	sld [smem:$0x7ED]  }
0xc7: {  	[spmem:s9] =	stream.linear.scatter [tilespmem:s17], [sflag:$0xD], $0x400, $0x38;
	[tilespmem:$0x15CD0] =	vst v63  }
0xc8: {  	s25 =	sld [smem:$0x7EE]  }
0xc9: {  	[spmem:s14] =	stream.linear.scatter [tilespmem:s17], [sflag:$0xD], $0x400, $0x38;
	[tilespmem:$0x15CD0] =	vst v63  }
0xca: {  	s29 =	sld [smem:$0x7EF]  }
0xcb: {  	[spmem:s25] =	stream.linear.scatter [tilespmem:s17], [sflag:$0xD], $0x400, $0x38;
	[tilespmem:$0x15CD0] =	vst v63  }
0xcc: {  	_ = 	snop  }
0xcd: {  	[spmem:s29] =	stream.linear.scatter [tilespmem:s17], [sflag:$0xD], $0x400, $0x38;
	[tilespmem:$0x15CD0] =	vst v63  }
0xce: {  	_ =	swait.ge [sflag:s18], $0x400  }
0xcf: {  	[sflag:s18] =	ssyncset.done $0x0  }
0xd0: {  	[sflag:s18] =	ssyncadd.s32 $0xFFFFFC00  }
0xd1: {  	_ =	swait.ge [sflag:s18], $0x400  }
0xd2: {  	[sflag:s18] =	ssyncset.done $0x0  }
0xd3: {  	[sflag:s18] =	ssyncadd.s32 $0xFFFFFC00  }
0xd4: {  	_ =	swait.ge [sflag:s18], $0x400  }
0xd5: {  	[sflag:s18] =	ssyncset.done $0x0  }
0xd6: {  	[sflag:s18] =	ssyncadd.s32 $0xFFFFFC00  }
0xd7: {  	_ =	swait.ge [sflag:s18], $0x400  }
0xd8: {  	[sflag:s18] =	ssyncset.done $0x0  }
0xd9: {  	[sflag:s18] =	ssyncadd.s32 $0xFFFFFC00  }
0xda: {  	_ =	swait.ge [sflag:s18], $0x400  }
0xdb: {  	[sflag:s18] =	ssyncset.done $0x0  }
0xdc: {  	[sflag:s18] =	ssyncadd.s32 $0xFFFFFC00  }
0xdd: {  	_ =	swait.ge [sflag:s18], $0x400  }
0xde: {  	[sflag:s18] =	ssyncset.done $0x0  }
0xdf: {  	[sflag:s18] =	ssyncadd.s32 $0xFFFFFC00  }
0xe0: {  	_ =	swait.ge [sflag:s18], $0x400  }
0xe1: {  	[sflag:s18] =	ssyncset.done $0x0  }
0xe2: {  	[sflag:s18] =	ssyncadd.s32 $0xFFFFFC00  }
0xe3: {  	_ =	swait.ge [sflag:s18], $0x400  }
0xe4: {  	[sflag:s18] =	ssyncset.done $0x0  }
0xe5: {  	[sflag:s18] =	ssyncadd.s32 $0xFFFFFC00  }
0xe6: {  	_ =	swait.ge [sflag:s18], $0x400  }
0xe7: {  	[sflag:s18] =	ssyncset.done $0x0  }
0xe8: {  	[sflag:s18] =	ssyncadd.s32 $0xFFFFFC00  }
0xe9: {  	_ =	swait.ge [sflag:s18], $0x400  }
0xea: {  	[sflag:s18] =	ssyncset.done $0x0  }
0xeb: {  	[sflag:s18] =	ssyncadd.s32 $0xFFFFFC00  }
0xec: {  	_ =	swait.ge [sflag:s18], $0x400  }
0xed: {  	[sflag:s18] =	ssyncset.done $0x0  }
0xee: {  	[sflag:s18] =	ssyncadd.s32 $0xFFFFFC00  }
0xef: {  	_ =	swait.ge [sflag:s18], $0x400  }
0xf0: {  	[sflag:s18] =	ssyncset.done $0x0  }
0xf1: {  	[sflag:s18] =	ssyncadd.s32 $0xFFFFFC00  }
0xf2: {  	_ =	swait.ge [sflag:s18], $0x400  }
0xf3: {  	[sflag:s18] =	ssyncset.done $0x0  }
0xf4: {  	[sflag:s18] =	ssyncadd.s32 $0xFFFFFC00  }
0xf5: {  	_ =	swait.ge [sflag:s18], $0x400  }
0xf6: {  	[sflag:s18] =	ssyncset.done $0x0  }
0xf7: {  	[sflag:s18] =	ssyncadd.s32 $0xFFFFFC00  }
0xf8: {  	_ =	swait.ge [sflag:s18], $0x400  }
0xf9: {  	[sflag:s18] =	ssyncset.done $0x0  }
0xfa: {  	[sflag:s18] =	ssyncadd.s32 $0xFFFFFC00  }
0xfb: {  	_ =	swait.ge [sflag:s18], $0x400  }
0xfc: {  	[sflag:s18] =	ssyncset.done $0x0  }
0xfd: {  	[sflag:s18] =	ssyncadd.s32 $0xFFFFFC00  }
0xfe: {  	_ =	swait.ge [sflag:s18], $0x400  }
0xff: {  	[sflag:s18] =	ssyncset.done $0x0  }
0x100: {  	[sflag:s18] =	ssyncadd.s32 $0xFFFFFC00  }
0x101: {  	_ =	swait.ge [sflag:s18], $0x400  }
0x102: {  	[sflag:s18] =	ssyncset.done $0x0  }
0x103: {  	[sflag:s18] =	ssyncadd.s32 $0xFFFFFC00  }
0x104: {  	_ =	swait.ge [sflag:s18], $0x400  }
0x105: {  	[sflag:s18] =	ssyncset.done $0x0  }
0x106: {  	[sflag:s18] =	ssyncadd.s32 $0xFFFFFC00  }
0x107: {  	_ =	swait.ge [sflag:s18], $0x400  }
0x108: {  	[sflag:s18] =	ssyncset.done $0x0  }
0x109: {  	[sflag:s18] =	ssyncadd.s32 $0xFFFFFC00  }
0x10a: {  	_ =	swait.ge [sflag:s18], $0x400  }
0x10b: {  	[sflag:s18] =	ssyncset.done $0x0  }
0x10c: {  	[sflag:s18] =	ssyncadd.s32 $0xFFFFFC00  }
0x10d: {  	_ =	swait.ge [sflag:s18], $0x400  }
0x10e: {  	[sflag:s18] =	ssyncset.done $0x0  }
0x10f: {  	[sflag:s18] =	ssyncadd.s32 $0xFFFFFC00  }
0x110: {  	_ =	swait.ge [sflag:s18], $0x400  }
0x111: {  	[sflag:s18] =	ssyncset.done $0x0  }
0x112: {  	[sflag:s18] =	ssyncadd.s32 $0xFFFFFC00  }
0x113: {  	_ =	swait.ge [sflag:s18], $0x400  }
0x114: {  	[sflag:s18] =	ssyncset.done $0x0  }
0x115: {  	[sflag:s18] =	ssyncadd.s32 $0xFFFFFC00  }
0x116: {  	_ =	swait.ge [sflag:s18], $0x400  }
0x117: {  	[sflag:s18] =	ssyncset.done $0x0  }
0x118: {  	[sflag:s18] =	ssyncadd.s32 $0xFFFFFC00  }
0x119: {  	_ =	swait.ge [sflag:s18], $0x400  }
0x11a: {  	[sflag:s18] =	ssyncset.done $0x0  }
0x11b: {  	[sflag:s18] =	ssyncadd.s32 $0xFFFFFC00  }
0x11c: {  	_ =	swait.ge [sflag:s18], $0x400  }
0x11d: {  	[sflag:s18] =	ssyncset.done $0x0  }
0x11e: {  	[sflag:s18] =	ssyncadd.s32 $0xFFFFFC00  }
0x11f: {  	_ =	swait.ge [sflag:s18], $0x400  }
0x120: {  	[sflag:s18] =	ssyncset.done $0x0  }
0x121: {  	[sflag:s18] =	ssyncadd.s32 $0xFFFFFC00  }
0x122: {  	_ =	swait.ge [sflag:s18], $0x400  }
0x123: {  	[sflag:s18] =	ssyncset.done $0x0  }
0x124: {  	[sflag:s18] =	ssyncadd.s32 $0xFFFFFC00  }
0x125: {  	_ =	swait.ge [sflag:s18], $0x400  }
0x126: {  	[sflag:s18] =	ssyncset.done $0x0  }
0x127: {  	[sflag:s18] =	ssyncadd.s32 $0xFFFFFC00  }
0x128: {  	_ =	swait.ge [sflag:s18], $0x400  }
0x129: {  	[sflag:s18] =	ssyncset.done $0x0  }
0x12a: {  	[sflag:s18] =	ssyncadd.s32 $0xFFFFFC00  }
0x12b: {  	_ =	swait.ge [sflag:s18], $0x400  }
0x12c: {  	[sflag:s18] =	ssyncset.done $0x0  }
0x12d: {  	[sflag:s18] =	ssyncadd.s32 $0xFFFFFC00  }
0x12e: {  	_ =	swait.ge [sflag:s18], $0x400  }
0x12f: {  	[sflag:s18] =	ssyncset.done $0x0  }
0x130: {  	[sflag:s18] =	ssyncadd.s32 $0xFFFFFC00  }
0x131: {  	_ =	swait.ge [sflag:s18], $0x400  }
0x132: {  	[sflag:s18] =	ssyncset.done $0x0  }
0x133: {  	[sflag:s18] =	ssyncadd.s32 $0xFFFFFC00  }
0x134: {  	_ =	swait.ge [sflag:s18], $0x400  }
0x135: {  	[sflag:s18] =	ssyncset.done $0x0  }
0x136: {  	[sflag:s18] =	ssyncadd.s32 $0xFFFFFC00  }
0x137: {  	_ =	swait.ge [sflag:s18], $0x400  }
0x138: {  	[sflag:s18] =	ssyncset.done $0x0  }
0x139: {  	[sflag:s18] =	ssyncadd.s32 $0xFFFFFC00  }
0x13a: {  	_ =	swait.ge [sflag:s18], $0x400  }
0x13b: {  	[sflag:s18] =	ssyncset.done $0x0  }
0x13c: {  	[sflag:s18] =	ssyncadd.s32 $0xFFFFFC00  }
0x13d: {  	_ =	swait.ge [sflag:s18], $0x400  }
0x13e: {  	[sflag:s18] =	ssyncset.done $0x0  }
0x13f: {  	[sflag:s18] =	ssyncadd.s32 $0xFFFFFC00  }
0x140: {  	_ =	swait.ge [sflag:s18], $0x400  }
0x141: {  	[sflag:s18] =	ssyncset.done $0x0  }
0x142: {  	[sflag:s18] =	ssyncadd.s32 $0xFFFFFC00  }
0x143: {  	_ =	swait.ge [sflag:s18], $0x400  }
0x144: {  	[sflag:s18] =	ssyncset.done $0x0  }
0x145: {  	s3 =	simm.s32 @!p1 $0xAE50;
	s9 =	simm.s32 @!p1 $0xE;
	[sflag:s18] =	ssyncadd.s32 $0xFFFFFC00  }
0x146: {  	[spmem:s22] =	stream.linear.scatter @!p1 [tilespmem:s3], [sflag:$0xE], $0x800, $0x38;
	[tilespmem:$0x15CD0] =	vst v63  }
0x147: {  	_ =	swait.ge @!p1 [sflag:s9], $0x800  }
0x148: {  	s14 =	sld [smem:$0x7F2]  }
0x149: {  	[sflag:s9] =	ssyncset.done @!p1 $0x0  }
0x14a: {  	[sflag:s9] =	ssyncadd.s32 @!p1 $0xFFFFF800  }
0x14b: {  	[spmem:s14] =	stream.linear.scatter @!p1 [tilespmem:s3], [sflag:$0xE], $0x800, $0x38;
	[tilespmem:$0x15CD0] =	vst v63  }
0x14c: {  	_ =	swait.ge @!p1 [sflag:s9], $0x800  }
0x14d: {  	s14 =	sld [smem:$0x7F3]  }
0x14e: {  	[sflag:s9] =	ssyncset.done @!p1 $0x0  }
0x14f: {  	[sflag:s9] =	ssyncadd.s32 @!p1 $0xFFFFF800  }
0x150: {  	[spmem:s14] =	stream.linear.scatter @!p1 [tilespmem:s3], [sflag:$0xE], $0x800, $0x38;
	[tilespmem:$0x15CD0] =	vst v63  }
0x151: {  	_ =	swait.ge @!p1 [sflag:s9], $0x800  }
0x152: {  	s14 =	sld [smem:$0x7F4]  }
0x153: {  	[sflag:s9] =	ssyncset.done @!p1 $0x0  }
0x154: {  	[sflag:s9] =	ssyncadd.s32 @!p1 $0xFFFFF800  }
0x155: {  	[spmem:s14] =	stream.linear.scatter @!p1 [tilespmem:s3], [sflag:$0xE], $0x800, $0x38;
	[tilespmem:$0x15CD0] =	vst v63  }
0x156: {  	_ =	swait.ge @!p1 [sflag:s9], $0x800  }
0x157: {  	s14 =	sld [smem:$0x7F5]  }
0x158: {  	[sflag:s9] =	ssyncset.done @!p1 $0x0  }
0x159: {  	[sflag:s9] =	ssyncadd.s32 @!p1 $0xFFFFF800  }
0x15a: {  	[spmem:s14] =	stream.linear.scatter @!p1 [tilespmem:s3], [sflag:$0xE], $0x800, $0x38;
	[tilespmem:$0x15CD0] =	vst v63  }
.Ltmp4:
0x15b: {  	_ =	swait.ge @!p1 [sflag:s9], $0x800;
	(pc) =	sbr.rel @p0 .LBB2_10-.Ltmp4, $4  }
0x15c: {  	[sflag:s9] =	ssyncset.done @!p1 $0x0  }
0x15d: {  	[sflag:s9] =	ssyncadd.s32 @!p1 $0xFFFFF800  }
0x15e: {  	[bflag:$0x0] =	sbarrier.arrive $0xFFFF  }
0x15f: {  	s9 =	simm.s32 $0x0  }
0x160: {  	s3 =	rddreg [dreg:$0x11]  }
0x161: {  	s14 =	sld [smem:$0x7FA]  }
0x162: {  	[tilespmem:s9], [sflag:$0x1] =	stream.linear.gather [hbm4b:s3+s9], $0x80, $0x38;
	[tilespmem:$0x15CD0] =	vst v63  }
0x163: {  	s22 =	sld [smem:$0x7FB]  }
0x164: {  	[tilespmem:s10], [sflag:$0x2] =	stream.linear.gather [hbm4b:s14+s9], $0x80, $0x38;
	[tilespmem:$0x15CD0] =	vst v63  }
0x165: {  	s25 =	sld [smem:$0x7FC];
	s14 =	simm.s32 $0x100  }
0x166: {  	[tilespmem:s14], [sflag:$0x3] =	stream.linear.gather [hbm4b:s22+s9], $0x80, $0x38;
	[tilespmem:$0x15CD0] =	vst v63  }
0x167: {  	s29 =	simm.s32 $0x180;
	s22 =	simm.s32 $0x1  }
0x168: {  	[tilespmem:s29], [sflag:$0x4] =	stream.linear.gather [hbm4b:s25+s9], $0x80, $0x38;
	[tilespmem:$0x15CD0] =	vst v63  }
0x169: {  	_ =	swait.ge [sflag:s22], $0x80  }
0x16a: {  	[sflag:s22] =	ssyncset.done $0x0  }
0x16b: {  	[sflag:s22] =	ssyncadd.s32 $0xFFFFFF80  }
0x16c: {  	v8 =	vld [tilespmem:$0x0];
	_ =	sdelay $0x1  }
0x16d: {  	v9 =	vld [tilespmem:$0x10];
	_ =	sdelay $0x1  }
0x16e: {  	v10 =	vld [tilespmem:$0x20]  }
0x16f: {  	v11 =	vand.u32 $0x3FFF, v8  }
0x170: {  	v59 =	vld [tilespmem:$0x30];
	v8 =	vshrl.u32 v8, $0xE;
	[tilespmem:$0x200] =	vst v11  }
0x171: {  	[tilespmem:$0x400] =	vst v8;
	v8 =	vand.u32 $0x3FFF, v9  }
0x172: {  	v60 =	vld [tilespmem:$0x40];
	[tilespmem:$0x210] =	vst v8;
	v8 =	vshrl.u32 v9, $0xE  }
0x173: {  	[tilespmem:$0x410] =	vst v8;
	v8 =	vand.u32 $0x3FFF, v10  }
0x174: {  	v61 =	vld [tilespmem:$0x50];
	[tilespmem:$0x220] =	vst v8;
	v8 =	vshrl.u32 v10, $0xE  }
0x175: {  	[tilespmem:$0x420] =	vst v8;
	v8 =	vand.u32 $0x3FFF, v59  }
0x176: {  	v62 =	vld [tilespmem:$0x60];
	[tilespmem:$0x230] =	vst v8;
	v8 =	vshrl.u32 v59, $0xE  }
0x177: {  	[tilespmem:$0x430] =	vst v8;
	v8 =	vand.u32 $0x3FFF, v60  }
0x178: {  	v63 =	vld [tilespmem:$0x70];
	[tilespmem:$0x240] =	vst v8;
	v8 =	vshrl.u32 v60, $0xE  }
0x179: {  	[tilespmem:$0x440] =	vst v8;
	v8 =	vand.u32 $0x3FFF, v61  }
0x17a: {  	[tilespmem:$0x250] =	vst v8;
	v8 =	vshrl.u32 v61, $0xE  }
0x17b: {  	[tilespmem:$0x450] =	vst v8;
	v8 =	vand.u32 $0x3FFF, v62  }
0x17c: {  	[tilespmem:$0x260] =	vst v8;
	v8 =	vshrl.u32 v62, $0xE  }
0x17d: {  	[tilespmem:$0x460] =	vst v8;
	v8 =	vand.u32 $0x3FFF, v63  }
0x17e: {  	[tilespmem:$0x270] =	vst v8;
	v8 =	vshrl.u32 v63, $0xE  }
0x17f: {  	s25 =	simm.s32 $0x200;
	s29 =	sld [smem:$0x7FD];
	[tilespmem:$0x470] =	vst v8  }
0x180: {  	[tilespmem:s12], [sflag:$0x5] =	stream.indirect.gather [hbm4b:s4+s10], $0x40, s25, s10, $0xb8;
	[tilespmem:$0x15CD0] =	vst v63  }
0x181: {  	s3 =	simm.s32 $0x0  }
0x182: {  	[tilespmem:s9], [sflag:$0x1] =	stream.linear.gather [hbm4b:s29+s9], $0x80, $0x38;
	[tilespmem:$0x15CD0] =	vst v63  }
.LBB2_7:
0x183: {  	p3 =	seq.s32 s9, $0x0  }
0x184: {  	s14 =	simm.s32 @!p3 $0xA  }
0x185: {  	_ =	swait.ge @!p3 [sflag:s14], $0x2000  }
0x186: {  	[sflag:s14] =	ssyncset.done @!p3 $0x0  }
0x187: {  	[sflag:s14] =	ssyncadd.s32 @!p3 $0xFFFFE000  }
0x188: {  	_ =	swait.ge [sflag:s13], $0x80  }
0x189: {  	[sflag:s13] =	ssyncset.done $0x0  }
0x18a: {  	[sflag:s13] =	ssyncadd.s32 $0xFFFFFF80  }
0x18b: {  	v8 =	vld [tilespmem:$0x80];
	_ =	sdelay $0x1  }
0x18c: {  	v9 =	vld [tilespmem:$0x90];
	_ =	sdelay $0x1  }
0x18d: {  	v10 =	vld [tilespmem:$0xA0]  }
0x18e: {  	v11 =	vand.u32 $0x3FFF, v8  }
0x18f: {  	v43 =	vld [tilespmem:$0xB0];
	v8 =	vshrl.u32 v8, $0xE;
	[tilespmem:$0x280] =	vst v11  }
0x190: {  	[tilespmem:$0x480] =	vst v8;
	v8 =	vand.u32 $0x3FFF, v9  }
0x191: {  	v44 =	vld [tilespmem:$0xC0];
	[tilespmem:$0x290] =	vst v8;
	v8 =	vshrl.u32 v9, $0xE  }
0x192: {  	[tilespmem:$0x490] =	vst v8;
	v8 =	vand.u32 $0x3FFF, v10  }
0x193: {  	v45 =	vld [tilespmem:$0xD0];
	[tilespmem:$0x2A0] =	vst v8;
	v8 =	vshrl.u32 v10, $0xE  }
0x194: {  	[tilespmem:$0x4A0] =	vst v8;
	v8 =	vand.u32 $0x3FFF, v43  }
0x195: {  	v46 =	vld [tilespmem:$0xE0];
	[tilespmem:$0x2B0] =	vst v8;
	v8 =	vshrl.u32 v43, $0xE  }
0x196: {  	[tilespmem:$0x4B0] =	vst v8;
	v8 =	vand.u32 $0x3FFF, v44  }
0x197: {  	v47 =	vld [tilespmem:$0xF0];
	[tilespmem:$0x2C0] =	vst v8;
	v8 =	vshrl.u32 v44, $0xE  }
0x198: {  	[tilespmem:$0x4C0] =	vst v8;
	v8 =	vand.u32 $0x3FFF, v45  }
0x199: {  	[tilespmem:$0x2D0] =	vst v8;
	v8 =	vshrl.u32 v45, $0xE  }
0x19a: {  	[tilespmem:$0x4D0] =	vst v8;
	v8 =	vand.u32 $0x3FFF, v46  }
0x19b: {  	[tilespmem:$0x2E0] =	vst v8;
	v8 =	vshrl.u32 v46, $0xE  }
0x19c: {  	[tilespmem:$0x4E0] =	vst v8;
	v8 =	vand.u32 $0x3FFF, v47  }
0x19d: {  	[tilespmem:$0x2F0] =	vst v8;
	v8 =	vshrl.u32 v47, $0xE  }
0x19e: {  	s22 =	simm.s32 $0x280;
	[tilespmem:$0x4F0] =	vst v8  }
0x19f: {  	[tilespmem:s15], [sflag:$0x6] =	stream.indirect.gather [hbm4b:s4+s10], $0x40, s22, s10, $0xb8;
	[tilespmem:$0x15CD0] =	vst v63  }
0x1a0: {  	_ =	swait.ge [sflag:s21], $0x2000  }
0x1a1: {  	[sflag:s21] =	ssyncset.done $0x0  }
0x1a2: {  	s25 =	simm.s32 $0x400;
	[sflag:s21] =	ssyncadd.s32 $0xFFFFE000  }
0x1a3: {  	[spmem:s1] =	stream.indirect.scatter.add.bf16 [tilespmem:s12], [sflag:$0x9], $0x40, s25, s10, $0xb8;
	[tilespmem:$0x15CD0] =	vst v63  }
0x1a4: {  	v8 =	vld [tilespmem:$0x400];
	_ =	sdelay $0x7  }
0x1a5: {  	[tilespmem:v8+s23+$0x0] =	vst.idx.add.f32.msk $0xffff, v7  }
0x1a6: {  	v8 =	vld [tilespmem:$0x410];
	_ =	sdelay $0x7  }
0x1a7: {  	[tilespmem:v8+s23+$0x0] =	vst.idx.add.f32.msk $0xffff, v7  }
0x1a8: {  	v8 =	vld [tilespmem:$0x420];
	_ =	sdelay $0x7  }
0x1a9: {  	[tilespmem:v8+s23+$0x0] =	vst.idx.add.f32.msk $0xffff, v7  }
0x1aa: {  	v8 =	vld [tilespmem:$0x430];
	_ =	sdelay $0x7  }
0x1ab: {  	[tilespmem:v8+s23+$0x0] =	vst.idx.add.f32.msk $0xffff, v7  }
0x1ac: {  	v8 =	vld [tilespmem:$0x440];
	_ =	sdelay $0x7  }
0x1ad: {  	[tilespmem:v8+s23+$0x0] =	vst.idx.add.f32.msk $0xffff, v7  }
0x1ae: {  	v8 =	vld [tilespmem:$0x450];
	_ =	sdelay $0x7  }
0x1af: {  	[tilespmem:v8+s23+$0x0] =	vst.idx.add.f32.msk $0xffff, v7  }
0x1b0: {  	v8 =	vld [tilespmem:$0x460];
	_ =	sdelay $0x7  }
0x1b1: {  	[tilespmem:v8+s23+$0x0] =	vst.idx.add.f32.msk $0xffff, v7  }
0x1b2: {  	v8 =	vld [tilespmem:$0x470];
	_ =	sdelay $0x5  }
0x1b3: {  	p3 =	seq.s32 s9, $0x9C0  }
0x1b4: {  	p4 =	seq.s32 @!p3 s9, $0x0;
	s14 =	sadd.s32 @!p3 s9, s20;
	s29 =	simm.s32 @!p3 $0x80  }
0x1b5: {  	p4 =	por p3, !p4;
	s22 =	simm.s32 @!p3 $0x0;
	s25 =	sadd.s32 @!p3 $0x50, s14;
	[tilespmem:v8+s23+$0x0] =	vst.idx.add.f32.msk $0xffff, v7  }
0x1b6: {  	[tilespmem:s29], [sflag:$0x2] =	stream.linear.gather @!p3 [hbm4b:s25+s22], $0x80, $0x38;
	[tilespmem:$0x15CD0] =	vst v63  }
0x1b7: {  	_ =	swait.ge @p4 [sflag:s11], $0x2000  }
0x1b8: {  	[sflag:s11] =	ssyncset.done @p4 $0x0  }
0x1b9: {  	[sflag:s11] =	ssyncadd.s32 @p4 $0xFFFFE000  }
0x1ba: {  	_ =	swait.ge [sflag:s24], $0x80  }
0x1bb: {  	[sflag:s24] =	ssyncset.done $0x0  }
0x1bc: {  	[sflag:s24] =	ssyncadd.s32 $0xFFFFFF80  }
0x1bd: {  	v8 =	vld [tilespmem:$0x100];
	_ =	sdelay $0x1  }
0x1be: {  	v48 =	vld [tilespmem:$0x110];
	_ =	sdelay $0x1  }
0x1bf: {  	v49 =	vld [tilespmem:$0x120]  }
0x1c0: {  	v50 =	vand.u32 $0x3FFF, v8  }
0x1c1: {  	v51 =	vld [tilespmem:$0x130];
	v8 =	vshrl.u32 v8, $0xE;
	[tilespmem:$0x300] =	vst v50  }
0x1c2: {  	[tilespmem:$0x500] =	vst v8;
	v8 =	vand.u32 $0x3FFF, v48  }
0x1c3: {  	v52 =	vld [tilespmem:$0x140];
	[tilespmem:$0x310] =	vst v8;
	v8 =	vshrl.u32 v48, $0xE  }
0x1c4: {  	[tilespmem:$0x510] =	vst v8;
	v8 =	vand.u32 $0x3FFF, v49  }
0x1c5: {  	v53 =	vld [tilespmem:$0x150];
	[tilespmem:$0x320] =	vst v8;
	v8 =	vshrl.u32 v49, $0xE  }
0x1c6: {  	[tilespmem:$0x520] =	vst v8;
	v8 =	vand.u32 $0x3FFF, v51  }
0x1c7: {  	v54 =	vld [tilespmem:$0x160];
	[tilespmem:$0x330] =	vst v8;
	v8 =	vshrl.u32 v51, $0xE  }
0x1c8: {  	[tilespmem:$0x530] =	vst v8;
	v8 =	vand.u32 $0x3FFF, v52  }
0x1c9: {  	v55 =	vld [tilespmem:$0x170];
	[tilespmem:$0x340] =	vst v8;
	v8 =	vshrl.u32 v52, $0xE  }
0x1ca: {  	[tilespmem:$0x540] =	vst v8;
	v8 =	vand.u32 $0x3FFF, v53  }
0x1cb: {  	[tilespmem:$0x350] =	vst v8;
	v8 =	vshrl.u32 v53, $0xE  }
0x1cc: {  	[tilespmem:$0x550] =	vst v8;
	v8 =	vand.u32 $0x3FFF, v54  }
0x1cd: {  	[tilespmem:$0x360] =	vst v8;
	v8 =	vshrl.u32 v54, $0xE  }
0x1ce: {  	[tilespmem:$0x560] =	vst v8;
	v8 =	vand.u32 $0x3FFF, v55  }
0x1cf: {  	[tilespmem:$0x370] =	vst v8;
	v8 =	vshrl.u32 v55, $0xE  }
0x1d0: {  	s29 =	simm.s32 $0x300;
	[tilespmem:$0x570] =	vst v8  }
0x1d1: {  	[tilespmem:s26], [sflag:$0x7] =	stream.indirect.gather [hbm4b:s4+s10], $0x40, s29, s10, $0xb8;
	[tilespmem:$0x15CD0] =	vst v63  }
0x1d2: {  	_ =	swait.ge [sflag:s28], $0x2000  }
0x1d3: {  	[sflag:s28] =	ssyncset.done $0x0  }
0x1d4: {  	s29 =	simm.s32 $0x480;
	[sflag:s28] =	ssyncadd.s32 $0xFFFFE000  }
0x1d5: {  	[spmem:s1] =	stream.indirect.scatter.add.bf16 [tilespmem:s15], [sflag:$0xA], $0x40, s29, s10, $0xb8;
	[tilespmem:$0x15CD0] =	vst v63  }
0x1d6: {  	v8 =	vld [tilespmem:$0x480];
	_ =	sdelay $0x7  }
0x1d7: {  	[tilespmem:v8+s23+$0x0] =	vst.idx.add.f32.msk $0xffff, v7  }
0x1d8: {  	v8 =	vld [tilespmem:$0x490];
	_ =	sdelay $0x7  }
0x1d9: {  	[tilespmem:v8+s23+$0x0] =	vst.idx.add.f32.msk $0xffff, v7  }
0x1da: {  	v8 =	vld [tilespmem:$0x4A0];
	_ =	sdelay $0x7  }
0x1db: {  	[tilespmem:v8+s23+$0x0] =	vst.idx.add.f32.msk $0xffff, v7  }
0x1dc: {  	v8 =	vld [tilespmem:$0x4B0];
	_ =	sdelay $0x7  }
0x1dd: {  	[tilespmem:v8+s23+$0x0] =	vst.idx.add.f32.msk $0xffff, v7  }
0x1de: {  	v8 =	vld [tilespmem:$0x4C0];
	_ =	sdelay $0x7  }
0x1df: {  	[tilespmem:v8+s23+$0x0] =	vst.idx.add.f32.msk $0xffff, v7  }
0x1e0: {  	v8 =	vld [tilespmem:$0x4D0];
	_ =	sdelay $0x7  }
0x1e1: {  	[tilespmem:v8+s23+$0x0] =	vst.idx.add.f32.msk $0xffff, v7  }
0x1e2: {  	v8 =	vld [tilespmem:$0x4E0];
	_ =	sdelay $0x7  }
0x1e3: {  	[tilespmem:v8+s23+$0x0] =	vst.idx.add.f32.msk $0xffff, v7  }
0x1e4: {  	v8 =	vld [tilespmem:$0x4F0];
	_ =	sdelay $0x7  }
0x1e5: {  	s14 =	sadd.s32 @!p3 $0x60, s14;
	s25 =	simm.s32 @!p3 $0x100;
	[tilespmem:v8+s23+$0x0] =	vst.idx.add.f32.msk $0xffff, v7  }
0x1e6: {  	[tilespmem:s25], [sflag:$0x3] =	stream.linear.gather @!p3 [hbm4b:s14+s22], $0x80, $0x38;
	[tilespmem:$0x15CD0] =	vst v63  }
0x1e7: {  	_ =	swait.ge @p4 [sflag:s2], $0x2000  }
0x1e8: {  	[sflag:s2] =	ssyncset.done @p4 $0x0  }
0x1e9: {  	[sflag:s2] =	ssyncadd.s32 @p4 $0xFFFFE000  }
0x1ea: {  	_ =	swait.ge [sflag:s30], $0x80  }
0x1eb: {  	[sflag:s30] =	ssyncset.done $0x0  }
0x1ec: {  	[sflag:s30] =	ssyncadd.s32 $0xFFFFFF80  }
0x1ed: {  	v8 =	vld [tilespmem:$0x180];
	_ =	sdelay $0x1  }
0x1ee: {  	v56 =	vld [tilespmem:$0x190];
	_ =	sdelay $0x1  }
0x1ef: {  	v57 =	vld [tilespmem:$0x1A0]  }
0x1f0: {  	v58 =	vand.u32 $0x3FFF, v8  }
0x1f1: {  	v59 =	vld [tilespmem:$0x1B0];
	v8 =	vshrl.u32 v8, $0xE;
	[tilespmem:$0x380] =	vst v58  }
0x1f2: {  	[tilespmem:$0x580] =	vst v8;
	v8 =	vand.u32 $0x3FFF, v56  }
0x1f3: {  	v60 =	vld [tilespmem:$0x1C0];
	[tilespmem:$0x390] =	vst v8;
	v8 =	vshrl.u32 v56, $0xE  }
0x1f4: {  	[tilespmem:$0x590] =	vst v8;
	v8 =	vand.u32 $0x3FFF, v57  }
0x1f5: {  	v61 =	vld [tilespmem:$0x1D0];
	[tilespmem:$0x3A0] =	vst v8;
	v8 =	vshrl.u32 v57, $0xE  }
0x1f6: {  	[tilespmem:$0x5A0] =	vst v8;
	v8 =	vand.u32 $0x3FFF, v59  }
0x1f7: {  	v62 =	vld [tilespmem:$0x1E0];
	[tilespmem:$0x3B0] =	vst v8;
	v8 =	vshrl.u32 v59, $0xE  }
0x1f8: {  	[tilespmem:$0x5B0] =	vst v8;
	v8 =	vand.u32 $0x3FFF, v60  }
0x1f9: {  	v63 =	vld [tilespmem:$0x1F0];
	[tilespmem:$0x3C0] =	vst v8;
	v8 =	vshrl.u32 v60, $0xE  }
0x1fa: {  	[tilespmem:$0x5C0] =	vst v8;
	v8 =	vand.u32 $0x3FFF, v61  }
0x1fb: {  	[tilespmem:$0x3D0] =	vst v8;
	v8 =	vshrl.u32 v61, $0xE  }
0x1fc: {  	[tilespmem:$0x5D0] =	vst v8;
	v8 =	vand.u32 $0x3FFF, v62  }
0x1fd: {  	[tilespmem:$0x3E0] =	vst v8;
	v8 =	vshrl.u32 v62, $0xE  }
0x1fe: {  	[tilespmem:$0x5E0] =	vst v8;
	v8 =	vand.u32 $0x3FFF, v63  }
0x1ff: {  	[tilespmem:$0x3F0] =	vst v8;
	v8 =	vshrl.u32 v63, $0xE  }
0x200: {  	[tilespmem:$0x5F0] =	vst v8  }
0x201: {  	[tilespmem:s0], [sflag:$0x8] =	stream.indirect.gather [hbm4b:s4+s10], $0x40, s31, s10, $0xb8;
	[tilespmem:$0x15CD0] =	vst v63  }
0x202: {  	_ =	swait.ge [sflag:s7], $0x2000  }
0x203: {  	[sflag:s7] =	ssyncset.done $0x0  }
0x204: {  	[sflag:s7] =	ssyncadd.s32 $0xFFFFE000  }
0x205: {  	[spmem:s1] =	stream.indirect.scatter.add.bf16 [tilespmem:s26], [sflag:$0xB], $0x40, s8, s10, $0xb8;
	[tilespmem:$0x15CD0] =	vst v63  }
0x206: {  	v8 =	vld [tilespmem:$0x500];
	_ =	sdelay $0x7  }
0x207: {  	[tilespmem:v8+s23+$0x0] =	vst.idx.add.f32.msk $0xffff, v7  }
0x208: {  	v8 =	vld [tilespmem:$0x510];
	_ =	sdelay $0x7  }
0x209: {  	[tilespmem:v8+s23+$0x0] =	vst.idx.add.f32.msk $0xffff, v7  }
0x20a: {  	v8 =	vld [tilespmem:$0x520];
	_ =	sdelay $0x7  }
0x20b: {  	[tilespmem:v8+s23+$0x0] =	vst.idx.add.f32.msk $0xffff, v7  }
0x20c: {  	v8 =	vld [tilespmem:$0x530];
	_ =	sdelay $0x7  }
0x20d: {  	[tilespmem:v8+s23+$0x0] =	vst.idx.add.f32.msk $0xffff, v7  }
0x20e: {  	v8 =	vld [tilespmem:$0x540];
	_ =	sdelay $0x7  }
0x20f: {  	[tilespmem:v8+s23+$0x0] =	vst.idx.add.f32.msk $0xffff, v7  }
0x210: {  	v8 =	vld [tilespmem:$0x550];
	_ =	sdelay $0x7  }
0x211: {  	[tilespmem:v8+s23+$0x0] =	vst.idx.add.f32.msk $0xffff, v7  }
0x212: {  	v8 =	vld [tilespmem:$0x560];
	_ =	sdelay $0x7  }
0x213: {  	[tilespmem:v8+s23+$0x0] =	vst.idx.add.f32.msk $0xffff, v7  }
0x214: {  	v8 =	vld [tilespmem:$0x570];
	_ =	sdelay $0x5  }
0x215: {  	p3 =	sne.s32 s9, $0x9C0  }
0x216: {  	s14 =	sadd.s32 @p3 s9, s20  }
0x217: {  	s22 =	simm.s32 @p3 $0x0;
	s25 =	simm.s32 @p3 $0x180;
	s14 =	sadd.s32 @p3 $0x70, s14;
	[tilespmem:v8+s23+$0x0] =	vst.idx.add.f32.msk $0xffff, v7  }
0x218: {  	[tilespmem:s25], [sflag:$0x4] =	stream.linear.gather @p3 [hbm4b:s14+s22], $0x80, $0x38;
	[tilespmem:$0x15CD0] =	vst v63  }
0x219: {  	s14 =	simm.s32 @p3 $0x9  }
0x21a: {  	_ =	swait.ge @p3 [sflag:s14], $0x2000  }
0x21b: {  	[sflag:s14] =	ssyncset.done @p3 $0x0  }
0x21c: {  	[sflag:s14] =	ssyncadd.s32 @p3 $0xFFFFE000;
	s14 =	simm.s32 @p3 $0x1  }
0x21d: {  	_ =	swait.ge @p3 [sflag:s14], $0x80  }
0x21e: {  	[sflag:s14] =	ssyncset.done @p3 $0x0  }
0x21f: {  	[sflag:s14] =	ssyncadd.s32 @p3 $0xFFFFFF80  }
0x220: {  	v8 =	vld @p3 [tilespmem:$0x0];
	_ =	sdelay $0x1  }
0x221: {  	v9 =	vld @p3 [tilespmem:$0x10];
	_ =	sdelay $0x1  }
0x222: {  	v10 =	vld @p3 [tilespmem:$0x20]  }
0x223: {  	v11 =	vand.u32 @p3 $0x3FFF, v8  }
0x224: {  	v8 =	vshrl.u32 @p3 v8, $0xE;
	[tilespmem:$0x200] =	vst @p3 v11;
	v11 =	vld @p3 [tilespmem:$0x30]  }
0x225: {  	[tilespmem:$0x400] =	vst @p3 v8;
	v8 =	vand.u32 @p3 $0x3FFF, v9  }
0x226: {  	[tilespmem:$0x210] =	vst @p3 v8;
	v8 =	vshrl.u32 @p3 v9, $0xE;
	v9 =	vld @p3 [tilespmem:$0x40]  }
0x227: {  	[tilespmem:$0x410] =	vst @p3 v8;
	v8 =	vand.u32 @p3 $0x3FFF, v10  }
0x228: {  	[tilespmem:$0x220] =	vst @p3 v8;
	v8 =	vshrl.u32 @p3 v10, $0xE;
	v10 =	vld @p3 [tilespmem:$0x50]  }
0x229: {  	[tilespmem:$0x420] =	vst @p3 v8;
	v8 =	vand.u32 @p3 $0x3FFF, v11  }
0x22a: {  	[tilespmem:$0x230] =	vst @p3 v8;
	v8 =	vshrl.u32 @p3 v11, $0xE;
	v11 =	vld @p3 [tilespmem:$0x60]  }
0x22b: {  	[tilespmem:$0x430] =	vst @p3 v8;
	v8 =	vand.u32 @p3 $0x3FFF, v9  }
0x22c: {  	[tilespmem:$0x240] =	vst @p3 v8;
	v8 =	vshrl.u32 @p3 v9, $0xE;
	v9 =	vld @p3 [tilespmem:$0x70]  }
0x22d: {  	[tilespmem:$0x440] =	vst @p3 v8;
	v8 =	vand.u32 @p3 $0x3FFF, v10  }
0x22e: {  	[tilespmem:$0x250] =	vst @p3 v8;
	v8 =	vshrl.u32 @p3 v10, $0xE  }
0x22f: {  	[tilespmem:$0x450] =	vst @p3 v8;
	v8 =	vand.u32 @p3 $0x3FFF, v11  }
0x230: {  	[tilespmem:$0x260] =	vst @p3 v8;
	v8 =	vshrl.u32 @p3 v11, $0xE  }
0x231: {  	[tilespmem:$0x460] =	vst @p3 v8;
	v8 =	vand.u32 @p3 $0x3FFF, v9  }
0x232: {  	[tilespmem:$0x270] =	vst @p3 v8;
	v8 =	vshrl.u32 @p3 v9, $0xE  }
0x233: {  	s22 =	simm.s32 @p3 $0x200;
	s25 =	simm.s32 @p3 $0x600;
	s14 =	simm.s32 @p3 $0x80;
	[tilespmem:$0x470] =	vst @p3 v8  }
0x234: {  	[tilespmem:s25], [sflag:$0x5] =	stream.indirect.gather @p3 [hbm4b:s4+s14], $0x40, s22, s14, $0xb8;
	[tilespmem:$0x15CD0] =	vst v63  }
0x235: {  	s14 =	simm.s32 @!p3 $0x9  }
0x236: {  	_ =	swait.ge @!p3 [sflag:s14], $0x2000  }
0x237: {  	[sflag:s14] =	ssyncset.done @!p3 $0x0  }
0x238: {  	[sflag:s14] =	ssyncadd.s32 @!p3 $0xFFFFE000  }
0x239: {  	_ =	swait.ge [sflag:s16], $0x2000  }
0x23a: {  	[sflag:s16] =	ssyncset.done $0x0  }
0x23b: {  	[sflag:s16] =	ssyncadd.s32 $0xFFFFE000  }
0x23c: {  	[spmem:s1] =	stream.indirect.scatter.add.bf16 [tilespmem:s0], [sflag:$0xC], $0x40, s5, s10, $0xb8;
	[tilespmem:$0x15CD0] =	vst v63  }
0x23d: {  	v8 =	vld [tilespmem:$0x580];
	_ =	sdelay $0x7  }
0x23e: {  	[tilespmem:v8+s23+$0x0] =	vst.idx.add.f32.msk $0xffff, v7  }
0x23f: {  	v8 =	vld [tilespmem:$0x590];
	_ =	sdelay $0x7  }
0x240: {  	[tilespmem:v8+s23+$0x0] =	vst.idx.add.f32.msk $0xffff, v7  }
0x241: {  	v8 =	vld [tilespmem:$0x5A0];
	_ =	sdelay $0x7  }
0x242: {  	[tilespmem:v8+s23+$0x0] =	vst.idx.add.f32.msk $0xffff, v7  }
0x243: {  	v8 =	vld [tilespmem:$0x5B0];
	_ =	sdelay $0x7  }
0x244: {  	[tilespmem:v8+s23+$0x0] =	vst.idx.add.f32.msk $0xffff, v7  }
0x245: {  	v8 =	vld [tilespmem:$0x5C0];
	_ =	sdelay $0x7  }
0x246: {  	[tilespmem:v8+s23+$0x0] =	vst.idx.add.f32.msk $0xffff, v7  }
0x247: {  	v8 =	vld [tilespmem:$0x5D0];
	_ =	sdelay $0x7  }
0x248: {  	[tilespmem:v8+s23+$0x0] =	vst.idx.add.f32.msk $0xffff, v7  }
0x249: {  	v8 =	vld [tilespmem:$0x5E0];
	_ =	sdelay $0x7  }
0x24a: {  	[tilespmem:v8+s23+$0x0] =	vst.idx.add.f32.msk $0xffff, v7  }
0x24b: {  	v8 =	vld [tilespmem:$0x5F0];
	_ =	sdelay $0x5  }
0x24c: {  	p3 =	sgt.u32 s3, $0x25  }
0x24d: {  	s14 =	sadd.s32 @!p3 s9, s20  }
0x24e: {  	s22 =	simm.s32 @!p3 $0x0;
	s9 =	sadd.s32 $0x40, s9;
	s14 =	sadd.s32 @!p3 $0x80, s14;
	[tilespmem:v8+s23+$0x0] =	vst.idx.add.f32.msk $0xffff, v7  }
0x24f: {  	[tilespmem:s22], [sflag:$0x1] =	stream.linear.gather @!p3 [hbm4b:s14+s22], $0x80, $0x38;
	[tilespmem:$0x15CD0] =	vst v63  }
0x250: {  	p3 =	sne.s32 s9, $0xA00  }
.Ltmp5:
0x251: {  	_ = 	snop;
	(pc) =	sbr.rel @p3 .LBB2_7-.Ltmp5, $2  }
0x252: {  	_ =	sdelay $0x2  }
0x253: {  	s3 =	sadd.s32 $0x1, s3  }
0x254: {  	s3 =	simm.s32 $0xA  }
0x255: {  	_ =	swait.ge [sflag:s3], $0x2000  }
0x256: {  	[sflag:s3] =	ssyncset.done $0x0  }
0x257: {  	[sflag:s3] =	ssyncadd.s32 $0xFFFFE000  }
0x258: {  	_ =	swait.ge [sflag:s11], $0x2000  }
0x259: {  	[sflag:s11] =	ssyncset.done $0x0  }
0x25a: {  	[sflag:s11] =	ssyncadd.s32 $0xFFFFE000  }
0x25b: {  	_ =	swait.ge [sflag:s2], $0x2000  }
0x25c: {  	[sflag:s2] =	ssyncset.done $0x0  }
0x25d: {  	[sflag:s2] =	ssyncadd.s32 $0xFFFFE000  }
0x25e: {  	s25 =	simm.s32 $0x50;
	s9 =	simm.s32 $0xAE00;
	s22 =	rddreg [dreg:$0x3]  }
0x25f: {  	[spmem:s22] =	stream.indirect.scatter.add.f32 [tilespmem:s23], [sflag:$0xD], $0x80, s9, s25, $0xb8;
	[tilespmem:$0x15CD0] =	vst v63  }
0x260: {  	_ =	swait.ge [sflag:s18], $0x2800  }
0x261: {  	[sflag:s18] =	ssyncset.done $0x0  }
0x262: {  	[sflag:s18] =	ssyncadd.s32 $0xFFFFD800  }
0x263: {  	s14 =	stileid.u32;
	[bflag:$0x0] =	sbarrier.arrive $0xFFFF  }
0x264: {  	s3 =	sshll.u32 s14, $0x6;
	s29 =	rddreg [dreg:$0x8]  }
0x265: {  	s3 =	sor.u32 $0x1C0E, s3;
	s14 =	rddreg [dreg:$0xf];
	s25 =	sshrl.u32 s29, $0x3  }
0x266: {  	[hbm:s14], [sflag:s3] =	dma.local [spmem:s25], $0x1400  }
.Ltmp6:
0x267: {  	_ = 	snop;
	(pc) =	sbr.rel @!p2 .LBB2_15-.Ltmp6, $4  }
0x268: {  	s25 =	simm.s32 $0xE  }
0x269: {  	_ =	swait.ge [sflag:s25], $0x1400  }
0x26a: {  	[sflag:s25] =	ssyncset.done $0x0  }
0x26b: {  	s14 =	rddreg [dreg:$0x5];
	[sflag:s25] =	ssyncadd.s32 $0xFFFFEC00  }
.Ltmp7:
0x26c: {  	(pc) =	sbr.rel .LBB2_14-.Ltmp7, $3  }
0x26d: {  	_ =	sdelay $0x1  }
0x26e: {  	s9 =	sshrl.u32 s22, $0x3;
	s25 =	rddreg [dreg:$0x6]  }
0x26f: {  	[hbm:s25], [sflag:s3] =	dma.local [spmem:s9], $0x500  }
.LBB2_10:
0x270: {  	s3 =	rddreg [dreg:$0x10]  }
0x271: {  	s14 =	sld [smem:$0x7F6]  }
0x272: {  	[tilespmem:s9], [sflag:$0x1] =	stream.linear.gather [hbm4b:s3+s9], $0x80, $0x38;
	[tilespmem:$0x15CD0] =	vst v63  }
0x273: {  	s22 =	sld [smem:$0x7F7]  }
0x274: {  	[tilespmem:s10], [sflag:$0x2] =	stream.linear.gather [hbm4b:s14+s9], $0x80, $0x38;
	[tilespmem:$0x15CD0] =	vst v63  }
0x275: {  	s25 =	sld [smem:$0x7F8];
	s14 =	simm.s32 $0x100  }
0x276: {  	[tilespmem:s14], [sflag:$0x3] =	stream.linear.gather [hbm4b:s22+s9], $0x80, $0x38;
	[tilespmem:$0x15CD0] =	vst v63  }
0x277: {  	s29 =	simm.s32 $0x180;
	s22 =	simm.s32 $0x1  }
0x278: {  	[tilespmem:s29], [sflag:$0x4] =	stream.linear.gather [hbm4b:s25+s9], $0x80, $0x38;
	[tilespmem:$0x15CD0] =	vst v63  }
0x279: {  	_ =	swait.ge [sflag:s22], $0x80  }
0x27a: {  	[sflag:s22] =	ssyncset.done $0x0  }
0x27b: {  	[sflag:s22] =	ssyncadd.s32 $0xFFFFFF80  }
0x27c: {  	v8 =	vld [tilespmem:$0x0];
	_ =	sdelay $0x1  }
0x27d: {  	v9 =	vld [tilespmem:$0x10];
	_ =	sdelay $0x1  }
0x27e: {  	v10 =	vld [tilespmem:$0x20]  }
0x27f: {  	v11 =	vand.u32 $0x3FFF, v8  }
0x280: {  	v59 =	vld [tilespmem:$0x30];
	v8 =	vshrl.u32 v8, $0xE;
	[tilespmem:$0x200] =	vst v11  }
0x281: {  	[tilespmem:$0x400] =	vst v8;
	v8 =	vand.u32 $0x3FFF, v9  }
0x282: {  	v60 =	vld [tilespmem:$0x40];
	[tilespmem:$0x210] =	vst v8;
	v8 =	vshrl.u32 v9, $0xE  }
0x283: {  	[tilespmem:$0x410] =	vst v8;
	v8 =	vand.u32 $0x3FFF, v10  }
0x284: {  	v61 =	vld [tilespmem:$0x50];
	[tilespmem:$0x220] =	vst v8;
	v8 =	vshrl.u32 v10, $0xE  }
0x285: {  	[tilespmem:$0x420] =	vst v8;
	v8 =	vand.u32 $0x3FFF, v59  }
0x286: {  	v62 =	vld [tilespmem:$0x60];
	[tilespmem:$0x230] =	vst v8;
	v8 =	vshrl.u32 v59, $0xE  }
0x287: {  	[tilespmem:$0x430] =	vst v8;
	v8 =	vand.u32 $0x3FFF, v60  }
0x288: {  	v63 =	vld [tilespmem:$0x70];
	[tilespmem:$0x240] =	vst v8;
	v8 =	vshrl.u32 v60, $0xE  }
0x289: {  	[tilespmem:$0x440] =	vst v8;
	v8 =	vand.u32 $0x3FFF, v61  }
0x28a: {  	[tilespmem:$0x250] =	vst v8;
	v8 =	vshrl.u32 v61, $0xE  }
0x28b: {  	[tilespmem:$0x450] =	vst v8;
	v8 =	vand.u32 $0x3FFF, v62  }
0x28c: {  	[tilespmem:$0x260] =	vst v8;
	v8 =	vshrl.u32 v62, $0xE  }
0x28d: {  	[tilespmem:$0x460] =	vst v8;
	v8 =	vand.u32 $0x3FFF, v63  }
0x28e: {  	[tilespmem:$0x270] =	vst v8;
	v8 =	vshrl.u32 v63, $0xE  }
0x28f: {  	s25 =	simm.s32 $0x200;
	s29 =	sld [smem:$0x7F9];
	[tilespmem:$0x470] =	vst v8  }
0x290: {  	[tilespmem:s12], [sflag:$0x5] =	stream.indirect.gather [hbm4b:s6+s10], $0x40, s25, s10, $0xb8;
	[tilespmem:$0x15CD0] =	vst v63  }
0x291: {  	s3 =	simm.s32 $0x0  }
0x292: {  	[tilespmem:s9], [sflag:$0x1] =	stream.linear.gather [hbm4b:s29+s9], $0x80, $0x38;
	[tilespmem:$0x15CD0] =	vst v63  }
.LBB2_11:
0x293: {  	p3 =	seq.s32 s9, $0x0  }
0x294: {  	s14 =	simm.s32 @!p3 $0xA  }
0x295: {  	_ =	swait.ge @!p3 [sflag:s14], $0x2000  }
0x296: {  	[sflag:s14] =	ssyncset.done @!p3 $0x0  }
0x297: {  	[sflag:s14] =	ssyncadd.s32 @!p3 $0xFFFFE000  }
0x298: {  	_ =	swait.ge [sflag:s13], $0x80  }
0x299: {  	[sflag:s13] =	ssyncset.done $0x0  }
0x29a: {  	[sflag:s13] =	ssyncadd.s32 $0xFFFFFF80  }
0x29b: {  	v8 =	vld [tilespmem:$0x80];
	_ =	sdelay $0x1  }
0x29c: {  	v9 =	vld [tilespmem:$0x90];
	_ =	sdelay $0x1  }
0x29d: {  	v10 =	vld [tilespmem:$0xA0]  }
0x29e: {  	v11 =	vand.u32 $0x3FFF, v8  }
0x29f: {  	v43 =	vld [tilespmem:$0xB0];
	v8 =	vshrl.u32 v8, $0xE;
	[tilespmem:$0x280] =	vst v11  }
0x2a0: {  	[tilespmem:$0x480] =	vst v8;
	v8 =	vand.u32 $0x3FFF, v9  }
0x2a1: {  	v44 =	vld [tilespmem:$0xC0];
	[tilespmem:$0x290] =	vst v8;
	v8 =	vshrl.u32 v9, $0xE  }
0x2a2: {  	[tilespmem:$0x490] =	vst v8;
	v8 =	vand.u32 $0x3FFF, v10  }
0x2a3: {  	v45 =	vld [tilespmem:$0xD0];
	[tilespmem:$0x2A0] =	vst v8;
	v8 =	vshrl.u32 v10, $0xE  }
0x2a4: {  	[tilespmem:$0x4A0] =	vst v8;
	v8 =	vand.u32 $0x3FFF, v43  }
0x2a5: {  	v46 =	vld [tilespmem:$0xE0];
	[tilespmem:$0x2B0] =	vst v8;
	v8 =	vshrl.u32 v43, $0xE  }
0x2a6: {  	[tilespmem:$0x4B0] =	vst v8;
	v8 =	vand.u32 $0x3FFF, v44  }
0x2a7: {  	v47 =	vld [tilespmem:$0xF0];
	[tilespmem:$0x2C0] =	vst v8;
	v8 =	vshrl.u32 v44, $0xE  }
0x2a8: {  	[tilespmem:$0x4C0] =	vst v8;
	v8 =	vand.u32 $0x3FFF, v45  }
0x2a9: {  	[tilespmem:$0x2D0] =	vst v8;
	v8 =	vshrl.u32 v45, $0xE  }
0x2aa: {  	[tilespmem:$0x4D0] =	vst v8;
	v8 =	vand.u32 $0x3FFF, v46  }
0x2ab: {  	[tilespmem:$0x2E0] =	vst v8;
	v8 =	vshrl.u32 v46, $0xE  }
0x2ac: {  	[tilespmem:$0x4E0] =	vst v8;
	v8 =	vand.u32 $0x3FFF, v47  }
0x2ad: {  	[tilespmem:$0x2F0] =	vst v8;
	v8 =	vshrl.u32 v47, $0xE  }
0x2ae: {  	s22 =	simm.s32 $0x280;
	[tilespmem:$0x4F0] =	vst v8  }
0x2af: {  	[tilespmem:s15], [sflag:$0x6] =	stream.indirect.gather [hbm4b:s6+s10], $0x40, s22, s10, $0xb8;
	[tilespmem:$0x15CD0] =	vst v63  }
0x2b0: {  	_ =	swait.ge [sflag:s21], $0x2000  }
0x2b1: {  	[sflag:s21] =	ssyncset.done $0x0  }
0x2b2: {  	s25 =	simm.s32 $0x400;
	[sflag:s21] =	ssyncadd.s32 $0xFFFFE000  }
0x2b3: {  	[spmem:s1] =	stream.indirect.scatter.add.bf16 [tilespmem:s12], [sflag:$0x9], $0x40, s25, s10, $0xb8;
	[tilespmem:$0x15CD0] =	vst v63  }
0x2b4: {  	v8 =	vld [tilespmem:$0x400];
	_ =	sdelay $0x7  }
0x2b5: {  	[tilespmem:v8+s23+$0x0] =	vst.idx.add.f32.msk $0xffff, v7  }
0x2b6: {  	v8 =	vld [tilespmem:$0x410];
	_ =	sdelay $0x7  }
0x2b7: {  	[tilespmem:v8+s23+$0x0] =	vst.idx.add.f32.msk $0xffff, v7  }
0x2b8: {  	v8 =	vld [tilespmem:$0x420];
	_ =	sdelay $0x7  }
0x2b9: {  	[tilespmem:v8+s23+$0x0] =	vst.idx.add.f32.msk $0xffff, v7  }
0x2ba: {  	v8 =	vld [tilespmem:$0x430];
	_ =	sdelay $0x7  }
0x2bb: {  	[tilespmem:v8+s23+$0x0] =	vst.idx.add.f32.msk $0xffff, v7  }
0x2bc: {  	v8 =	vld [tilespmem:$0x440];
	_ =	sdelay $0x7  }
0x2bd: {  	[tilespmem:v8+s23+$0x0] =	vst.idx.add.f32.msk $0xffff, v7  }
0x2be: {  	v8 =	vld [tilespmem:$0x450];
	_ =	sdelay $0x7  }
0x2bf: {  	[tilespmem:v8+s23+$0x0] =	vst.idx.add.f32.msk $0xffff, v7  }
0x2c0: {  	v8 =	vld [tilespmem:$0x460];
	_ =	sdelay $0x7  }
0x2c1: {  	[tilespmem:v8+s23+$0x0] =	vst.idx.add.f32.msk $0xffff, v7  }
0x2c2: {  	v8 =	vld [tilespmem:$0x470];
	_ =	sdelay $0x5  }
0x2c3: {  	p3 =	seq.s32 s9, $0x9C0  }
0x2c4: {  	p4 =	seq.s32 @!p3 s9, $0x0;
	s14 =	sadd.s32 @!p3 s9, s19;
	s29 =	simm.s32 @!p3 $0x80  }
0x2c5: {  	p4 =	por p3, !p4;
	s22 =	simm.s32 @!p3 $0x0;
	s25 =	sadd.s32 @!p3 $0x50, s14;
	[tilespmem:v8+s23+$0x0] =	vst.idx.add.f32.msk $0xffff, v7  }
0x2c6: {  	[tilespmem:s29], [sflag:$0x2] =	stream.linear.gather @!p3 [hbm4b:s25+s22], $0x80, $0x38;
	[tilespmem:$0x15CD0] =	vst v63  }
0x2c7: {  	_ =	swait.ge @p4 [sflag:s11], $0x2000  }
0x2c8: {  	[sflag:s11] =	ssyncset.done @p4 $0x0  }
0x2c9: {  	[sflag:s11] =	ssyncadd.s32 @p4 $0xFFFFE000  }
0x2ca: {  	_ =	swait.ge [sflag:s24], $0x80  }
0x2cb: {  	[sflag:s24] =	ssyncset.done $0x0  }
0x2cc: {  	[sflag:s24] =	ssyncadd.s32 $0xFFFFFF80  }
0x2cd: {  	v8 =	vld [tilespmem:$0x100];
	_ =	sdelay $0x1  }
0x2ce: {  	v48 =	vld [tilespmem:$0x110];
	_ =	sdelay $0x1  }
0x2cf: {  	v49 =	vld [tilespmem:$0x120]  }
0x2d0: {  	v50 =	vand.u32 $0x3FFF, v8  }
0x2d1: {  	v51 =	vld [tilespmem:$0x130];
	v8 =	vshrl.u32 v8, $0xE;
	[tilespmem:$0x300] =	vst v50  }
0x2d2: {  	[tilespmem:$0x500] =	vst v8;
	v8 =	vand.u32 $0x3FFF, v48  }
0x2d3: {  	v52 =	vld [tilespmem:$0x140];
	[tilespmem:$0x310] =	vst v8;
	v8 =	vshrl.u32 v48, $0xE  }
0x2d4: {  	[tilespmem:$0x510] =	vst v8;
	v8 =	vand.u32 $0x3FFF, v49  }
0x2d5: {  	v53 =	vld [tilespmem:$0x150];
	[tilespmem:$0x320] =	vst v8;
	v8 =	vshrl.u32 v49, $0xE  }
0x2d6: {  	[tilespmem:$0x520] =	vst v8;
	v8 =	vand.u32 $0x3FFF, v51  }
0x2d7: {  	v54 =	vld [tilespmem:$0x160];
	[tilespmem:$0x330] =	vst v8;
	v8 =	vshrl.u32 v51, $0xE  }
0x2d8: {  	[tilespmem:$0x530] =	vst v8;
	v8 =	vand.u32 $0x3FFF, v52  }
0x2d9: {  	v55 =	vld [tilespmem:$0x170];
	[tilespmem:$0x340] =	vst v8;
	v8 =	vshrl.u32 v52, $0xE  }
0x2da: {  	[tilespmem:$0x540] =	vst v8;
	v8 =	vand.u32 $0x3FFF, v53  }
0x2db: {  	[tilespmem:$0x350] =	vst v8;
	v8 =	vshrl.u32 v53, $0xE  }
0x2dc: {  	[tilespmem:$0x550] =	vst v8;
	v8 =	vand.u32 $0x3FFF, v54  }
0x2dd: {  	[tilespmem:$0x360] =	vst v8;
	v8 =	vshrl.u32 v54, $0xE  }
0x2de: {  	[tilespmem:$0x560] =	vst v8;
	v8 =	vand.u32 $0x3FFF, v55  }
0x2df: {  	[tilespmem:$0x370] =	vst v8;
	v8 =	vshrl.u32 v55, $0xE  }
0x2e0: {  	s29 =	simm.s32 $0x300;
	[tilespmem:$0x570] =	vst v8  }
0x2e1: {  	[tilespmem:s26], [sflag:$0x7] =	stream.indirect.gather [hbm4b:s6+s10], $0x40, s29, s10, $0xb8;
	[tilespmem:$0x15CD0] =	vst v63  }
0x2e2: {  	_ =	swait.ge [sflag:s28], $0x2000  }
0x2e3: {  	[sflag:s28] =	ssyncset.done $0x0  }
0x2e4: {  	s29 =	simm.s32 $0x480;
	[sflag:s28] =	ssyncadd.s32 $0xFFFFE000  }
0x2e5: {  	[spmem:s1] =	stream.indirect.scatter.add.bf16 [tilespmem:s15], [sflag:$0xA], $0x40, s29, s10, $0xb8;
	[tilespmem:$0x15CD0] =	vst v63  }
0x2e6: {  	v8 =	vld [tilespmem:$0x480];
	_ =	sdelay $0x7  }
0x2e7: {  	[tilespmem:v8+s23+$0x0] =	vst.idx.add.f32.msk $0xffff, v7  }
0x2e8: {  	v8 =	vld [tilespmem:$0x490];
	_ =	sdelay $0x7  }
0x2e9: {  	[tilespmem:v8+s23+$0x0] =	vst.idx.add.f32.msk $0xffff, v7  }
0x2ea: {  	v8 =	vld [tilespmem:$0x4A0];
	_ =	sdelay $0x7  }
0x2eb: {  	[tilespmem:v8+s23+$0x0] =	vst.idx.add.f32.msk $0xffff, v7  }
0x2ec: {  	v8 =	vld [tilespmem:$0x4B0];
	_ =	sdelay $0x7  }
0x2ed: {  	[tilespmem:v8+s23+$0x0] =	vst.idx.add.f32.msk $0xffff, v7  }
0x2ee: {  	v8 =	vld [tilespmem:$0x4C0];
	_ =	sdelay $0x7  }
0x2ef: {  	[tilespmem:v8+s23+$0x0] =	vst.idx.add.f32.msk $0xffff, v7  }
0x2f0: {  	v8 =	vld [tilespmem:$0x4D0];
	_ =	sdelay $0x7  }
0x2f1: {  	[tilespmem:v8+s23+$0x0] =	vst.idx.add.f32.msk $0xffff, v7  }
0x2f2: {  	v8 =	vld [tilespmem:$0x4E0];
	_ =	sdelay $0x7  }
0x2f3: {  	[tilespmem:v8+s23+$0x0] =	vst.idx.add.f32.msk $0xffff, v7  }
0x2f4: {  	v8 =	vld [tilespmem:$0x4F0];
	_ =	sdelay $0x7  }
0x2f5: {  	s14 =	sadd.s32 @!p3 $0x60, s14;
	s25 =	simm.s32 @!p3 $0x100;
	[tilespmem:v8+s23+$0x0] =	vst.idx.add.f32.msk $0xffff, v7  }
0x2f6: {  	[tilespmem:s25], [sflag:$0x3] =	stream.linear.gather @!p3 [hbm4b:s14+s22], $0x80, $0x38;
	[tilespmem:$0x15CD0] =	vst v63  }
0x2f7: {  	_ =	swait.ge @p4 [sflag:s2], $0x2000  }
0x2f8: {  	[sflag:s2] =	ssyncset.done @p4 $0x0  }
0x2f9: {  	[sflag:s2] =	ssyncadd.s32 @p4 $0xFFFFE000  }
0x2fa: {  	_ =	swait.ge [sflag:s30], $0x80  }
0x2fb: {  	[sflag:s30] =	ssyncset.done $0x0  }
0x2fc: {  	[sflag:s30] =	ssyncadd.s32 $0xFFFFFF80  }
0x2fd: {  	v8 =	vld [tilespmem:$0x180];
	_ =	sdelay $0x1  }
0x2fe: {  	v56 =	vld [tilespmem:$0x190];
	_ =	sdelay $0x1  }
0x2ff: {  	v57 =	vld [tilespmem:$0x1A0]  }
0x300: {  	v58 =	vand.u32 $0x3FFF, v8  }
0x301: {  	v59 =	vld [tilespmem:$0x1B0];
	v8 =	vshrl.u32 v8, $0xE;
	[tilespmem:$0x380] =	vst v58  }
0x302: {  	[tilespmem:$0x580] =	vst v8;
	v8 =	vand.u32 $0x3FFF, v56  }
0x303: {  	v60 =	vld [tilespmem:$0x1C0];
	[tilespmem:$0x390] =	vst v8;
	v8 =	vshrl.u32 v56, $0xE  }
0x304: {  	[tilespmem:$0x590] =	vst v8;
	v8 =	vand.u32 $0x3FFF, v57  }
0x305: {  	v61 =	vld [tilespmem:$0x1D0];
	[tilespmem:$0x3A0] =	vst v8;
	v8 =	vshrl.u32 v57, $0xE  }
0x306: {  	[tilespmem:$0x5A0] =	vst v8;
	v8 =	vand.u32 $0x3FFF, v59  }
0x307: {  	v62 =	vld [tilespmem:$0x1E0];
	[tilespmem:$0x3B0] =	vst v8;
	v8 =	vshrl.u32 v59, $0xE  }
0x308: {  	[tilespmem:$0x5B0] =	vst v8;
	v8 =	vand.u32 $0x3FFF, v60  }
0x309: {  	v63 =	vld [tilespmem:$0x1F0];
	[tilespmem:$0x3C0] =	vst v8;
	v8 =	vshrl.u32 v60, $0xE  }
0x30a: {  	[tilespmem:$0x5C0] =	vst v8;
	v8 =	vand.u32 $0x3FFF, v61  }
0x30b: {  	[tilespmem:$0x3D0] =	vst v8;
	v8 =	vshrl.u32 v61, $0xE  }
0x30c: {  	[tilespmem:$0x5D0] =	vst v8;
	v8 =	vand.u32 $0x3FFF, v62  }
0x30d: {  	[tilespmem:$0x3E0] =	vst v8;
	v8 =	vshrl.u32 v62, $0xE  }
0x30e: {  	[tilespmem:$0x5E0] =	vst v8;
	v8 =	vand.u32 $0x3FFF, v63  }
0x30f: {  	[tilespmem:$0x3F0] =	vst v8;
	v8 =	vshrl.u32 v63, $0xE  }
0x310: {  	[tilespmem:$0x5F0] =	vst v8  }
0x311: {  	[tilespmem:s0], [sflag:$0x8] =	stream.indirect.gather [hbm4b:s6+s10], $0x40, s31, s10, $0xb8;
	[tilespmem:$0x15CD0] =	vst v63  }
0x312: {  	_ =	swait.ge [sflag:s7], $0x2000  }
0x313: {  	[sflag:s7] =	ssyncset.done $0x0  }
0x314: {  	[sflag:s7] =	ssyncadd.s32 $0xFFFFE000  }
0x315: {  	[spmem:s1] =	stream.indirect.scatter.add.bf16 [tilespmem:s26], [sflag:$0xB], $0x40, s8, s10, $0xb8;
	[tilespmem:$0x15CD0] =	vst v63  }
0x316: {  	v8 =	vld [tilespmem:$0x500];
	_ =	sdelay $0x7  }
0x317: {  	[tilespmem:v8+s23+$0x0] =	vst.idx.add.f32.msk $0xffff, v7  }
0x318: {  	v8 =	vld [tilespmem:$0x510];
	_ =	sdelay $0x7  }
0x319: {  	[tilespmem:v8+s23+$0x0] =	vst.idx.add.f32.msk $0xffff, v7  }
0x31a: {  	v8 =	vld [tilespmem:$0x520];
	_ =	sdelay $0x7  }
0x31b: {  	[tilespmem:v8+s23+$0x0] =	vst.idx.add.f32.msk $0xffff, v7  }
0x31c: {  	v8 =	vld [tilespmem:$0x530];
	_ =	sdelay $0x7  }
0x31d: {  	[tilespmem:v8+s23+$0x0] =	vst.idx.add.f32.msk $0xffff, v7  }
0x31e: {  	v8 =	vld [tilespmem:$0x540];
	_ =	sdelay $0x7  }
0x31f: {  	[tilespmem:v8+s23+$0x0] =	vst.idx.add.f32.msk $0xffff, v7  }
0x320: {  	v8 =	vld [tilespmem:$0x550];
	_ =	sdelay $0x7  }
0x321: {  	[tilespmem:v8+s23+$0x0] =	vst.idx.add.f32.msk $0xffff, v7  }
0x322: {  	v8 =	vld [tilespmem:$0x560];
	_ =	sdelay $0x7  }
0x323: {  	[tilespmem:v8+s23+$0x0] =	vst.idx.add.f32.msk $0xffff, v7  }
0x324: {  	v8 =	vld [tilespmem:$0x570];
	_ =	sdelay $0x5  }
0x325: {  	p3 =	sne.s32 s9, $0x9C0  }
0x326: {  	s14 =	sadd.s32 @p3 s9, s19  }
0x327: {  	s22 =	simm.s32 @p3 $0x0;
	s25 =	simm.s32 @p3 $0x180;
	s14 =	sadd.s32 @p3 $0x70, s14;
	[tilespmem:v8+s23+$0x0] =	vst.idx.add.f32.msk $0xffff, v7  }
0x328: {  	[tilespmem:s25], [sflag:$0x4] =	stream.linear.gather @p3 [hbm4b:s14+s22], $0x80, $0x38;
	[tilespmem:$0x15CD0] =	vst v63  }
0x329: {  	s14 =	simm.s32 @p3 $0x9  }
0x32a: {  	_ =	swait.ge @p3 [sflag:s14], $0x2000  }
0x32b: {  	[sflag:s14] =	ssyncset.done @p3 $0x0  }
0x32c: {  	[sflag:s14] =	ssyncadd.s32 @p3 $0xFFFFE000;
	s14 =	simm.s32 @p3 $0x1  }
0x32d: {  	_ =	swait.ge @p3 [sflag:s14], $0x80  }
0x32e: {  	[sflag:s14] =	ssyncset.done @p3 $0x0  }
0x32f: {  	[sflag:s14] =	ssyncadd.s32 @p3 $0xFFFFFF80  }
0x330: {  	v8 =	vld @p3 [tilespmem:$0x0];
	_ =	sdelay $0x1  }
0x331: {  	v9 =	vld @p3 [tilespmem:$0x10];
	_ =	sdelay $0x1  }
0x332: {  	v10 =	vld @p3 [tilespmem:$0x20]  }
0x333: {  	v11 =	vand.u32 @p3 $0x3FFF, v8  }
0x334: {  	v8 =	vshrl.u32 @p3 v8, $0xE;
	[tilespmem:$0x200] =	vst @p3 v11;
	v11 =	vld @p3 [tilespmem:$0x30]  }
0x335: {  	[tilespmem:$0x400] =	vst @p3 v8;
	v8 =	vand.u32 @p3 $0x3FFF, v9  }
0x336: {  	[tilespmem:$0x210] =	vst @p3 v8;
	v8 =	vshrl.u32 @p3 v9, $0xE;
	v9 =	vld @p3 [tilespmem:$0x40]  }
0x337: {  	[tilespmem:$0x410] =	vst @p3 v8;
	v8 =	vand.u32 @p3 $0x3FFF, v10  }
0x338: {  	[tilespmem:$0x220] =	vst @p3 v8;
	v8 =	vshrl.u32 @p3 v10, $0xE;
	v10 =	vld @p3 [tilespmem:$0x50]  }
0x339: {  	[tilespmem:$0x420] =	vst @p3 v8;
	v8 =	vand.u32 @p3 $0x3FFF, v11  }
0x33a: {  	[tilespmem:$0x230] =	vst @p3 v8;
	v8 =	vshrl.u32 @p3 v11, $0xE;
	v11 =	vld @p3 [tilespmem:$0x60]  }
0x33b: {  	[tilespmem:$0x430] =	vst @p3 v8;
	v8 =	vand.u32 @p3 $0x3FFF, v9  }
0x33c: {  	[tilespmem:$0x240] =	vst @p3 v8;
	v8 =	vshrl.u32 @p3 v9, $0xE;
	v9 =	vld @p3 [tilespmem:$0x70]  }
0x33d: {  	[tilespmem:$0x440] =	vst @p3 v8;
	v8 =	vand.u32 @p3 $0x3FFF, v10  }
0x33e: {  	[tilespmem:$0x250] =	vst @p3 v8;
	v8 =	vshrl.u32 @p3 v10, $0xE  }
0x33f: {  	[tilespmem:$0x450] =	vst @p3 v8;
	v8 =	vand.u32 @p3 $0x3FFF, v11  }
0x340: {  	[tilespmem:$0x260] =	vst @p3 v8;
	v8 =	vshrl.u32 @p3 v11, $0xE  }
0x341: {  	[tilespmem:$0x460] =	vst @p3 v8;
	v8 =	vand.u32 @p3 $0x3FFF, v9  }
0x342: {  	[tilespmem:$0x270] =	vst @p3 v8;
	v8 =	vshrl.u32 @p3 v9, $0xE  }
0x343: {  	s22 =	simm.s32 @p3 $0x200;
	s25 =	simm.s32 @p3 $0x600;
	s14 =	simm.s32 @p3 $0x80;
	[tilespmem:$0x470] =	vst @p3 v8  }
0x344: {  	[tilespmem:s25], [sflag:$0x5] =	stream.indirect.gather @p3 [hbm4b:s6+s14], $0x40, s22, s14, $0xb8;
	[tilespmem:$0x15CD0] =	vst v63  }
0x345: {  	s14 =	simm.s32 @!p3 $0x9  }
0x346: {  	_ =	swait.ge @!p3 [sflag:s14], $0x2000  }
0x347: {  	[sflag:s14] =	ssyncset.done @!p3 $0x0  }
0x348: {  	[sflag:s14] =	ssyncadd.s32 @!p3 $0xFFFFE000  }
0x349: {  	_ =	swait.ge [sflag:s16], $0x2000  }
0x34a: {  	[sflag:s16] =	ssyncset.done $0x0  }
0x34b: {  	[sflag:s16] =	ssyncadd.s32 $0xFFFFE000  }
0x34c: {  	[spmem:s1] =	stream.indirect.scatter.add.bf16 [tilespmem:s0], [sflag:$0xC], $0x40, s5, s10, $0xb8;
	[tilespmem:$0x15CD0] =	vst v63  }
0x34d: {  	v8 =	vld [tilespmem:$0x580];
	_ =	sdelay $0x7  }
0x34e: {  	[tilespmem:v8+s23+$0x0] =	vst.idx.add.f32.msk $0xffff, v7  }
0x34f: {  	v8 =	vld [tilespmem:$0x590];
	_ =	sdelay $0x7  }
0x350: {  	[tilespmem:v8+s23+$0x0] =	vst.idx.add.f32.msk $0xffff, v7  }
0x351: {  	v8 =	vld [tilespmem:$0x5A0];
	_ =	sdelay $0x7  }
0x352: {  	[tilespmem:v8+s23+$0x0] =	vst.idx.add.f32.msk $0xffff, v7  }
0x353: {  	v8 =	vld [tilespmem:$0x5B0];
	_ =	sdelay $0x7  }
0x354: {  	[tilespmem:v8+s23+$0x0] =	vst.idx.add.f32.msk $0xffff, v7  }
0x355: {  	v8 =	vld [tilespmem:$0x5C0];
	_ =	sdelay $0x7  }
0x356: {  	[tilespmem:v8+s23+$0x0] =	vst.idx.add.f32.msk $0xffff, v7  }
0x357: {  	v8 =	vld [tilespmem:$0x5D0];
	_ =	sdelay $0x7  }
0x358: {  	[tilespmem:v8+s23+$0x0] =	vst.idx.add.f32.msk $0xffff, v7  }
0x359: {  	v8 =	vld [tilespmem:$0x5E0];
	_ =	sdelay $0x7  }
0x35a: {  	[tilespmem:v8+s23+$0x0] =	vst.idx.add.f32.msk $0xffff, v7  }
0x35b: {  	v8 =	vld [tilespmem:$0x5F0];
	_ =	sdelay $0x5  }
0x35c: {  	p3 =	sgt.u32 s3, $0x25  }
0x35d: {  	s14 =	sadd.s32 @!p3 s9, s19  }
0x35e: {  	s22 =	simm.s32 @!p3 $0x0;
	s9 =	sadd.s32 $0x40, s9;
	s14 =	sadd.s32 @!p3 $0x80, s14;
	[tilespmem:v8+s23+$0x0] =	vst.idx.add.f32.msk $0xffff, v7  }
0x35f: {  	[tilespmem:s22], [sflag:$0x1] =	stream.linear.gather @!p3 [hbm4b:s14+s22], $0x80, $0x38;
	[tilespmem:$0x15CD0] =	vst v63  }
0x360: {  	p3 =	sne.s32 s9, $0xA00  }
.Ltmp8:
0x361: {  	_ = 	snop;
	(pc) =	sbr.rel @p3 .LBB2_11-.Ltmp8, $2  }
0x362: {  	_ =	sdelay $0x2  }
0x363: {  	s3 =	sadd.s32 $0x1, s3  }
0x364: {  	s3 =	simm.s32 $0xA  }
0x365: {  	_ =	swait.ge [sflag:s3], $0x2000  }
0x366: {  	[sflag:s3] =	ssyncset.done $0x0  }
0x367: {  	[sflag:s3] =	ssyncadd.s32 $0xFFFFE000  }
0x368: {  	_ =	swait.ge [sflag:s11], $0x2000  }
0x369: {  	[sflag:s11] =	ssyncset.done $0x0  }
0x36a: {  	[sflag:s11] =	ssyncadd.s32 $0xFFFFE000  }
0x36b: {  	_ =	swait.ge [sflag:s2], $0x2000  }
0x36c: {  	[sflag:s2] =	ssyncset.done $0x0  }
0x36d: {  	[sflag:s2] =	ssyncadd.s32 $0xFFFFE000  }
0x36e: {  	s25 =	simm.s32 $0x50;
	s9 =	simm.s32 $0xAE00;
	s22 =	rddreg [dreg:$0x3]  }
0x36f: {  	[spmem:s22] =	stream.indirect.scatter.add.f32 [tilespmem:s23], [sflag:$0xD], $0x80, s9, s25, $0xb8;
	[tilespmem:$0x15CD0] =	vst v63  }
0x370: {  	_ =	swait.ge [sflag:s18], $0x2800  }
0x371: {  	[sflag:s18] =	ssyncset.done $0x0  }
0x372: {  	[sflag:s18] =	ssyncadd.s32 $0xFFFFD800  }
0x373: {  	s14 =	stileid.u32;
	[bflag:$0x0] =	sbarrier.arrive $0xFFFF  }
0x374: {  	s3 =	sshll.u32 s14, $0x6;
	s14 =	sld [smem:$0x7F0]  }
0x375: {  	s29 =	rddreg [dreg:$0x8]  }
0x376: {  	s3 =	sor.u32 $0x1C0E, s3;
	s25 =	sshrl.u32 s29, $0x3  }
0x377: {  	[hbm:s14], [sflag:s3] =	dma.local [spmem:s25], $0x1400  }
.Ltmp9:
0x378: {  	_ = 	snop;
	(pc) =	sbr.rel @!p2 .LBB2_15-.Ltmp9, $4  }
0x379: {  	s25 =	simm.s32 $0xE  }
0x37a: {  	_ =	swait.ge [sflag:s25], $0x1400  }
0x37b: {  	[sflag:s25] =	ssyncset.done $0x0  }
0x37c: {  	s14 =	rddreg [dreg:$0x5];
	[sflag:s25] =	ssyncadd.s32 $0xFFFFEC00  }
.Ltmp10:
0x37d: {  	(pc) =	sbr.rel .LBB2_14-.Ltmp10, $3  }
0x37e: {  	_ =	sdelay $0x1  }
0x37f: {  	s9 =	sshrl.u32 s22, $0x3;
	s25 =	rddreg [dreg:$0x7]  }
0x380: {  	[hbm:s25], [sflag:s3] =	dma.local [spmem:s9], $0x500  }
.LBB2_16:
0x381: {  	_ =	sfence.sel $0x180000  }
0x382: {  	[bflag:$0x0] =	sbarrier.arrive $0xFFFF  }
0x383: {  	_ =	strace $0x90000047  }
0x384: {  	[bflag:$0x2] =	sbarrier.arrive $0xFFFF  }
0x385: {  	s0 =	rddreg [dreg:$0x4]  }
0x386: {  	s0 =	sadd.s32 @!p1 $0x100000, s0  }
0x387: {  	[sflag:s0] =	ssyncadd.tile.s32 @!p1 $0x1;
	_ =	shalt  }
.Lfunc_end2:
_tile_overlayer_lowered:
.L_overlay_start_2:
0x388: {  	(tag) =	ssettag $0x2  }
0x389: {  	s0 =	rddreg [dreg:$0x0];
	s2 =	stileid.u32  }
0x38a: {  	s1 =	rddreg [dreg:$0x1];
	p0 =	sne.s32 s2, $0x0  }
0x38b: {  	s3 =	rddreg [dreg:$0x2];
	[bflag:$0x3] =	sbarrier.arrive $0xFFFF;
	s2 =	simm.s32 @!p0 $0x1C0E  }
0x38c: {  	[timem:s3], [sflag:s2] =	dma.local @!p0 [hbm:s0], s1  }
0x38d: {  	s0 =	simm.s32 @!p0 $0xE  }
0x38e: {  	_ =	swait.ge @!p0 [sflag:s0], s1  }
0x38f: {  	s1 =	ssub.s32 @!p0 $0x0, s1;
	[sflag:s0] =	ssyncset.done @!p0 $0x0  }
0x390: {  	[sflag:s0] =	ssyncadd.s32 @!p0 s1  }
0x391: {  	[bflag:$0x3] =	sbarrier.arrive $0xFFFF  }
0x392: {  	_ =	shalt  }

</sc_bundles>
